<compile_context>
chip_gen: v7x
topology: tpu7x:2x2x1
jax: 0.10.2.dev20260603
libtpu: 0.0.44.dev20260713+nightly
codegen_flags: <defaults>
</compile_context>

<pallas_src>
import functools

import jax
import jax.numpy as jnp
from jax import lax
from jax.experimental import pallas as pl
from jax.experimental.pallas import tpu as pltpu
from jax.experimental.pallas import tpu_sc as plsc

N = 10000
E = 320000
DIN = 128
H = 256
DOUT = 128
NUM_GRAPHS = 64

NC = 2
NS = 16
L = 16

NP = 10240
RPT = NP // NS
K = 128
NCHUNKP = 2560
EPAD = NCHUNKP * K
NQ_AGG = NCHUNKP // NS
NQ_HIST = NCHUNKP // (NC * NS)

_MESH = plsc.VectorSubcoreMesh(
    core_axis_name="c", subcore_axis_name="s", num_cores=NC, num_subcores=NS)


def _fill_zeros(buf, nrow, ncol):
    z = jnp.zeros((L,), jnp.float32)
    per_row = ncol // L

    def body(k, _):
        i = k // per_row
        j = k % per_row
        buf[i, pl.ds(j * L, L)] = z
        return 0

    lax.fori_loop(0, nrow * per_row, body, 0)


def _fill_ridx(ridx, row0):
    def body(k, _):
        z = k // 8
        j = k % 8
        ridx[z, pl.ds(j * L, L)] = (lax.iota(jnp.int32, L)
                                    + (row0 + z * 128 + j * L))
        return 0
    lax.fori_loop(0, (RPT // 128) * 8, body, 0)


@functools.partial(
    pl.kernel,
    out_type=jax.ShapeDtypeStruct((NC, NP, 128), jnp.float32),
    mesh=_MESH,
    scratch_types=[
        pltpu.VMEM((NQ_HIST, K), jnp.int32),
        pltpu.VMEM((K, 128), jnp.float32),
        pltpu.VMEM((128, 128), jnp.float32),
        pltpu.VMEM((RPT // 128, 128), jnp.int32),
        pltpu.VMEM_SHARED((NP, 128), jnp.float32),
    ],
)
def _hist_kernel(dstR, deg_out, dstall, ones_v, zbuf, ridx, acc):
    c = lax.axis_index("c")
    s = lax.axis_index("s")
    row0 = s * RPT

    one16 = jnp.ones((L,), jnp.float32)

    def fill_ones(k, _):
        ones_v[k // 8, pl.ds((k % 8) * L, L)] = one16
        return 0
    lax.fori_loop(0, K * 8, fill_ones, 0)

    _fill_zeros(zbuf, 128, 128)
    _fill_ridx(ridx, row0)

    for z in range(RPT // 128):
        pltpu.sync_copy(zbuf, acc.at[ridx.at[z]])
    plsc.subcore_barrier()

    r0 = (c * NS + s) * NQ_HIST
    pltpu.sync_copy(dstR.at[pl.ds(r0, NQ_HIST)], dstall)

    def chunk(q, _):
        pltpu.sync_copy(ones_v, acc.at[dstall.at[q]], add=True)
        return 0

    lax.fori_loop(0, NQ_HIST, chunk, 0)
    plsc.subcore_barrier()
    for z in range(RPT // 128):
        pltpu.sync_copy(acc.at[ridx.at[z]], zbuf)
        pltpu.sync_copy(zbuf, deg_out.at[c, pl.ds(row0 + z * 128, 128)])


@functools.partial(
    pl.kernel,
    out_type=jax.ShapeDtypeStruct((NC, NP, 128), jnp.float32),
    mesh=_MESH,
    scratch_types=[
        pltpu.VMEM((K,), jnp.int32),
        pltpu.VMEM((1, K), jnp.int32),
        pltpu.VMEM((K, 128), jnp.float32),
        pltpu.VMEM((128, 128), jnp.float32),
        pltpu.VMEM((RPT // 128, 128), jnp.int32),
        pltpu.VMEM_SHARED((NP, 128), jnp.float32),
        pltpu.SemaphoreType.DMA,
    ],
)
def _agg_kernel(src_hbm, dst_hbm, gtab, acc_out,
                idxbuf, dstbuf, rows, zbuf, ridx, acc, sem):
    c = lax.axis_index("c")
    s = lax.axis_index("s")
    row0 = s * RPT

    _fill_zeros(zbuf, 128, 128)
    _fill_ridx(ridx, row0)
    for z in range(RPT // 128):
        pltpu.sync_copy(zbuf, acc.at[ridx.at[z]])
    plsc.subcore_barrier()

    nch = E // K
    cbase = nch // NS
    crem = nch % NS
    q0 = s * cbase + jnp.minimum(s, crem)
    nq = cbase + jnp.where(s < crem, 1, 0)
    cN = c * N

    def chunk(q, _):
        off = pl.multiple_of(q * K, 8)
        pltpu.sync_copy(src_hbm.at[pl.ds(off, K)], idxbuf)
        pltpu.sync_copy(dst_hbm.at[pl.ds(off, K)], dstbuf.at[0])
        for j in range(K // L):
            idxbuf[pl.ds(j * L, L)] = idxbuf[pl.ds(j * L, L)] + cN
        pltpu.async_copy(gtab.at[idxbuf], rows, sem).wait()
        pltpu.sync_copy(rows, acc.at[dstbuf.at[0]], add=True)
        return 0

    lax.fori_loop(q0, q0 + nq, chunk, 0)
    plsc.subcore_barrier()
    for z in range(RPT // 128):
        pltpu.sync_copy(acc.at[ridx.at[z]], zbuf)
        pltpu.sync_copy(zbuf, acc_out.at[c, pl.ds(row0 + z * 128, 128)])


BN = 1000
GRID = N // BN


def _t0_body(x_ref, w1_ref, b1_ref, wm0_ref, bm0_ref, wm1_ref, bm1_ref,
             deg_ref, x0_ref, xs_ref, dinv_ref):
    x0 = jnp.dot(x_ref[...], w1_ref[...],
                 preferred_element_type=jnp.float32) + b1_ref[...]
    x0 = jnp.where(x0 > 0, x0, 0.01 * x0)
    t = jnp.dot(x0, wm0_ref[...], preferred_element_type=jnp.float32)
    t = jnp.maximum(t + bm0_ref[...], 0.0)
    nw = jnp.dot(t, wm1_ref[...], preferred_element_type=jnp.float32)
    nw = jax.nn.sigmoid(nw + bm1_ref[...])
    x0_ref[...] = x0
    xs_ref[...] = x0 * nw
    deg = deg_ref[0, :, 0:1] + deg_ref[1, :, 0:1]
    dinv_ref[...] = jnp.where(deg > 0, lax.rsqrt(deg), 0.0)


def _precompute(x, W1, b1, Wm0, bm0, Wm1, bm1, deg2):
    return pl.pallas_call(
        _t0_body,
        grid=(GRID,),
        in_specs=[
            pl.BlockSpec((BN, DIN), lambda i: (i, 0)),
            pl.BlockSpec((DIN, H), lambda i: (0, 0)),
            pl.BlockSpec((1, H), lambda i: (0, 0)),
            pl.BlockSpec((H, 128), lambda i: (0, 0)),
            pl.BlockSpec((1, 128), lambda i: (0, 0)),
            pl.BlockSpec((128, 1), lambda i: (0, 0)),
            pl.BlockSpec((1, 1), lambda i: (0, 0)),
            pl.BlockSpec((NC, BN, 128), lambda i: (0, i, 0)),
        ],
        out_specs=[
            pl.BlockSpec((BN, H), lambda i: (i, 0)),
            pl.BlockSpec((BN, H), lambda i: (i, 0)),
            pl.BlockSpec((BN, 1), lambda i: (i, 0)),
        ],
        out_shape=[
            jax.ShapeDtypeStruct((N, H), jnp.float32),
            jax.ShapeDtypeStruct((N, H), jnp.float32),
            jax.ShapeDtypeStruct((N, 1), jnp.float32),
        ],
    )(x, W1, b1, Wm0, bm0, Wm1, bm1, deg2)


def _g0_body(h_ref, xs_ref, dinv_ref, wc_ref, g_ref):
    g = jnp.dot(h_ref[...], wc_ref[0:H, :],
                preferred_element_type=jnp.float32)
    g = g + jnp.dot(xs_ref[...], wc_ref[H:2 * H, :],
                    preferred_element_type=jnp.float32)
    g = g * dinv_ref[...]
    g_ref[0, :, :] = g[:, 0:128]
    g_ref[1, :, :] = g[:, 128:256]


def _layer0_g(h, xs, dinv, Wc):
    return pl.pallas_call(
        _g0_body,
        grid=(GRID,),
        in_specs=[
            pl.BlockSpec((BN, H), lambda i: (i, 0)),
            pl.BlockSpec((BN, H), lambda i: (i, 0)),
            pl.BlockSpec((BN, 1), lambda i: (i, 0)),
            pl.BlockSpec((2 * H, H), lambda i: (0, 0)),
        ],
        out_specs=pl.BlockSpec((NC, BN, 128), lambda i: (0, i, 0)),
        out_shape=jax.ShapeDtypeStruct((NC, N, 128), jnp.float32),
    )(h, xs, dinv, Wc)


def _gl_body(acc_ref, dinv_ref, bprev_ref, xs_ref, wc_ref, g_ref):
    dinv = dinv_ref[...]
    h_lo = jnp.maximum(dinv * acc_ref[0, :, :] + bprev_ref[:, 0:128], 0.0)
    h_hi = jnp.maximum(dinv * acc_ref[1, :, :] + bprev_ref[:, 128:256], 0.0)
    g = jnp.dot(h_lo, wc_ref[0:128, :], preferred_element_type=jnp.float32)
    g = g + jnp.dot(h_hi, wc_ref[128:256, :],
                    preferred_element_type=jnp.float32)
    g = g + jnp.dot(xs_ref[...], wc_ref[H:2 * H, :],
                    preferred_element_type=jnp.float32)
    g = g * dinv
    g_ref[0, :, :] = g[:, 0:128]
    g_ref[1, :, :] = g[:, 128:256]


def _layer_g(acc, dinv, bprev, xs, Wc):
    return pl.pallas_call(
        _gl_body,
        grid=(GRID,),
        in_specs=[
            pl.BlockSpec((NC, BN, 128), lambda i: (0, i, 0)),
            pl.BlockSpec((BN, 1), lambda i: (i, 0)),
            pl.BlockSpec((1, H), lambda i: (0, 0)),
            pl.BlockSpec((BN, H), lambda i: (i, 0)),
            pl.BlockSpec((2 * H, H), lambda i: (0, 0)),
        ],
        out_specs=pl.BlockSpec((NC, BN, 128), lambda i: (0, i, 0)),
        out_shape=jax.ShapeDtypeStruct((NC, N, 128), jnp.float32),
    )(acc, dinv, bprev, xs, Wc)


def _final_body(acc_ref, dinv_ref, bprev_ref, batch_ref, wp_ref, bp_ref,
                out_ref):
    i = pl.program_id(0)
    dinv = dinv_ref[...]
    h_lo = jnp.maximum(dinv * acc_ref[0, :, :] + bprev_ref[:, 0:128], 0.0)
    h_hi = jnp.maximum(dinv * acc_ref[1, :, :] + bprev_ref[:, 128:256], 0.0)
    gids = lax.broadcasted_iota(jnp.int32, (1, NUM_GRAPHS), 1)
    oh = (batch_ref[...] == gids).astype(jnp.float32)
    dn = (((0,), (0,)), ((), ()))
    p_lo = lax.dot_general(oh, h_lo, dn, preferred_element_type=jnp.float32)
    p_hi = lax.dot_general(oh, h_hi, dn, preferred_element_type=jnp.float32)
    contrib = jnp.dot(p_lo, wp_ref[0:128, :],
                      preferred_element_type=jnp.float32)
    contrib = contrib + jnp.dot(p_hi, wp_ref[128:256, :],
                                preferred_element_type=jnp.float32)

    @pl.when(i == 0)
    def _():
        out_ref[...] = jnp.broadcast_to(bp_ref[...], (NUM_GRAPHS, DOUT))

    out_ref[...] += contrib


def _final(acc, dinv, bprev, batch2, Wp, bp):
    return pl.pallas_call(
        _final_body,
        grid=(GRID,),
        in_specs=[
            pl.BlockSpec((NC, BN, 128), lambda i: (0, i, 0)),
            pl.BlockSpec((BN, 1), lambda i: (i, 0)),
            pl.BlockSpec((1, H), lambda i: (0, 0)),
            pl.BlockSpec((BN, 1), lambda i: (i, 0)),
            pl.BlockSpec((H, DOUT), lambda i: (0, 0)),
            pl.BlockSpec((1, DOUT), lambda i: (0, 0)),
        ],
        out_specs=pl.BlockSpec((NUM_GRAPHS, DOUT), lambda i: (0, 0)),
        out_shape=jax.ShapeDtypeStruct((NUM_GRAPHS, DOUT), jnp.float32),
    )(acc, dinv, bprev, batch2, Wp, bp)


def kernel(x, edge_index, edge_attr, batch, W1, b1, Wm0, bm0, Wm1, bm1,
           Wc0, bc0, Wc1, bc1, Wc2, bc2, Wp, bp):
    src = edge_index[0]
    dst = edge_index[1]
    pad = EPAD - E
    dstR = jnp.concatenate([dst, jnp.full((pad,), N, jnp.int32)]).reshape(
        NCHUNKP, K)

    deg2 = _hist_kernel(dstR)
    x0, xs, dinv = _precompute(
        x, W1, b1.reshape(1, H), Wm0, bm0.reshape(1, 128),
        Wm1, bm1.reshape(1, 1), deg2)

    g = _layer0_g(x0, xs, dinv, Wc0)
    acc = _agg_kernel(src, dst, g.reshape(NC * N, 128))
    g = _layer_g(acc, dinv, bc0.reshape(1, H), xs, Wc1)
    acc = _agg_kernel(src, dst, g.reshape(NC * N, 128))
    g = _layer_g(acc, dinv, bc1.reshape(1, H), xs, Wc2)
    acc = _agg_kernel(src, dst, g.reshape(NC * N, 128))

    return _final(acc, dinv, bc2.reshape(1, H), batch.reshape(N, 1), Wp,
                  bp.reshape(1, DOUT))

# --- scband reference (transcript-rebuilt; emitter-appended) ---
"""Pipeline reference for scband-adap-gcnl1-80376017977885 (READ-ONLY COPY).

The authoritative reference and input builder live on the scoring server;
editing this copy changes nothing except your own understanding.
"""

import jax, jax.numpy as jnp
import numpy as np

N = 10000
E = 320000
DIN = 128
H = 256
DOUT = 128
NUM_LAYERS = 3
NUM_GRAPHS = 64
D_EDGE = 16


def setup_inputs(seed: int = 0) -> dict:
    key = jax.random.key(seed)
    ks = jax.random.split(key, 20)
    inp = {}
    inp['x'] = jax.random.normal(ks[0], (N, DIN), dtype=jnp.float32)
    inp['edge_index'] = jax.random.randint(ks[1], (2, E), 0, N, dtype=jnp.int64 if jax.config.jax_enable_x64 else jnp.int32).astype(jnp.int32)
    inp['edge_attr'] = jax.random.normal(ks[2], (E, D_EDGE), dtype=jnp.float32)
    inp['batch'] = jnp.sort(jax.random.randint(ks[3], (N,), 0, NUM_GRAPHS).astype(jnp.int32))
    # lin1: in -> hidden
    inp['W1'] = jax.random.normal(ks[4], (DIN, H), dtype=jnp.float32) * (1.0 / np.sqrt(DIN))
    inp['b1'] = jnp.zeros((H,), dtype=jnp.float32)
    # mlp lin_node: hidden -> 128 -> 1
    inp['Wm0'] = jax.random.normal(ks[5], (H, 128), dtype=jnp.float32) * (1.0 / np.sqrt(H))
    inp['bm0'] = jnp.zeros((128,), dtype=jnp.float32)
    inp['Wm1'] = jax.random.normal(ks[6], (128, 1), dtype=jnp.float32) * (1.0 / np.sqrt(128))
    inp['bm1'] = jnp.zeros((1,), dtype=jnp.float32)
    # GCNConv layers: (2*hidden) -> hidden, lin has no bias in PyG GCNConv, separate bias param
    for i in range(NUM_LAYERS):
        inp['Wc%d' % i] = jax.random.normal(ks[7 + i], (2 * H, H), dtype=jnp.float32) * (1.0 / np.sqrt(2 * H))
        inp['bc%d' % i] = jnp.zeros((H,), dtype=jnp.float32)
    # predict: hidden -> out
    inp['Wp'] = jax.random.normal(ks[12], (H, DOUT), dtype=jnp.float32) * (1.0 / np.sqrt(H))
    inp['bp'] = jnp.zeros((DOUT,), dtype=jnp.float32)
    return inp


def _gcn_conv(h, W, b, src, dst, num_nodes):
    # gcn_norm with add_self_loops=False, edge_weight=ones
    deg = jnp.zeros((num_nodes,), dtype=h.dtype).at[dst].add(jnp.ones_like(dst, dtype=h.dtype))
    deg_inv_sqrt = jnp.where(deg > 0, deg ** -0.5, 0.0)
    norm = deg_inv_sqrt[src] * deg_inv_sqrt[dst]
    hw = h @ W
    msg = hw[src] * norm[:, None]
    out = jnp.zeros((num_nodes, W.shape[1]), dtype=h.dtype).at[dst].add(msg)
    return out + b


def reference(x, edge_index, edge_attr, batch, W1, b1, Wm0, bm0, Wm1, bm1,
              Wc0, bc0, Wc1, bc1, Wc2, bc2, Wp, bp):
    src = edge_index[0]
    dst = edge_index[1]
    x0 = jax.nn.leaky_relu(x @ W1 + b1, negative_slope=0.01)
    h = x0
    # node weight mlp + sigmoid
    nw = jax.nn.relu(x0 @ Wm0 + bm0) @ Wm1 + bm1
    nw = jax.nn.sigmoid(nw)  # [N, 1]
    convs = [(Wc0, bc0), (Wc1, bc1), (Wc2, bc2)]
    for (W, b) in convs:
        inp = jnp.concatenate([h, x0 * nw], axis=1)
        h = jax.nn.relu(_gcn_conv(inp, W, b, src, dst, x.shape[0]))
        # dropout p=0 -> identity
    pooled = jnp.zeros((NUM_GRAPHS, h.shape[1]), dtype=h.dtype).at[batch].add(h)
    out = pooled @ Wp + bp
    return out

if __name__ == "__main__":
    import jax
    _d = setup_inputs()
    print(jax.jit(kernel)(*tuple(_d.values())))

</pallas_src>

<mosaic_0001>
#map = affine_map<(d0, d1) -> (0, 0)>
#map1 = affine_map<(d0, d1) -> (0, 0, 0)>
module attributes {stable_mosaic.version = 14 : i64} {
  func.func @_hist_kernel(%arg0: i32, %arg1: i32, %arg2: memref<2560x128xi32, #tpu.memory_space<hbm>>, %arg3: memref<2x10240x128xf32, #tpu.memory_space<hbm>>, %arg4: memref<80x128xi32, #tpu.memory_space<vmem>>, %arg5: memref<128x128xf32, #tpu.memory_space<vmem>>, %arg6: memref<128x128xf32, #tpu.memory_space<vmem>>, %arg7: memref<5x128xi32, #tpu.memory_space<vmem>>, %arg8: memref<10240x128xf32, #tpu.memory_space<vmem_shared>>) attributes {dimension_semantics = [#tpu.dimension_semantics<core_parallel>, #tpu.dimension_semantics<subcore_parallel>], iteration_bounds = array<i64: 2, 16>, scalar_prefetch = 0 : i64, scratch_operands = 5 : i64, tpu.core_type = #tpu.core_type<sc_vector_subcore>, window_params = [{transform_indices = #map}, {transform_indices = #map1}]} {
    %mul3A = arith.constant 640 : i32
    %mul3A_0 = arith.muli %arg1, %mul3A : i32
    %broadcast_in_dim3A = arith.constant 1.000000e+00 : f32
    %broadcast_in_dim3A_1 = vector.broadcast %broadcast_in_dim3A : f32 to vector<16xf32>
    %scan3A = arith.constant 0 : i32
    %scan3A_2 = arith.constant 0 : i32
    %scan3A_3 = arith.constant 1024 : i32
    %scan3A_4 = arith.addi %scan3A_2, %scan3A_3 : i32
    %scan3A_5 = arith.constant 1 : i32
    %scan3A_6 = scf.for %scan3A_55 = %scan3A_2 to %scan3A_4 step %scan3A_5 iter_args(%scan3A_56 = %scan3A) -> (i32)  : i32 {
      %jit3A = arith.constant 8 : i32
      %div3A = arith.divsi %scan3A_55, %jit3A : i32
      %sign3A = arith.constant 0 : i32
      %sign3A_57 = arith.cmpi sgt, %scan3A_55, %sign3A : i32
      %sign3A_58 = arith.extui %sign3A_57 : i1 to i32
      %sign3A_59 = arith.constant 0 : i32
      %sign3A_60 = arith.cmpi slt, %scan3A_55, %sign3A_59 : i32
      %sign3A_61 = arith.extui %sign3A_60 : i1 to i32
      %sign3A_62 = arith.subi %sign3A_58, %sign3A_61 : i32
      %sign3A_63 = arith.constant 0 : i32
      %sign3A_64 = arith.cmpi sgt, %jit3A, %sign3A_63 : i32
      %sign3A_65 = arith.extui %sign3A_64 : i1 to i32
      %sign3A_66 = arith.constant 0 : i32
      %sign3A_67 = arith.cmpi slt, %jit3A, %sign3A_66 : i32
      %sign3A_68 = arith.extui %sign3A_67 : i1 to i32
      %sign3A_69 = arith.subi %sign3A_65, %sign3A_68 : i32
      %ne3A = arith.cmpi ne, %sign3A_62, %sign3A_69 : i32
      %rem3A = arith.remsi %scan3A_55, %jit3A : i32
      %ne3A_70 = arith.constant 0 : i32
      %ne3A_71 = arith.cmpi ne, %rem3A, %ne3A_70 : i32
      %and3A = arith.andi %ne3A, %ne3A_71 : i1
      %sub3A = arith.constant 1 : i32
      %sub3A_72 = arith.subi %div3A, %sub3A : i32
      %select_n3A = arith.select %and3A, %sub3A_72, %div3A : i32
      %jit3A_73 = arith.constant 8 : i32
      %eq3A = arith.constant 0 : i32
      %eq3A_74 = arith.cmpi eq, %jit3A_73, %eq3A : i32
      %jit3A_75 = arith.constant 1 : i32
      %select_n3A_76 = arith.select %eq3A_74, %jit3A_75, %jit3A_73 : i32
      %rem3A_77 = arith.remsi %scan3A_55, %select_n3A_76 : i32
      %ne3A_78 = arith.constant 0 : i32
      %ne3A_79 = arith.cmpi ne, %rem3A_77, %ne3A_78 : i32
      %lt3A = arith.constant 0 : i32
      %lt3A_80 = arith.cmpi slt, %rem3A_77, %lt3A : i32
      %lt3A_81 = arith.constant 0 : i32
      %lt3A_82 = arith.cmpi slt, %select_n3A_76, %lt3A_81 : i32
      %ne3A_83 = arith.xori %lt3A_80, %lt3A_82 : i1
      %and3A_84 = arith.andi %ne3A_83, %ne3A_79 : i1
      %add3A_85 = arith.addi %rem3A_77, %select_n3A_76 : i32
      %select_n3A_86 = arith.select %and3A_84, %add3A_85, %rem3A_77 : i32
      %mul3A_87 = arith.constant 16 : i32
      %mul3A_88 = arith.muli %select_n3A_86, %mul3A_87 : i32
      %swap3A = arith.index_cast %select_n3A : i32 to index
      %swap3A_89 = arith.index_cast %mul3A_88 : i32 to index
      %swap3A_90 = tpu.vector_load %arg5[%swap3A, %swap3A_89] {strides = array<i32>} : memref<128x128xf32, #tpu.memory_space<vmem>>, vector<1x16xf32>,
      %swap3A_91 = vector.shape_cast %swap3A_90 : vector<1x16xf32> to vector<16xf32>
      %swap3A_92 = vector.shape_cast %broadcast_in_dim3A_1 : vector<16xf32> to vector<1x16xf32>
      tpu.vector_store %arg5[%swap3A, %swap3A_89], %swap3A_92 {strides = array<i32>} : memref<128x128xf32, #tpu.memory_space<vmem>>, vector<1x16xf32>,
      %scan3A_93 = arith.constant 0 : i32
      scf.yield %scan3A_93 : i32
    }
    %scan3A_7 = arith.constant 1024 : i32
    %broadcast_in_dim3A_8 = arith.constant 0.000000e+00 : f32
    %broadcast_in_dim3A_9 = vector.broadcast %broadcast_in_dim3A_8 : f32 to vector<16xf32>
    %scan3A_10 = arith.constant 0 : i32
    %scan3A_11 = arith.constant 0 : i32
    %scan3A_12 = arith.constant 1024 : i32
    %scan3A_13 = arith.addi %scan3A_11, %scan3A_12 : i32
    %scan3A_14 = arith.constant 1 : i32
    %scan3A_15 = scf.for %scan3A_55 = %scan3A_11 to %scan3A_13 step %scan3A_14 iter_args(%scan3A_56 = %scan3A_10) -> (i32)  : i32 {
      %jit3A = arith.constant 8 : i32
      %div3A = arith.divsi %scan3A_55, %jit3A : i32
      %sign3A = arith.constant 0 : i32
      %sign3A_57 = arith.cmpi sgt, %scan3A_55, %sign3A : i32
      %sign3A_58 = arith.extui %sign3A_57 : i1 to i32
      %sign3A_59 = arith.constant 0 : i32
      %sign3A_60 = arith.cmpi slt, %scan3A_55, %sign3A_59 : i32
      %sign3A_61 = arith.extui %sign3A_60 : i1 to i32
      %sign3A_62 = arith.subi %sign3A_58, %sign3A_61 : i32
      %sign3A_63 = arith.constant 0 : i32
      %sign3A_64 = arith.cmpi sgt, %jit3A, %sign3A_63 : i32
      %sign3A_65 = arith.extui %sign3A_64 : i1 to i32
      %sign3A_66 = arith.constant 0 : i32
      %sign3A_67 = arith.cmpi slt, %jit3A, %sign3A_66 : i32
      %sign3A_68 = arith.extui %sign3A_67 : i1 to i32
      %sign3A_69 = arith.subi %sign3A_65, %sign3A_68 : i32
      %ne3A = arith.cmpi ne, %sign3A_62, %sign3A_69 : i32
      %rem3A = arith.remsi %scan3A_55, %jit3A : i32
      %ne3A_70 = arith.constant 0 : i32
      %ne3A_71 = arith.cmpi ne, %rem3A, %ne3A_70 : i32
      %and3A = arith.andi %ne3A, %ne3A_71 : i1
      %sub3A = arith.constant 1 : i32
      %sub3A_72 = arith.subi %div3A, %sub3A : i32
      %select_n3A = arith.select %and3A, %sub3A_72, %div3A : i32
      %jit3A_73 = arith.constant 8 : i32
      %eq3A = arith.constant 0 : i32
      %eq3A_74 = arith.cmpi eq, %jit3A_73, %eq3A : i32
      %jit3A_75 = arith.constant 1 : i32
      %select_n3A_76 = arith.select %eq3A_74, %jit3A_75, %jit3A_73 : i32
      %rem3A_77 = arith.remsi %scan3A_55, %select_n3A_76 : i32
      %ne3A_78 = arith.constant 0 : i32
      %ne3A_79 = arith.cmpi ne, %rem3A_77, %ne3A_78 : i32
      %lt3A = arith.constant 0 : i32
      %lt3A_80 = arith.cmpi slt, %rem3A_77, %lt3A : i32
      %lt3A_81 = arith.constant 0 : i32
      %lt3A_82 = arith.cmpi slt, %select_n3A_76, %lt3A_81 : i32
      %ne3A_83 = arith.xori %lt3A_80, %lt3A_82 : i1
      %and3A_84 = arith.andi %ne3A_83, %ne3A_79 : i1
      %add3A_85 = arith.addi %rem3A_77, %select_n3A_76 : i32
      %select_n3A_86 = arith.select %and3A_84, %add3A_85, %rem3A_77 : i32
      %mul3A_87 = arith.constant 16 : i32
      %mul3A_88 = arith.muli %select_n3A_86, %mul3A_87 : i32
      %swap3A = arith.index_cast %select_n3A : i32 to index
      %swap3A_89 = arith.index_cast %mul3A_88 : i32 to index
      %swap3A_90 = tpu.vector_load %arg6[%swap3A, %swap3A_89] {strides = array<i32>} : memref<128x128xf32, #tpu.memory_space<vmem>>, vector<1x16xf32>,
      %swap3A_91 = vector.shape_cast %swap3A_90 : vector<1x16xf32> to vector<16xf32>
      %swap3A_92 = vector.shape_cast %broadcast_in_dim3A_9 : vector<16xf32> to vector<1x16xf32>
      tpu.vector_store %arg6[%swap3A, %swap3A_89], %swap3A_92 {strides = array<i32>} : memref<128x128xf32, #tpu.memory_space<vmem>>, vector<1x16xf32>,
      %scan3A_93 = arith.constant 0 : i32
      scf.yield %scan3A_93 : i32
    }
    %scan3A_16 = arith.constant 1024 : i32
    %scan3A_17 = arith.constant 0 : i32
    %scan3A_18 = arith.constant 0 : i32
    %scan3A_19 = arith.constant 40 : i32
    %scan3A_20 = arith.addi %scan3A_18, %scan3A_19 : i32
    %scan3A_21 = arith.constant 1 : i32
    %scan3A_22 = scf.for %scan3A_55 = %scan3A_18 to %scan3A_20 step %scan3A_21 iter_args(%scan3A_56 = %scan3A_17) -> (i32)  : i32 {
      %jit3A = arith.constant 8 : i32
      %div3A = arith.divsi %scan3A_55, %jit3A : i32
      %sign3A = arith.constant 0 : i32
      %sign3A_57 = arith.cmpi sgt, %scan3A_55, %sign3A : i32
      %sign3A_58 = arith.extui %sign3A_57 : i1 to i32
      %sign3A_59 = arith.constant 0 : i32
      %sign3A_60 = arith.cmpi slt, %scan3A_55, %sign3A_59 : i32
      %sign3A_61 = arith.extui %sign3A_60 : i1 to i32
      %sign3A_62 = arith.subi %sign3A_58, %sign3A_61 : i32
      %sign3A_63 = arith.constant 0 : i32
      %sign3A_64 = arith.cmpi sgt, %jit3A, %sign3A_63 : i32
      %sign3A_65 = arith.extui %sign3A_64 : i1 to i32
      %sign3A_66 = arith.constant 0 : i32
      %sign3A_67 = arith.cmpi slt, %jit3A, %sign3A_66 : i32
      %sign3A_68 = arith.extui %sign3A_67 : i1 to i32
      %sign3A_69 = arith.subi %sign3A_65, %sign3A_68 : i32
      %ne3A = arith.cmpi ne, %sign3A_62, %sign3A_69 : i32
      %rem3A = arith.remsi %scan3A_55, %jit3A : i32
      %ne3A_70 = arith.constant 0 : i32
      %ne3A_71 = arith.cmpi ne, %rem3A, %ne3A_70 : i32
      %and3A = arith.andi %ne3A, %ne3A_71 : i1
      %sub3A = arith.constant 1 : i32
      %sub3A_72 = arith.subi %div3A, %sub3A : i32
      %select_n3A = arith.select %and3A, %sub3A_72, %div3A : i32
      %jit3A_73 = arith.constant 8 : i32
      %eq3A = arith.constant 0 : i32
      %eq3A_74 = arith.cmpi eq, %jit3A_73, %eq3A : i32
      %jit3A_75 = arith.constant 1 : i32
      %select_n3A_76 = arith.select %eq3A_74, %jit3A_75, %jit3A_73 : i32
      %rem3A_77 = arith.remsi %scan3A_55, %select_n3A_76 : i32
      %ne3A_78 = arith.constant 0 : i32
      %ne3A_79 = arith.cmpi ne, %rem3A_77, %ne3A_78 : i32
      %lt3A = arith.constant 0 : i32
      %lt3A_80 = arith.cmpi slt, %rem3A_77, %lt3A : i32
      %lt3A_81 = arith.constant 0 : i32
      %lt3A_82 = arith.cmpi slt, %select_n3A_76, %lt3A_81 : i32
      %ne3A_83 = arith.xori %lt3A_80, %lt3A_82 : i1
      %and3A_84 = arith.andi %ne3A_83, %ne3A_79 : i1
      %add3A_85 = arith.addi %rem3A_77, %select_n3A_76 : i32
      %select_n3A_86 = arith.select %and3A_84, %add3A_85, %rem3A_77 : i32
      %iota3A = tpu.iota {dimensions = array<i32: 0>} : vector<16xi32>
      %mul3A_87 = arith.constant 128 : i32
      %mul3A_88 = arith.muli %select_n3A, %mul3A_87 : i32
      %add3A_89 = arith.addi %mul3A_0, %mul3A_88 : i32
      %mul3A_90 = arith.constant 16 : i32
      %mul3A_91 = arith.muli %select_n3A_86, %mul3A_90 : i32
      %add3A_92 = arith.addi %add3A_89, %mul3A_91 : i32
      %add3A_93 = vector.broadcast %add3A_92 : i32 to vector<16xi32>
      %add3A_94 = arith.addi %iota3A, %add3A_93 : vector<16xi32>
      %mul3A_95 = arith.constant 16 : i32
      %mul3A_96 = arith.muli %select_n3A_86, %mul3A_95 : i32
      %swap3A = arith.index_cast %select_n3A : i32 to index
      %swap3A_97 = arith.index_cast %mul3A_96 : i32 to index
      %swap3A_98 = tpu.vector_load %arg7[%swap3A, %swap3A_97] {strides = array<i32>} : memref<5x128xi32, #tpu.memory_space<vmem>>, vector<1x16xi32>,
      %swap3A_99 = vector.shape_cast %swap3A_98 : vector<1x16xi32> to vector<16xi32>
      %swap3A_100 = vector.shape_cast %add3A_94 : vector<16xi32> to vector<1x16xi32>
      tpu.vector_store %arg7[%swap3A, %swap3A_97], %swap3A_100 {strides = array<i32>} : memref<5x128xi32, #tpu.memory_space<vmem>>, vector<1x16xi32>,
      %scan3A_101 = arith.constant 0 : i32
      scf.yield %scan3A_101 : i32
    }
    %scan3A_23 = arith.constant 40 : i32
    %run_scoped3A = arith.constant 0 : i32
    "tpu.region"() ({
      %run_scoped3A_55 = tpu.sem_alloc : memref<!tpu.dma_semaphore, #tpu.memory_space<semaphore_mem>>
      %dma_start3A = arith.constant 0 : i32
      %dma_start3A_56 = tpu.memref_slice %arg7[%run_scoped3A, %dma_start3A] : memref<5x128xi32, #tpu.memory_space<vmem>> -> memref<1x128xi32, #tpu.memory_space<vmem>>
      %dma_start3A_57 = tpu.memref_squeeze %dma_start3A_56 : memref<1x128xi32, #tpu.memory_space<vmem>> -> memref<128xi32, #tpu.memory_space<vmem>>
      %dma_start3A_58 = arith.constant 0 : i32
      %dma_start3A_59 = arith.constant 0 : i32
      %dma_start3A_60 = tpu.memref_slice %arg8[%dma_start3A_58, %dma_start3A_59] : memref<10240x128xf32, #tpu.memory_space<vmem_shared>> -> memref<10240x128xf32, #tpu.memory_space<vmem_shared>>
      tpu.enqueue_indirect_dma source(%arg6 : memref<128x128xf32, #tpu.memory_space<vmem>>) target(%dma_start3A_60 : memref<10240x128xf32, #tpu.memory_space<vmem_shared>>) offsets(%dma_start3A_57 : memref<128xi32, #tpu.memory_space<vmem>>) semaphore(%run_scoped3A_55 : memref<!tpu.dma_semaphore, #tpu.memory_space<semaphore_mem>>)
      %dma_wait3A = arith.constant 0 : i32
      %dma_wait3A_61 = tpu.memref_slice %arg7[%run_scoped3A, %dma_wait3A] : memref<5x128xi32, #tpu.memory_space<vmem>> -> memref<1x128xi32, #tpu.memory_space<vmem>>
      %dma_wait3A_62 = tpu.memref_squeeze %dma_wait3A_61 : memref<1x128xi32, #tpu.memory_space<vmem>> -> memref<128xi32, #tpu.memory_space<vmem>>
      %dma_wait3A_63 = arith.constant 0 : i32
      %dma_wait3A_64 = arith.constant 0 : i32
      %dma_wait3A_65 = tpu.memref_slice %arg8[%dma_wait3A_63, %dma_wait3A_64] : memref<10240x128xf32, #tpu.memory_space<vmem_shared>> -> memref<10240x128xf32, #tpu.memory_space<vmem_shared>>
      tpu.wait_indirect_dma semaphore(%run_scoped3A_55 : memref<!tpu.dma_semaphore, #tpu.memory_space<semaphore_mem>>) src(%arg6 : memref<128x128xf32, #tpu.memory_space<vmem>>) dst(%dma_wait3A_65 : memref<10240x128xf32, #tpu.memory_space<vmem_shared>>)
      tpu.yield
    }) : () -> ()
    %run_scoped3A_24 = arith.constant 1 : i32
    "tpu.region"() ({
      %run_scoped3A_55 = tpu.sem_alloc : memref<!tpu.dma_semaphore, #tpu.memory_space<semaphore_mem>>
      %dma_start3A = arith.constant 0 : i32
      %dma_start3A_56 = tpu.memref_slice %arg7[%run_scoped3A_24, %dma_start3A] : memref<5x128xi32, #tpu.memory_space<vmem>> -> memref<1x128xi32, #tpu.memory_space<vmem>>
      %dma_start3A_57 = tpu.memref_squeeze %dma_start3A_56 : memref<1x128xi32, #tpu.memory_space<vmem>> -> memref<128xi32, #tpu.memory_space<vmem>>
      %dma_start3A_58 = arith.constant 0 : i32
      %dma_start3A_59 = arith.constant 0 : i32
      %dma_start3A_60 = tpu.memref_slice %arg8[%dma_start3A_58, %dma_start3A_59] : memref<10240x128xf32, #tpu.memory_space<vmem_shared>> -> memref<10240x128xf32, #tpu.memory_space<vmem_shared>>
      tpu.enqueue_indirect_dma source(%arg6 : memref<128x128xf32, #tpu.memory_space<vmem>>) target(%dma_start3A_60 : memref<10240x128xf32, #tpu.memory_space<vmem_shared>>) offsets(%dma_start3A_57 : memref<128xi32, #tpu.memory_space<vmem>>) semaphore(%run_scoped3A_55 : memref<!tpu.dma_semaphore, #tpu.memory_space<semaphore_mem>>)
      %dma_wait3A = arith.constant 0 : i32
      %dma_wait3A_61 = tpu.memref_slice %arg7[%run_scoped3A_24, %dma_wait3A] : memref<5x128xi32, #tpu.memory_space<vmem>> -> memref<1x128xi32, #tpu.memory_space<vmem>>
      %dma_wait3A_62 = tpu.memref_squeeze %dma_wait3A_61 : memref<1x128xi32, #tpu.memory_space<vmem>> -> memref<128xi32, #tpu.memory_space<vmem>>
      %dma_wait3A_63 = arith.constant 0 : i32
      %dma_wait3A_64 = arith.constant 0 : i32
      %dma_wait3A_65 = tpu.memref_slice %arg8[%dma_wait3A_63, %dma_wait3A_64] : memref<10240x128xf32, #tpu.memory_space<vmem_shared>> -> memref<10240x128xf32, #tpu.memory_space<vmem_shared>>
      tpu.wait_indirect_dma semaphore(%run_scoped3A_55 : memref<!tpu.dma_semaphore, #tpu.memory_space<semaphore_mem>>) src(%arg6 : memref<128x128xf32, #tpu.memory_space<vmem>>) dst(%dma_wait3A_65 : memref<10240x128xf32, #tpu.memory_space<vmem_shared>>)
      tpu.yield
    }) : () -> ()
    %run_scoped3A_25 = arith.constant 2 : i32
    "tpu.region"() ({
      %run_scoped3A_55 = tpu.sem_alloc : memref<!tpu.dma_semaphore, #tpu.memory_space<semaphore_mem>>
      %dma_start3A = arith.constant 0 : i32
      %dma_start3A_56 = tpu.memref_slice %arg7[%run_scoped3A_25, %dma_start3A] : memref<5x128xi32, #tpu.memory_space<vmem>> -> memref<1x128xi32, #tpu.memory_space<vmem>>
      %dma_start3A_57 = tpu.memref_squeeze %dma_start3A_56 : memref<1x128xi32, #tpu.memory_space<vmem>> -> memref<128xi32, #tpu.memory_space<vmem>>
      %dma_start3A_58 = arith.constant 0 : i32
      %dma_start3A_59 = arith.constant 0 : i32
      %dma_start3A_60 = tpu.memref_slice %arg8[%dma_start3A_58, %dma_start3A_59] : memref<10240x128xf32, #tpu.memory_space<vmem_shared>> -> memref<10240x128xf32, #tpu.memory_space<vmem_shared>>
      tpu.enqueue_indirect_dma source(%arg6 : memref<128x128xf32, #tpu.memory_space<vmem>>) target(%dma_start3A_60 : memref<10240x128xf32, #tpu.memory_space<vmem_shared>>) offsets(%dma_start3A_57 : memref<128xi32, #tpu.memory_space<vmem>>) semaphore(%run_scoped3A_55 : memref<!tpu.dma_semaphore, #tpu.memory_space<semaphore_mem>>)
      %dma_wait3A = arith.constant 0 : i32
      %dma_wait3A_61 = tpu.memref_slice %arg7[%run_scoped3A_25, %dma_wait3A] : memref<5x128xi32, #tpu.memory_space<vmem>> -> memref<1x128xi32, #tpu.memory_space<vmem>>
      %dma_wait3A_62 = tpu.memref_squeeze %dma_wait3A_61 : memref<1x128xi32, #tpu.memory_space<vmem>> -> memref<128xi32, #tpu.memory_space<vmem>>
      %dma_wait3A_63 = arith.constant 0 : i32
      %dma_wait3A_64 = arith.constant 0 : i32
      %dma_wait3A_65 = tpu.memref_slice %arg8[%dma_wait3A_63, %dma_wait3A_64] : memref<10240x128xf32, #tpu.memory_space<vmem_shared>> -> memref<10240x128xf32, #tpu.memory_space<vmem_shared>>
      tpu.wait_indirect_dma semaphore(%run_scoped3A_55 : memref<!tpu.dma_semaphore, #tpu.memory_space<semaphore_mem>>) src(%arg6 : memref<128x128xf32, #tpu.memory_space<vmem>>) dst(%dma_wait3A_65 : memref<10240x128xf32, #tpu.memory_space<vmem_shared>>)
      tpu.yield
    }) : () -> ()
    %run_scoped3A_26 = arith.constant 3 : i32
    "tpu.region"() ({
      %run_scoped3A_55 = tpu.sem_alloc : memref<!tpu.dma_semaphore, #tpu.memory_space<semaphore_mem>>
      %dma_start3A = arith.constant 0 : i32
      %dma_start3A_56 = tpu.memref_slice %arg7[%run_scoped3A_26, %dma_start3A] : memref<5x128xi32, #tpu.memory_space<vmem>> -> memref<1x128xi32, #tpu.memory_space<vmem>>
      %dma_start3A_57 = tpu.memref_squeeze %dma_start3A_56 : memref<1x128xi32, #tpu.memory_space<vmem>> -> memref<128xi32, #tpu.memory_space<vmem>>
      %dma_start3A_58 = arith.constant 0 : i32
      %dma_start3A_59 = arith.constant 0 : i32
      %dma_start3A_60 = tpu.memref_slice %arg8[%dma_start3A_58, %dma_start3A_59] : memref<10240x128xf32, #tpu.memory_space<vmem_shared>> -> memref<10240x128xf32, #tpu.memory_space<vmem_shared>>
      tpu.enqueue_indirect_dma source(%arg6 : memref<128x128xf32, #tpu.memory_space<vmem>>) target(%dma_start3A_60 : memref<10240x128xf32, #tpu.memory_space<vmem_shared>>) offsets(%dma_start3A_57 : memref<128xi32, #tpu.memory_space<vmem>>) semaphore(%run_scoped3A_55 : memref<!tpu.dma_semaphore, #tpu.memory_space<semaphore_mem>>)
      %dma_wait3A = arith.constant 0 : i32
      %dma_wait3A_61 = tpu.memref_slice %arg7[%run_scoped3A_26, %dma_wait3A] : memref<5x128xi32, #tpu.memory_space<vmem>> -> memref<1x128xi32, #tpu.memory_space<vmem>>
      %dma_wait3A_62 = tpu.memref_squeeze %dma_wait3A_61 : memref<1x128xi32, #tpu.memory_space<vmem>> -> memref<128xi32, #tpu.memory_space<vmem>>
      %dma_wait3A_63 = arith.constant 0 : i32
      %dma_wait3A_64 = arith.constant 0 : i32
      %dma_wait3A_65 = tpu.memref_slice %arg8[%dma_wait3A_63, %dma_wait3A_64] : memref<10240x128xf32, #tpu.memory_space<vmem_shared>> -> memref<10240x128xf32, #tpu.memory_space<vmem_shared>>
      tpu.wait_indirect_dma semaphore(%run_scoped3A_55 : memref<!tpu.dma_semaphore, #tpu.memory_space<semaphore_mem>>) src(%arg6 : memref<128x128xf32, #tpu.memory_space<vmem>>) dst(%dma_wait3A_65 : memref<10240x128xf32, #tpu.memory_space<vmem_shared>>)
      tpu.yield
    }) : () -> ()
    %run_scoped3A_27 = arith.constant 4 : i32
    "tpu.region"() ({
      %run_scoped3A_55 = tpu.sem_alloc : memref<!tpu.dma_semaphore, #tpu.memory_space<semaphore_mem>>
      %dma_start3A = arith.constant 0 : i32
      %dma_start3A_56 = tpu.memref_slice %arg7[%run_scoped3A_27, %dma_start3A] : memref<5x128xi32, #tpu.memory_space<vmem>> -> memref<1x128xi32, #tpu.memory_space<vmem>>
      %dma_start3A_57 = tpu.memref_squeeze %dma_start3A_56 : memref<1x128xi32, #tpu.memory_space<vmem>> -> memref<128xi32, #tpu.memory_space<vmem>>
      %dma_start3A_58 = arith.constant 0 : i32
      %dma_start3A_59 = arith.constant 0 : i32
      %dma_start3A_60 = tpu.memref_slice %arg8[%dma_start3A_58, %dma_start3A_59] : memref<10240x128xf32, #tpu.memory_space<vmem_shared>> -> memref<10240x128xf32, #tpu.memory_space<vmem_shared>>
      tpu.enqueue_indirect_dma source(%arg6 : memref<128x128xf32, #tpu.memory_space<vmem>>) target(%dma_start3A_60 : memref<10240x128xf32, #tpu.memory_space<vmem_shared>>) offsets(%dma_start3A_57 : memref<128xi32, #tpu.memory_space<vmem>>) semaphore(%run_scoped3A_55 : memref<!tpu.dma_semaphore, #tpu.memory_space<semaphore_mem>>)
      %dma_wait3A = arith.constant 0 : i32
      %dma_wait3A_61 = tpu.memref_slice %arg7[%run_scoped3A_27, %dma_wait3A] : memref<5x128xi32, #tpu.memory_space<vmem>> -> memref<1x128xi32, #tpu.memory_space<vmem>>
      %dma_wait3A_62 = tpu.memref_squeeze %dma_wait3A_61 : memref<1x128xi32, #tpu.memory_space<vmem>> -> memref<128xi32, #tpu.memory_space<vmem>>
      %dma_wait3A_63 = arith.constant 0 : i32
      %dma_wait3A_64 = arith.constant 0 : i32
      %dma_wait3A_65 = tpu.memref_slice %arg8[%dma_wait3A_63, %dma_wait3A_64] : memref<10240x128xf32, #tpu.memory_space<vmem_shared>> -> memref<10240x128xf32, #tpu.memory_space<vmem_shared>>
      tpu.wait_indirect_dma semaphore(%run_scoped3A_55 : memref<!tpu.dma_semaphore, #tpu.memory_space<semaphore_mem>>) src(%arg6 : memref<128x128xf32, #tpu.memory_space<vmem>>) dst(%dma_wait3A_65 : memref<10240x128xf32, #tpu.memory_space<vmem_shared>>)
      tpu.yield
    }) : () -> ()
    %barrier3A = arith.constant 0 : index
    tpu.barrier barrier_id(%barrier3A)
    %mul3A_28 = arith.constant 16 : i32
    %mul3A_29 = arith.muli %arg0, %mul3A_28 : i32
    %add3A = arith.addi %mul3A_29, %arg1 : i32
    %mul3A_30 = arith.constant 80 : i32
    %mul3A_31 = arith.muli %add3A, %mul3A_30 : i32
    "tpu.region"() ({
      %run_scoped3A_55 = tpu.sem_alloc : memref<!tpu.dma_semaphore, #tpu.memory_space<semaphore_mem>>
      %dma_start3A = arith.constant 0 : i32
      %dma_start3A_56 = tpu.memref_slice %arg2[%mul3A_31, %dma_start3A] : memref<2560x128xi32, #tpu.memory_space<hbm>> -> memref<80x128xi32, #tpu.memory_space<hbm>>
      %dma_start3A_57 = arith.constant 0 : i32
      %dma_start3A_58 = tpu.memref_slice %arg2[%mul3A_31, %dma_start3A_57] : memref<2560x128xi32, #tpu.memory_space<hbm>> -> memref<80x128xi32, #tpu.memory_space<hbm>>
      tpu.enqueue_dma source(%dma_start3A_58 : memref<80x128xi32, #tpu.memory_space<hbm>>) target(%arg4 : memref<80x128xi32, #tpu.memory_space<vmem>>) target_semaphore(%run_scoped3A_55 : memref<!tpu.dma_semaphore, #tpu.memory_space<semaphore_mem>>)
      %dma_wait3A = arith.constant 0 : i32
      %dma_wait3A_59 = tpu.memref_slice %arg2[%mul3A_31, %dma_wait3A] : memref<2560x128xi32, #tpu.memory_space<hbm>> -> memref<80x128xi32, #tpu.memory_space<hbm>>
      %dma_wait3A_60 = arith.constant 0 : i32
      %dma_wait3A_61 = tpu.memref_slice %arg2[%mul3A_31, %dma_wait3A_60] : memref<2560x128xi32, #tpu.memory_space<hbm>> -> memref<80x128xi32, #tpu.memory_space<hbm>>
      tpu.wait_dma2 semaphore(%run_scoped3A_55 : memref<!tpu.dma_semaphore, #tpu.memory_space<semaphore_mem>>) src(%dma_wait3A_61 : memref<80x128xi32, #tpu.memory_space<hbm>>) dst(%arg4 : memref<80x128xi32, #tpu.memory_space<vmem>>)
      tpu.yield
    }) : () -> ()
    %scan3A_32 = arith.constant 0 : i32
    %scan3A_33 = arith.constant 0 : i32
    %scan3A_34 = arith.constant 80 : i32
    %scan3A_35 = arith.addi %scan3A_33, %scan3A_34 : i32
    %scan3A_36 = arith.constant 1 : i32
    %scan3A_37 = scf.for %scan3A_55 = %scan3A_33 to %scan3A_35 step %scan3A_36 iter_args(%scan3A_56 = %scan3A_32) -> (i32)  : i32 {
      "tpu.region"() ({
        %run_scoped3A_58 = tpu.sem_alloc : memref<!tpu.dma_semaphore, #tpu.memory_space<semaphore_mem>>
        %dma_start3A = arith.constant 0 : i32
        %dma_start3A_59 = tpu.memref_slice %arg4[%scan3A_55, %dma_start3A] : memref<80x128xi32, #tpu.memory_space<vmem>> -> memref<1x128xi32, #tpu.memory_space<vmem>>
        %dma_start3A_60 = tpu.memref_squeeze %dma_start3A_59 : memref<1x128xi32, #tpu.memory_space<vmem>> -> memref<128xi32, #tpu.memory_space<vmem>>
        %dma_start3A_61 = arith.constant 0 : i32
        %dma_start3A_62 = arith.constant 0 : i32
        %dma_start3A_63 = tpu.memref_slice %arg8[%dma_start3A_61, %dma_start3A_62] : memref<10240x128xf32, #tpu.memory_space<vmem_shared>> -> memref<10240x128xf32, #tpu.memory_space<vmem_shared>>
        tpu.enqueue_indirect_dma source(%arg5 : memref<128x128xf32, #tpu.memory_space<vmem>>) target(%dma_start3A_63 : memref<10240x128xf32, #tpu.memory_space<vmem_shared>>) offsets(%dma_start3A_60 : memref<128xi32, #tpu.memory_space<vmem>>) semaphore(%run_scoped3A_58 : memref<!tpu.dma_semaphore, #tpu.memory_space<semaphore_mem>>) {add = true}
        %dma_wait3A = arith.constant 0 : i32
        %dma_wait3A_64 = tpu.memref_slice %arg4[%scan3A_55, %dma_wait3A] : memref<80x128xi32, #tpu.memory_space<vmem>> -> memref<1x128xi32, #tpu.memory_space<vmem>>
        %dma_wait3A_65 = tpu.memref_squeeze %dma_wait3A_64 : memref<1x128xi32, #tpu.memory_space<vmem>> -> memref<128xi32, #tpu.memory_space<vmem>>
        %dma_wait3A_66 = arith.constant 0 : i32
        %dma_wait3A_67 = arith.constant 0 : i32
        %dma_wait3A_68 = tpu.memref_slice %arg8[%dma_wait3A_66, %dma_wait3A_67] : memref<10240x128xf32, #tpu.memory_space<vmem_shared>> -> memref<10240x128xf32, #tpu.memory_space<vmem_shared>>
        tpu.wait_indirect_dma semaphore(%run_scoped3A_58 : memref<!tpu.dma_semaphore, #tpu.memory_space<semaphore_mem>>) src(%arg5 : memref<128x128xf32, #tpu.memory_space<vmem>>) dst(%dma_wait3A_68 : memref<10240x128xf32, #tpu.memory_space<vmem_shared>>)
        tpu.yield
      }) : () -> ()
      %scan3A_57 = arith.constant 0 : i32
      scf.yield %scan3A_57 : i32
    }
    %scan3A_38 = arith.constant 80 : i32
    %barrier3A_39 = arith.constant 0 : index
    tpu.barrier barrier_id(%barrier3A_39)
    %run_scoped3A_40 = arith.constant 0 : i32
    "tpu.region"() ({
      %run_scoped3A_55 = tpu.sem_alloc : memref<!tpu.dma_semaphore, #tpu.memory_space<semaphore_mem>>
      %dma_start3A = arith.constant 0 : i32
      %dma_start3A_56 = tpu.memref_slice %arg7[%run_scoped3A_40, %dma_start3A] : memref<5x128xi32, #tpu.memory_space<vmem>> -> memref<1x128xi32, #tpu.memory_space<vmem>>
      %dma_start3A_57 = tpu.memref_squeeze %dma_start3A_56 : memref<1x128xi32, #tpu.memory_space<vmem>> -> memref<128xi32, #tpu.memory_space<vmem>>
      %dma_start3A_58 = arith.constant 0 : i32
      %dma_start3A_59 = arith.constant 0 : i32
      %dma_start3A_60 = tpu.memref_slice %arg8[%dma_start3A_58, %dma_start3A_59] : memref<10240x128xf32, #tpu.memory_space<vmem_shared>> -> memref<10240x128xf32, #tpu.memory_space<vmem_shared>>
      tpu.enqueue_indirect_dma source(%dma_start3A_60 : memref<10240x128xf32, #tpu.memory_space<vmem_shared>>) target(%arg6 : memref<128x128xf32, #tpu.memory_space<vmem>>) offsets(%dma_start3A_57 : memref<128xi32, #tpu.memory_space<vmem>>) semaphore(%run_scoped3A_55 : memref<!tpu.dma_semaphore, #tpu.memory_space<semaphore_mem>>)
      %dma_wait3A = arith.constant 0 : i32
      %dma_wait3A_61 = tpu.memref_slice %arg7[%run_scoped3A_40, %dma_wait3A] : memref<5x128xi32, #tpu.memory_space<vmem>> -> memref<1x128xi32, #tpu.memory_space<vmem>>
      %dma_wait3A_62 = tpu.memref_squeeze %dma_wait3A_61 : memref<1x128xi32, #tpu.memory_space<vmem>> -> memref<128xi32, #tpu.memory_space<vmem>>
      %dma_wait3A_63 = arith.constant 0 : i32
      %dma_wait3A_64 = arith.constant 0 : i32
      %dma_wait3A_65 = tpu.memref_slice %arg8[%dma_wait3A_63, %dma_wait3A_64] : memref<10240x128xf32, #tpu.memory_space<vmem_shared>> -> memref<10240x128xf32, #tpu.memory_space<vmem_shared>>
      tpu.wait_indirect_dma semaphore(%run_scoped3A_55 : memref<!tpu.dma_semaphore, #tpu.memory_space<semaphore_mem>>) src(%dma_wait3A_65 : memref<10240x128xf32, #tpu.memory_space<vmem_shared>>) dst(%arg6 : memref<128x128xf32, #tpu.memory_space<vmem>>)
      tpu.yield
    }) : () -> ()
    %add3A_41 = arith.constant 0 : i32
    %add3A_42 = arith.addi %mul3A_0, %add3A_41 : i32
    "tpu.region"() ({
      %run_scoped3A_55 = tpu.sem_alloc : memref<!tpu.dma_semaphore, #tpu.memory_space<semaphore_mem>>
      %dma_start3A = arith.constant 0 : i32
      %dma_start3A_56 = tpu.memref_slice %arg3[%arg0, %add3A_42, %dma_start3A] : memref<2x10240x128xf32, #tpu.memory_space<hbm>> -> memref<1x128x128xf32, #tpu.memory_space<hbm>>
      %dma_start3A_57 = tpu.memref_squeeze %dma_start3A_56 : memref<1x128x128xf32, #tpu.memory_space<hbm>> -> memref<128x128xf32, #tpu.memory_space<hbm>>
      %dma_start3A_58 = arith.constant 0 : i32
      %dma_start3A_59 = tpu.memref_slice %arg3[%arg0, %add3A_42, %dma_start3A_58] : memref<2x10240x128xf32, #tpu.memory_space<hbm>> -> memref<1x128x128xf32, #tpu.memory_space<hbm>>
      %dma_start3A_60 = tpu.memref_squeeze %dma_start3A_59 : memref<1x128x128xf32, #tpu.memory_space<hbm>> -> memref<128x128xf32, #tpu.memory_space<hbm>>
      tpu.enqueue_dma source(%arg6 : memref<128x128xf32, #tpu.memory_space<vmem>>) target(%dma_start3A_60 : memref<128x128xf32, #tpu.memory_space<hbm>>) target_semaphore(%run_scoped3A_55 : memref<!tpu.dma_semaphore, #tpu.memory_space<semaphore_mem>>)
      %dma_wait3A = arith.constant 0 : i32
      %dma_wait3A_61 = tpu.memref_slice %arg3[%arg0, %add3A_42, %dma_wait3A] : memref<2x10240x128xf32, #tpu.memory_space<hbm>> -> memref<1x128x128xf32, #tpu.memory_space<hbm>>
      %dma_wait3A_62 = tpu.memref_squeeze %dma_wait3A_61 : memref<1x128x128xf32, #tpu.memory_space<hbm>> -> memref<128x128xf32, #tpu.memory_space<hbm>>
      %dma_wait3A_63 = arith.constant 0 : i32
      %dma_wait3A_64 = tpu.memref_slice %arg3[%arg0, %add3A_42, %dma_wait3A_63] : memref<2x10240x128xf32, #tpu.memory_space<hbm>> -> memref<1x128x128xf32, #tpu.memory_space<hbm>>
      %dma_wait3A_65 = tpu.memref_squeeze %dma_wait3A_64 : memref<1x128x128xf32, #tpu.memory_space<hbm>> -> memref<128x128xf32, #tpu.memory_space<hbm>>
      tpu.wait_dma2 semaphore(%run_scoped3A_55 : memref<!tpu.dma_semaphore, #tpu.memory_space<semaphore_mem>>) src(%arg6 : memref<128x128xf32, #tpu.memory_space<vmem>>) dst(%dma_wait3A_65 : memref<128x128xf32, #tpu.memory_space<hbm>>)
      tpu.yield
    }) : () -> ()
    %run_scoped3A_43 = arith.constant 1 : i32
    "tpu.region"() ({
      %run_scoped3A_55 = tpu.sem_alloc : memref<!tpu.dma_semaphore, #tpu.memory_space<semaphore_mem>>
      %dma_start3A = arith.constant 0 : i32
      %dma_start3A_56 = tpu.memref_slice %arg7[%run_scoped3A_43, %dma_start3A] : memref<5x128xi32, #tpu.memory_space<vmem>> -> memref<1x128xi32, #tpu.memory_space<vmem>>
      %dma_start3A_57 = tpu.memref_squeeze %dma_start3A_56 : memref<1x128xi32, #tpu.memory_space<vmem>> -> memref<128xi32, #tpu.memory_space<vmem>>
      %dma_start3A_58 = arith.constant 0 : i32
      %dma_start3A_59 = arith.constant 0 : i32
      %dma_start3A_60 = tpu.memref_slice %arg8[%dma_start3A_58, %dma_start3A_59] : memref<10240x128xf32, #tpu.memory_space<vmem_shared>> -> memref<10240x128xf32, #tpu.memory_space<vmem_shared>>
      tpu.enqueue_indirect_dma source(%dma_start3A_60 : memref<10240x128xf32, #tpu.memory_space<vmem_shared>>) target(%arg6 : memref<128x128xf32, #tpu.memory_space<vmem>>) offsets(%dma_start3A_57 : memref<128xi32, #tpu.memory_space<vmem>>) semaphore(%run_scoped3A_55 : memref<!tpu.dma_semaphore, #tpu.memory_space<semaphore_mem>>)
      %dma_wait3A = arith.constant 0 : i32
      %dma_wait3A_61 = tpu.memref_slice %arg7[%run_scoped3A_43, %dma_wait3A] : memref<5x128xi32, #tpu.memory_space<vmem>> -> memref<1x128xi32, #tpu.memory_space<vmem>>
      %dma_wait3A_62 = tpu.memref_squeeze %dma_wait3A_61 : memref<1x128xi32, #tpu.memory_space<vmem>> -> memref<128xi32, #tpu.memory_space<vmem>>
      %dma_wait3A_63 = arith.constant 0 : i32
      %dma_wait3A_64 = arith.constant 0 : i32
      %dma_wait3A_65 = tpu.memref_slice %arg8[%dma_wait3A_63, %dma_wait3A_64] : memref<10240x128xf32, #tpu.memory_space<vmem_shared>> -> memref<10240x128xf32, #tpu.memory_space<vmem_shared>>
      tpu.wait_indirect_dma semaphore(%run_scoped3A_55 : memref<!tpu.dma_semaphore, #tpu.memory_space<semaphore_mem>>) src(%dma_wait3A_65 : memref<10240x128xf32, #tpu.memory_space<vmem_shared>>) dst(%arg6 : memref<128x128xf32, #tpu.memory_space<vmem>>)
      tpu.yield
    }) : () -> ()
    %add3A_44 = arith.constant 128 : i32
    %add3A_45 = arith.addi %mul3A_0, %add3A_44 : i32
    "tpu.region"() ({
      %run_scoped3A_55 = tpu.sem_alloc : memref<!tpu.dma_semaphore, #tpu.memory_space<semaphore_mem>>
      %dma_start3A = arith.constant 0 : i32
      %dma_start3A_56 = tpu.memref_slice %arg3[%arg0, %add3A_45, %dma_start3A] : memref<2x10240x128xf32, #tpu.memory_space<hbm>> -> memref<1x128x128xf32, #tpu.memory_space<hbm>>
      %dma_start3A_57 = tpu.memref_squeeze %dma_start3A_56 : memref<1x128x128xf32, #tpu.memory_space<hbm>> -> memref<128x128xf32, #tpu.memory_space<hbm>>
      %dma_start3A_58 = arith.constant 0 : i32
      %dma_start3A_59 = tpu.memref_slice %arg3[%arg0, %add3A_45, %dma_start3A_58] : memref<2x10240x128xf32, #tpu.memory_space<hbm>> -> memref<1x128x128xf32, #tpu.memory_space<hbm>>
      %dma_start3A_60 = tpu.memref_squeeze %dma_start3A_59 : memref<1x128x128xf32, #tpu.memory_space<hbm>> -> memref<128x128xf32, #tpu.memory_space<hbm>>
      tpu.enqueue_dma source(%arg6 : memref<128x128xf32, #tpu.memory_space<vmem>>) target(%dma_start3A_60 : memref<128x128xf32, #tpu.memory_space<hbm>>) target_semaphore(%run_scoped3A_55 : memref<!tpu.dma_semaphore, #tpu.memory_space<semaphore_mem>>)
      %dma_wait3A = arith.constant 0 : i32
      %dma_wait3A_61 = tpu.memref_slice %arg3[%arg0, %add3A_45, %dma_wait3A] : memref<2x10240x128xf32, #tpu.memory_space<hbm>> -> memref<1x128x128xf32, #tpu.memory_space<hbm>>
      %dma_wait3A_62 = tpu.memref_squeeze %dma_wait3A_61 : memref<1x128x128xf32, #tpu.memory_space<hbm>> -> memref<128x128xf32, #tpu.memory_space<hbm>>
      %dma_wait3A_63 = arith.constant 0 : i32
      %dma_wait3A_64 = tpu.memref_slice %arg3[%arg0, %add3A_45, %dma_wait3A_63] : memref<2x10240x128xf32, #tpu.memory_space<hbm>> -> memref<1x128x128xf32, #tpu.memory_space<hbm>>
      %dma_wait3A_65 = tpu.memref_squeeze %dma_wait3A_64 : memref<1x128x128xf32, #tpu.memory_space<hbm>> -> memref<128x128xf32, #tpu.memory_space<hbm>>
      tpu.wait_dma2 semaphore(%run_scoped3A_55 : memref<!tpu.dma_semaphore, #tpu.memory_space<semaphore_mem>>) src(%arg6 : memref<128x128xf32, #tpu.memory_space<vmem>>) dst(%dma_wait3A_65 : memref<128x128xf32, #tpu.memory_space<hbm>>)
      tpu.yield
    }) : () -> ()
    %run_scoped3A_46 = arith.constant 2 : i32
    "tpu.region"() ({
      %run_scoped3A_55 = tpu.sem_alloc : memref<!tpu.dma_semaphore, #tpu.memory_space<semaphore_mem>>
      %dma_start3A = arith.constant 0 : i32
      %dma_start3A_56 = tpu.memref_slice %arg7[%run_scoped3A_46, %dma_start3A] : memref<5x128xi32, #tpu.memory_space<vmem>> -> memref<1x128xi32, #tpu.memory_space<vmem>>
      %dma_start3A_57 = tpu.memref_squeeze %dma_start3A_56 : memref<1x128xi32, #tpu.memory_space<vmem>> -> memref<128xi32, #tpu.memory_space<vmem>>
      %dma_start3A_58 = arith.constant 0 : i32
      %dma_start3A_59 = arith.constant 0 : i32
      %dma_start3A_60 = tpu.memref_slice %arg8[%dma_start3A_58, %dma_start3A_59] : memref<10240x128xf32, #tpu.memory_space<vmem_shared>> -> memref<10240x128xf32, #tpu.memory_space<vmem_shared>>
      tpu.enqueue_indirect_dma source(%dma_start3A_60 : memref<10240x128xf32, #tpu.memory_space<vmem_shared>>) target(%arg6 : memref<128x128xf32, #tpu.memory_space<vmem>>) offsets(%dma_start3A_57 : memref<128xi32, #tpu.memory_space<vmem>>) semaphore(%run_scoped3A_55 : memref<!tpu.dma_semaphore, #tpu.memory_space<semaphore_mem>>)
      %dma_wait3A = arith.constant 0 : i32
      %dma_wait3A_61 = tpu.memref_slice %arg7[%run_scoped3A_46, %dma_wait3A] : memref<5x128xi32, #tpu.memory_space<vmem>> -> memref<1x128xi32, #tpu.memory_space<vmem>>
      %dma_wait3A_62 = tpu.memref_squeeze %dma_wait3A_61 : memref<1x128xi32, #tpu.memory_space<vmem>> -> memref<128xi32, #tpu.memory_space<vmem>>
      %dma_wait3A_63 = arith.constant 0 : i32
      %dma_wait3A_64 = arith.constant 0 : i32
      %dma_wait3A_65 = tpu.memref_slice %arg8[%dma_wait3A_63, %dma_wait3A_64] : memref<10240x128xf32, #tpu.memory_space<vmem_shared>> -> memref<10240x128xf32, #tpu.memory_space<vmem_shared>>
      tpu.wait_indirect_dma semaphore(%run_scoped3A_55 : memref<!tpu.dma_semaphore, #tpu.memory_space<semaphore_mem>>) src(%dma_wait3A_65 : memref<10240x128xf32, #tpu.memory_space<vmem_shared>>) dst(%arg6 : memref<128x128xf32, #tpu.memory_space<vmem>>)
      tpu.yield
    }) : () -> ()
    %add3A_47 = arith.constant 256 : i32
    %add3A_48 = arith.addi %mul3A_0, %add3A_47 : i32
    "tpu.region"() ({
      %run_scoped3A_55 = tpu.sem_alloc : memref<!tpu.dma_semaphore, #tpu.memory_space<semaphore_mem>>
      %dma_start3A = arith.constant 0 : i32
      %dma_start3A_56 = tpu.memref_slice %arg3[%arg0, %add3A_48, %dma_start3A] : memref<2x10240x128xf32, #tpu.memory_space<hbm>> -> memref<1x128x128xf32, #tpu.memory_space<hbm>>
      %dma_start3A_57 = tpu.memref_squeeze %dma_start3A_56 : memref<1x128x128xf32, #tpu.memory_space<hbm>> -> memref<128x128xf32, #tpu.memory_space<hbm>>
      %dma_start3A_58 = arith.constant 0 : i32
      %dma_start3A_59 = tpu.memref_slice %arg3[%arg0, %add3A_48, %dma_start3A_58] : memref<2x10240x128xf32, #tpu.memory_space<hbm>> -> memref<1x128x128xf32, #tpu.memory_space<hbm>>
      %dma_start3A_60 = tpu.memref_squeeze %dma_start3A_59 : memref<1x128x128xf32, #tpu.memory_space<hbm>> -> memref<128x128xf32, #tpu.memory_space<hbm>>
      tpu.enqueue_dma source(%arg6 : memref<128x128xf32, #tpu.memory_space<vmem>>) target(%dma_start3A_60 : memref<128x128xf32, #tpu.memory_space<hbm>>) target_semaphore(%run_scoped3A_55 : memref<!tpu.dma_semaphore, #tpu.memory_space<semaphore_mem>>)
      %dma_wait3A = arith.constant 0 : i32
      %dma_wait3A_61 = tpu.memref_slice %arg3[%arg0, %add3A_48, %dma_wait3A] : memref<2x10240x128xf32, #tpu.memory_space<hbm>> -> memref<1x128x128xf32, #tpu.memory_space<hbm>>
      %dma_wait3A_62 = tpu.memref_squeeze %dma_wait3A_61 : memref<1x128x128xf32, #tpu.memory_space<hbm>> -> memref<128x128xf32, #tpu.memory_space<hbm>>
      %dma_wait3A_63 = arith.constant 0 : i32
      %dma_wait3A_64 = tpu.memref_slice %arg3[%arg0, %add3A_48, %dma_wait3A_63] : memref<2x10240x128xf32, #tpu.memory_space<hbm>> -> memref<1x128x128xf32, #tpu.memory_space<hbm>>
      %dma_wait3A_65 = tpu.memref_squeeze %dma_wait3A_64 : memref<1x128x128xf32, #tpu.memory_space<hbm>> -> memref<128x128xf32, #tpu.memory_space<hbm>>
      tpu.wait_dma2 semaphore(%run_scoped3A_55 : memref<!tpu.dma_semaphore, #tpu.memory_space<semaphore_mem>>) src(%arg6 : memref<128x128xf32, #tpu.memory_space<vmem>>) dst(%dma_wait3A_65 : memref<128x128xf32, #tpu.memory_space<hbm>>)
      tpu.yield
    }) : () -> ()
    %run_scoped3A_49 = arith.constant 3 : i32
    "tpu.region"() ({
      %run_scoped3A_55 = tpu.sem_alloc : memref<!tpu.dma_semaphore, #tpu.memory_space<semaphore_mem>>
      %dma_start3A = arith.constant 0 : i32
      %dma_start3A_56 = tpu.memref_slice %arg7[%run_scoped3A_49, %dma_start3A] : memref<5x128xi32, #tpu.memory_space<vmem>> -> memref<1x128xi32, #tpu.memory_space<vmem>>
      %dma_start3A_57 = tpu.memref_squeeze %dma_start3A_56 : memref<1x128xi32, #tpu.memory_space<vmem>> -> memref<128xi32, #tpu.memory_space<vmem>>
      %dma_start3A_58 = arith.constant 0 : i32
      %dma_start3A_59 = arith.constant 0 : i32
      %dma_start3A_60 = tpu.memref_slice %arg8[%dma_start3A_58, %dma_start3A_59] : memref<10240x128xf32, #tpu.memory_space<vmem_shared>> -> memref<10240x128xf32, #tpu.memory_space<vmem_shared>>
      tpu.enqueue_indirect_dma source(%dma_start3A_60 : memref<10240x128xf32, #tpu.memory_space<vmem_shared>>) target(%arg6 : memref<128x128xf32, #tpu.memory_space<vmem>>) offsets(%dma_start3A_57 : memref<128xi32, #tpu.memory_space<vmem>>) semaphore(%run_scoped3A_55 : memref<!tpu.dma_semaphore, #tpu.memory_space<semaphore_mem>>)
      %dma_wait3A = arith.constant 0 : i32
      %dma_wait3A_61 = tpu.memref_slice %arg7[%run_scoped3A_49, %dma_wait3A] : memref<5x128xi32, #tpu.memory_space<vmem>> -> memref<1x128xi32, #tpu.memory_space<vmem>>
      %dma_wait3A_62 = tpu.memref_squeeze %dma_wait3A_61 : memref<1x128xi32, #tpu.memory_space<vmem>> -> memref<128xi32, #tpu.memory_space<vmem>>
      %dma_wait3A_63 = arith.constant 0 : i32
      %dma_wait3A_64 = arith.constant 0 : i32
      %dma_wait3A_65 = tpu.memref_slice %arg8[%dma_wait3A_63, %dma_wait3A_64] : memref<10240x128xf32, #tpu.memory_space<vmem_shared>> -> memref<10240x128xf32, #tpu.memory_space<vmem_shared>>
      tpu.wait_indirect_dma semaphore(%run_scoped3A_55 : memref<!tpu.dma_semaphore, #tpu.memory_space<semaphore_mem>>) src(%dma_wait3A_65 : memref<10240x128xf32, #tpu.memory_space<vmem_shared>>) dst(%arg6 : memref<128x128xf32, #tpu.memory_space<vmem>>)
      tpu.yield
    }) : () -> ()
    %add3A_50 = arith.constant 384 : i32
    %add3A_51 = arith.addi %mul3A_0, %add3A_50 : i32
    "tpu.region"() ({
      %run_scoped3A_55 = tpu.sem_alloc : memref<!tpu.dma_semaphore, #tpu.memory_space<semaphore_mem>>
      %dma_start3A = arith.constant 0 : i32
      %dma_start3A_56 = tpu.memref_slice %arg3[%arg0, %add3A_51, %dma_start3A] : memref<2x10240x128xf32, #tpu.memory_space<hbm>> -> memref<1x128x128xf32, #tpu.memory_space<hbm>>
      %dma_start3A_57 = tpu.memref_squeeze %dma_start3A_56 : memref<1x128x128xf32, #tpu.memory_space<hbm>> -> memref<128x128xf32, #tpu.memory_space<hbm>>
      %dma_start3A_58 = arith.constant 0 : i32
      %dma_start3A_59 = tpu.memref_slice %arg3[%arg0, %add3A_51, %dma_start3A_58] : memref<2x10240x128xf32, #tpu.memory_space<hbm>> -> memref<1x128x128xf32, #tpu.memory_space<hbm>>
      %dma_start3A_60 = tpu.memref_squeeze %dma_start3A_59 : memref<1x128x128xf32, #tpu.memory_space<hbm>> -> memref<128x128xf32, #tpu.memory_space<hbm>>
      tpu.enqueue_dma source(%arg6 : memref<128x128xf32, #tpu.memory_space<vmem>>) target(%dma_start3A_60 : memref<128x128xf32, #tpu.memory_space<hbm>>) target_semaphore(%run_scoped3A_55 : memref<!tpu.dma_semaphore, #tpu.memory_space<semaphore_mem>>)
      %dma_wait3A = arith.constant 0 : i32
      %dma_wait3A_61 = tpu.memref_slice %arg3[%arg0, %add3A_51, %dma_wait3A] : memref<2x10240x128xf32, #tpu.memory_space<hbm>> -> memref<1x128x128xf32, #tpu.memory_space<hbm>>
      %dma_wait3A_62 = tpu.memref_squeeze %dma_wait3A_61 : memref<1x128x128xf32, #tpu.memory_space<hbm>> -> memref<128x128xf32, #tpu.memory_space<hbm>>
      %dma_wait3A_63 = arith.constant 0 : i32
      %dma_wait3A_64 = tpu.memref_slice %arg3[%arg0, %add3A_51, %dma_wait3A_63] : memref<2x10240x128xf32, #tpu.memory_space<hbm>> -> memref<1x128x128xf32, #tpu.memory_space<hbm>>
      %dma_wait3A_65 = tpu.memref_squeeze %dma_wait3A_64 : memref<1x128x128xf32, #tpu.memory_space<hbm>> -> memref<128x128xf32, #tpu.memory_space<hbm>>
      tpu.wait_dma2 semaphore(%run_scoped3A_55 : memref<!tpu.dma_semaphore, #tpu.memory_space<semaphore_mem>>) src(%arg6 : memref<128x128xf32, #tpu.memory_space<vmem>>) dst(%dma_wait3A_65 : memref<128x128xf32, #tpu.memory_space<hbm>>)
      tpu.yield
    }) : () -> ()
    %run_scoped3A_52 = arith.constant 4 : i32
    "tpu.region"() ({
      %run_scoped3A_55 = tpu.sem_alloc : memref<!tpu.dma_semaphore, #tpu.memory_space<semaphore_mem>>
      %dma_start3A = arith.constant 0 : i32
      %dma_start3A_56 = tpu.memref_slice %arg7[%run_scoped3A_52, %dma_start3A] : memref<5x128xi32, #tpu.memory_space<vmem>> -> memref<1x128xi32, #tpu.memory_space<vmem>>
      %dma_start3A_57 = tpu.memref_squeeze %dma_start3A_56 : memref<1x128xi32, #tpu.memory_space<vmem>> -> memref<128xi32, #tpu.memory_space<vmem>>
      %dma_start3A_58 = arith.constant 0 : i32
      %dma_start3A_59 = arith.constant 0 : i32
      %dma_start3A_60 = tpu.memref_slice %arg8[%dma_start3A_58, %dma_start3A_59] : memref<10240x128xf32, #tpu.memory_space<vmem_shared>> -> memref<10240x128xf32, #tpu.memory_space<vmem_shared>>
      tpu.enqueue_indirect_dma source(%dma_start3A_60 : memref<10240x128xf32, #tpu.memory_space<vmem_shared>>) target(%arg6 : memref<128x128xf32, #tpu.memory_space<vmem>>) offsets(%dma_start3A_57 : memref<128xi32, #tpu.memory_space<vmem>>) semaphore(%run_scoped3A_55 : memref<!tpu.dma_semaphore, #tpu.memory_space<semaphore_mem>>)
      %dma_wait3A = arith.constant 0 : i32
      %dma_wait3A_61 = tpu.memref_slice %arg7[%run_scoped3A_52, %dma_wait3A] : memref<5x128xi32, #tpu.memory_space<vmem>> -> memref<1x128xi32, #tpu.memory_space<vmem>>
      %dma_wait3A_62 = tpu.memref_squeeze %dma_wait3A_61 : memref<1x128xi32, #tpu.memory_space<vmem>> -> memref<128xi32, #tpu.memory_space<vmem>>
      %dma_wait3A_63 = arith.constant 0 : i32
      %dma_wait3A_64 = arith.constant 0 : i32
      %dma_wait3A_65 = tpu.memref_slice %arg8[%dma_wait3A_63, %dma_wait3A_64] : memref<10240x128xf32, #tpu.memory_space<vmem_shared>> -> memref<10240x128xf32, #tpu.memory_space<vmem_shared>>
      tpu.wait_indirect_dma semaphore(%run_scoped3A_55 : memref<!tpu.dma_semaphore, #tpu.memory_space<semaphore_mem>>) src(%dma_wait3A_65 : memref<10240x128xf32, #tpu.memory_space<vmem_shared>>) dst(%arg6 : memref<128x128xf32, #tpu.memory_space<vmem>>)
      tpu.yield
    }) : () -> ()
    %add3A_53 = arith.constant 512 : i32
    %add3A_54 = arith.addi %mul3A_0, %add3A_53 : i32
    "tpu.region"() ({
      %run_scoped3A_55 = tpu.sem_alloc : memref<!tpu.dma_semaphore, #tpu.memory_space<semaphore_mem>>
      %dma_start3A = arith.constant 0 : i32
      %dma_start3A_56 = tpu.memref_slice %arg3[%arg0, %add3A_54, %dma_start3A] : memref<2x10240x128xf32, #tpu.memory_space<hbm>> -> memref<1x128x128xf32, #tpu.memory_space<hbm>>
      %dma_start3A_57 = tpu.memref_squeeze %dma_start3A_56 : memref<1x128x128xf32, #tpu.memory_space<hbm>> -> memref<128x128xf32, #tpu.memory_space<hbm>>
      %dma_start3A_58 = arith.constant 0 : i32
      %dma_start3A_59 = tpu.memref_slice %arg3[%arg0, %add3A_54, %dma_start3A_58] : memref<2x10240x128xf32, #tpu.memory_space<hbm>> -> memref<1x128x128xf32, #tpu.memory_space<hbm>>
      %dma_start3A_60 = tpu.memref_squeeze %dma_start3A_59 : memref<1x128x128xf32, #tpu.memory_space<hbm>> -> memref<128x128xf32, #tpu.memory_space<hbm>>
      tpu.enqueue_dma source(%arg6 : memref<128x128xf32, #tpu.memory_space<vmem>>) target(%dma_start3A_60 : memref<128x128xf32, #tpu.memory_space<hbm>>) target_semaphore(%run_scoped3A_55 : memref<!tpu.dma_semaphore, #tpu.memory_space<semaphore_mem>>)
      %dma_wait3A = arith.constant 0 : i32
      %dma_wait3A_61 = tpu.memref_slice %arg3[%arg0, %add3A_54, %dma_wait3A] : memref<2x10240x128xf32, #tpu.memory_space<hbm>> -> memref<1x128x128xf32, #tpu.memory_space<hbm>>
      %dma_wait3A_62 = tpu.memref_squeeze %dma_wait3A_61 : memref<1x128x128xf32, #tpu.memory_space<hbm>> -> memref<128x128xf32, #tpu.memory_space<hbm>>
      %dma_wait3A_63 = arith.constant 0 : i32
      %dma_wait3A_64 = tpu.memref_slice %arg3[%arg0, %add3A_54, %dma_wait3A_63] : memref<2x10240x128xf32, #tpu.memory_space<hbm>> -> memref<1x128x128xf32, #tpu.memory_space<hbm>>
      %dma_wait3A_65 = tpu.memref_squeeze %dma_wait3A_64 : memref<1x128x128xf32, #tpu.memory_space<hbm>> -> memref<128x128xf32, #tpu.memory_space<hbm>>
      tpu.wait_dma2 semaphore(%run_scoped3A_55 : memref<!tpu.dma_semaphore, #tpu.memory_space<semaphore_mem>>) src(%arg6 : memref<128x128xf32, #tpu.memory_space<vmem>>) dst(%dma_wait3A_65 : memref<128x128xf32, #tpu.memory_space<hbm>>)
      tpu.yield
    }) : () -> ()
    return
  }
}

#map = affine_map<(d0, d1) -> (0)>
#map1 = affine_map<(d0, d1) -> (0, 0)>
#map2 = affine_map<(d0, d1) -> (0, 0, 0)>
module attributes {stable_mosaic.version = 14 : i64} {
  func.func @_agg_kernel(%arg0: i32, %arg1: i32, %arg2: memref<320000xi32, #tpu.memory_space<hbm>>, %arg3: memref<320000xi32, #tpu.memory_space<hbm>>, %arg4: memref<20000x128xf32, #tpu.memory_space<hbm>>, %arg5: memref<2x10240x128xf32, #tpu.memory_space<hbm>>, %arg6: memref<128xi32, #tpu.memory_space<vmem>>, %arg7: memref<1x128xi32, #tpu.memory_space<vmem>>, %arg8: memref<128x128xf32, #tpu.memory_space<vmem>>, %arg9: memref<128x128xf32, #tpu.memory_space<vmem>>, %arg10: memref<5x128xi32, #tpu.memory_space<vmem>>, %arg11: memref<10240x128xf32, #tpu.memory_space<vmem_shared>>, %arg12: memref<!tpu.dma_semaphore, #tpu.memory_space<semaphore_mem>>) attributes {dimension_semantics = [#tpu.dimension_semantics<core_parallel>, #tpu.dimension_semantics<subcore_parallel>], iteration_bounds = array<i64: 2, 16>, scalar_prefetch = 0 : i64, scratch_operands = 7 : i64, tpu.core_type = #tpu.core_type<sc_vector_subcore>, window_params = [{transform_indices = #map}, {transform_indices = #map}, {transform_indices = #map1}, {transform_indices = #map2}]} {
    %mul3A = arith.constant 640 : i32
    %mul3A_0 = arith.muli %arg1, %mul3A : i32
    %broadcast_in_dim3A = arith.constant 0.000000e+00 : f32
    %broadcast_in_dim3A_1 = vector.broadcast %broadcast_in_dim3A : f32 to vector<16xf32>
    %scan3A = arith.constant 0 : i32
    %scan3A_2 = arith.constant 0 : i32
    %scan3A_3 = arith.constant 1024 : i32
    %scan3A_4 = arith.addi %scan3A_2, %scan3A_3 : i32
    %scan3A_5 = arith.constant 1 : i32
    %scan3A_6 = scf.for %scan3A_55 = %scan3A_2 to %scan3A_4 step %scan3A_5 iter_args(%scan3A_56 = %scan3A) -> (i32)  : i32 {
      %jit3A_57 = arith.constant 8 : i32
      %div3A = arith.divsi %scan3A_55, %jit3A_57 : i32
      %sign3A = arith.constant 0 : i32
      %sign3A_58 = arith.cmpi sgt, %scan3A_55, %sign3A : i32
      %sign3A_59 = arith.extui %sign3A_58 : i1 to i32
      %sign3A_60 = arith.constant 0 : i32
      %sign3A_61 = arith.cmpi slt, %scan3A_55, %sign3A_60 : i32
      %sign3A_62 = arith.extui %sign3A_61 : i1 to i32
      %sign3A_63 = arith.subi %sign3A_59, %sign3A_62 : i32
      %sign3A_64 = arith.constant 0 : i32
      %sign3A_65 = arith.cmpi sgt, %jit3A_57, %sign3A_64 : i32
      %sign3A_66 = arith.extui %sign3A_65 : i1 to i32
      %sign3A_67 = arith.constant 0 : i32
      %sign3A_68 = arith.cmpi slt, %jit3A_57, %sign3A_67 : i32
      %sign3A_69 = arith.extui %sign3A_68 : i1 to i32
      %sign3A_70 = arith.subi %sign3A_66, %sign3A_69 : i32
      %ne3A = arith.cmpi ne, %sign3A_63, %sign3A_70 : i32
      %rem3A = arith.remsi %scan3A_55, %jit3A_57 : i32
      %ne3A_71 = arith.constant 0 : i32
      %ne3A_72 = arith.cmpi ne, %rem3A, %ne3A_71 : i32
      %and3A = arith.andi %ne3A, %ne3A_72 : i1
      %sub3A = arith.constant 1 : i32
      %sub3A_73 = arith.subi %div3A, %sub3A : i32
      %select_n3A_74 = arith.select %and3A, %sub3A_73, %div3A : i32
      %jit3A_75 = arith.constant 8 : i32
      %eq3A = arith.constant 0 : i32
      %eq3A_76 = arith.cmpi eq, %jit3A_75, %eq3A : i32
      %jit3A_77 = arith.constant 1 : i32
      %select_n3A_78 = arith.select %eq3A_76, %jit3A_77, %jit3A_75 : i32
      %rem3A_79 = arith.remsi %scan3A_55, %select_n3A_78 : i32
      %ne3A_80 = arith.constant 0 : i32
      %ne3A_81 = arith.cmpi ne, %rem3A_79, %ne3A_80 : i32
      %lt3A_82 = arith.constant 0 : i32
      %lt3A_83 = arith.cmpi slt, %rem3A_79, %lt3A_82 : i32
      %lt3A_84 = arith.constant 0 : i32
      %lt3A_85 = arith.cmpi slt, %select_n3A_78, %lt3A_84 : i32
      %ne3A_86 = arith.xori %lt3A_83, %lt3A_85 : i1
      %and3A_87 = arith.andi %ne3A_86, %ne3A_81 : i1
      %add3A_88 = arith.addi %rem3A_79, %select_n3A_78 : i32
      %select_n3A_89 = arith.select %and3A_87, %add3A_88, %rem3A_79 : i32
      %mul3A_90 = arith.constant 16 : i32
      %mul3A_91 = arith.muli %select_n3A_89, %mul3A_90 : i32
      %swap3A = arith.index_cast %select_n3A_74 : i32 to index
      %swap3A_92 = arith.index_cast %mul3A_91 : i32 to index
      %swap3A_93 = tpu.vector_load %arg9[%swap3A, %swap3A_92] {strides = array<i32>} : memref<128x128xf32, #tpu.memory_space<vmem>>, vector<1x16xf32>,
      %swap3A_94 = vector.shape_cast %swap3A_93 : vector<1x16xf32> to vector<16xf32>
      %swap3A_95 = vector.shape_cast %broadcast_in_dim3A_1 : vector<16xf32> to vector<1x16xf32>
      tpu.vector_store %arg9[%swap3A, %swap3A_92], %swap3A_95 {strides = array<i32>} : memref<128x128xf32, #tpu.memory_space<vmem>>, vector<1x16xf32>,
      %scan3A_96 = arith.constant 0 : i32
      scf.yield %scan3A_96 : i32
    }
    %scan3A_7 = arith.constant 1024 : i32
    %scan3A_8 = arith.constant 0 : i32
    %scan3A_9 = arith.constant 0 : i32
    %scan3A_10 = arith.constant 40 : i32
    %scan3A_11 = arith.addi %scan3A_9, %scan3A_10 : i32
    %scan3A_12 = arith.constant 1 : i32
    %scan3A_13 = scf.for %scan3A_55 = %scan3A_9 to %scan3A_11 step %scan3A_12 iter_args(%scan3A_56 = %scan3A_8) -> (i32)  : i32 {
      %jit3A_57 = arith.constant 8 : i32
      %div3A = arith.divsi %scan3A_55, %jit3A_57 : i32
      %sign3A = arith.constant 0 : i32
      %sign3A_58 = arith.cmpi sgt, %scan3A_55, %sign3A : i32
      %sign3A_59 = arith.extui %sign3A_58 : i1 to i32
      %sign3A_60 = arith.constant 0 : i32
      %sign3A_61 = arith.cmpi slt, %scan3A_55, %sign3A_60 : i32
      %sign3A_62 = arith.extui %sign3A_61 : i1 to i32
      %sign3A_63 = arith.subi %sign3A_59, %sign3A_62 : i32
      %sign3A_64 = arith.constant 0 : i32
      %sign3A_65 = arith.cmpi sgt, %jit3A_57, %sign3A_64 : i32
      %sign3A_66 = arith.extui %sign3A_65 : i1 to i32
      %sign3A_67 = arith.constant 0 : i32
      %sign3A_68 = arith.cmpi slt, %jit3A_57, %sign3A_67 : i32
      %sign3A_69 = arith.extui %sign3A_68 : i1 to i32
      %sign3A_70 = arith.subi %sign3A_66, %sign3A_69 : i32
      %ne3A = arith.cmpi ne, %sign3A_63, %sign3A_70 : i32
      %rem3A = arith.remsi %scan3A_55, %jit3A_57 : i32
      %ne3A_71 = arith.constant 0 : i32
      %ne3A_72 = arith.cmpi ne, %rem3A, %ne3A_71 : i32
      %and3A = arith.andi %ne3A, %ne3A_72 : i1
      %sub3A = arith.constant 1 : i32
      %sub3A_73 = arith.subi %div3A, %sub3A : i32
      %select_n3A_74 = arith.select %and3A, %sub3A_73, %div3A : i32
      %jit3A_75 = arith.constant 8 : i32
      %eq3A = arith.constant 0 : i32
      %eq3A_76 = arith.cmpi eq, %jit3A_75, %eq3A : i32
      %jit3A_77 = arith.constant 1 : i32
      %select_n3A_78 = arith.select %eq3A_76, %jit3A_77, %jit3A_75 : i32
      %rem3A_79 = arith.remsi %scan3A_55, %select_n3A_78 : i32
      %ne3A_80 = arith.constant 0 : i32
      %ne3A_81 = arith.cmpi ne, %rem3A_79, %ne3A_80 : i32
      %lt3A_82 = arith.constant 0 : i32
      %lt3A_83 = arith.cmpi slt, %rem3A_79, %lt3A_82 : i32
      %lt3A_84 = arith.constant 0 : i32
      %lt3A_85 = arith.cmpi slt, %select_n3A_78, %lt3A_84 : i32
      %ne3A_86 = arith.xori %lt3A_83, %lt3A_85 : i1
      %and3A_87 = arith.andi %ne3A_86, %ne3A_81 : i1
      %add3A_88 = arith.addi %rem3A_79, %select_n3A_78 : i32
      %select_n3A_89 = arith.select %and3A_87, %add3A_88, %rem3A_79 : i32
      %iota3A = tpu.iota {dimensions = array<i32: 0>} : vector<16xi32>
      %mul3A_90 = arith.constant 128 : i32
      %mul3A_91 = arith.muli %select_n3A_74, %mul3A_90 : i32
      %add3A_92 = arith.addi %mul3A_0, %mul3A_91 : i32
      %mul3A_93 = arith.constant 16 : i32
      %mul3A_94 = arith.muli %select_n3A_89, %mul3A_93 : i32
      %add3A_95 = arith.addi %add3A_92, %mul3A_94 : i32
      %add3A_96 = vector.broadcast %add3A_95 : i32 to vector<16xi32>
      %add3A_97 = arith.addi %iota3A, %add3A_96 : vector<16xi32>
      %mul3A_98 = arith.constant 16 : i32
      %mul3A_99 = arith.muli %select_n3A_89, %mul3A_98 : i32
      %swap3A = arith.index_cast %select_n3A_74 : i32 to index
      %swap3A_100 = arith.index_cast %mul3A_99 : i32 to index
      %swap3A_101 = tpu.vector_load %arg10[%swap3A, %swap3A_100] {strides = array<i32>} : memref<5x128xi32, #tpu.memory_space<vmem>>, vector<1x16xi32>,
      %swap3A_102 = vector.shape_cast %swap3A_101 : vector<1x16xi32> to vector<16xi32>
      %swap3A_103 = vector.shape_cast %add3A_97 : vector<16xi32> to vector<1x16xi32>
      tpu.vector_store %arg10[%swap3A, %swap3A_100], %swap3A_103 {strides = array<i32>} : memref<5x128xi32, #tpu.memory_space<vmem>>, vector<1x16xi32>,
      %scan3A_104 = arith.constant 0 : i32
      scf.yield %scan3A_104 : i32
    }
    %scan3A_14 = arith.constant 40 : i32
    %run_scoped3A = arith.constant 0 : i32
    "tpu.region"() ({
      %run_scoped3A_55 = tpu.sem_alloc : memref<!tpu.dma_semaphore, #tpu.memory_space<semaphore_mem>>
      %dma_start3A = arith.constant 0 : i32
      %dma_start3A_56 = tpu.memref_slice %arg10[%run_scoped3A, %dma_start3A] : memref<5x128xi32, #tpu.memory_space<vmem>> -> memref<1x128xi32, #tpu.memory_space<vmem>>
      %dma_start3A_57 = tpu.memref_squeeze %dma_start3A_56 : memref<1x128xi32, #tpu.memory_space<vmem>> -> memref<128xi32, #tpu.memory_space<vmem>>
      %dma_start3A_58 = arith.constant 0 : i32
      %dma_start3A_59 = arith.constant 0 : i32
      %dma_start3A_60 = tpu.memref_slice %arg11[%dma_start3A_58, %dma_start3A_59] : memref<10240x128xf32, #tpu.memory_space<vmem_shared>> -> memref<10240x128xf32, #tpu.memory_space<vmem_shared>>
      tpu.enqueue_indirect_dma source(%arg9 : memref<128x128xf32, #tpu.memory_space<vmem>>) target(%dma_start3A_60 : memref<10240x128xf32, #tpu.memory_space<vmem_shared>>) offsets(%dma_start3A_57 : memref<128xi32, #tpu.memory_space<vmem>>) semaphore(%run_scoped3A_55 : memref<!tpu.dma_semaphore, #tpu.memory_space<semaphore_mem>>)
      %dma_wait3A = arith.constant 0 : i32
      %dma_wait3A_61 = tpu.memref_slice %arg10[%run_scoped3A, %dma_wait3A] : memref<5x128xi32, #tpu.memory_space<vmem>> -> memref<1x128xi32, #tpu.memory_space<vmem>>
      %dma_wait3A_62 = tpu.memref_squeeze %dma_wait3A_61 : memref<1x128xi32, #tpu.memory_space<vmem>> -> memref<128xi32, #tpu.memory_space<vmem>>
      %dma_wait3A_63 = arith.constant 0 : i32
      %dma_wait3A_64 = arith.constant 0 : i32
      %dma_wait3A_65 = tpu.memref_slice %arg11[%dma_wait3A_63, %dma_wait3A_64] : memref<10240x128xf32, #tpu.memory_space<vmem_shared>> -> memref<10240x128xf32, #tpu.memory_space<vmem_shared>>
      tpu.wait_indirect_dma semaphore(%run_scoped3A_55 : memref<!tpu.dma_semaphore, #tpu.memory_space<semaphore_mem>>) src(%arg9 : memref<128x128xf32, #tpu.memory_space<vmem>>) dst(%dma_wait3A_65 : memref<10240x128xf32, #tpu.memory_space<vmem_shared>>)
      tpu.yield
    }) : () -> ()
    %run_scoped3A_15 = arith.constant 1 : i32
    "tpu.region"() ({
      %run_scoped3A_55 = tpu.sem_alloc : memref<!tpu.dma_semaphore, #tpu.memory_space<semaphore_mem>>
      %dma_start3A = arith.constant 0 : i32
      %dma_start3A_56 = tpu.memref_slice %arg10[%run_scoped3A_15, %dma_start3A] : memref<5x128xi32, #tpu.memory_space<vmem>> -> memref<1x128xi32, #tpu.memory_space<vmem>>
      %dma_start3A_57 = tpu.memref_squeeze %dma_start3A_56 : memref<1x128xi32, #tpu.memory_space<vmem>> -> memref<128xi32, #tpu.memory_space<vmem>>
      %dma_start3A_58 = arith.constant 0 : i32
      %dma_start3A_59 = arith.constant 0 : i32
      %dma_start3A_60 = tpu.memref_slice %arg11[%dma_start3A_58, %dma_start3A_59] : memref<10240x128xf32, #tpu.memory_space<vmem_shared>> -> memref<10240x128xf32, #tpu.memory_space<vmem_shared>>
      tpu.enqueue_indirect_dma source(%arg9 : memref<128x128xf32, #tpu.memory_space<vmem>>) target(%dma_start3A_60 : memref<10240x128xf32, #tpu.memory_space<vmem_shared>>) offsets(%dma_start3A_57 : memref<128xi32, #tpu.memory_space<vmem>>) semaphore(%run_scoped3A_55 : memref<!tpu.dma_semaphore, #tpu.memory_space<semaphore_mem>>)
      %dma_wait3A = arith.constant 0 : i32
      %dma_wait3A_61 = tpu.memref_slice %arg10[%run_scoped3A_15, %dma_wait3A] : memref<5x128xi32, #tpu.memory_space<vmem>> -> memref<1x128xi32, #tpu.memory_space<vmem>>
      %dma_wait3A_62 = tpu.memref_squeeze %dma_wait3A_61 : memref<1x128xi32, #tpu.memory_space<vmem>> -> memref<128xi32, #tpu.memory_space<vmem>>
      %dma_wait3A_63 = arith.constant 0 : i32
      %dma_wait3A_64 = arith.constant 0 : i32
      %dma_wait3A_65 = tpu.memref_slice %arg11[%dma_wait3A_63, %dma_wait3A_64] : memref<10240x128xf32, #tpu.memory_space<vmem_shared>> -> memref<10240x128xf32, #tpu.memory_space<vmem_shared>>
      tpu.wait_indirect_dma semaphore(%run_scoped3A_55 : memref<!tpu.dma_semaphore, #tpu.memory_space<semaphore_mem>>) src(%arg9 : memref<128x128xf32, #tpu.memory_space<vmem>>) dst(%dma_wait3A_65 : memref<10240x128xf32, #tpu.memory_space<vmem_shared>>)
      tpu.yield
    }) : () -> ()
    %run_scoped3A_16 = arith.constant 2 : i32
    "tpu.region"() ({
      %run_scoped3A_55 = tpu.sem_alloc : memref<!tpu.dma_semaphore, #tpu.memory_space<semaphore_mem>>
      %dma_start3A = arith.constant 0 : i32
      %dma_start3A_56 = tpu.memref_slice %arg10[%run_scoped3A_16, %dma_start3A] : memref<5x128xi32, #tpu.memory_space<vmem>> -> memref<1x128xi32, #tpu.memory_space<vmem>>
      %dma_start3A_57 = tpu.memref_squeeze %dma_start3A_56 : memref<1x128xi32, #tpu.memory_space<vmem>> -> memref<128xi32, #tpu.memory_space<vmem>>
      %dma_start3A_58 = arith.constant 0 : i32
      %dma_start3A_59 = arith.constant 0 : i32
      %dma_start3A_60 = tpu.memref_slice %arg11[%dma_start3A_58, %dma_start3A_59] : memref<10240x128xf32, #tpu.memory_space<vmem_shared>> -> memref<10240x128xf32, #tpu.memory_space<vmem_shared>>
      tpu.enqueue_indirect_dma source(%arg9 : memref<128x128xf32, #tpu.memory_space<vmem>>) target(%dma_start3A_60 : memref<10240x128xf32, #tpu.memory_space<vmem_shared>>) offsets(%dma_start3A_57 : memref<128xi32, #tpu.memory_space<vmem>>) semaphore(%run_scoped3A_55 : memref<!tpu.dma_semaphore, #tpu.memory_space<semaphore_mem>>)
      %dma_wait3A = arith.constant 0 : i32
      %dma_wait3A_61 = tpu.memref_slice %arg10[%run_scoped3A_16, %dma_wait3A] : memref<5x128xi32, #tpu.memory_space<vmem>> -> memref<1x128xi32, #tpu.memory_space<vmem>>
      %dma_wait3A_62 = tpu.memref_squeeze %dma_wait3A_61 : memref<1x128xi32, #tpu.memory_space<vmem>> -> memref<128xi32, #tpu.memory_space<vmem>>
      %dma_wait3A_63 = arith.constant 0 : i32
      %dma_wait3A_64 = arith.constant 0 : i32
      %dma_wait3A_65 = tpu.memref_slice %arg11[%dma_wait3A_63, %dma_wait3A_64] : memref<10240x128xf32, #tpu.memory_space<vmem_shared>> -> memref<10240x128xf32, #tpu.memory_space<vmem_shared>>
      tpu.wait_indirect_dma semaphore(%run_scoped3A_55 : memref<!tpu.dma_semaphore, #tpu.memory_space<semaphore_mem>>) src(%arg9 : memref<128x128xf32, #tpu.memory_space<vmem>>) dst(%dma_wait3A_65 : memref<10240x128xf32, #tpu.memory_space<vmem_shared>>)
      tpu.yield
    }) : () -> ()
    %run_scoped3A_17 = arith.constant 3 : i32
    "tpu.region"() ({
      %run_scoped3A_55 = tpu.sem_alloc : memref<!tpu.dma_semaphore, #tpu.memory_space<semaphore_mem>>
      %dma_start3A = arith.constant 0 : i32
      %dma_start3A_56 = tpu.memref_slice %arg10[%run_scoped3A_17, %dma_start3A] : memref<5x128xi32, #tpu.memory_space<vmem>> -> memref<1x128xi32, #tpu.memory_space<vmem>>
      %dma_start3A_57 = tpu.memref_squeeze %dma_start3A_56 : memref<1x128xi32, #tpu.memory_space<vmem>> -> memref<128xi32, #tpu.memory_space<vmem>>
      %dma_start3A_58 = arith.constant 0 : i32
      %dma_start3A_59 = arith.constant 0 : i32
      %dma_start3A_60 = tpu.memref_slice %arg11[%dma_start3A_58, %dma_start3A_59] : memref<10240x128xf32, #tpu.memory_space<vmem_shared>> -> memref<10240x128xf32, #tpu.memory_space<vmem_shared>>
      tpu.enqueue_indirect_dma source(%arg9 : memref<128x128xf32, #tpu.memory_space<vmem>>) target(%dma_start3A_60 : memref<10240x128xf32, #tpu.memory_space<vmem_shared>>) offsets(%dma_start3A_57 : memref<128xi32, #tpu.memory_space<vmem>>) semaphore(%run_scoped3A_55 : memref<!tpu.dma_semaphore, #tpu.memory_space<semaphore_mem>>)
      %dma_wait3A = arith.constant 0 : i32
      %dma_wait3A_61 = tpu.memref_slice %arg10[%run_scoped3A_17, %dma_wait3A] : memref<5x128xi32, #tpu.memory_space<vmem>> -> memref<1x128xi32, #tpu.memory_space<vmem>>
      %dma_wait3A_62 = tpu.memref_squeeze %dma_wait3A_61 : memref<1x128xi32, #tpu.memory_space<vmem>> -> memref<128xi32, #tpu.memory_space<vmem>>
      %dma_wait3A_63 = arith.constant 0 : i32
      %dma_wait3A_64 = arith.constant 0 : i32
      %dma_wait3A_65 = tpu.memref_slice %arg11[%dma_wait3A_63, %dma_wait3A_64] : memref<10240x128xf32, #tpu.memory_space<vmem_shared>> -> memref<10240x128xf32, #tpu.memory_space<vmem_shared>>
      tpu.wait_indirect_dma semaphore(%run_scoped3A_55 : memref<!tpu.dma_semaphore, #tpu.memory_space<semaphore_mem>>) src(%arg9 : memref<128x128xf32, #tpu.memory_space<vmem>>) dst(%dma_wait3A_65 : memref<10240x128xf32, #tpu.memory_space<vmem_shared>>)
      tpu.yield
    }) : () -> ()
    %run_scoped3A_18 = arith.constant 4 : i32
    "tpu.region"() ({
      %run_scoped3A_55 = tpu.sem_alloc : memref<!tpu.dma_semaphore, #tpu.memory_space<semaphore_mem>>
      %dma_start3A = arith.constant 0 : i32
      %dma_start3A_56 = tpu.memref_slice %arg10[%run_scoped3A_18, %dma_start3A] : memref<5x128xi32, #tpu.memory_space<vmem>> -> memref<1x128xi32, #tpu.memory_space<vmem>>
      %dma_start3A_57 = tpu.memref_squeeze %dma_start3A_56 : memref<1x128xi32, #tpu.memory_space<vmem>> -> memref<128xi32, #tpu.memory_space<vmem>>
      %dma_start3A_58 = arith.constant 0 : i32
      %dma_start3A_59 = arith.constant 0 : i32
      %dma_start3A_60 = tpu.memref_slice %arg11[%dma_start3A_58, %dma_start3A_59] : memref<10240x128xf32, #tpu.memory_space<vmem_shared>> -> memref<10240x128xf32, #tpu.memory_space<vmem_shared>>
      tpu.enqueue_indirect_dma source(%arg9 : memref<128x128xf32, #tpu.memory_space<vmem>>) target(%dma_start3A_60 : memref<10240x128xf32, #tpu.memory_space<vmem_shared>>) offsets(%dma_start3A_57 : memref<128xi32, #tpu.memory_space<vmem>>) semaphore(%run_scoped3A_55 : memref<!tpu.dma_semaphore, #tpu.memory_space<semaphore_mem>>)
      %dma_wait3A = arith.constant 0 : i32
      %dma_wait3A_61 = tpu.memref_slice %arg10[%run_scoped3A_18, %dma_wait3A] : memref<5x128xi32, #tpu.memory_space<vmem>> -> memref<1x128xi32, #tpu.memory_space<vmem>>
      %dma_wait3A_62 = tpu.memref_squeeze %dma_wait3A_61 : memref<1x128xi32, #tpu.memory_space<vmem>> -> memref<128xi32, #tpu.memory_space<vmem>>
      %dma_wait3A_63 = arith.constant 0 : i32
      %dma_wait3A_64 = arith.constant 0 : i32
      %dma_wait3A_65 = tpu.memref_slice %arg11[%dma_wait3A_63, %dma_wait3A_64] : memref<10240x128xf32, #tpu.memory_space<vmem_shared>> -> memref<10240x128xf32, #tpu.memory_space<vmem_shared>>
      tpu.wait_indirect_dma semaphore(%run_scoped3A_55 : memref<!tpu.dma_semaphore, #tpu.memory_space<semaphore_mem>>) src(%arg9 : memref<128x128xf32, #tpu.memory_space<vmem>>) dst(%dma_wait3A_65 : memref<10240x128xf32, #tpu.memory_space<vmem_shared>>)
      tpu.yield
    }) : () -> ()
    %barrier3A = arith.constant 0 : index
    tpu.barrier barrier_id(%barrier3A)
    %mul3A_19 = arith.constant 156 : i32
    %mul3A_20 = arith.muli %arg1, %mul3A_19 : i32
    %min3A = arith.constant 4 : i32
    %min3A_21 = arith.minsi %arg1, %min3A : i32
    %add3A = arith.addi %mul3A_20, %min3A_21 : i32
    %lt3A = arith.constant 4 : i32
    %lt3A_22 = arith.cmpi slt, %arg1, %lt3A : i32
    %jit3A = arith.constant 1 : i32
    %jit3A_23 = arith.constant 0 : i32
    %select_n3A = arith.select %lt3A_22, %jit3A, %jit3A_23 : i32
    %add3A_24 = arith.constant 156 : i32
    %add3A_25 = arith.addi %add3A_24, %select_n3A : i32
    %mul3A_26 = arith.constant 10000 : i32
    %mul3A_27 = arith.muli %arg0, %mul3A_26 : i32
    %add3A_28 = arith.addi %add3A, %add3A_25 : i32
    %while3A = arith.constant 0 : i32
    %while3A_29 = arith.subi %add3A_28, %add3A : i32
    %while3A_30 = arith.addi %add3A, %while3A_29 : i32
    %while3A_31 = arith.constant 1 : i32
    %while3A_32 = arith.divsi %while3A_29, %while3A_31 : i32
    %while3A_33 = arith.muli %while3A_32, %while3A_31 : i32
    %while3A_34 = arith.addi %add3A, %while3A_33 : i32
    %while3A_35 = arith.constant 1 : i32
    %while3A_36 = scf.for %while3A_55 = %add3A to %while3A_34 step %while3A_35 iter_args(%while3A_56 = %while3A) -> (i32)  : i32 {
      %mul3A_57 = arith.constant 128 : i32
      %mul3A_58 = arith.muli %while3A_55, %mul3A_57 : i32
      %multiple_of3A = tpu.assume_multiple %mul3A_58, 8 : i32
      "tpu.region"() ({
        %run_scoped3A_136 = tpu.sem_alloc : memref<!tpu.dma_semaphore, #tpu.memory_space<semaphore_mem>>
        %dma_start3A_137 = tpu.memref_slice %arg2[%multiple_of3A] : memref<320000xi32, #tpu.memory_space<hbm>> -> memref<128xi32, #tpu.memory_space<hbm>>
        %dma_start3A_138 = tpu.memref_slice %arg2[%multiple_of3A] : memref<320000xi32, #tpu.memory_space<hbm>> -> memref<128xi32, #tpu.memory_space<hbm>>
        tpu.enqueue_dma source(%dma_start3A_138 : memref<128xi32, #tpu.memory_space<hbm>>) target(%arg6 : memref<128xi32, #tpu.memory_space<vmem>>) target_semaphore(%run_scoped3A_136 : memref<!tpu.dma_semaphore, #tpu.memory_space<semaphore_mem>>)
        %dma_wait3A_139 = tpu.memref_slice %arg2[%multiple_of3A] : memref<320000xi32, #tpu.memory_space<hbm>> -> memref<128xi32, #tpu.memory_space<hbm>>
        %dma_wait3A_140 = tpu.memref_slice %arg2[%multiple_of3A] : memref<320000xi32, #tpu.memory_space<hbm>> -> memref<128xi32, #tpu.memory_space<hbm>>
        tpu.wait_dma2 semaphore(%run_scoped3A_136 : memref<!tpu.dma_semaphore, #tpu.memory_space<semaphore_mem>>) src(%dma_wait3A_140 : memref<128xi32, #tpu.memory_space<hbm>>) dst(%arg6 : memref<128xi32, #tpu.memory_space<vmem>>)
        tpu.yield
      }) : () -> ()
      %run_scoped3A_59 = arith.constant 0 : i32
      "tpu.region"() ({
        %run_scoped3A_136 = tpu.sem_alloc : memref<!tpu.dma_semaphore, #tpu.memory_space<semaphore_mem>>
        %dma_start3A_137 = arith.constant 0 : i32
        %dma_start3A_138 = tpu.memref_slice %arg7[%run_scoped3A_59, %dma_start3A_137] : memref<1x128xi32, #tpu.memory_space<vmem>> -> memref<1x128xi32, #tpu.memory_space<vmem>>
        %dma_start3A_139 = tpu.memref_squeeze %dma_start3A_138 : memref<1x128xi32, #tpu.memory_space<vmem>> -> memref<128xi32, #tpu.memory_space<vmem>>
        %dma_start3A_140 = tpu.memref_slice %arg3[%multiple_of3A] : memref<320000xi32, #tpu.memory_space<hbm>> -> memref<128xi32, #tpu.memory_space<hbm>>
        %dma_start3A_141 = arith.constant 0 : i32
        %dma_start3A_142 = tpu.memref_slice %arg7[%run_scoped3A_59, %dma_start3A_141] : memref<1x128xi32, #tpu.memory_space<vmem>> -> memref<1x128xi32, #tpu.memory_space<vmem>>
        %dma_start3A_143 = tpu.memref_squeeze %dma_start3A_142 : memref<1x128xi32, #tpu.memory_space<vmem>> -> memref<128xi32, #tpu.memory_space<vmem>>
        %dma_start3A_144 = tpu.memref_slice %arg3[%multiple_of3A] : memref<320000xi32, #tpu.memory_space<hbm>> -> memref<128xi32, #tpu.memory_space<hbm>>
        tpu.enqueue_dma source(%dma_start3A_144 : memref<128xi32, #tpu.memory_space<hbm>>) target(%dma_start3A_143 : memref<128xi32, #tpu.memory_space<vmem>>) target_semaphore(%run_scoped3A_136 : memref<!tpu.dma_semaphore, #tpu.memory_space<semaphore_mem>>)
        %dma_wait3A_145 = arith.constant 0 : i32
        %dma_wait3A_146 = tpu.memref_slice %arg7[%run_scoped3A_59, %dma_wait3A_145] : memref<1x128xi32, #tpu.memory_space<vmem>> -> memref<1x128xi32, #tpu.memory_space<vmem>>
        %dma_wait3A_147 = tpu.memref_squeeze %dma_wait3A_146 : memref<1x128xi32, #tpu.memory_space<vmem>> -> memref<128xi32, #tpu.memory_space<vmem>>
        %dma_wait3A_148 = tpu.memref_slice %arg3[%multiple_of3A] : memref<320000xi32, #tpu.memory_space<hbm>> -> memref<128xi32, #tpu.memory_space<hbm>>
        %dma_wait3A_149 = arith.constant 0 : i32
        %dma_wait3A_150 = tpu.memref_slice %arg7[%run_scoped3A_59, %dma_wait3A_149] : memref<1x128xi32, #tpu.memory_space<vmem>> -> memref<1x128xi32, #tpu.memory_space<vmem>>
        %dma_wait3A_151 = tpu.memref_squeeze %dma_wait3A_150 : memref<1x128xi32, #tpu.memory_space<vmem>> -> memref<128xi32, #tpu.memory_space<vmem>>
        %dma_wait3A_152 = tpu.memref_slice %arg3[%multiple_of3A] : memref<320000xi32, #tpu.memory_space<hbm>> -> memref<128xi32, #tpu.memory_space<hbm>>
        tpu.wait_dma2 semaphore(%run_scoped3A_136 : memref<!tpu.dma_semaphore, #tpu.memory_space<semaphore_mem>>) src(%dma_wait3A_152 : memref<128xi32, #tpu.memory_space<hbm>>) dst(%dma_wait3A_151 : memref<128xi32, #tpu.memory_space<vmem>>)
        tpu.yield
      }) : () -> ()
      %get3A = arith.constant 0 : index
      %get3A_60 = tpu.vector_load %arg6[%get3A] {strides = array<i32>} : memref<128xi32, #tpu.memory_space<vmem>>, vector<16xi32>,
      %get3A_61 = vector.shape_cast %get3A_60 : vector<16xi32> to vector<16xi32>
      %add3A_62 = vector.broadcast %mul3A_27 : i32 to vector<16xi32>
      %add3A_63 = arith.addi %get3A_61, %add3A_62 : vector<16xi32>
      %swap3A = arith.constant 0 : index
      %swap3A_64 = tpu.vector_load %arg6[%swap3A] {strides = array<i32>} : memref<128xi32, #tpu.memory_space<vmem>>, vector<16xi32>,
      %swap3A_65 = vector.shape_cast %swap3A_64 : vector<16xi32> to vector<16xi32>
      %swap3A_66 = vector.shape_cast %add3A_63 : vector<16xi32> to vector<16xi32>
      tpu.vector_store %arg6[%swap3A], %swap3A_66 {strides = array<i32>} : memref<128xi32, #tpu.memory_space<vmem>>, vector<16xi32>,
      %get3A_67 = arith.constant 16 : index
      %get3A_68 = tpu.vector_load %arg6[%get3A_67] {strides = array<i32>} : memref<128xi32, #tpu.memory_space<vmem>>, vector<16xi32>,
      %get3A_69 = vector.shape_cast %get3A_68 : vector<16xi32> to vector<16xi32>
      %add3A_70 = vector.broadcast %mul3A_27 : i32 to vector<16xi32>
      %add3A_71 = arith.addi %get3A_69, %add3A_70 : vector<16xi32>
      %swap3A_72 = arith.constant 16 : index
      %swap3A_73 = tpu.vector_load %arg6[%swap3A_72] {strides = array<i32>} : memref<128xi32, #tpu.memory_space<vmem>>, vector<16xi32>,
      %swap3A_74 = vector.shape_cast %swap3A_73 : vector<16xi32> to vector<16xi32>
      %swap3A_75 = vector.shape_cast %add3A_71 : vector<16xi32> to vector<16xi32>
      tpu.vector_store %arg6[%swap3A_72], %swap3A_75 {strides = array<i32>} : memref<128xi32, #tpu.memory_space<vmem>>, vector<16xi32>,
      %get3A_76 = arith.constant 32 : index
      %get3A_77 = tpu.vector_load %arg6[%get3A_76] {strides = array<i32>} : memref<128xi32, #tpu.memory_space<vmem>>, vector<16xi32>,
      %get3A_78 = vector.shape_cast %get3A_77 : vector<16xi32> to vector<16xi32>
      %add3A_79 = vector.broadcast %mul3A_27 : i32 to vector<16xi32>
      %add3A_80 = arith.addi %get3A_78, %add3A_79 : vector<16xi32>
      %swap3A_81 = arith.constant 32 : index
      %swap3A_82 = tpu.vector_load %arg6[%swap3A_81] {strides = array<i32>} : memref<128xi32, #tpu.memory_space<vmem>>, vector<16xi32>,
      %swap3A_83 = vector.shape_cast %swap3A_82 : vector<16xi32> to vector<16xi32>
      %swap3A_84 = vector.shape_cast %add3A_80 : vector<16xi32> to vector<16xi32>
      tpu.vector_store %arg6[%swap3A_81], %swap3A_84 {strides = array<i32>} : memref<128xi32, #tpu.memory_space<vmem>>, vector<16xi32>,
      %get3A_85 = arith.constant 48 : index
      %get3A_86 = tpu.vector_load %arg6[%get3A_85] {strides = array<i32>} : memref<128xi32, #tpu.memory_space<vmem>>, vector<16xi32>,
      %get3A_87 = vector.shape_cast %get3A_86 : vector<16xi32> to vector<16xi32>
      %add3A_88 = vector.broadcast %mul3A_27 : i32 to vector<16xi32>
      %add3A_89 = arith.addi %get3A_87, %add3A_88 : vector<16xi32>
      %swap3A_90 = arith.constant 48 : index
      %swap3A_91 = tpu.vector_load %arg6[%swap3A_90] {strides = array<i32>} : memref<128xi32, #tpu.memory_space<vmem>>, vector<16xi32>,
      %swap3A_92 = vector.shape_cast %swap3A_91 : vector<16xi32> to vector<16xi32>
      %swap3A_93 = vector.shape_cast %add3A_89 : vector<16xi32> to vector<16xi32>
      tpu.vector_store %arg6[%swap3A_90], %swap3A_93 {strides = array<i32>} : memref<128xi32, #tpu.memory_space<vmem>>, vector<16xi32>,
      %get3A_94 = arith.constant 64 : index
      %get3A_95 = tpu.vector_load %arg6[%get3A_94] {strides = array<i32>} : memref<128xi32, #tpu.memory_space<vmem>>, vector<16xi32>,
      %get3A_96 = vector.shape_cast %get3A_95 : vector<16xi32> to vector<16xi32>
      %add3A_97 = vector.broadcast %mul3A_27 : i32 to vector<16xi32>
      %add3A_98 = arith.addi %get3A_96, %add3A_97 : vector<16xi32>
      %swap3A_99 = arith.constant 64 : index
      %swap3A_100 = tpu.vector_load %arg6[%swap3A_99] {strides = array<i32>} : memref<128xi32, #tpu.memory_space<vmem>>, vector<16xi32>,
      %swap3A_101 = vector.shape_cast %swap3A_100 : vector<16xi32> to vector<16xi32>
      %swap3A_102 = vector.shape_cast %add3A_98 : vector<16xi32> to vector<16xi32>
      tpu.vector_store %arg6[%swap3A_99], %swap3A_102 {strides = array<i32>} : memref<128xi32, #tpu.memory_space<vmem>>, vector<16xi32>,
      %get3A_103 = arith.constant 80 : index
      %get3A_104 = tpu.vector_load %arg6[%get3A_103] {strides = array<i32>} : memref<128xi32, #tpu.memory_space<vmem>>, vector<16xi32>,
      %get3A_105 = vector.shape_cast %get3A_104 : vector<16xi32> to vector<16xi32>
      %add3A_106 = vector.broadcast %mul3A_27 : i32 to vector<16xi32>
      %add3A_107 = arith.addi %get3A_105, %add3A_106 : vector<16xi32>
      %swap3A_108 = arith.constant 80 : index
      %swap3A_109 = tpu.vector_load %arg6[%swap3A_108] {strides = array<i32>} : memref<128xi32, #tpu.memory_space<vmem>>, vector<16xi32>,
      %swap3A_110 = vector.shape_cast %swap3A_109 : vector<16xi32> to vector<16xi32>
      %swap3A_111 = vector.shape_cast %add3A_107 : vector<16xi32> to vector<16xi32>
      tpu.vector_store %arg6[%swap3A_108], %swap3A_111 {strides = array<i32>} : memref<128xi32, #tpu.memory_space<vmem>>, vector<16xi32>,
      %get3A_112 = arith.constant 96 : index
      %get3A_113 = tpu.vector_load %arg6[%get3A_112] {strides = array<i32>} : memref<128xi32, #tpu.memory_space<vmem>>, vector<16xi32>,
      %get3A_114 = vector.shape_cast %get3A_113 : vector<16xi32> to vector<16xi32>
      %add3A_115 = vector.broadcast %mul3A_27 : i32 to vector<16xi32>
      %add3A_116 = arith.addi %get3A_114, %add3A_115 : vector<16xi32>
      %swap3A_117 = arith.constant 96 : index
      %swap3A_118 = tpu.vector_load %arg6[%swap3A_117] {strides = array<i32>} : memref<128xi32, #tpu.memory_space<vmem>>, vector<16xi32>,
      %swap3A_119 = vector.shape_cast %swap3A_118 : vector<16xi32> to vector<16xi32>
      %swap3A_120 = vector.shape_cast %add3A_116 : vector<16xi32> to vector<16xi32>
      tpu.vector_store %arg6[%swap3A_117], %swap3A_120 {strides = array<i32>} : memref<128xi32, #tpu.memory_space<vmem>>, vector<16xi32>,
      %get3A_121 = arith.constant 112 : index
      %get3A_122 = tpu.vector_load %arg6[%get3A_121] {strides = array<i32>} : memref<128xi32, #tpu.memory_space<vmem>>, vector<16xi32>,
      %get3A_123 = vector.shape_cast %get3A_122 : vector<16xi32> to vector<16xi32>
      %add3A_124 = vector.broadcast %mul3A_27 : i32 to vector<16xi32>
      %add3A_125 = arith.addi %get3A_123, %add3A_124 : vector<16xi32>
      %swap3A_126 = arith.constant 112 : index
      %swap3A_127 = tpu.vector_load %arg6[%swap3A_126] {strides = array<i32>} : memref<128xi32, #tpu.memory_space<vmem>>, vector<16xi32>,
      %swap3A_128 = vector.shape_cast %swap3A_127 : vector<16xi32> to vector<16xi32>
      %swap3A_129 = vector.shape_cast %add3A_125 : vector<16xi32> to vector<16xi32>
      tpu.vector_store %arg6[%swap3A_126], %swap3A_129 {strides = array<i32>} : memref<128xi32, #tpu.memory_space<vmem>>, vector<16xi32>,
      %dma_start3A = arith.constant 0 : i32
      %dma_start3A_130 = arith.constant 0 : i32
      %dma_start3A_131 = tpu.memref_slice %arg4[%dma_start3A, %dma_start3A_130] : memref<20000x128xf32, #tpu.memory_space<hbm>> -> memref<20000x128xf32, #tpu.memory_space<hbm>>
      tpu.enqueue_indirect_dma source(%dma_start3A_131 : memref<20000x128xf32, #tpu.memory_space<hbm>>) target(%arg8 : memref<128x128xf32, #tpu.memory_space<vmem>>) offsets(%arg6 : memref<128xi32, #tpu.memory_space<vmem>>) semaphore(%arg12 : memref<!tpu.dma_semaphore, #tpu.memory_space<semaphore_mem>>)
      %dma_wait3A = arith.constant 0 : i32
      %dma_wait3A_132 = arith.constant 0 : i32
      %dma_wait3A_133 = tpu.memref_slice %arg4[%dma_wait3A, %dma_wait3A_132] : memref<20000x128xf32, #tpu.memory_space<hbm>> -> memref<20000x128xf32, #tpu.memory_space<hbm>>
      tpu.wait_indirect_dma semaphore(%arg12 : memref<!tpu.dma_semaphore, #tpu.memory_space<semaphore_mem>>) src(%dma_wait3A_133 : memref<20000x128xf32, #tpu.memory_space<hbm>>) dst(%arg8 : memref<128x128xf32, #tpu.memory_space<vmem>>)
      %run_scoped3A_134 = arith.constant 0 : i32
      "tpu.region"() ({
        %run_scoped3A_136 = tpu.sem_alloc : memref<!tpu.dma_semaphore, #tpu.memory_space<semaphore_mem>>
        %dma_start3A_137 = arith.constant 0 : i32
        %dma_start3A_138 = tpu.memref_slice %arg7[%run_scoped3A_134, %dma_start3A_137] : memref<1x128xi32, #tpu.memory_space<vmem>> -> memref<1x128xi32, #tpu.memory_space<vmem>>
        %dma_start3A_139 = tpu.memref_squeeze %dma_start3A_138 : memref<1x128xi32, #tpu.memory_space<vmem>> -> memref<128xi32, #tpu.memory_space<vmem>>
        %dma_start3A_140 = arith.constant 0 : i32
        %dma_start3A_141 = arith.constant 0 : i32
        %dma_start3A_142 = tpu.memref_slice %arg11[%dma_start3A_140, %dma_start3A_141] : memref<10240x128xf32, #tpu.memory_space<vmem_shared>> -> memref<10240x128xf32, #tpu.memory_space<vmem_shared>>
        tpu.enqueue_indirect_dma source(%arg8 : memref<128x128xf32, #tpu.memory_space<vmem>>) target(%dma_start3A_142 : memref<10240x128xf32, #tpu.memory_space<vmem_shared>>) offsets(%dma_start3A_139 : memref<128xi32, #tpu.memory_space<vmem>>) semaphore(%run_scoped3A_136 : memref<!tpu.dma_semaphore, #tpu.memory_space<semaphore_mem>>) {add = true}
        %dma_wait3A_143 = arith.constant 0 : i32
        %dma_wait3A_144 = tpu.memref_slice %arg7[%run_scoped3A_134, %dma_wait3A_143] : memref<1x128xi32, #tpu.memory_space<vmem>> -> memref<1x128xi32, #tpu.memory_space<vmem>>
        %dma_wait3A_145 = tpu.memref_squeeze %dma_wait3A_144 : memref<1x128xi32, #tpu.memory_space<vmem>> -> memref<128xi32, #tpu.memory_space<vmem>>
        %dma_wait3A_146 = arith.constant 0 : i32
        %dma_wait3A_147 = arith.constant 0 : i32
        %dma_wait3A_148 = tpu.memref_slice %arg11[%dma_wait3A_146, %dma_wait3A_147] : memref<10240x128xf32, #tpu.memory_space<vmem_shared>> -> memref<10240x128xf32, #tpu.memory_space<vmem_shared>>
        tpu.wait_indirect_dma semaphore(%run_scoped3A_136 : memref<!tpu.dma_semaphore, #tpu.memory_space<semaphore_mem>>) src(%arg8 : memref<128x128xf32, #tpu.memory_space<vmem>>) dst(%dma_wait3A_148 : memref<10240x128xf32, #tpu.memory_space<vmem_shared>>)
        tpu.yield
      }) : () -> ()
      %while3A_135 = arith.constant 0 : i32
      scf.yield %while3A_135 : i32
    }
    %while3A_37 = arith.constant 1 : i32
    %while3A_38 = scf.for %while3A_55 = %while3A_34 to %while3A_30 step %while3A_37 iter_args(%while3A_56 = %while3A_36) -> (i32)  : i32 {
      %mul3A_57 = arith.constant 128 : i32
      %mul3A_58 = arith.muli %while3A_55, %mul3A_57 : i32
      %multiple_of3A = tpu.assume_multiple %mul3A_58, 8 : i32
      "tpu.region"() ({
        %run_scoped3A_136 = tpu.sem_alloc : memref<!tpu.dma_semaphore, #tpu.memory_space<semaphore_mem>>
        %dma_start3A_137 = tpu.memref_slice %arg2[%multiple_of3A] : memref<320000xi32, #tpu.memory_space<hbm>> -> memref<128xi32, #tpu.memory_space<hbm>>
        %dma_start3A_138 = tpu.memref_slice %arg2[%multiple_of3A] : memref<320000xi32, #tpu.memory_space<hbm>> -> memref<128xi32, #tpu.memory_space<hbm>>
        tpu.enqueue_dma source(%dma_start3A_138 : memref<128xi32, #tpu.memory_space<hbm>>) target(%arg6 : memref<128xi32, #tpu.memory_space<vmem>>) target_semaphore(%run_scoped3A_136 : memref<!tpu.dma_semaphore, #tpu.memory_space<semaphore_mem>>)
        %dma_wait3A_139 = tpu.memref_slice %arg2[%multiple_of3A] : memref<320000xi32, #tpu.memory_space<hbm>> -> memref<128xi32, #tpu.memory_space<hbm>>
        %dma_wait3A_140 = tpu.memref_slice %arg2[%multiple_of3A] : memref<320000xi32, #tpu.memory_space<hbm>> -> memref<128xi32, #tpu.memory_space<hbm>>
        tpu.wait_dma2 semaphore(%run_scoped3A_136 : memref<!tpu.dma_semaphore, #tpu.memory_space<semaphore_mem>>) src(%dma_wait3A_140 : memref<128xi32, #tpu.memory_space<hbm>>) dst(%arg6 : memref<128xi32, #tpu.memory_space<vmem>>)
        tpu.yield
      }) : () -> ()
      %run_scoped3A_59 = arith.constant 0 : i32
      "tpu.region"() ({
        %run_scoped3A_136 = tpu.sem_alloc : memref<!tpu.dma_semaphore, #tpu.memory_space<semaphore_mem>>
        %dma_start3A_137 = arith.constant 0 : i32
        %dma_start3A_138 = tpu.memref_slice %arg7[%run_scoped3A_59, %dma_start3A_137] : memref<1x128xi32, #tpu.memory_space<vmem>> -> memref<1x128xi32, #tpu.memory_space<vmem>>
        %dma_start3A_139 = tpu.memref_squeeze %dma_start3A_138 : memref<1x128xi32, #tpu.memory_space<vmem>> -> memref<128xi32, #tpu.memory_space<vmem>>
        %dma_start3A_140 = tpu.memref_slice %arg3[%multiple_of3A] : memref<320000xi32, #tpu.memory_space<hbm>> -> memref<128xi32, #tpu.memory_space<hbm>>
        %dma_start3A_141 = arith.constant 0 : i32
        %dma_start3A_142 = tpu.memref_slice %arg7[%run_scoped3A_59, %dma_start3A_141] : memref<1x128xi32, #tpu.memory_space<vmem>> -> memref<1x128xi32, #tpu.memory_space<vmem>>
        %dma_start3A_143 = tpu.memref_squeeze %dma_start3A_142 : memref<1x128xi32, #tpu.memory_space<vmem>> -> memref<128xi32, #tpu.memory_space<vmem>>
        %dma_start3A_144 = tpu.memref_slice %arg3[%multiple_of3A] : memref<320000xi32, #tpu.memory_space<hbm>> -> memref<128xi32, #tpu.memory_space<hbm>>
        tpu.enqueue_dma source(%dma_start3A_144 : memref<128xi32, #tpu.memory_space<hbm>>) target(%dma_start3A_143 : memref<128xi32, #tpu.memory_space<vmem>>) target_semaphore(%run_scoped3A_136 : memref<!tpu.dma_semaphore, #tpu.memory_space<semaphore_mem>>)
        %dma_wait3A_145 = arith.constant 0 : i32
        %dma_wait3A_146 = tpu.memref_slice %arg7[%run_scoped3A_59, %dma_wait3A_145] : memref<1x128xi32, #tpu.memory_space<vmem>> -> memref<1x128xi32, #tpu.memory_space<vmem>>
        %dma_wait3A_147 = tpu.memref_squeeze %dma_wait3A_146 : memref<1x128xi32, #tpu.memory_space<vmem>> -> memref<128xi32, #tpu.memory_space<vmem>>
        %dma_wait3A_148 = tpu.memref_slice %arg3[%multiple_of3A] : memref<320000xi32, #tpu.memory_space<hbm>> -> memref<128xi32, #tpu.memory_space<hbm>>
        %dma_wait3A_149 = arith.constant 0 : i32
        %dma_wait3A_150 = tpu.memref_slice %arg7[%run_scoped3A_59, %dma_wait3A_149] : memref<1x128xi32, #tpu.memory_space<vmem>> -> memref<1x128xi32, #tpu.memory_space<vmem>>
        %dma_wait3A_151 = tpu.memref_squeeze %dma_wait3A_150 : memref<1x128xi32, #tpu.memory_space<vmem>> -> memref<128xi32, #tpu.memory_space<vmem>>
        %dma_wait3A_152 = tpu.memref_slice %arg3[%multiple_of3A] : memref<320000xi32, #tpu.memory_space<hbm>> -> memref<128xi32, #tpu.memory_space<hbm>>
        tpu.wait_dma2 semaphore(%run_scoped3A_136 : memref<!tpu.dma_semaphore, #tpu.memory_space<semaphore_mem>>) src(%dma_wait3A_152 : memref<128xi32, #tpu.memory_space<hbm>>) dst(%dma_wait3A_151 : memref<128xi32, #tpu.memory_space<vmem>>)
        tpu.yield
      }) : () -> ()
      %get3A = arith.constant 0 : index
      %get3A_60 = tpu.vector_load %arg6[%get3A] {strides = array<i32>} : memref<128xi32, #tpu.memory_space<vmem>>, vector<16xi32>,
      %get3A_61 = vector.shape_cast %get3A_60 : vector<16xi32> to vector<16xi32>
      %add3A_62 = vector.broadcast %mul3A_27 : i32 to vector<16xi32>
      %add3A_63 = arith.addi %get3A_61, %add3A_62 : vector<16xi32>
      %swap3A = arith.constant 0 : index
      %swap3A_64 = tpu.vector_load %arg6[%swap3A] {strides = array<i32>} : memref<128xi32, #tpu.memory_space<vmem>>, vector<16xi32>,
      %swap3A_65 = vector.shape_cast %swap3A_64 : vector<16xi32> to vector<16xi32>
      %swap3A_66 = vector.shape_cast %add3A_63 : vector<16xi32> to vector<16xi32>
      tpu.vector_store %arg6[%swap3A], %swap3A_66 {strides = array<i32>} : memref<128xi32, #tpu.memory_space<vmem>>, vector<16xi32>,
      %get3A_67 = arith.constant 16 : index
      %get3A_68 = tpu.vector_load %arg6[%get3A_67] {strides = array<i32>} : memref<128xi32, #tpu.memory_space<vmem>>, vector<16xi32>,
      %get3A_69 = vector.shape_cast %get3A_68 : vector<16xi32> to vector<16xi32>
      %add3A_70 = vector.broadcast %mul3A_27 : i32 to vector<16xi32>
      %add3A_71 = arith.addi %get3A_69, %add3A_70 : vector<16xi32>
      %swap3A_72 = arith.constant 16 : index
      %swap3A_73 = tpu.vector_load %arg6[%swap3A_72] {strides = array<i32>} : memref<128xi32, #tpu.memory_space<vmem>>, vector<16xi32>,
      %swap3A_74 = vector.shape_cast %swap3A_73 : vector<16xi32> to vector<16xi32>
      %swap3A_75 = vector.shape_cast %add3A_71 : vector<16xi32> to vector<16xi32>
      tpu.vector_store %arg6[%swap3A_72], %swap3A_75 {strides = array<i32>} : memref<128xi32, #tpu.memory_space<vmem>>, vector<16xi32>,
      %get3A_76 = arith.constant 32 : index
      %get3A_77 = tpu.vector_load %arg6[%get3A_76] {strides = array<i32>} : memref<128xi32, #tpu.memory_space<vmem>>, vector<16xi32>,
      %get3A_78 = vector.shape_cast %get3A_77 : vector<16xi32> to vector<16xi32>
      %add3A_79 = vector.broadcast %mul3A_27 : i32 to vector<16xi32>
      %add3A_80 = arith.addi %get3A_78, %add3A_79 : vector<16xi32>
      %swap3A_81 = arith.constant 32 : index
      %swap3A_82 = tpu.vector_load %arg6[%swap3A_81] {strides = array<i32>} : memref<128xi32, #tpu.memory_space<vmem>>, vector<16xi32>,
      %swap3A_83 = vector.shape_cast %swap3A_82 : vector<16xi32> to vector<16xi32>
      %swap3A_84 = vector.shape_cast %add3A_80 : vector<16xi32> to vector<16xi32>
      tpu.vector_store %arg6[%swap3A_81], %swap3A_84 {strides = array<i32>} : memref<128xi32, #tpu.memory_space<vmem>>, vector<16xi32>,
      %get3A_85 = arith.constant 48 : index
      %get3A_86 = tpu.vector_load %arg6[%get3A_85] {strides = array<i32>} : memref<128xi32, #tpu.memory_space<vmem>>, vector<16xi32>,
      %get3A_87 = vector.shape_cast %get3A_86 : vector<16xi32> to vector<16xi32>
      %add3A_88 = vector.broadcast %mul3A_27 : i32 to vector<16xi32>
      %add3A_89 = arith.addi %get3A_87, %add3A_88 : vector<16xi32>
      %swap3A_90 = arith.constant 48 : index
      %swap3A_91 = tpu.vector_load %arg6[%swap3A_90] {strides = array<i32>} : memref<128xi32, #tpu.memory_space<vmem>>, vector<16xi32>,
      %swap3A_92 = vector.shape_cast %swap3A_91 : vector<16xi32> to vector<16xi32>
      %swap3A_93 = vector.shape_cast %add3A_89 : vector<16xi32> to vector<16xi32>
      tpu.vector_store %arg6[%swap3A_90], %swap3A_93 {strides = array<i32>} : memref<128xi32, #tpu.memory_space<vmem>>, vector<16xi32>,
      %get3A_94 = arith.constant 64 : index
      %get3A_95 = tpu.vector_load %arg6[%get3A_94] {strides = array<i32>} : memref<128xi32, #tpu.memory_space<vmem>>, vector<16xi32>,
      %get3A_96 = vector.shape_cast %get3A_95 : vector<16xi32> to vector<16xi32>
      %add3A_97 = vector.broadcast %mul3A_27 : i32 to vector<16xi32>
      %add3A_98 = arith.addi %get3A_96, %add3A_97 : vector<16xi32>
      %swap3A_99 = arith.constant 64 : index
      %swap3A_100 = tpu.vector_load %arg6[%swap3A_99] {strides = array<i32>} : memref<128xi32, #tpu.memory_space<vmem>>, vector<16xi32>,
      %swap3A_101 = vector.shape_cast %swap3A_100 : vector<16xi32> to vector<16xi32>
      %swap3A_102 = vector.shape_cast %add3A_98 : vector<16xi32> to vector<16xi32>
      tpu.vector_store %arg6[%swap3A_99], %swap3A_102 {strides = array<i32>} : memref<128xi32, #tpu.memory_space<vmem>>, vector<16xi32>,
      %get3A_103 = arith.constant 80 : index
      %get3A_104 = tpu.vector_load %arg6[%get3A_103] {strides = array<i32>} : memref<128xi32, #tpu.memory_space<vmem>>, vector<16xi32>,
      %get3A_105 = vector.shape_cast %get3A_104 : vector<16xi32> to vector<16xi32>
      %add3A_106 = vector.broadcast %mul3A_27 : i32 to vector<16xi32>
      %add3A_107 = arith.addi %get3A_105, %add3A_106 : vector<16xi32>
      %swap3A_108 = arith.constant 80 : index
      %swap3A_109 = tpu.vector_load %arg6[%swap3A_108] {strides = array<i32>} : memref<128xi32, #tpu.memory_space<vmem>>, vector<16xi32>,
      %swap3A_110 = vector.shape_cast %swap3A_109 : vector<16xi32> to vector<16xi32>
      %swap3A_111 = vector.shape_cast %add3A_107 : vector<16xi32> to vector<16xi32>
      tpu.vector_store %arg6[%swap3A_108], %swap3A_111 {strides = array<i32>} : memref<128xi32, #tpu.memory_space<vmem>>, vector<16xi32>,
      %get3A_112 = arith.constant 96 : index
      %get3A_113 = tpu.vector_load %arg6[%get3A_112] {strides = array<i32>} : memref<128xi32, #tpu.memory_space<vmem>>, vector<16xi32>,
      %get3A_114 = vector.shape_cast %get3A_113 : vector<16xi32> to vector<16xi32>
      %add3A_115 = vector.broadcast %mul3A_27 : i32 to vector<16xi32>
      %add3A_116 = arith.addi %get3A_114, %add3A_115 : vector<16xi32>
      %swap3A_117 = arith.constant 96 : index
      %swap3A_118 = tpu.vector_load %arg6[%swap3A_117] {strides = array<i32>} : memref<128xi32, #tpu.memory_space<vmem>>, vector<16xi32>,
      %swap3A_119 = vector.shape_cast %swap3A_118 : vector<16xi32> to vector<16xi32>
      %swap3A_120 = vector.shape_cast %add3A_116 : vector<16xi32> to vector<16xi32>
      tpu.vector_store %arg6[%swap3A_117], %swap3A_120 {strides = array<i32>} : memref<128xi32, #tpu.memory_space<vmem>>, vector<16xi32>,
      %get3A_121 = arith.constant 112 : index
      %get3A_122 = tpu.vector_load %arg6[%get3A_121] {strides = array<i32>} : memref<128xi32, #tpu.memory_space<vmem>>, vector<16xi32>,
      %get3A_123 = vector.shape_cast %get3A_122 : vector<16xi32> to vector<16xi32>
      %add3A_124 = vector.broadcast %mul3A_27 : i32 to vector<16xi32>
      %add3A_125 = arith.addi %get3A_123, %add3A_124 : vector<16xi32>
      %swap3A_126 = arith.constant 112 : index
      %swap3A_127 = tpu.vector_load %arg6[%swap3A_126] {strides = array<i32>} : memref<128xi32, #tpu.memory_space<vmem>>, vector<16xi32>,
      %swap3A_128 = vector.shape_cast %swap3A_127 : vector<16xi32> to vector<16xi32>
      %swap3A_129 = vector.shape_cast %add3A_125 : vector<16xi32> to vector<16xi32>
      tpu.vector_store %arg6[%swap3A_126], %swap3A_129 {strides = array<i32>} : memref<128xi32, #tpu.memory_space<vmem>>, vector<16xi32>,
      %dma_start3A = arith.constant 0 : i32
      %dma_start3A_130 = arith.constant 0 : i32
      %dma_start3A_131 = tpu.memref_slice %arg4[%dma_start3A, %dma_start3A_130] : memref<20000x128xf32, #tpu.memory_space<hbm>> -> memref<20000x128xf32, #tpu.memory_space<hbm>>
      tpu.enqueue_indirect_dma source(%dma_start3A_131 : memref<20000x128xf32, #tpu.memory_space<hbm>>) target(%arg8 : memref<128x128xf32, #tpu.memory_space<vmem>>) offsets(%arg6 : memref<128xi32, #tpu.memory_space<vmem>>) semaphore(%arg12 : memref<!tpu.dma_semaphore, #tpu.memory_space<semaphore_mem>>)
      %dma_wait3A = arith.constant 0 : i32
      %dma_wait3A_132 = arith.constant 0 : i32
      %dma_wait3A_133 = tpu.memref_slice %arg4[%dma_wait3A, %dma_wait3A_132] : memref<20000x128xf32, #tpu.memory_space<hbm>> -> memref<20000x128xf32, #tpu.memory_space<hbm>>
      tpu.wait_indirect_dma semaphore(%arg12 : memref<!tpu.dma_semaphore, #tpu.memory_space<semaphore_mem>>) src(%dma_wait3A_133 : memref<20000x128xf32, #tpu.memory_space<hbm>>) dst(%arg8 : memref<128x128xf32, #tpu.memory_space<vmem>>)
      %run_scoped3A_134 = arith.constant 0 : i32
      "tpu.region"() ({
        %run_scoped3A_136 = tpu.sem_alloc : memref<!tpu.dma_semaphore, #tpu.memory_space<semaphore_mem>>
        %dma_start3A_137 = arith.constant 0 : i32
        %dma_start3A_138 = tpu.memref_slice %arg7[%run_scoped3A_134, %dma_start3A_137] : memref<1x128xi32, #tpu.memory_space<vmem>> -> memref<1x128xi32, #tpu.memory_space<vmem>>
        %dma_start3A_139 = tpu.memref_squeeze %dma_start3A_138 : memref<1x128xi32, #tpu.memory_space<vmem>> -> memref<128xi32, #tpu.memory_space<vmem>>
        %dma_start3A_140 = arith.constant 0 : i32
        %dma_start3A_141 = arith.constant 0 : i32
        %dma_start3A_142 = tpu.memref_slice %arg11[%dma_start3A_140, %dma_start3A_141] : memref<10240x128xf32, #tpu.memory_space<vmem_shared>> -> memref<10240x128xf32, #tpu.memory_space<vmem_shared>>
        tpu.enqueue_indirect_dma source(%arg8 : memref<128x128xf32, #tpu.memory_space<vmem>>) target(%dma_start3A_142 : memref<10240x128xf32, #tpu.memory_space<vmem_shared>>) offsets(%dma_start3A_139 : memref<128xi32, #tpu.memory_space<vmem>>) semaphore(%run_scoped3A_136 : memref<!tpu.dma_semaphore, #tpu.memory_space<semaphore_mem>>) {add = true}
        %dma_wait3A_143 = arith.constant 0 : i32
        %dma_wait3A_144 = tpu.memref_slice %arg7[%run_scoped3A_134, %dma_wait3A_143] : memref<1x128xi32, #tpu.memory_space<vmem>> -> memref<1x128xi32, #tpu.memory_space<vmem>>
        %dma_wait3A_145 = tpu.memref_squeeze %dma_wait3A_144 : memref<1x128xi32, #tpu.memory_space<vmem>> -> memref<128xi32, #tpu.memory_space<vmem>>
        %dma_wait3A_146 = arith.constant 0 : i32
        %dma_wait3A_147 = arith.constant 0 : i32
        %dma_wait3A_148 = tpu.memref_slice %arg11[%dma_wait3A_146, %dma_wait3A_147] : memref<10240x128xf32, #tpu.memory_space<vmem_shared>> -> memref<10240x128xf32, #tpu.memory_space<vmem_shared>>
        tpu.wait_indirect_dma semaphore(%run_scoped3A_136 : memref<!tpu.dma_semaphore, #tpu.memory_space<semaphore_mem>>) src(%arg8 : memref<128x128xf32, #tpu.memory_space<vmem>>) dst(%dma_wait3A_148 : memref<10240x128xf32, #tpu.memory_space<vmem_shared>>)
        tpu.yield
      }) : () -> ()
      %while3A_135 = arith.constant 0 : i32
      scf.yield %while3A_135 : i32
    }
    %barrier3A_39 = arith.constant 0 : index
    tpu.barrier barrier_id(%barrier3A_39)
    %run_scoped3A_40 = arith.constant 0 : i32
    "tpu.region"() ({
      %run_scoped3A_55 = tpu.sem_alloc : memref<!tpu.dma_semaphore, #tpu.memory_space<semaphore_mem>>
      %dma_start3A = arith.constant 0 : i32
      %dma_start3A_56 = tpu.memref_slice %arg10[%run_scoped3A_40, %dma_start3A] : memref<5x128xi32, #tpu.memory_space<vmem>> -> memref<1x128xi32, #tpu.memory_space<vmem>>
      %dma_start3A_57 = tpu.memref_squeeze %dma_start3A_56 : memref<1x128xi32, #tpu.memory_space<vmem>> -> memref<128xi32, #tpu.memory_space<vmem>>
      %dma_start3A_58 = arith.constant 0 : i32
      %dma_start3A_59 = arith.constant 0 : i32
      %dma_start3A_60 = tpu.memref_slice %arg11[%dma_start3A_58, %dma_start3A_59] : memref<10240x128xf32, #tpu.memory_space<vmem_shared>> -> memref<10240x128xf32, #tpu.memory_space<vmem_shared>>
      tpu.enqueue_indirect_dma source(%dma_start3A_60 : memref<10240x128xf32, #tpu.memory_space<vmem_shared>>) target(%arg9 : memref<128x128xf32, #tpu.memory_space<vmem>>) offsets(%dma_start3A_57 : memref<128xi32, #tpu.memory_space<vmem>>) semaphore(%run_scoped3A_55 : memref<!tpu.dma_semaphore, #tpu.memory_space<semaphore_mem>>)
      %dma_wait3A = arith.constant 0 : i32
      %dma_wait3A_61 = tpu.memref_slice %arg10[%run_scoped3A_40, %dma_wait3A] : memref<5x128xi32, #tpu.memory_space<vmem>> -> memref<1x128xi32, #tpu.memory_space<vmem>>
      %dma_wait3A_62 = tpu.memref_squeeze %dma_wait3A_61 : memref<1x128xi32, #tpu.memory_space<vmem>> -> memref<128xi32, #tpu.memory_space<vmem>>
      %dma_wait3A_63 = arith.constant 0 : i32
      %dma_wait3A_64 = arith.constant 0 : i32
      %dma_wait3A_65 = tpu.memref_slice %arg11[%dma_wait3A_63, %dma_wait3A_64] : memref<10240x128xf32, #tpu.memory_space<vmem_shared>> -> memref<10240x128xf32, #tpu.memory_space<vmem_shared>>
      tpu.wait_indirect_dma semaphore(%run_scoped3A_55 : memref<!tpu.dma_semaphore, #tpu.memory_space<semaphore_mem>>) src(%dma_wait3A_65 : memref<10240x128xf32, #tpu.memory_space<vmem_shared>>) dst(%arg9 : memref<128x128xf32, #tpu.memory_space<vmem>>)
      tpu.yield
    }) : () -> ()
    %add3A_41 = arith.constant 0 : i32
    %add3A_42 = arith.addi %mul3A_0, %add3A_41 : i32
    "tpu.region"() ({
      %run_scoped3A_55 = tpu.sem_alloc : memref<!tpu.dma_semaphore, #tpu.memory_space<semaphore_mem>>
      %dma_start3A = arith.constant 0 : i32
      %dma_start3A_56 = tpu.memref_slice %arg5[%arg0, %add3A_42, %dma_start3A] : memref<2x10240x128xf32, #tpu.memory_space<hbm>> -> memref<1x128x128xf32, #tpu.memory_space<hbm>>
      %dma_start3A_57 = tpu.memref_squeeze %dma_start3A_56 : memref<1x128x128xf32, #tpu.memory_space<hbm>> -> memref<128x128xf32, #tpu.memory_space<hbm>>
      %dma_start3A_58 = arith.constant 0 : i32
      %dma_start3A_59 = tpu.memref_slice %arg5[%arg0, %add3A_42, %dma_start3A_58] : memref<2x10240x128xf32, #tpu.memory_space<hbm>> -> memref<1x128x128xf32, #tpu.memory_space<hbm>>
      %dma_start3A_60 = tpu.memref_squeeze %dma_start3A_59 : memref<1x128x128xf32, #tpu.memory_space<hbm>> -> memref<128x128xf32, #tpu.memory_space<hbm>>
      tpu.enqueue_dma source(%arg9 : memref<128x128xf32, #tpu.memory_space<vmem>>) target(%dma_start3A_60 : memref<128x128xf32, #tpu.memory_space<hbm>>) target_semaphore(%run_scoped3A_55 : memref<!tpu.dma_semaphore, #tpu.memory_space<semaphore_mem>>)
      %dma_wait3A = arith.constant 0 : i32
      %dma_wait3A_61 = tpu.memref_slice %arg5[%arg0, %add3A_42, %dma_wait3A] : memref<2x10240x128xf32, #tpu.memory_space<hbm>> -> memref<1x128x128xf32, #tpu.memory_space<hbm>>
      %dma_wait3A_62 = tpu.memref_squeeze %dma_wait3A_61 : memref<1x128x128xf32, #tpu.memory_space<hbm>> -> memref<128x128xf32, #tpu.memory_space<hbm>>
      %dma_wait3A_63 = arith.constant 0 : i32
      %dma_wait3A_64 = tpu.memref_slice %arg5[%arg0, %add3A_42, %dma_wait3A_63] : memref<2x10240x128xf32, #tpu.memory_space<hbm>> -> memref<1x128x128xf32, #tpu.memory_space<hbm>>
      %dma_wait3A_65 = tpu.memref_squeeze %dma_wait3A_64 : memref<1x128x128xf32, #tpu.memory_space<hbm>> -> memref<128x128xf32, #tpu.memory_space<hbm>>
      tpu.wait_dma2 semaphore(%run_scoped3A_55 : memref<!tpu.dma_semaphore, #tpu.memory_space<semaphore_mem>>) src(%arg9 : memref<128x128xf32, #tpu.memory_space<vmem>>) dst(%dma_wait3A_65 : memref<128x128xf32, #tpu.memory_space<hbm>>)
      tpu.yield
    }) : () -> ()
    %run_scoped3A_43 = arith.constant 1 : i32
    "tpu.region"() ({
      %run_scoped3A_55 = tpu.sem_alloc : memref<!tpu.dma_semaphore, #tpu.memory_space<semaphore_mem>>
      %dma_start3A = arith.constant 0 : i32
      %dma_start3A_56 = tpu.memref_slice %arg10[%run_scoped3A_43, %dma_start3A] : memref<5x128xi32, #tpu.memory_space<vmem>> -> memref<1x128xi32, #tpu.memory_space<vmem>>
      %dma_start3A_57 = tpu.memref_squeeze %dma_start3A_56 : memref<1x128xi32, #tpu.memory_space<vmem>> -> memref<128xi32, #tpu.memory_space<vmem>>
      %dma_start3A_58 = arith.constant 0 : i32
      %dma_start3A_59 = arith.constant 0 : i32
      %dma_start3A_60 = tpu.memref_slice %arg11[%dma_start3A_58, %dma_start3A_59] : memref<10240x128xf32, #tpu.memory_space<vmem_shared>> -> memref<10240x128xf32, #tpu.memory_space<vmem_shared>>
      tpu.enqueue_indirect_dma source(%dma_start3A_60 : memref<10240x128xf32, #tpu.memory_space<vmem_shared>>) target(%arg9 : memref<128x128xf32, #tpu.memory_space<vmem>>) offsets(%dma_start3A_57 : memref<128xi32, #tpu.memory_space<vmem>>) semaphore(%run_scoped3A_55 : memref<!tpu.dma_semaphore, #tpu.memory_space<semaphore_mem>>)
      %dma_wait3A = arith.constant 0 : i32
      %dma_wait3A_61 = tpu.memref_slice %arg10[%run_scoped3A_43, %dma_wait3A] : memref<5x128xi32, #tpu.memory_space<vmem>> -> memref<1x128xi32, #tpu.memory_space<vmem>>
      %dma_wait3A_62 = tpu.memref_squeeze %dma_wait3A_61 : memref<1x128xi32, #tpu.memory_space<vmem>> -> memref<128xi32, #tpu.memory_space<vmem>>
      %dma_wait3A_63 = arith.constant 0 : i32
      %dma_wait3A_64 = arith.constant 0 : i32
      %dma_wait3A_65 = tpu.memref_slice %arg11[%dma_wait3A_63, %dma_wait3A_64] : memref<10240x128xf32, #tpu.memory_space<vmem_shared>> -> memref<10240x128xf32, #tpu.memory_space<vmem_shared>>
      tpu.wait_indirect_dma semaphore(%run_scoped3A_55 : memref<!tpu.dma_semaphore, #tpu.memory_space<semaphore_mem>>) src(%dma_wait3A_65 : memref<10240x128xf32, #tpu.memory_space<vmem_shared>>) dst(%arg9 : memref<128x128xf32, #tpu.memory_space<vmem>>)
      tpu.yield
    }) : () -> ()
    %add3A_44 = arith.constant 128 : i32
    %add3A_45 = arith.addi %mul3A_0, %add3A_44 : i32
    "tpu.region"() ({
      %run_scoped3A_55 = tpu.sem_alloc : memref<!tpu.dma_semaphore, #tpu.memory_space<semaphore_mem>>
      %dma_start3A = arith.constant 0 : i32
      %dma_start3A_56 = tpu.memref_slice %arg5[%arg0, %add3A_45, %dma_start3A] : memref<2x10240x128xf32, #tpu.memory_space<hbm>> -> memref<1x128x128xf32, #tpu.memory_space<hbm>>
      %dma_start3A_57 = tpu.memref_squeeze %dma_start3A_56 : memref<1x128x128xf32, #tpu.memory_space<hbm>> -> memref<128x128xf32, #tpu.memory_space<hbm>>
      %dma_start3A_58 = arith.constant 0 : i32
      %dma_start3A_59 = tpu.memref_slice %arg5[%arg0, %add3A_45, %dma_start3A_58] : memref<2x10240x128xf32, #tpu.memory_space<hbm>> -> memref<1x128x128xf32, #tpu.memory_space<hbm>>
      %dma_start3A_60 = tpu.memref_squeeze %dma_start3A_59 : memref<1x128x128xf32, #tpu.memory_space<hbm>> -> memref<128x128xf32, #tpu.memory_space<hbm>>
      tpu.enqueue_dma source(%arg9 : memref<128x128xf32, #tpu.memory_space<vmem>>) target(%dma_start3A_60 : memref<128x128xf32, #tpu.memory_space<hbm>>) target_semaphore(%run_scoped3A_55 : memref<!tpu.dma_semaphore, #tpu.memory_space<semaphore_mem>>)
      %dma_wait3A = arith.constant 0 : i32
      %dma_wait3A_61 = tpu.memref_slice %arg5[%arg0, %add3A_45, %dma_wait3A] : memref<2x10240x128xf32, #tpu.memory_space<hbm>> -> memref<1x128x128xf32, #tpu.memory_space<hbm>>
      %dma_wait3A_62 = tpu.memref_squeeze %dma_wait3A_61 : memref<1x128x128xf32, #tpu.memory_space<hbm>> -> memref<128x128xf32, #tpu.memory_space<hbm>>
      %dma_wait3A_63 = arith.constant 0 : i32
      %dma_wait3A_64 = tpu.memref_slice %arg5[%arg0, %add3A_45, %dma_wait3A_63] : memref<2x10240x128xf32, #tpu.memory_space<hbm>> -> memref<1x128x128xf32, #tpu.memory_space<hbm>>
      %dma_wait3A_65 = tpu.memref_squeeze %dma_wait3A_64 : memref<1x128x128xf32, #tpu.memory_space<hbm>> -> memref<128x128xf32, #tpu.memory_space<hbm>>
      tpu.wait_dma2 semaphore(%run_scoped3A_55 : memref<!tpu.dma_semaphore, #tpu.memory_space<semaphore_mem>>) src(%arg9 : memref<128x128xf32, #tpu.memory_space<vmem>>) dst(%dma_wait3A_65 : memref<128x128xf32, #tpu.memory_space<hbm>>)
      tpu.yield
    }) : () -> ()
    %run_scoped3A_46 = arith.constant 2 : i32
    "tpu.region"() ({
      %run_scoped3A_55 = tpu.sem_alloc : memref<!tpu.dma_semaphore, #tpu.memory_space<semaphore_mem>>
      %dma_start3A = arith.constant 0 : i32
      %dma_start3A_56 = tpu.memref_slice %arg10[%run_scoped3A_46, %dma_start3A] : memref<5x128xi32, #tpu.memory_space<vmem>> -> memref<1x128xi32, #tpu.memory_space<vmem>>
      %dma_start3A_57 = tpu.memref_squeeze %dma_start3A_56 : memref<1x128xi32, #tpu.memory_space<vmem>> -> memref<128xi32, #tpu.memory_space<vmem>>
      %dma_start3A_58 = arith.constant 0 : i32
      %dma_start3A_59 = arith.constant 0 : i32
      %dma_start3A_60 = tpu.memref_slice %arg11[%dma_start3A_58, %dma_start3A_59] : memref<10240x128xf32, #tpu.memory_space<vmem_shared>> -> memref<10240x128xf32, #tpu.memory_space<vmem_shared>>
      tpu.enqueue_indirect_dma source(%dma_start3A_60 : memref<10240x128xf32, #tpu.memory_space<vmem_shared>>) target(%arg9 : memref<128x128xf32, #tpu.memory_space<vmem>>) offsets(%dma_start3A_57 : memref<128xi32, #tpu.memory_space<vmem>>) semaphore(%run_scoped3A_55 : memref<!tpu.dma_semaphore, #tpu.memory_space<semaphore_mem>>)
      %dma_wait3A = arith.constant 0 : i32
      %dma_wait3A_61 = tpu.memref_slice %arg10[%run_scoped3A_46, %dma_wait3A] : memref<5x128xi32, #tpu.memory_space<vmem>> -> memref<1x128xi32, #tpu.memory_space<vmem>>
      %dma_wait3A_62 = tpu.memref_squeeze %dma_wait3A_61 : memref<1x128xi32, #tpu.memory_space<vmem>> -> memref<128xi32, #tpu.memory_space<vmem>>
      %dma_wait3A_63 = arith.constant 0 : i32
      %dma_wait3A_64 = arith.constant 0 : i32
      %dma_wait3A_65 = tpu.memref_slice %arg11[%dma_wait3A_63, %dma_wait3A_64] : memref<10240x128xf32, #tpu.memory_space<vmem_shared>> -> memref<10240x128xf32, #tpu.memory_space<vmem_shared>>
      tpu.wait_indirect_dma semaphore(%run_scoped3A_55 : memref<!tpu.dma_semaphore, #tpu.memory_space<semaphore_mem>>) src(%dma_wait3A_65 : memref<10240x128xf32, #tpu.memory_space<vmem_shared>>) dst(%arg9 : memref<128x128xf32, #tpu.memory_space<vmem>>)
      tpu.yield
    }) : () -> ()
    %add3A_47 = arith.constant 256 : i32
    %add3A_48 = arith.addi %mul3A_0, %add3A_47 : i32
    "tpu.region"() ({
      %run_scoped3A_55 = tpu.sem_alloc : memref<!tpu.dma_semaphore, #tpu.memory_space<semaphore_mem>>
      %dma_start3A = arith.constant 0 : i32
      %dma_start3A_56 = tpu.memref_slice %arg5[%arg0, %add3A_48, %dma_start3A] : memref<2x10240x128xf32, #tpu.memory_space<hbm>> -> memref<1x128x128xf32, #tpu.memory_space<hbm>>
      %dma_start3A_57 = tpu.memref_squeeze %dma_start3A_56 : memref<1x128x128xf32, #tpu.memory_space<hbm>> -> memref<128x128xf32, #tpu.memory_space<hbm>>
      %dma_start3A_58 = arith.constant 0 : i32
      %dma_start3A_59 = tpu.memref_slice %arg5[%arg0, %add3A_48, %dma_start3A_58] : memref<2x10240x128xf32, #tpu.memory_space<hbm>> -> memref<1x128x128xf32, #tpu.memory_space<hbm>>
      %dma_start3A_60 = tpu.memref_squeeze %dma_start3A_59 : memref<1x128x128xf32, #tpu.memory_space<hbm>> -> memref<128x128xf32, #tpu.memory_space<hbm>>
      tpu.enqueue_dma source(%arg9 : memref<128x128xf32, #tpu.memory_space<vmem>>) target(%dma_start3A_60 : memref<128x128xf32, #tpu.memory_space<hbm>>) target_semaphore(%run_scoped3A_55 : memref<!tpu.dma_semaphore, #tpu.memory_space<semaphore_mem>>)
      %dma_wait3A = arith.constant 0 : i32
      %dma_wait3A_61 = tpu.memref_slice %arg5[%arg0, %add3A_48, %dma_wait3A] : memref<2x10240x128xf32, #tpu.memory_space<hbm>> -> memref<1x128x128xf32, #tpu.memory_space<hbm>>
      %dma_wait3A_62 = tpu.memref_squeeze %dma_wait3A_61 : memref<1x128x128xf32, #tpu.memory_space<hbm>> -> memref<128x128xf32, #tpu.memory_space<hbm>>
      %dma_wait3A_63 = arith.constant 0 : i32
      %dma_wait3A_64 = tpu.memref_slice %arg5[%arg0, %add3A_48, %dma_wait3A_63] : memref<2x10240x128xf32, #tpu.memory_space<hbm>> -> memref<1x128x128xf32, #tpu.memory_space<hbm>>
      %dma_wait3A_65 = tpu.memref_squeeze %dma_wait3A_64 : memref<1x128x128xf32, #tpu.memory_space<hbm>> -> memref<128x128xf32, #tpu.memory_space<hbm>>
      tpu.wait_dma2 semaphore(%run_scoped3A_55 : memref<!tpu.dma_semaphore, #tpu.memory_space<semaphore_mem>>) src(%arg9 : memref<128x128xf32, #tpu.memory_space<vmem>>) dst(%dma_wait3A_65 : memref<128x128xf32, #tpu.memory_space<hbm>>)
      tpu.yield
    }) : () -> ()
    %run_scoped3A_49 = arith.constant 3 : i32
    "tpu.region"() ({
      %run_scoped3A_55 = tpu.sem_alloc : memref<!tpu.dma_semaphore, #tpu.memory_space<semaphore_mem>>
      %dma_start3A = arith.constant 0 : i32
      %dma_start3A_56 = tpu.memref_slice %arg10[%run_scoped3A_49, %dma_start3A] : memref<5x128xi32, #tpu.memory_space<vmem>> -> memref<1x128xi32, #tpu.memory_space<vmem>>
      %dma_start3A_57 = tpu.memref_squeeze %dma_start3A_56 : memref<1x128xi32, #tpu.memory_space<vmem>> -> memref<128xi32, #tpu.memory_space<vmem>>
      %dma_start3A_58 = arith.constant 0 : i32
      %dma_start3A_59 = arith.constant 0 : i32
      %dma_start3A_60 = tpu.memref_slice %arg11[%dma_start3A_58, %dma_start3A_59] : memref<10240x128xf32, #tpu.memory_space<vmem_shared>> -> memref<10240x128xf32, #tpu.memory_space<vmem_shared>>
      tpu.enqueue_indirect_dma source(%dma_start3A_60 : memref<10240x128xf32, #tpu.memory_space<vmem_shared>>) target(%arg9 : memref<128x128xf32, #tpu.memory_space<vmem>>) offsets(%dma_start3A_57 : memref<128xi32, #tpu.memory_space<vmem>>) semaphore(%run_scoped3A_55 : memref<!tpu.dma_semaphore, #tpu.memory_space<semaphore_mem>>)
      %dma_wait3A = arith.constant 0 : i32
      %dma_wait3A_61 = tpu.memref_slice %arg10[%run_scoped3A_49, %dma_wait3A] : memref<5x128xi32, #tpu.memory_space<vmem>> -> memref<1x128xi32, #tpu.memory_space<vmem>>
      %dma_wait3A_62 = tpu.memref_squeeze %dma_wait3A_61 : memref<1x128xi32, #tpu.memory_space<vmem>> -> memref<128xi32, #tpu.memory_space<vmem>>
      %dma_wait3A_63 = arith.constant 0 : i32
      %dma_wait3A_64 = arith.constant 0 : i32
      %dma_wait3A_65 = tpu.memref_slice %arg11[%dma_wait3A_63, %dma_wait3A_64] : memref<10240x128xf32, #tpu.memory_space<vmem_shared>> -> memref<10240x128xf32, #tpu.memory_space<vmem_shared>>
      tpu.wait_indirect_dma semaphore(%run_scoped3A_55 : memref<!tpu.dma_semaphore, #tpu.memory_space<semaphore_mem>>) src(%dma_wait3A_65 : memref<10240x128xf32, #tpu.memory_space<vmem_shared>>) dst(%arg9 : memref<128x128xf32, #tpu.memory_space<vmem>>)
      tpu.yield
    }) : () -> ()
    %add3A_50 = arith.constant 384 : i32
    %add3A_51 = arith.addi %mul3A_0, %add3A_50 : i32
    "tpu.region"() ({
      %run_scoped3A_55 = tpu.sem_alloc : memref<!tpu.dma_semaphore, #tpu.memory_space<semaphore_mem>>
      %dma_start3A = arith.constant 0 : i32
      %dma_start3A_56 = tpu.memref_slice %arg5[%arg0, %add3A_51, %dma_start3A] : memref<2x10240x128xf32, #tpu.memory_space<hbm>> -> memref<1x128x128xf32, #tpu.memory_space<hbm>>
      %dma_start3A_57 = tpu.memref_squeeze %dma_start3A_56 : memref<1x128x128xf32, #tpu.memory_space<hbm>> -> memref<128x128xf32, #tpu.memory_space<hbm>>
      %dma_start3A_58 = arith.constant 0 : i32
      %dma_start3A_59 = tpu.memref_slice %arg5[%arg0, %add3A_51, %dma_start3A_58] : memref<2x10240x128xf32, #tpu.memory_space<hbm>> -> memref<1x128x128xf32, #tpu.memory_space<hbm>>
      %dma_start3A_60 = tpu.memref_squeeze %dma_start3A_59 : memref<1x128x128xf32, #tpu.memory_space<hbm>> -> memref<128x128xf32, #tpu.memory_space<hbm>>
      tpu.enqueue_dma source(%arg9 : memref<128x128xf32, #tpu.memory_space<vmem>>) target(%dma_start3A_60 : memref<128x128xf32, #tpu.memory_space<hbm>>) target_semaphore(%run_scoped3A_55 : memref<!tpu.dma_semaphore, #tpu.memory_space<semaphore_mem>>)
      %dma_wait3A = arith.constant 0 : i32
      %dma_wait3A_61 = tpu.memref_slice %arg5[%arg0, %add3A_51, %dma_wait3A] : memref<2x10240x128xf32, #tpu.memory_space<hbm>> -> memref<1x128x128xf32, #tpu.memory_space<hbm>>
      %dma_wait3A_62 = tpu.memref_squeeze %dma_wait3A_61 : memref<1x128x128xf32, #tpu.memory_space<hbm>> -> memref<128x128xf32, #tpu.memory_space<hbm>>
      %dma_wait3A_63 = arith.constant 0 : i32
      %dma_wait3A_64 = tpu.memref_slice %arg5[%arg0, %add3A_51, %dma_wait3A_63] : memref<2x10240x128xf32, #tpu.memory_space<hbm>> -> memref<1x128x128xf32, #tpu.memory_space<hbm>>
      %dma_wait3A_65 = tpu.memref_squeeze %dma_wait3A_64 : memref<1x128x128xf32, #tpu.memory_space<hbm>> -> memref<128x128xf32, #tpu.memory_space<hbm>>
      tpu.wait_dma2 semaphore(%run_scoped3A_55 : memref<!tpu.dma_semaphore, #tpu.memory_space<semaphore_mem>>) src(%arg9 : memref<128x128xf32, #tpu.memory_space<vmem>>) dst(%dma_wait3A_65 : memref<128x128xf32, #tpu.memory_space<hbm>>)
      tpu.yield
    }) : () -> ()
    %run_scoped3A_52 = arith.constant 4 : i32
    "tpu.region"() ({
      %run_scoped3A_55 = tpu.sem_alloc : memref<!tpu.dma_semaphore, #tpu.memory_space<semaphore_mem>>
      %dma_start3A = arith.constant 0 : i32
      %dma_start3A_56 = tpu.memref_slice %arg10[%run_scoped3A_52, %dma_start3A] : memref<5x128xi32, #tpu.memory_space<vmem>> -> memref<1x128xi32, #tpu.memory_space<vmem>>
      %dma_start3A_57 = tpu.memref_squeeze %dma_start3A_56 : memref<1x128xi32, #tpu.memory_space<vmem>> -> memref<128xi32, #tpu.memory_space<vmem>>
      %dma_start3A_58 = arith.constant 0 : i32
      %dma_start3A_59 = arith.constant 0 : i32
      %dma_start3A_60 = tpu.memref_slice %arg11[%dma_start3A_58, %dma_start3A_59] : memref<10240x128xf32, #tpu.memory_space<vmem_shared>> -> memref<10240x128xf32, #tpu.memory_space<vmem_shared>>
      tpu.enqueue_indirect_dma source(%dma_start3A_60 : memref<10240x128xf32, #tpu.memory_space<vmem_shared>>) target(%arg9 : memref<128x128xf32, #tpu.memory_space<vmem>>) offsets(%dma_start3A_57 : memref<128xi32, #tpu.memory_space<vmem>>) semaphore(%run_scoped3A_55 : memref<!tpu.dma_semaphore, #tpu.memory_space<semaphore_mem>>)
      %dma_wait3A = arith.constant 0 : i32
      %dma_wait3A_61 = tpu.memref_slice %arg10[%run_scoped3A_52, %dma_wait3A] : memref<5x128xi32, #tpu.memory_space<vmem>> -> memref<1x128xi32, #tpu.memory_space<vmem>>
      %dma_wait3A_62 = tpu.memref_squeeze %dma_wait3A_61 : memref<1x128xi32, #tpu.memory_space<vmem>> -> memref<128xi32, #tpu.memory_space<vmem>>
      %dma_wait3A_63 = arith.constant 0 : i32
      %dma_wait3A_64 = arith.constant 0 : i32
      %dma_wait3A_65 = tpu.memref_slice %arg11[%dma_wait3A_63, %dma_wait3A_64] : memref<10240x128xf32, #tpu.memory_space<vmem_shared>> -> memref<10240x128xf32, #tpu.memory_space<vmem_shared>>
      tpu.wait_indirect_dma semaphore(%run_scoped3A_55 : memref<!tpu.dma_semaphore, #tpu.memory_space<semaphore_mem>>) src(%dma_wait3A_65 : memref<10240x128xf32, #tpu.memory_space<vmem_shared>>) dst(%arg9 : memref<128x128xf32, #tpu.memory_space<vmem>>)
      tpu.yield
    }) : () -> ()
    %add3A_53 = arith.constant 512 : i32
    %add3A_54 = arith.addi %mul3A_0, %add3A_53 : i32
    "tpu.region"() ({
      %run_scoped3A_55 = tpu.sem_alloc : memref<!tpu.dma_semaphore, #tpu.memory_space<semaphore_mem>>
      %dma_start3A = arith.constant 0 : i32
      %dma_start3A_56 = tpu.memref_slice %arg5[%arg0, %add3A_54, %dma_start3A] : memref<2x10240x128xf32, #tpu.memory_space<hbm>> -> memref<1x128x128xf32, #tpu.memory_space<hbm>>
      %dma_start3A_57 = tpu.memref_squeeze %dma_start3A_56 : memref<1x128x128xf32, #tpu.memory_space<hbm>> -> memref<128x128xf32, #tpu.memory_space<hbm>>
      %dma_start3A_58 = arith.constant 0 : i32
      %dma_start3A_59 = tpu.memref_slice %arg5[%arg0, %add3A_54, %dma_start3A_58] : memref<2x10240x128xf32, #tpu.memory_space<hbm>> -> memref<1x128x128xf32, #tpu.memory_space<hbm>>
      %dma_start3A_60 = tpu.memref_squeeze %dma_start3A_59 : memref<1x128x128xf32, #tpu.memory_space<hbm>> -> memref<128x128xf32, #tpu.memory_space<hbm>>
      tpu.enqueue_dma source(%arg9 : memref<128x128xf32, #tpu.memory_space<vmem>>) target(%dma_start3A_60 : memref<128x128xf32, #tpu.memory_space<hbm>>) target_semaphore(%run_scoped3A_55 : memref<!tpu.dma_semaphore, #tpu.memory_space<semaphore_mem>>)
      %dma_wait3A = arith.constant 0 : i32
      %dma_wait3A_61 = tpu.memref_slice %arg5[%arg0, %add3A_54, %dma_wait3A] : memref<2x10240x128xf32, #tpu.memory_space<hbm>> -> memref<1x128x128xf32, #tpu.memory_space<hbm>>
      %dma_wait3A_62 = tpu.memref_squeeze %dma_wait3A_61 : memref<1x128x128xf32, #tpu.memory_space<hbm>> -> memref<128x128xf32, #tpu.memory_space<hbm>>
      %dma_wait3A_63 = arith.constant 0 : i32
      %dma_wait3A_64 = tpu.memref_slice %arg5[%arg0, %add3A_54, %dma_wait3A_63] : memref<2x10240x128xf32, #tpu.memory_space<hbm>> -> memref<1x128x128xf32, #tpu.memory_space<hbm>>
      %dma_wait3A_65 = tpu.memref_squeeze %dma_wait3A_64 : memref<1x128x128xf32, #tpu.memory_space<hbm>> -> memref<128x128xf32, #tpu.memory_space<hbm>>
      tpu.wait_dma2 semaphore(%run_scoped3A_55 : memref<!tpu.dma_semaphore, #tpu.memory_space<semaphore_mem>>) src(%arg9 : memref<128x128xf32, #tpu.memory_space<vmem>>) dst(%dma_wait3A_65 : memref<128x128xf32, #tpu.memory_space<hbm>>)
      tpu.yield
    }) : () -> ()
    return
  }
}

#map = affine_map<(d0, d1) -> (0)>
#map1 = affine_map<(d0, d1) -> (0, 0)>
#map2 = affine_map<(d0, d1) -> (0, 0, 0)>
module attributes {stable_mosaic.version = 14 : i64} {
  func.func @_agg_kernel(%arg0: i32, %arg1: i32, %arg2: memref<320000xi32, #tpu.memory_space<hbm>>, %arg3: memref<320000xi32, #tpu.memory_space<hbm>>, %arg4: memref<20000x128xf32, #tpu.memory_space<hbm>>, %arg5: memref<2x10240x128xf32, #tpu.memory_space<hbm>>, %arg6: memref<128xi32, #tpu.memory_space<vmem>>, %arg7: memref<1x128xi32, #tpu.memory_space<vmem>>, %arg8: memref<128x128xf32, #tpu.memory_space<vmem>>, %arg9: memref<128x128xf32, #tpu.memory_space<vmem>>, %arg10: memref<5x128xi32, #tpu.memory_space<vmem>>, %arg11: memref<10240x128xf32, #tpu.memory_space<vmem_shared>>, %arg12: memref<!tpu.dma_semaphore, #tpu.memory_space<semaphore_mem>>) attributes {dimension_semantics = [#tpu.dimension_semantics<core_parallel>, #tpu.dimension_semantics<subcore_parallel>], iteration_bounds = array<i64: 2, 16>, scalar_prefetch = 0 : i64, scratch_operands = 7 : i64, tpu.core_type = #tpu.core_type<sc_vector_subcore>, window_params = [{transform_indices = #map}, {transform_indices = #map}, {transform_indices = #map1}, {transform_indices = #map2}]} {
    %mul3A = arith.constant 640 : i32
    %mul3A_0 = arith.muli %arg1, %mul3A : i32
    %broadcast_in_dim3A = arith.constant 0.000000e+00 : f32
    %broadcast_in_dim3A_1 = vector.broadcast %broadcast_in_dim3A : f32 to vector<16xf32>
    %scan3A = arith.constant 0 : i32
    %scan3A_2 = arith.constant 0 : i32
    %scan3A_3 = arith.constant 1024 : i32
    %scan3A_4 = arith.addi %scan3A_2, %scan3A_3 : i32
    %scan3A_5 = arith.constant 1 : i32
    %scan3A_6 = scf.for %scan3A_55 = %scan3A_2 to %scan3A_4 step %scan3A_5 iter_args(%scan3A_56 = %scan3A) -> (i32)  : i32 {
      %jit3A_57 = arith.constant 8 : i32
      %div3A = arith.divsi %scan3A_55, %jit3A_57 : i32
      %sign3A = arith.constant 0 : i32
      %sign3A_58 = arith.cmpi sgt, %scan3A_55, %sign3A : i32
      %sign3A_59 = arith.extui %sign3A_58 : i1 to i32
      %sign3A_60 = arith.constant 0 : i32
      %sign3A_61 = arith.cmpi slt, %scan3A_55, %sign3A_60 : i32
      %sign3A_62 = arith.extui %sign3A_61 : i1 to i32
      %sign3A_63 = arith.subi %sign3A_59, %sign3A_62 : i32
      %sign3A_64 = arith.constant 0 : i32
      %sign3A_65 = arith.cmpi sgt, %jit3A_57, %sign3A_64 : i32
      %sign3A_66 = arith.extui %sign3A_65 : i1 to i32
      %sign3A_67 = arith.constant 0 : i32
      %sign3A_68 = arith.cmpi slt, %jit3A_57, %sign3A_67 : i32
      %sign3A_69 = arith.extui %sign3A_68 : i1 to i32
      %sign3A_70 = arith.subi %sign3A_66, %sign3A_69 : i32
      %ne3A = arith.cmpi ne, %sign3A_63, %sign3A_70 : i32
      %rem3A = arith.remsi %scan3A_55, %jit3A_57 : i32
      %ne3A_71 = arith.constant 0 : i32
      %ne3A_72 = arith.cmpi ne, %rem3A, %ne3A_71 : i32
      %and3A = arith.andi %ne3A, %ne3A_72 : i1
      %sub3A = arith.constant 1 : i32
      %sub3A_73 = arith.subi %div3A, %sub3A : i32
      %select_n3A_74 = arith.select %and3A, %sub3A_73, %div3A : i32
      %jit3A_75 = arith.constant 8 : i32
      %eq3A = arith.constant 0 : i32
      %eq3A_76 = arith.cmpi eq, %jit3A_75, %eq3A : i32
      %jit3A_77 = arith.constant 1 : i32
      %select_n3A_78 = arith.select %eq3A_76, %jit3A_77, %jit3A_75 : i32
      %rem3A_79 = arith.remsi %scan3A_55, %select_n3A_78 : i32
      %ne3A_80 = arith.constant 0 : i32
      %ne3A_81 = arith.cmpi ne, %rem3A_79, %ne3A_80 : i32
      %lt3A_82 = arith.constant 0 : i32
      %lt3A_83 = arith.cmpi slt, %rem3A_79, %lt3A_82 : i32
      %lt3A_84 = arith.constant 0 : i32
      %lt3A_85 = arith.cmpi slt, %select_n3A_78, %lt3A_84 : i32
      %ne3A_86 = arith.xori %lt3A_83, %lt3A_85 : i1
      %and3A_87 = arith.andi %ne3A_86, %ne3A_81 : i1
      %add3A_88 = arith.addi %rem3A_79, %select_n3A_78 : i32
      %select_n3A_89 = arith.select %and3A_87, %add3A_88, %rem3A_79 : i32
      %mul3A_90 = arith.constant 16 : i32
      %mul3A_91 = arith.muli %select_n3A_89, %mul3A_90 : i32
      %swap3A = arith.index_cast %select_n3A_74 : i32 to index
      %swap3A_92 = arith.index_cast %mul3A_91 : i32 to index
      %swap3A_93 = tpu.vector_load %arg9[%swap3A, %swap3A_92] {strides = array<i32>} : memref<128x128xf32, #tpu.memory_space<vmem>>, vector<1x16xf32>,
      %swap3A_94 = vector.shape_cast %swap3A_93 : vector<1x16xf32> to vector<16xf32>
      %swap3A_95 = vector.shape_cast %broadcast_in_dim3A_1 : vector<16xf32> to vector<1x16xf32>
      tpu.vector_store %arg9[%swap3A, %swap3A_92], %swap3A_95 {strides = array<i32>} : memref<128x128xf32, #tpu.memory_space<vmem>>, vector<1x16xf32>,
      %scan3A_96 = arith.constant 0 : i32
      scf.yield %scan3A_96 : i32
    }
    %scan3A_7 = arith.constant 1024 : i32
    %scan3A_8 = arith.constant 0 : i32
    %scan3A_9 = arith.constant 0 : i32
    %scan3A_10 = arith.constant 40 : i32
    %scan3A_11 = arith.addi %scan3A_9, %scan3A_10 : i32
    %scan3A_12 = arith.constant 1 : i32
    %scan3A_13 = scf.for %scan3A_55 = %scan3A_9 to %scan3A_11 step %scan3A_12 iter_args(%scan3A_56 = %scan3A_8) -> (i32)  : i32 {
      %jit3A_57 = arith.constant 8 : i32
      %div3A = arith.divsi %scan3A_55, %jit3A_57 : i32
      %sign3A = arith.constant 0 : i32
      %sign3A_58 = arith.cmpi sgt, %scan3A_55, %sign3A : i32
      %sign3A_59 = arith.extui %sign3A_58 : i1 to i32
      %sign3A_60 = arith.constant 0 : i32
      %sign3A_61 = arith.cmpi slt, %scan3A_55, %sign3A_60 : i32
      %sign3A_62 = arith.extui %sign3A_61 : i1 to i32
      %sign3A_63 = arith.subi %sign3A_59, %sign3A_62 : i32
      %sign3A_64 = arith.constant 0 : i32
      %sign3A_65 = arith.cmpi sgt, %jit3A_57, %sign3A_64 : i32
      %sign3A_66 = arith.extui %sign3A_65 : i1 to i32
      %sign3A_67 = arith.constant 0 : i32
      %sign3A_68 = arith.cmpi slt, %jit3A_57, %sign3A_67 : i32
      %sign3A_69 = arith.extui %sign3A_68 : i1 to i32
      %sign3A_70 = arith.subi %sign3A_66, %sign3A_69 : i32
      %ne3A = arith.cmpi ne, %sign3A_63, %sign3A_70 : i32
      %rem3A = arith.remsi %scan3A_55, %jit3A_57 : i32
      %ne3A_71 = arith.constant 0 : i32
      %ne3A_72 = arith.cmpi ne, %rem3A, %ne3A_71 : i32
      %and3A = arith.andi %ne3A, %ne3A_72 : i1
      %sub3A = arith.constant 1 : i32
      %sub3A_73 = arith.subi %div3A, %sub3A : i32
      %select_n3A_74 = arith.select %and3A, %sub3A_73, %div3A : i32
      %jit3A_75 = arith.constant 8 : i32
      %eq3A = arith.constant 0 : i32
      %eq3A_76 = arith.cmpi eq, %jit3A_75, %eq3A : i32
      %jit3A_77 = arith.constant 1 : i32
      %select_n3A_78 = arith.select %eq3A_76, %jit3A_77, %jit3A_75 : i32
      %rem3A_79 = arith.remsi %scan3A_55, %select_n3A_78 : i32
      %ne3A_80 = arith.constant 0 : i32
      %ne3A_81 = arith.cmpi ne, %rem3A_79, %ne3A_80 : i32
      %lt3A_82 = arith.constant 0 : i32
      %lt3A_83 = arith.cmpi slt, %rem3A_79, %lt3A_82 : i32
      %lt3A_84 = arith.constant 0 : i32
      %lt3A_85 = arith.cmpi slt, %select_n3A_78, %lt3A_84 : i32
      %ne3A_86 = arith.xori %lt3A_83, %lt3A_85 : i1
      %and3A_87 = arith.andi %ne3A_86, %ne3A_81 : i1
      %add3A_88 = arith.addi %rem3A_79, %select_n3A_78 : i32
      %select_n3A_89 = arith.select %and3A_87, %add3A_88, %rem3A_79 : i32
      %iota3A = tpu.iota {dimensions = array<i32: 0>} : vector<16xi32>
      %mul3A_90 = arith.constant 128 : i32
      %mul3A_91 = arith.muli %select_n3A_74, %mul3A_90 : i32
      %add3A_92 = arith.addi %mul3A_0, %mul3A_91 : i32
      %mul3A_93 = arith.constant 16 : i32
      %mul3A_94 = arith.muli %select_n3A_89, %mul3A_93 : i32
      %add3A_95 = arith.addi %add3A_92, %mul3A_94 : i32
      %add3A_96 = vector.broadcast %add3A_95 : i32 to vector<16xi32>
      %add3A_97 = arith.addi %iota3A, %add3A_96 : vector<16xi32>
      %mul3A_98 = arith.constant 16 : i32
      %mul3A_99 = arith.muli %select_n3A_89, %mul3A_98 : i32
      %swap3A = arith.index_cast %select_n3A_74 : i32 to index
      %swap3A_100 = arith.index_cast %mul3A_99 : i32 to index
      %swap3A_101 = tpu.vector_load %arg10[%swap3A, %swap3A_100] {strides = array<i32>} : memref<5x128xi32, #tpu.memory_space<vmem>>, vector<1x16xi32>,
      %swap3A_102 = vector.shape_cast %swap3A_101 : vector<1x16xi32> to vector<16xi32>
      %swap3A_103 = vector.shape_cast %add3A_97 : vector<16xi32> to vector<1x16xi32>
      tpu.vector_store %arg10[%swap3A, %swap3A_100], %swap3A_103 {strides = array<i32>} : memref<5x128xi32, #tpu.memory_space<vmem>>, vector<1x16xi32>,
      %scan3A_104 = arith.constant 0 : i32
      scf.yield %scan3A_104 : i32
    }
    %scan3A_14 = arith.constant 40 : i32
    %run_scoped3A = arith.constant 0 : i32
    "tpu.region"() ({
      %run_scoped3A_55 = tpu.sem_alloc : memref<!tpu.dma_semaphore, #tpu.memory_space<semaphore_mem>>
      %dma_start3A = arith.constant 0 : i32
      %dma_start3A_56 = tpu.memref_slice %arg10[%run_scoped3A, %dma_start3A] : memref<5x128xi32, #tpu.memory_space<vmem>> -> memref<1x128xi32, #tpu.memory_space<vmem>>
      %dma_start3A_57 = tpu.memref_squeeze %dma_start3A_56 : memref<1x128xi32, #tpu.memory_space<vmem>> -> memref<128xi32, #tpu.memory_space<vmem>>
      %dma_start3A_58 = arith.constant 0 : i32
      %dma_start3A_59 = arith.constant 0 : i32
      %dma_start3A_60 = tpu.memref_slice %arg11[%dma_start3A_58, %dma_start3A_59] : memref<10240x128xf32, #tpu.memory_space<vmem_shared>> -> memref<10240x128xf32, #tpu.memory_space<vmem_shared>>
      tpu.enqueue_indirect_dma source(%arg9 : memref<128x128xf32, #tpu.memory_space<vmem>>) target(%dma_start3A_60 : memref<10240x128xf32, #tpu.memory_space<vmem_shared>>) offsets(%dma_start3A_57 : memref<128xi32, #tpu.memory_space<vmem>>) semaphore(%run_scoped3A_55 : memref<!tpu.dma_semaphore, #tpu.memory_space<semaphore_mem>>)
      %dma_wait3A = arith.constant 0 : i32
      %dma_wait3A_61 = tpu.memref_slice %arg10[%run_scoped3A, %dma_wait3A] : memref<5x128xi32, #tpu.memory_space<vmem>> -> memref<1x128xi32, #tpu.memory_space<vmem>>
      %dma_wait3A_62 = tpu.memref_squeeze %dma_wait3A_61 : memref<1x128xi32, #tpu.memory_space<vmem>> -> memref<128xi32, #tpu.memory_space<vmem>>
      %dma_wait3A_63 = arith.constant 0 : i32
      %dma_wait3A_64 = arith.constant 0 : i32
      %dma_wait3A_65 = tpu.memref_slice %arg11[%dma_wait3A_63, %dma_wait3A_64] : memref<10240x128xf32, #tpu.memory_space<vmem_shared>> -> memref<10240x128xf32, #tpu.memory_space<vmem_shared>>
      tpu.wait_indirect_dma semaphore(%run_scoped3A_55 : memref<!tpu.dma_semaphore, #tpu.memory_space<semaphore_mem>>) src(%arg9 : memref<128x128xf32, #tpu.memory_space<vmem>>) dst(%dma_wait3A_65 : memref<10240x128xf32, #tpu.memory_space<vmem_shared>>)
      tpu.yield
    }) : () -> ()
    %run_scoped3A_15 = arith.constant 1 : i32
    "tpu.region"() ({
      %run_scoped3A_55 = tpu.sem_alloc : memref<!tpu.dma_semaphore, #tpu.memory_space<semaphore_mem>>
      %dma_start3A = arith.constant 0 : i32
      %dma_start3A_56 = tpu.memref_slice %arg10[%run_scoped3A_15, %dma_start3A] : memref<5x128xi32, #tpu.memory_space<vmem>> -> memref<1x128xi32, #tpu.memory_space<vmem>>
      %dma_start3A_57 = tpu.memref_squeeze %dma_start3A_56 : memref<1x128xi32, #tpu.memory_space<vmem>> -> memref<128xi32, #tpu.memory_space<vmem>>
      %dma_start3A_58 = arith.constant 0 : i32
      %dma_start3A_59 = arith.constant 0 : i32
      %dma_start3A_60 = tpu.memref_slice %arg11[%dma_start3A_58, %dma_start3A_59] : memref<10240x128xf32, #tpu.memory_space<vmem_shared>> -> memref<10240x128xf32, #tpu.memory_space<vmem_shared>>
      tpu.enqueue_indirect_dma source(%arg9 : memref<128x128xf32, #tpu.memory_space<vmem>>) target(%dma_start3A_60 : memref<10240x128xf32, #tpu.memory_space<vmem_shared>>) offsets(%dma_start3A_57 : memref<128xi32, #tpu.memory_space<vmem>>) semaphore(%run_scoped3A_55 : memref<!tpu.dma_semaphore, #tpu.memory_space<semaphore_mem>>)
      %dma_wait3A = arith.constant 0 : i32
      %dma_wait3A_61 = tpu.memref_slice %arg10[%run_scoped3A_15, %dma_wait3A] : memref<5x128xi32, #tpu.memory_space<vmem>> -> memref<1x128xi32, #tpu.memory_space<vmem>>
      %dma_wait3A_62 = tpu.memref_squeeze %dma_wait3A_61 : memref<1x128xi32, #tpu.memory_space<vmem>> -> memref<128xi32, #tpu.memory_space<vmem>>
      %dma_wait3A_63 = arith.constant 0 : i32
      %dma_wait3A_64 = arith.constant 0 : i32
      %dma_wait3A_65 = tpu.memref_slice %arg11[%dma_wait3A_63, %dma_wait3A_64] : memref<10240x128xf32, #tpu.memory_space<vmem_shared>> -> memref<10240x128xf32, #tpu.memory_space<vmem_shared>>
      tpu.wait_indirect_dma semaphore(%run_scoped3A_55 : memref<!tpu.dma_semaphore, #tpu.memory_space<semaphore_mem>>) src(%arg9 : memref<128x128xf32, #tpu.memory_space<vmem>>) dst(%dma_wait3A_65 : memref<10240x128xf32, #tpu.memory_space<vmem_shared>>)
      tpu.yield
    }) : () -> ()
    %run_scoped3A_16 = arith.constant 2 : i32
    "tpu.region"() ({
      %run_scoped3A_55 = tpu.sem_alloc : memref<!tpu.dma_semaphore, #tpu.memory_space<semaphore_mem>>
      %dma_start3A = arith.constant 0 : i32
      %dma_start3A_56 = tpu.memref_slice %arg10[%run_scoped3A_16, %dma_start3A] : memref<5x128xi32, #tpu.memory_space<vmem>> -> memref<1x128xi32, #tpu.memory_space<vmem>>
      %dma_start3A_57 = tpu.memref_squeeze %dma_start3A_56 : memref<1x128xi32, #tpu.memory_space<vmem>> -> memref<128xi32, #tpu.memory_space<vmem>>
      %dma_start3A_58 = arith.constant 0 : i32
      %dma_start3A_59 = arith.constant 0 : i32
      %dma_start3A_60 = tpu.memref_slice %arg11[%dma_start3A_58, %dma_start3A_59] : memref<10240x128xf32, #tpu.memory_space<vmem_shared>> -> memref<10240x128xf32, #tpu.memory_space<vmem_shared>>
      tpu.enqueue_indirect_dma source(%arg9 : memref<128x128xf32, #tpu.memory_space<vmem>>) target(%dma_start3A_60 : memref<10240x128xf32, #tpu.memory_space<vmem_shared>>) offsets(%dma_start3A_57 : memref<128xi32, #tpu.memory_space<vmem>>) semaphore(%run_scoped3A_55 : memref<!tpu.dma_semaphore, #tpu.memory_space<semaphore_mem>>)
      %dma_wait3A = arith.constant 0 : i32
      %dma_wait3A_61 = tpu.memref_slice %arg10[%run_scoped3A_16, %dma_wait3A] : memref<5x128xi32, #tpu.memory_space<vmem>> -> memref<1x128xi32, #tpu.memory_space<vmem>>
      %dma_wait3A_62 = tpu.memref_squeeze %dma_wait3A_61 : memref<1x128xi32, #tpu.memory_space<vmem>> -> memref<128xi32, #tpu.memory_space<vmem>>
      %dma_wait3A_63 = arith.constant 0 : i32
      %dma_wait3A_64 = arith.constant 0 : i32
      %dma_wait3A_65 = tpu.memref_slice %arg11[%dma_wait3A_63, %dma_wait3A_64] : memref<10240x128xf32, #tpu.memory_space<vmem_shared>> -> memref<10240x128xf32, #tpu.memory_space<vmem_shared>>
      tpu.wait_indirect_dma semaphore(%run_scoped3A_55 : memref<!tpu.dma_semaphore, #tpu.memory_space<semaphore_mem>>) src(%arg9 : memref<128x128xf32, #tpu.memory_space<vmem>>) dst(%dma_wait3A_65 : memref<10240x128xf32, #tpu.memory_space<vmem_shared>>)
      tpu.yield
    }) : () -> ()
    %run_scoped3A_17 = arith.constant 3 : i32
    "tpu.region"() ({
      %run_scoped3A_55 = tpu.sem_alloc : memref<!tpu.dma_semaphore, #tpu.memory_space<semaphore_mem>>
      %dma_start3A = arith.constant 0 : i32
      %dma_start3A_56 = tpu.memref_slice %arg10[%run_scoped3A_17, %dma_start3A] : memref<5x128xi32, #tpu.memory_space<vmem>> -> memref<1x128xi32, #tpu.memory_space<vmem>>
      %dma_start3A_57 = tpu.memref_squeeze %dma_start3A_56 : memref<1x128xi32, #tpu.memory_space<vmem>> -> memref<128xi32, #tpu.memory_space<vmem>>
      %dma_start3A_58 = arith.constant 0 : i32
      %dma_start3A_59 = arith.constant 0 : i32
      %dma_start3A_60 = tpu.memref_slice %arg11[%dma_start3A_58, %dma_start3A_59] : memref<10240x128xf32, #tpu.memory_space<vmem_shared>> -> memref<10240x128xf32, #tpu.memory_space<vmem_shared>>
      tpu.enqueue_indirect_dma source(%arg9 : memref<128x128xf32, #tpu.memory_space<vmem>>) target(%dma_start3A_60 : memref<10240x128xf32, #tpu.memory_space<vmem_shared>>) offsets(%dma_start3A_57 : memref<128xi32, #tpu.memory_space<vmem>>) semaphore(%run_scoped3A_55 : memref<!tpu.dma_semaphore, #tpu.memory_space<semaphore_mem>>)
      %dma_wait3A = arith.constant 0 : i32
      %dma_wait3A_61 = tpu.memref_slice %arg10[%run_scoped3A_17, %dma_wait3A] : memref<5x128xi32, #tpu.memory_space<vmem>> -> memref<1x128xi32, #tpu.memory_space<vmem>>
      %dma_wait3A_62 = tpu.memref_squeeze %dma_wait3A_61 : memref<1x128xi32, #tpu.memory_space<vmem>> -> memref<128xi32, #tpu.memory_space<vmem>>
      %dma_wait3A_63 = arith.constant 0 : i32
      %dma_wait3A_64 = arith.constant 0 : i32
      %dma_wait3A_65 = tpu.memref_slice %arg11[%dma_wait3A_63, %dma_wait3A_64] : memref<10240x128xf32, #tpu.memory_space<vmem_shared>> -> memref<10240x128xf32, #tpu.memory_space<vmem_shared>>
      tpu.wait_indirect_dma semaphore(%run_scoped3A_55 : memref<!tpu.dma_semaphore, #tpu.memory_space<semaphore_mem>>) src(%arg9 : memref<128x128xf32, #tpu.memory_space<vmem>>) dst(%dma_wait3A_65 : memref<10240x128xf32, #tpu.memory_space<vmem_shared>>)
      tpu.yield
    }) : () -> ()
    %run_scoped3A_18 = arith.constant 4 : i32
    "tpu.region"() ({
      %run_scoped3A_55 = tpu.sem_alloc : memref<!tpu.dma_semaphore, #tpu.memory_space<semaphore_mem>>
      %dma_start3A = arith.constant 0 : i32
      %dma_start3A_56 = tpu.memref_slice %arg10[%run_scoped3A_18, %dma_start3A] : memref<5x128xi32, #tpu.memory_space<vmem>> -> memref<1x128xi32, #tpu.memory_space<vmem>>
      %dma_start3A_57 = tpu.memref_squeeze %dma_start3A_56 : memref<1x128xi32, #tpu.memory_space<vmem>> -> memref<128xi32, #tpu.memory_space<vmem>>
      %dma_start3A_58 = arith.constant 0 : i32
      %dma_start3A_59 = arith.constant 0 : i32
      %dma_start3A_60 = tpu.memref_slice %arg11[%dma_start3A_58, %dma_start3A_59] : memref<10240x128xf32, #tpu.memory_space<vmem_shared>> -> memref<10240x128xf32, #tpu.memory_space<vmem_shared>>
      tpu.enqueue_indirect_dma source(%arg9 : memref<128x128xf32, #tpu.memory_space<vmem>>) target(%dma_start3A_60 : memref<10240x128xf32, #tpu.memory_space<vmem_shared>>) offsets(%dma_start3A_57 : memref<128xi32, #tpu.memory_space<vmem>>) semaphore(%run_scoped3A_55 : memref<!tpu.dma_semaphore, #tpu.memory_space<semaphore_mem>>)
      %dma_wait3A = arith.constant 0 : i32
      %dma_wait3A_61 = tpu.memref_slice %arg10[%run_scoped3A_18, %dma_wait3A] : memref<5x128xi32, #tpu.memory_space<vmem>> -> memref<1x128xi32, #tpu.memory_space<vmem>>
      %dma_wait3A_62 = tpu.memref_squeeze %dma_wait3A_61 : memref<1x128xi32, #tpu.memory_space<vmem>> -> memref<128xi32, #tpu.memory_space<vmem>>
      %dma_wait3A_63 = arith.constant 0 : i32
      %dma_wait3A_64 = arith.constant 0 : i32
      %dma_wait3A_65 = tpu.memref_slice %arg11[%dma_wait3A_63, %dma_wait3A_64] : memref<10240x128xf32, #tpu.memory_space<vmem_shared>> -> memref<10240x128xf32, #tpu.memory_space<vmem_shared>>
      tpu.wait_indirect_dma semaphore(%run_scoped3A_55 : memref<!tpu.dma_semaphore, #tpu.memory_space<semaphore_mem>>) src(%arg9 : memref<128x128xf32, #tpu.memory_space<vmem>>) dst(%dma_wait3A_65 : memref<10240x128xf32, #tpu.memory_space<vmem_shared>>)
      tpu.yield
    }) : () -> ()
    %barrier3A = arith.constant 0 : index
    tpu.barrier barrier_id(%barrier3A)
    %mul3A_19 = arith.constant 156 : i32
    %mul3A_20 = arith.muli %arg1, %mul3A_19 : i32
    %min3A = arith.constant 4 : i32
    %min3A_21 = arith.minsi %arg1, %min3A : i32
    %add3A = arith.addi %mul3A_20, %min3A_21 : i32
    %lt3A = arith.constant 4 : i32
    %lt3A_22 = arith.cmpi slt, %arg1, %lt3A : i32
    %jit3A = arith.constant 1 : i32
    %jit3A_23 = arith.constant 0 : i32
    %select_n3A = arith.select %lt3A_22, %jit3A, %jit3A_23 : i32
    %add3A_24 = arith.constant 156 : i32
    %add3A_25 = arith.addi %add3A_24, %select_n3A : i32
    %mul3A_26 = arith.constant 10000 : i32
    %mul3A_27 = arith.muli %arg0, %mul3A_26 : i32
    %add3A_28 = arith.addi %add3A, %add3A_25 : i32
    %while3A = arith.constant 0 : i32
    %while3A_29 = arith.subi %add3A_28, %add3A : i32
    %while3A_30 = arith.addi %add3A, %while3A_29 : i32
    %while3A_31 = arith.constant 1 : i32
    %while3A_32 = arith.divsi %while3A_29, %while3A_31 : i32
    %while3A_33 = arith.muli %while3A_32, %while3A_31 : i32
    %while3A_34 = arith.addi %add3A, %while3A_33 : i32
    %while3A_35 = arith.constant 1 : i32
    %while3A_36 = scf.for %while3A_55 = %add3A to %while3A_34 step %while3A_35 iter_args(%while3A_56 = %while3A) -> (i32)  : i32 {
      %mul3A_57 = arith.constant 128 : i32
      %mul3A_58 = arith.muli %while3A_55, %mul3A_57 : i32
      %multiple_of3A = tpu.assume_multiple %mul3A_58, 8 : i32
      "tpu.region"() ({
        %run_scoped3A_136 = tpu.sem_alloc : memref<!tpu.dma_semaphore, #tpu.memory_space<semaphore_mem>>
        %dma_start3A_137 = tpu.memref_slice %arg2[%multiple_of3A] : memref<320000xi32, #tpu.memory_space<hbm>> -> memref<128xi32, #tpu.memory_space<hbm>>
        %dma_start3A_138 = tpu.memref_slice %arg2[%multiple_of3A] : memref<320000xi32, #tpu.memory_space<hbm>> -> memref<128xi32, #tpu.memory_space<hbm>>
        tpu.enqueue_dma source(%dma_start3A_138 : memref<128xi32, #tpu.memory_space<hbm>>) target(%arg6 : memref<128xi32, #tpu.memory_space<vmem>>) target_semaphore(%run_scoped3A_136 : memref<!tpu.dma_semaphore, #tpu.memory_space<semaphore_mem>>)
        %dma_wait3A_139 = tpu.memref_slice %arg2[%multiple_of3A] : memref<320000xi32, #tpu.memory_space<hbm>> -> memref<128xi32, #tpu.memory_space<hbm>>
        %dma_wait3A_140 = tpu.memref_slice %arg2[%multiple_of3A] : memref<320000xi32, #tpu.memory_space<hbm>> -> memref<128xi32, #tpu.memory_space<hbm>>
        tpu.wait_dma2 semaphore(%run_scoped3A_136 : memref<!tpu.dma_semaphore, #tpu.memory_space<semaphore_mem>>) src(%dma_wait3A_140 : memref<128xi32, #tpu.memory_space<hbm>>) dst(%arg6 : memref<128xi32, #tpu.memory_space<vmem>>)
        tpu.yield
      }) : () -> ()
      %run_scoped3A_59 = arith.constant 0 : i32
      "tpu.region"() ({
        %run_scoped3A_136 = tpu.sem_alloc : memref<!tpu.dma_semaphore, #tpu.memory_space<semaphore_mem>>
        %dma_start3A_137 = arith.constant 0 : i32
        %dma_start3A_138 = tpu.memref_slice %arg7[%run_scoped3A_59, %dma_start3A_137] : memref<1x128xi32, #tpu.memory_space<vmem>> -> memref<1x128xi32, #tpu.memory_space<vmem>>
        %dma_start3A_139 = tpu.memref_squeeze %dma_start3A_138 : memref<1x128xi32, #tpu.memory_space<vmem>> -> memref<128xi32, #tpu.memory_space<vmem>>
        %dma_start3A_140 = tpu.memref_slice %arg3[%multiple_of3A] : memref<320000xi32, #tpu.memory_space<hbm>> -> memref<128xi32, #tpu.memory_space<hbm>>
        %dma_start3A_141 = arith.constant 0 : i32
        %dma_start3A_142 = tpu.memref_slice %arg7[%run_scoped3A_59, %dma_start3A_141] : memref<1x128xi32, #tpu.memory_space<vmem>> -> memref<1x128xi32, #tpu.memory_space<vmem>>
        %dma_start3A_143 = tpu.memref_squeeze %dma_start3A_142 : memref<1x128xi32, #tpu.memory_space<vmem>> -> memref<128xi32, #tpu.memory_space<vmem>>
        %dma_start3A_144 = tpu.memref_slice %arg3[%multiple_of3A] : memref<320000xi32, #tpu.memory_space<hbm>> -> memref<128xi32, #tpu.memory_space<hbm>>
        tpu.enqueue_dma source(%dma_start3A_144 : memref<128xi32, #tpu.memory_space<hbm>>) target(%dma_start3A_143 : memref<128xi32, #tpu.memory_space<vmem>>) target_semaphore(%run_scoped3A_136 : memref<!tpu.dma_semaphore, #tpu.memory_space<semaphore_mem>>)
        %dma_wait3A_145 = arith.constant 0 : i32
        %dma_wait3A_146 = tpu.memref_slice %arg7[%run_scoped3A_59, %dma_wait3A_145] : memref<1x128xi32, #tpu.memory_space<vmem>> -> memref<1x128xi32, #tpu.memory_space<vmem>>
        %dma_wait3A_147 = tpu.memref_squeeze %dma_wait3A_146 : memref<1x128xi32, #tpu.memory_space<vmem>> -> memref<128xi32, #tpu.memory_space<vmem>>
        %dma_wait3A_148 = tpu.memref_slice %arg3[%multiple_of3A] : memref<320000xi32, #tpu.memory_space<hbm>> -> memref<128xi32, #tpu.memory_space<hbm>>
        %dma_wait3A_149 = arith.constant 0 : i32
        %dma_wait3A_150 = tpu.memref_slice %arg7[%run_scoped3A_59, %dma_wait3A_149] : memref<1x128xi32, #tpu.memory_space<vmem>> -> memref<1x128xi32, #tpu.memory_space<vmem>>
        %dma_wait3A_151 = tpu.memref_squeeze %dma_wait3A_150 : memref<1x128xi32, #tpu.memory_space<vmem>> -> memref<128xi32, #tpu.memory_space<vmem>>
        %dma_wait3A_152 = tpu.memref_slice %arg3[%multiple_of3A] : memref<320000xi32, #tpu.memory_space<hbm>> -> memref<128xi32, #tpu.memory_space<hbm>>
        tpu.wait_dma2 semaphore(%run_scoped3A_136 : memref<!tpu.dma_semaphore, #tpu.memory_space<semaphore_mem>>) src(%dma_wait3A_152 : memref<128xi32, #tpu.memory_space<hbm>>) dst(%dma_wait3A_151 : memref<128xi32, #tpu.memory_space<vmem>>)
        tpu.yield
      }) : () -> ()
      %get3A = arith.constant 0 : index
      %get3A_60 = tpu.vector_load %arg6[%get3A] {strides = array<i32>} : memref<128xi32, #tpu.memory_space<vmem>>, vector<16xi32>,
      %get3A_61 = vector.shape_cast %get3A_60 : vector<16xi32> to vector<16xi32>
      %add3A_62 = vector.broadcast %mul3A_27 : i32 to vector<16xi32>
      %add3A_63 = arith.addi %get3A_61, %add3A_62 : vector<16xi32>
      %swap3A = arith.constant 0 : index
      %swap3A_64 = tpu.vector_load %arg6[%swap3A] {strides = array<i32>} : memref<128xi32, #tpu.memory_space<vmem>>, vector<16xi32>,
      %swap3A_65 = vector.shape_cast %swap3A_64 : vector<16xi32> to vector<16xi32>
      %swap3A_66 = vector.shape_cast %add3A_63 : vector<16xi32> to vector<16xi32>
      tpu.vector_store %arg6[%swap3A], %swap3A_66 {strides = array<i32>} : memref<128xi32, #tpu.memory_space<vmem>>, vector<16xi32>,
      %get3A_67 = arith.constant 16 : index
      %get3A_68 = tpu.vector_load %arg6[%get3A_67] {strides = array<i32>} : memref<128xi32, #tpu.memory_space<vmem>>, vector<16xi32>,
      %get3A_69 = vector.shape_cast %get3A_68 : vector<16xi32> to vector<16xi32>
      %add3A_70 = vector.broadcast %mul3A_27 : i32 to vector<16xi32>
      %add3A_71 = arith.addi %get3A_69, %add3A_70 : vector<16xi32>
      %swap3A_72 = arith.constant 16 : index
      %swap3A_73 = tpu.vector_load %arg6[%swap3A_72] {strides = array<i32>} : memref<128xi32, #tpu.memory_space<vmem>>, vector<16xi32>,
      %swap3A_74 = vector.shape_cast %swap3A_73 : vector<16xi32> to vector<16xi32>
      %swap3A_75 = vector.shape_cast %add3A_71 : vector<16xi32> to vector<16xi32>
      tpu.vector_store %arg6[%swap3A_72], %swap3A_75 {strides = array<i32>} : memref<128xi32, #tpu.memory_space<vmem>>, vector<16xi32>,
      %get3A_76 = arith.constant 32 : index
      %get3A_77 = tpu.vector_load %arg6[%get3A_76] {strides = array<i32>} : memref<128xi32, #tpu.memory_space<vmem>>, vector<16xi32>,
      %get3A_78 = vector.shape_cast %get3A_77 : vector<16xi32> to vector<16xi32>
      %add3A_79 = vector.broadcast %mul3A_27 : i32 to vector<16xi32>
      %add3A_80 = arith.addi %get3A_78, %add3A_79 : vector<16xi32>
      %swap3A_81 = arith.constant 32 : index
      %swap3A_82 = tpu.vector_load %arg6[%swap3A_81] {strides = array<i32>} : memref<128xi32, #tpu.memory_space<vmem>>, vector<16xi32>,
      %swap3A_83 = vector.shape_cast %swap3A_82 : vector<16xi32> to vector<16xi32>
      %swap3A_84 = vector.shape_cast %add3A_80 : vector<16xi32> to vector<16xi32>
      tpu.vector_store %arg6[%swap3A_81], %swap3A_84 {strides = array<i32>} : memref<128xi32, #tpu.memory_space<vmem>>, vector<16xi32>,
      %get3A_85 = arith.constant 48 : index
      %get3A_86 = tpu.vector_load %arg6[%get3A_85] {strides = array<i32>} : memref<128xi32, #tpu.memory_space<vmem>>, vector<16xi32>,
      %get3A_87 = vector.shape_cast %get3A_86 : vector<16xi32> to vector<16xi32>
      %add3A_88 = vector.broadcast %mul3A_27 : i32 to vector<16xi32>
      %add3A_89 = arith.addi %get3A_87, %add3A_88 : vector<16xi32>
      %swap3A_90 = arith.constant 48 : index
      %swap3A_91 = tpu.vector_load %arg6[%swap3A_90] {strides = array<i32>} : memref<128xi32, #tpu.memory_space<vmem>>, vector<16xi32>,
      %swap3A_92 = vector.shape_cast %swap3A_91 : vector<16xi32> to vector<16xi32>
      %swap3A_93 = vector.shape_cast %add3A_89 : vector<16xi32> to vector<16xi32>
      tpu.vector_store %arg6[%swap3A_90], %swap3A_93 {strides = array<i32>} : memref<128xi32, #tpu.memory_space<vmem>>, vector<16xi32>,
      %get3A_94 = arith.constant 64 : index
      %get3A_95 = tpu.vector_load %arg6[%get3A_94] {strides = array<i32>} : memref<128xi32, #tpu.memory_space<vmem>>, vector<16xi32>,
      %get3A_96 = vector.shape_cast %get3A_95 : vector<16xi32> to vector<16xi32>
      %add3A_97 = vector.broadcast %mul3A_27 : i32 to vector<16xi32>
      %add3A_98 = arith.addi %get3A_96, %add3A_97 : vector<16xi32>
      %swap3A_99 = arith.constant 64 : index
      %swap3A_100 = tpu.vector_load %arg6[%swap3A_99] {strides = array<i32>} : memref<128xi32, #tpu.memory_space<vmem>>, vector<16xi32>,
      %swap3A_101 = vector.shape_cast %swap3A_100 : vector<16xi32> to vector<16xi32>
      %swap3A_102 = vector.shape_cast %add3A_98 : vector<16xi32> to vector<16xi32>
      tpu.vector_store %arg6[%swap3A_99], %swap3A_102 {strides = array<i32>} : memref<128xi32, #tpu.memory_space<vmem>>, vector<16xi32>,
      %get3A_103 = arith.constant 80 : index
      %get3A_104 = tpu.vector_load %arg6[%get3A_103] {strides = array<i32>} : memref<128xi32, #tpu.memory_space<vmem>>, vector<16xi32>,
      %get3A_105 = vector.shape_cast %get3A_104 : vector<16xi32> to vector<16xi32>
      %add3A_106 = vector.broadcast %mul3A_27 : i32 to vector<16xi32>
      %add3A_107 = arith.addi %get3A_105, %add3A_106 : vector<16xi32>
      %swap3A_108 = arith.constant 80 : index
      %swap3A_109 = tpu.vector_load %arg6[%swap3A_108] {strides = array<i32>} : memref<128xi32, #tpu.memory_space<vmem>>, vector<16xi32>,
      %swap3A_110 = vector.shape_cast %swap3A_109 : vector<16xi32> to vector<16xi32>
      %swap3A_111 = vector.shape_cast %add3A_107 : vector<16xi32> to vector<16xi32>
      tpu.vector_store %arg6[%swap3A_108], %swap3A_111 {strides = array<i32>} : memref<128xi32, #tpu.memory_space<vmem>>, vector<16xi32>,
      %get3A_112 = arith.constant 96 : index
      %get3A_113 = tpu.vector_load %arg6[%get3A_112] {strides = array<i32>} : memref<128xi32, #tpu.memory_space<vmem>>, vector<16xi32>,
      %get3A_114 = vector.shape_cast %get3A_113 : vector<16xi32> to vector<16xi32>
      %add3A_115 = vector.broadcast %mul3A_27 : i32 to vector<16xi32>
      %add3A_116 = arith.addi %get3A_114, %add3A_115 : vector<16xi32>
      %swap3A_117 = arith.constant 96 : index
      %swap3A_118 = tpu.vector_load %arg6[%swap3A_117] {strides = array<i32>} : memref<128xi32, #tpu.memory_space<vmem>>, vector<16xi32>,
      %swap3A_119 = vector.shape_cast %swap3A_118 : vector<16xi32> to vector<16xi32>
      %swap3A_120 = vector.shape_cast %add3A_116 : vector<16xi32> to vector<16xi32>
      tpu.vector_store %arg6[%swap3A_117], %swap3A_120 {strides = array<i32>} : memref<128xi32, #tpu.memory_space<vmem>>, vector<16xi32>,
      %get3A_121 = arith.constant 112 : index
      %get3A_122 = tpu.vector_load %arg6[%get3A_121] {strides = array<i32>} : memref<128xi32, #tpu.memory_space<vmem>>, vector<16xi32>,
      %get3A_123 = vector.shape_cast %get3A_122 : vector<16xi32> to vector<16xi32>
      %add3A_124 = vector.broadcast %mul3A_27 : i32 to vector<16xi32>
      %add3A_125 = arith.addi %get3A_123, %add3A_124 : vector<16xi32>
      %swap3A_126 = arith.constant 112 : index
      %swap3A_127 = tpu.vector_load %arg6[%swap3A_126] {strides = array<i32>} : memref<128xi32, #tpu.memory_space<vmem>>, vector<16xi32>,
      %swap3A_128 = vector.shape_cast %swap3A_127 : vector<16xi32> to vector<16xi32>
      %swap3A_129 = vector.shape_cast %add3A_125 : vector<16xi32> to vector<16xi32>
      tpu.vector_store %arg6[%swap3A_126], %swap3A_129 {strides = array<i32>} : memref<128xi32, #tpu.memory_space<vmem>>, vector<16xi32>,
      %dma_start3A = arith.constant 0 : i32
      %dma_start3A_130 = arith.constant 0 : i32
      %dma_start3A_131 = tpu.memref_slice %arg4[%dma_start3A, %dma_start3A_130] : memref<20000x128xf32, #tpu.memory_space<hbm>> -> memref<20000x128xf32, #tpu.memory_space<hbm>>
      tpu.enqueue_indirect_dma source(%dma_start3A_131 : memref<20000x128xf32, #tpu.memory_space<hbm>>) target(%arg8 : memref<128x128xf32, #tpu.memory_space<vmem>>) offsets(%arg6 : memref<128xi32, #tpu.memory_space<vmem>>) semaphore(%arg12 : memref<!tpu.dma_semaphore, #tpu.memory_space<semaphore_mem>>)
      %dma_wait3A = arith.constant 0 : i32
      %dma_wait3A_132 = arith.constant 0 : i32
      %dma_wait3A_133 = tpu.memref_slice %arg4[%dma_wait3A, %dma_wait3A_132] : memref<20000x128xf32, #tpu.memory_space<hbm>> -> memref<20000x128xf32, #tpu.memory_space<hbm>>
      tpu.wait_indirect_dma semaphore(%arg12 : memref<!tpu.dma_semaphore, #tpu.memory_space<semaphore_mem>>) src(%dma_wait3A_133 : memref<20000x128xf32, #tpu.memory_space<hbm>>) dst(%arg8 : memref<128x128xf32, #tpu.memory_space<vmem>>)
      %run_scoped3A_134 = arith.constant 0 : i32
      "tpu.region"() ({
        %run_scoped3A_136 = tpu.sem_alloc : memref<!tpu.dma_semaphore, #tpu.memory_space<semaphore_mem>>
        %dma_start3A_137 = arith.constant 0 : i32
        %dma_start3A_138 = tpu.memref_slice %arg7[%run_scoped3A_134, %dma_start3A_137] : memref<1x128xi32, #tpu.memory_space<vmem>> -> memref<1x128xi32, #tpu.memory_space<vmem>>
        %dma_start3A_139 = tpu.memref_squeeze %dma_start3A_138 : memref<1x128xi32, #tpu.memory_space<vmem>> -> memref<128xi32, #tpu.memory_space<vmem>>
        %dma_start3A_140 = arith.constant 0 : i32
        %dma_start3A_141 = arith.constant 0 : i32
        %dma_start3A_142 = tpu.memref_slice %arg11[%dma_start3A_140, %dma_start3A_141] : memref<10240x128xf32, #tpu.memory_space<vmem_shared>> -> memref<10240x128xf32, #tpu.memory_space<vmem_shared>>
        tpu.enqueue_indirect_dma source(%arg8 : memref<128x128xf32, #tpu.memory_space<vmem>>) target(%dma_start3A_142 : memref<10240x128xf32, #tpu.memory_space<vmem_shared>>) offsets(%dma_start3A_139 : memref<128xi32, #tpu.memory_space<vmem>>) semaphore(%run_scoped3A_136 : memref<!tpu.dma_semaphore, #tpu.memory_space<semaphore_mem>>) {add = true}
        %dma_wait3A_143 = arith.constant 0 : i32
        %dma_wait3A_144 = tpu.memref_slice %arg7[%run_scoped3A_134, %dma_wait3A_143] : memref<1x128xi32, #tpu.memory_space<vmem>> -> memref<1x128xi32, #tpu.memory_space<vmem>>
        %dma_wait3A_145 = tpu.memref_squeeze %dma_wait3A_144 : memref<1x128xi32, #tpu.memory_space<vmem>> -> memref<128xi32, #tpu.memory_space<vmem>>
        %dma_wait3A_146 = arith.constant 0 : i32
        %dma_wait3A_147 = arith.constant 0 : i32
        %dma_wait3A_148 = tpu.memref_slice %arg11[%dma_wait3A_146, %dma_wait3A_147] : memref<10240x128xf32, #tpu.memory_space<vmem_shared>> -> memref<10240x128xf32, #tpu.memory_space<vmem_shared>>
        tpu.wait_indirect_dma semaphore(%run_scoped3A_136 : memref<!tpu.dma_semaphore, #tpu.memory_space<semaphore_mem>>) src(%arg8 : memref<128x128xf32, #tpu.memory_space<vmem>>) dst(%dma_wait3A_148 : memref<10240x128xf32, #tpu.memory_space<vmem_shared>>)
        tpu.yield
      }) : () -> ()
      %while3A_135 = arith.constant 0 : i32
      scf.yield %while3A_135 : i32
    }
    %while3A_37 = arith.constant 1 : i32
    %while3A_38 = scf.for %while3A_55 = %while3A_34 to %while3A_30 step %while3A_37 iter_args(%while3A_56 = %while3A_36) -> (i32)  : i32 {
      %mul3A_57 = arith.constant 128 : i32
      %mul3A_58 = arith.muli %while3A_55, %mul3A_57 : i32
      %multiple_of3A = tpu.assume_multiple %mul3A_58, 8 : i32
      "tpu.region"() ({
        %run_scoped3A_136 = tpu.sem_alloc : memref<!tpu.dma_semaphore, #tpu.memory_space<semaphore_mem>>
        %dma_start3A_137 = tpu.memref_slice %arg2[%multiple_of3A] : memref<320000xi32, #tpu.memory_space<hbm>> -> memref<128xi32, #tpu.memory_space<hbm>>
        %dma_start3A_138 = tpu.memref_slice %arg2[%multiple_of3A] : memref<320000xi32, #tpu.memory_space<hbm>> -> memref<128xi32, #tpu.memory_space<hbm>>
        tpu.enqueue_dma source(%dma_start3A_138 : memref<128xi32, #tpu.memory_space<hbm>>) target(%arg6 : memref<128xi32, #tpu.memory_space<vmem>>) target_semaphore(%run_scoped3A_136 : memref<!tpu.dma_semaphore, #tpu.memory_space<semaphore_mem>>)
        %dma_wait3A_139 = tpu.memref_slice %arg2[%multiple_of3A] : memref<320000xi32, #tpu.memory_space<hbm>> -> memref<128xi32, #tpu.memory_space<hbm>>
        %dma_wait3A_140 = tpu.memref_slice %arg2[%multiple_of3A] : memref<320000xi32, #tpu.memory_space<hbm>> -> memref<128xi32, #tpu.memory_space<hbm>>
        tpu.wait_dma2 semaphore(%run_scoped3A_136 : memref<!tpu.dma_semaphore, #tpu.memory_space<semaphore_mem>>) src(%dma_wait3A_140 : memref<128xi32, #tpu.memory_space<hbm>>) dst(%arg6 : memref<128xi32, #tpu.memory_space<vmem>>)
        tpu.yield
      }) : () -> ()
      %run_scoped3A_59 = arith.constant 0 : i32
      "tpu.region"() ({
        %run_scoped3A_136 = tpu.sem_alloc : memref<!tpu.dma_semaphore, #tpu.memory_space<semaphore_mem>>
        %dma_start3A_137 = arith.constant 0 : i32
        %dma_start3A_138 = tpu.memref_slice %arg7[%run_scoped3A_59, %dma_start3A_137] : memref<1x128xi32, #tpu.memory_space<vmem>> -> memref<1x128xi32, #tpu.memory_space<vmem>>
        %dma_start3A_139 = tpu.memref_squeeze %dma_start3A_138 : memref<1x128xi32, #tpu.memory_space<vmem>> -> memref<128xi32, #tpu.memory_space<vmem>>
        %dma_start3A_140 = tpu.memref_slice %arg3[%multiple_of3A] : memref<320000xi32, #tpu.memory_space<hbm>> -> memref<128xi32, #tpu.memory_space<hbm>>
        %dma_start3A_141 = arith.constant 0 : i32
        %dma_start3A_142 = tpu.memref_slice %arg7[%run_scoped3A_59, %dma_start3A_141] : memref<1x128xi32, #tpu.memory_space<vmem>> -> memref<1x128xi32, #tpu.memory_space<vmem>>
        %dma_start3A_143 = tpu.memref_squeeze %dma_start3A_142 : memref<1x128xi32, #tpu.memory_space<vmem>> -> memref<128xi32, #tpu.memory_space<vmem>>
        %dma_start3A_144 = tpu.memref_slice %arg3[%multiple_of3A] : memref<320000xi32, #tpu.memory_space<hbm>> -> memref<128xi32, #tpu.memory_space<hbm>>
        tpu.enqueue_dma source(%dma_start3A_144 : memref<128xi32, #tpu.memory_space<hbm>>) target(%dma_start3A_143 : memref<128xi32, #tpu.memory_space<vmem>>) target_semaphore(%run_scoped3A_136 : memref<!tpu.dma_semaphore, #tpu.memory_space<semaphore_mem>>)
        %dma_wait3A_145 = arith.constant 0 : i32
        %dma_wait3A_146 = tpu.memref_slice %arg7[%run_scoped3A_59, %dma_wait3A_145] : memref<1x128xi32, #tpu.memory_space<vmem>> -> memref<1x128xi32, #tpu.memory_space<vmem>>
        %dma_wait3A_147 = tpu.memref_squeeze %dma_wait3A_146 : memref<1x128xi32, #tpu.memory_space<vmem>> -> memref<128xi32, #tpu.memory_space<vmem>>
        %dma_wait3A_148 = tpu.memref_slice %arg3[%multiple_of3A] : memref<320000xi32, #tpu.memory_space<hbm>> -> memref<128xi32, #tpu.memory_space<hbm>>
        %dma_wait3A_149 = arith.constant 0 : i32
        %dma_wait3A_150 = tpu.memref_slice %arg7[%run_scoped3A_59, %dma_wait3A_149] : memref<1x128xi32, #tpu.memory_space<vmem>> -> memref<1x128xi32, #tpu.memory_space<vmem>>
        %dma_wait3A_151 = tpu.memref_squeeze %dma_wait3A_150 : memref<1x128xi32, #tpu.memory_space<vmem>> -> memref<128xi32, #tpu.memory_space<vmem>>
        %dma_wait3A_152 = tpu.memref_slice %arg3[%multiple_of3A] : memref<320000xi32, #tpu.memory_space<hbm>> -> memref<128xi32, #tpu.memory_space<hbm>>
        tpu.wait_dma2 semaphore(%run_scoped3A_136 : memref<!tpu.dma_semaphore, #tpu.memory_space<semaphore_mem>>) src(%dma_wait3A_152 : memref<128xi32, #tpu.memory_space<hbm>>) dst(%dma_wait3A_151 : memref<128xi32, #tpu.memory_space<vmem>>)
        tpu.yield
      }) : () -> ()
      %get3A = arith.constant 0 : index
      %get3A_60 = tpu.vector_load %arg6[%get3A] {strides = array<i32>} : memref<128xi32, #tpu.memory_space<vmem>>, vector<16xi32>,
      %get3A_61 = vector.shape_cast %get3A_60 : vector<16xi32> to vector<16xi32>
      %add3A_62 = vector.broadcast %mul3A_27 : i32 to vector<16xi32>
      %add3A_63 = arith.addi %get3A_61, %add3A_62 : vector<16xi32>
      %swap3A = arith.constant 0 : index
      %swap3A_64 = tpu.vector_load %arg6[%swap3A] {strides = array<i32>} : memref<128xi32, #tpu.memory_space<vmem>>, vector<16xi32>,
      %swap3A_65 = vector.shape_cast %swap3A_64 : vector<16xi32> to vector<16xi32>
      %swap3A_66 = vector.shape_cast %add3A_63 : vector<16xi32> to vector<16xi32>
      tpu.vector_store %arg6[%swap3A], %swap3A_66 {strides = array<i32>} : memref<128xi32, #tpu.memory_space<vmem>>, vector<16xi32>,
      %get3A_67 = arith.constant 16 : index
      %get3A_68 = tpu.vector_load %arg6[%get3A_67] {strides = array<i32>} : memref<128xi32, #tpu.memory_space<vmem>>, vector<16xi32>,
      %get3A_69 = vector.shape_cast %get3A_68 : vector<16xi32> to vector<16xi32>
      %add3A_70 = vector.broadcast %mul3A_27 : i32 to vector<16xi32>
      %add3A_71 = arith.addi %get3A_69, %add3A_70 : vector<16xi32>
      %swap3A_72 = arith.constant 16 : index
      %swap3A_73 = tpu.vector_load %arg6[%swap3A_72] {strides = array<i32>} : memref<128xi32, #tpu.memory_space<vmem>>, vector<16xi32>,
      %swap3A_74 = vector.shape_cast %swap3A_73 : vector<16xi32> to vector<16xi32>
      %swap3A_75 = vector.shape_cast %add3A_71 : vector<16xi32> to vector<16xi32>
      tpu.vector_store %arg6[%swap3A_72], %swap3A_75 {strides = array<i32>} : memref<128xi32, #tpu.memory_space<vmem>>, vector<16xi32>,
      %get3A_76 = arith.constant 32 : index
      %get3A_77 = tpu.vector_load %arg6[%get3A_76] {strides = array<i32>} : memref<128xi32, #tpu.memory_space<vmem>>, vector<16xi32>,
      %get3A_78 = vector.shape_cast %get3A_77 : vector<16xi32> to vector<16xi32>
      %add3A_79 = vector.broadcast %mul3A_27 : i32 to vector<16xi32>
      %add3A_80 = arith.addi %get3A_78, %add3A_79 : vector<16xi32>
      %swap3A_81 = arith.constant 32 : index
      %swap3A_82 = tpu.vector_load %arg6[%swap3A_81] {strides = array<i32>} : memref<128xi32, #tpu.memory_space<vmem>>, vector<16xi32>,
      %swap3A_83 = vector.shape_cast %swap3A_82 : vector<16xi32> to vector<16xi32>
      %swap3A_84 = vector.shape_cast %add3A_80 : vector<16xi32> to vector<16xi32>
      tpu.vector_store %arg6[%swap3A_81], %swap3A_84 {strides = array<i32>} : memref<128xi32, #tpu.memory_space<vmem>>, vector<16xi32>,
      %get3A_85 = arith.constant 48 : index
      %get3A_86 = tpu.vector_load %arg6[%get3A_85] {strides = array<i32>} : memref<128xi32, #tpu.memory_space<vmem>>, vector<16xi32>,
      %get3A_87 = vector.shape_cast %get3A_86 : vector<16xi32> to vector<16xi32>
      %add3A_88 = vector.broadcast %mul3A_27 : i32 to vector<16xi32>
      %add3A_89 = arith.addi %get3A_87, %add3A_88 : vector<16xi32>
      %swap3A_90 = arith.constant 48 : index
      %swap3A_91 = tpu.vector_load %arg6[%swap3A_90] {strides = array<i32>} : memref<128xi32, #tpu.memory_space<vmem>>, vector<16xi32>,
      %swap3A_92 = vector.shape_cast %swap3A_91 : vector<16xi32> to vector<16xi32>
      %swap3A_93 = vector.shape_cast %add3A_89 : vector<16xi32> to vector<16xi32>
      tpu.vector_store %arg6[%swap3A_90], %swap3A_93 {strides = array<i32>} : memref<128xi32, #tpu.memory_space<vmem>>, vector<16xi32>,
      %get3A_94 = arith.constant 64 : index
      %get3A_95 = tpu.vector_load %arg6[%get3A_94] {strides = array<i32>} : memref<128xi32, #tpu.memory_space<vmem>>, vector<16xi32>,
      %get3A_96 = vector.shape_cast %get3A_95 : vector<16xi32> to vector<16xi32>
      %add3A_97 = vector.broadcast %mul3A_27 : i32 to vector<16xi32>
      %add3A_98 = arith.addi %get3A_96, %add3A_97 : vector<16xi32>
      %swap3A_99 = arith.constant 64 : index
      %swap3A_100 = tpu.vector_load %arg6[%swap3A_99] {strides = array<i32>} : memref<128xi32, #tpu.memory_space<vmem>>, vector<16xi32>,
      %swap3A_101 = vector.shape_cast %swap3A_100 : vector<16xi32> to vector<16xi32>
      %swap3A_102 = vector.shape_cast %add3A_98 : vector<16xi32> to vector<16xi32>
      tpu.vector_store %arg6[%swap3A_99], %swap3A_102 {strides = array<i32>} : memref<128xi32, #tpu.memory_space<vmem>>, vector<16xi32>,
      %get3A_103 = arith.constant 80 : index
      %get3A_104 = tpu.vector_load %arg6[%get3A_103] {strides = array<i32>} : memref<128xi32, #tpu.memory_space<vmem>>, vector<16xi32>,
      %get3A_105 = vector.shape_cast %get3A_104 : vector<16xi32> to vector<16xi32>
      %add3A_106 = vector.broadcast %mul3A_27 : i32 to vector<16xi32>
      %add3A_107 = arith.addi %get3A_105, %add3A_106 : vector<16xi32>
      %swap3A_108 = arith.constant 80 : index
      %swap3A_109 = tpu.vector_load %arg6[%swap3A_108] {strides = array<i32>} : memref<128xi32, #tpu.memory_space<vmem>>, vector<16xi32>,
      %swap3A_110 = vector.shape_cast %swap3A_109 : vector<16xi32> to vector<16xi32>
      %swap3A_111 = vector.shape_cast %add3A_107 : vector<16xi32> to vector<16xi32>
      tpu.vector_store %arg6[%swap3A_108], %swap3A_111 {strides = array<i32>} : memref<128xi32, #tpu.memory_space<vmem>>, vector<16xi32>,
      %get3A_112 = arith.constant 96 : index
      %get3A_113 = tpu.vector_load %arg6[%get3A_112] {strides = array<i32>} : memref<128xi32, #tpu.memory_space<vmem>>, vector<16xi32>,
      %get3A_114 = vector.shape_cast %get3A_113 : vector<16xi32> to vector<16xi32>
      %add3A_115 = vector.broadcast %mul3A_27 : i32 to vector<16xi32>
      %add3A_116 = arith.addi %get3A_114, %add3A_115 : vector<16xi32>
      %swap3A_117 = arith.constant 96 : index
      %swap3A_118 = tpu.vector_load %arg6[%swap3A_117] {strides = array<i32>} : memref<128xi32, #tpu.memory_space<vmem>>, vector<16xi32>,
      %swap3A_119 = vector.shape_cast %swap3A_118 : vector<16xi32> to vector<16xi32>
      %swap3A_120 = vector.shape_cast %add3A_116 : vector<16xi32> to vector<16xi32>
      tpu.vector_store %arg6[%swap3A_117], %swap3A_120 {strides = array<i32>} : memref<128xi32, #tpu.memory_space<vmem>>, vector<16xi32>,
      %get3A_121 = arith.constant 112 : index
      %get3A_122 = tpu.vector_load %arg6[%get3A_121] {strides = array<i32>} : memref<128xi32, #tpu.memory_space<vmem>>, vector<16xi32>,
      %get3A_123 = vector.shape_cast %get3A_122 : vector<16xi32> to vector<16xi32>
      %add3A_124 = vector.broadcast %mul3A_27 : i32 to vector<16xi32>
      %add3A_125 = arith.addi %get3A_123, %add3A_124 : vector<16xi32>
      %swap3A_126 = arith.constant 112 : index
      %swap3A_127 = tpu.vector_load %arg6[%swap3A_126] {strides = array<i32>} : memref<128xi32, #tpu.memory_space<vmem>>, vector<16xi32>,
      %swap3A_128 = vector.shape_cast %swap3A_127 : vector<16xi32> to vector<16xi32>
      %swap3A_129 = vector.shape_cast %add3A_125 : vector<16xi32> to vector<16xi32>
      tpu.vector_store %arg6[%swap3A_126], %swap3A_129 {strides = array<i32>} : memref<128xi32, #tpu.memory_space<vmem>>, vector<16xi32>,
      %dma_start3A = arith.constant 0 : i32
      %dma_start3A_130 = arith.constant 0 : i32
      %dma_start3A_131 = tpu.memref_slice %arg4[%dma_start3A, %dma_start3A_130] : memref<20000x128xf32, #tpu.memory_space<hbm>> -> memref<20000x128xf32, #tpu.memory_space<hbm>>
      tpu.enqueue_indirect_dma source(%dma_start3A_131 : memref<20000x128xf32, #tpu.memory_space<hbm>>) target(%arg8 : memref<128x128xf32, #tpu.memory_space<vmem>>) offsets(%arg6 : memref<128xi32, #tpu.memory_space<vmem>>) semaphore(%arg12 : memref<!tpu.dma_semaphore, #tpu.memory_space<semaphore_mem>>)
      %dma_wait3A = arith.constant 0 : i32
      %dma_wait3A_132 = arith.constant 0 : i32
      %dma_wait3A_133 = tpu.memref_slice %arg4[%dma_wait3A, %dma_wait3A_132] : memref<20000x128xf32, #tpu.memory_space<hbm>> -> memref<20000x128xf32, #tpu.memory_space<hbm>>
      tpu.wait_indirect_dma semaphore(%arg12 : memref<!tpu.dma_semaphore, #tpu.memory_space<semaphore_mem>>) src(%dma_wait3A_133 : memref<20000x128xf32, #tpu.memory_space<hbm>>) dst(%arg8 : memref<128x128xf32, #tpu.memory_space<vmem>>)
      %run_scoped3A_134 = arith.constant 0 : i32
      "tpu.region"() ({
        %run_scoped3A_136 = tpu.sem_alloc : memref<!tpu.dma_semaphore, #tpu.memory_space<semaphore_mem>>
        %dma_start3A_137 = arith.constant 0 : i32
        %dma_start3A_138 = tpu.memref_slice %arg7[%run_scoped3A_134, %dma_start3A_137] : memref<1x128xi32, #tpu.memory_space<vmem>> -> memref<1x128xi32, #tpu.memory_space<vmem>>
        %dma_start3A_139 = tpu.memref_squeeze %dma_start3A_138 : memref<1x128xi32, #tpu.memory_space<vmem>> -> memref<128xi32, #tpu.memory_space<vmem>>
        %dma_start3A_140 = arith.constant 0 : i32
        %dma_start3A_141 = arith.constant 0 : i32
        %dma_start3A_142 = tpu.memref_slice %arg11[%dma_start3A_140, %dma_start3A_141] : memref<10240x128xf32, #tpu.memory_space<vmem_shared>> -> memref<10240x128xf32, #tpu.memory_space<vmem_shared>>
        tpu.enqueue_indirect_dma source(%arg8 : memref<128x128xf32, #tpu.memory_space<vmem>>) target(%dma_start3A_142 : memref<10240x128xf32, #tpu.memory_space<vmem_shared>>) offsets(%dma_start3A_139 : memref<128xi32, #tpu.memory_space<vmem>>) semaphore(%run_scoped3A_136 : memref<!tpu.dma_semaphore, #tpu.memory_space<semaphore_mem>>) {add = true}
        %dma_wait3A_143 = arith.constant 0 : i32
        %dma_wait3A_144 = tpu.memref_slice %arg7[%run_scoped3A_134, %dma_wait3A_143] : memref<1x128xi32, #tpu.memory_space<vmem>> -> memref<1x128xi32, #tpu.memory_space<vmem>>
        %dma_wait3A_145 = tpu.memref_squeeze %dma_wait3A_144 : memref<1x128xi32, #tpu.memory_space<vmem>> -> memref<128xi32, #tpu.memory_space<vmem>>
        %dma_wait3A_146 = arith.constant 0 : i32
        %dma_wait3A_147 = arith.constant 0 : i32
        %dma_wait3A_148 = tpu.memref_slice %arg11[%dma_wait3A_146, %dma_wait3A_147] : memref<10240x128xf32, #tpu.memory_space<vmem_shared>> -> memref<10240x128xf32, #tpu.memory_space<vmem_shared>>
        tpu.wait_indirect_dma semaphore(%run_scoped3A_136 : memref<!tpu.dma_semaphore, #tpu.memory_space<semaphore_mem>>) src(%arg8 : memref<128x128xf32, #tpu.memory_space<vmem>>) dst(%dma_wait3A_148 : memref<10240x128xf32, #tpu.memory_space<vmem_shared>>)
        tpu.yield
      }) : () -> ()
      %while3A_135 = arith.constant 0 : i32
      scf.yield %while3A_135 : i32
    }
    %barrier3A_39 = arith.constant 0 : index
    tpu.barrier barrier_id(%barrier3A_39)
    %run_scoped3A_40 = arith.constant 0 : i32
    "tpu.region"() ({
      %run_scoped3A_55 = tpu.sem_alloc : memref<!tpu.dma_semaphore, #tpu.memory_space<semaphore_mem>>
      %dma_start3A = arith.constant 0 : i32
      %dma_start3A_56 = tpu.memref_slice %arg10[%run_scoped3A_40, %dma_start3A] : memref<5x128xi32, #tpu.memory_space<vmem>> -> memref<1x128xi32, #tpu.memory_space<vmem>>
      %dma_start3A_57 = tpu.memref_squeeze %dma_start3A_56 : memref<1x128xi32, #tpu.memory_space<vmem>> -> memref<128xi32, #tpu.memory_space<vmem>>
      %dma_start3A_58 = arith.constant 0 : i32
      %dma_start3A_59 = arith.constant 0 : i32
      %dma_start3A_60 = tpu.memref_slice %arg11[%dma_start3A_58, %dma_start3A_59] : memref<10240x128xf32, #tpu.memory_space<vmem_shared>> -> memref<10240x128xf32, #tpu.memory_space<vmem_shared>>
      tpu.enqueue_indirect_dma source(%dma_start3A_60 : memref<10240x128xf32, #tpu.memory_space<vmem_shared>>) target(%arg9 : memref<128x128xf32, #tpu.memory_space<vmem>>) offsets(%dma_start3A_57 : memref<128xi32, #tpu.memory_space<vmem>>) semaphore(%run_scoped3A_55 : memref<!tpu.dma_semaphore, #tpu.memory_space<semaphore_mem>>)
      %dma_wait3A = arith.constant 0 : i32
      %dma_wait3A_61 = tpu.memref_slice %arg10[%run_scoped3A_40, %dma_wait3A] : memref<5x128xi32, #tpu.memory_space<vmem>> -> memref<1x128xi32, #tpu.memory_space<vmem>>
      %dma_wait3A_62 = tpu.memref_squeeze %dma_wait3A_61 : memref<1x128xi32, #tpu.memory_space<vmem>> -> memref<128xi32, #tpu.memory_space<vmem>>
      %dma_wait3A_63 = arith.constant 0 : i32
      %dma_wait3A_64 = arith.constant 0 : i32
      %dma_wait3A_65 = tpu.memref_slice %arg11[%dma_wait3A_63, %dma_wait3A_64] : memref<10240x128xf32, #tpu.memory_space<vmem_shared>> -> memref<10240x128xf32, #tpu.memory_space<vmem_shared>>
      tpu.wait_indirect_dma semaphore(%run_scoped3A_55 : memref<!tpu.dma_semaphore, #tpu.memory_space<semaphore_mem>>) src(%dma_wait3A_65 : memref<10240x128xf32, #tpu.memory_space<vmem_shared>>) dst(%arg9 : memref<128x128xf32, #tpu.memory_space<vmem>>)
      tpu.yield
    }) : () -> ()
    %add3A_41 = arith.constant 0 : i32
    %add3A_42 = arith.addi %mul3A_0, %add3A_41 : i32
    "tpu.region"() ({
      %run_scoped3A_55 = tpu.sem_alloc : memref<!tpu.dma_semaphore, #tpu.memory_space<semaphore_mem>>
      %dma_start3A = arith.constant 0 : i32
      %dma_start3A_56 = tpu.memref_slice %arg5[%arg0, %add3A_42, %dma_start3A] : memref<2x10240x128xf32, #tpu.memory_space<hbm>> -> memref<1x128x128xf32, #tpu.memory_space<hbm>>
      %dma_start3A_57 = tpu.memref_squeeze %dma_start3A_56 : memref<1x128x128xf32, #tpu.memory_space<hbm>> -> memref<128x128xf32, #tpu.memory_space<hbm>>
      %dma_start3A_58 = arith.constant 0 : i32
      %dma_start3A_59 = tpu.memref_slice %arg5[%arg0, %add3A_42, %dma_start3A_58] : memref<2x10240x128xf32, #tpu.memory_space<hbm>> -> memref<1x128x128xf32, #tpu.memory_space<hbm>>
      %dma_start3A_60 = tpu.memref_squeeze %dma_start3A_59 : memref<1x128x128xf32, #tpu.memory_space<hbm>> -> memref<128x128xf32, #tpu.memory_space<hbm>>
      tpu.enqueue_dma source(%arg9 : memref<128x128xf32, #tpu.memory_space<vmem>>) target(%dma_start3A_60 : memref<128x128xf32, #tpu.memory_space<hbm>>) target_semaphore(%run_scoped3A_55 : memref<!tpu.dma_semaphore, #tpu.memory_space<semaphore_mem>>)
      %dma_wait3A = arith.constant 0 : i32
      %dma_wait3A_61 = tpu.memref_slice %arg5[%arg0, %add3A_42, %dma_wait3A] : memref<2x10240x128xf32, #tpu.memory_space<hbm>> -> memref<1x128x128xf32, #tpu.memory_space<hbm>>
      %dma_wait3A_62 = tpu.memref_squeeze %dma_wait3A_61 : memref<1x128x128xf32, #tpu.memory_space<hbm>> -> memref<128x128xf32, #tpu.memory_space<hbm>>
      %dma_wait3A_63 = arith.constant 0 : i32
      %dma_wait3A_64 = tpu.memref_slice %arg5[%arg0, %add3A_42, %dma_wait3A_63] : memref<2x10240x128xf32, #tpu.memory_space<hbm>> -> memref<1x128x128xf32, #tpu.memory_space<hbm>>
      %dma_wait3A_65 = tpu.memref_squeeze %dma_wait3A_64 : memref<1x128x128xf32, #tpu.memory_space<hbm>> -> memref<128x128xf32, #tpu.memory_space<hbm>>
      tpu.wait_dma2 semaphore(%run_scoped3A_55 : memref<!tpu.dma_semaphore, #tpu.memory_space<semaphore_mem>>) src(%arg9 : memref<128x128xf32, #tpu.memory_space<vmem>>) dst(%dma_wait3A_65 : memref<128x128xf32, #tpu.memory_space<hbm>>)
      tpu.yield
    }) : () -> ()
    %run_scoped3A_43 = arith.constant 1 : i32
    "tpu.region"() ({
      %run_scoped3A_55 = tpu.sem_alloc : memref<!tpu.dma_semaphore, #tpu.memory_space<semaphore_mem>>
      %dma_start3A = arith.constant 0 : i32
      %dma_start3A_56 = tpu.memref_slice %arg10[%run_scoped3A_43, %dma_start3A] : memref<5x128xi32, #tpu.memory_space<vmem>> -> memref<1x128xi32, #tpu.memory_space<vmem>>
      %dma_start3A_57 = tpu.memref_squeeze %dma_start3A_56 : memref<1x128xi32, #tpu.memory_space<vmem>> -> memref<128xi32, #tpu.memory_space<vmem>>
      %dma_start3A_58 = arith.constant 0 : i32
      %dma_start3A_59 = arith.constant 0 : i32
      %dma_start3A_60 = tpu.memref_slice %arg11[%dma_start3A_58, %dma_start3A_59] : memref<10240x128xf32, #tpu.memory_space<vmem_shared>> -> memref<10240x128xf32, #tpu.memory_space<vmem_shared>>
      tpu.enqueue_indirect_dma source(%dma_start3A_60 : memref<10240x128xf32, #tpu.memory_space<vmem_shared>>) target(%arg9 : memref<128x128xf32, #tpu.memory_space<vmem>>) offsets(%dma_start3A_57 : memref<128xi32, #tpu.memory_space<vmem>>) semaphore(%run_scoped3A_55 : memref<!tpu.dma_semaphore, #tpu.memory_space<semaphore_mem>>)
      %dma_wait3A = arith.constant 0 : i32
      %dma_wait3A_61 = tpu.memref_slice %arg10[%run_scoped3A_43, %dma_wait3A] : memref<5x128xi32, #tpu.memory_space<vmem>> -> memref<1x128xi32, #tpu.memory_space<vmem>>
      %dma_wait3A_62 = tpu.memref_squeeze %dma_wait3A_61 : memref<1x128xi32, #tpu.memory_space<vmem>> -> memref<128xi32, #tpu.memory_space<vmem>>
      %dma_wait3A_63 = arith.constant 0 : i32
      %dma_wait3A_64 = arith.constant 0 : i32
      %dma_wait3A_65 = tpu.memref_slice %arg11[%dma_wait3A_63, %dma_wait3A_64] : memref<10240x128xf32, #tpu.memory_space<vmem_shared>> -> memref<10240x128xf32, #tpu.memory_space<vmem_shared>>
      tpu.wait_indirect_dma semaphore(%run_scoped3A_55 : memref<!tpu.dma_semaphore, #tpu.memory_space<semaphore_mem>>) src(%dma_wait3A_65 : memref<10240x128xf32, #tpu.memory_space<vmem_shared>>) dst(%arg9 : memref<128x128xf32, #tpu.memory_space<vmem>>)
      tpu.yield
    }) : () -> ()
    %add3A_44 = arith.constant 128 : i32
    %add3A_45 = arith.addi %mul3A_0, %add3A_44 : i32
    "tpu.region"() ({
      %run_scoped3A_55 = tpu.sem_alloc : memref<!tpu.dma_semaphore, #tpu.memory_space<semaphore_mem>>
      %dma_start3A = arith.constant 0 : i32
      %dma_start3A_56 = tpu.memref_slice %arg5[%arg0, %add3A_45, %dma_start3A] : memref<2x10240x128xf32, #tpu.memory_space<hbm>> -> memref<1x128x128xf32, #tpu.memory_space<hbm>>
      %dma_start3A_57 = tpu.memref_squeeze %dma_start3A_56 : memref<1x128x128xf32, #tpu.memory_space<hbm>> -> memref<128x128xf32, #tpu.memory_space<hbm>>
      %dma_start3A_58 = arith.constant 0 : i32
      %dma_start3A_59 = tpu.memref_slice %arg5[%arg0, %add3A_45, %dma_start3A_58] : memref<2x10240x128xf32, #tpu.memory_space<hbm>> -> memref<1x128x128xf32, #tpu.memory_space<hbm>>
      %dma_start3A_60 = tpu.memref_squeeze %dma_start3A_59 : memref<1x128x128xf32, #tpu.memory_space<hbm>> -> memref<128x128xf32, #tpu.memory_space<hbm>>
      tpu.enqueue_dma source(%arg9 : memref<128x128xf32, #tpu.memory_space<vmem>>) target(%dma_start3A_60 : memref<128x128xf32, #tpu.memory_space<hbm>>) target_semaphore(%run_scoped3A_55 : memref<!tpu.dma_semaphore, #tpu.memory_space<semaphore_mem>>)
      %dma_wait3A = arith.constant 0 : i32
      %dma_wait3A_61 = tpu.memref_slice %arg5[%arg0, %add3A_45, %dma_wait3A] : memref<2x10240x128xf32, #tpu.memory_space<hbm>> -> memref<1x128x128xf32, #tpu.memory_space<hbm>>
      %dma_wait3A_62 = tpu.memref_squeeze %dma_wait3A_61 : memref<1x128x128xf32, #tpu.memory_space<hbm>> -> memref<128x128xf32, #tpu.memory_space<hbm>>
      %dma_wait3A_63 = arith.constant 0 : i32
      %dma_wait3A_64 = tpu.memref_slice %arg5[%arg0, %add3A_45, %dma_wait3A_63] : memref<2x10240x128xf32, #tpu.memory_space<hbm>> -> memref<1x128x128xf32, #tpu.memory_space<hbm>>
      %dma_wait3A_65 = tpu.memref_squeeze %dma_wait3A_64 : memref<1x128x128xf32, #tpu.memory_space<hbm>> -> memref<128x128xf32, #tpu.memory_space<hbm>>
      tpu.wait_dma2 semaphore(%run_scoped3A_55 : memref<!tpu.dma_semaphore, #tpu.memory_space<semaphore_mem>>) src(%arg9 : memref<128x128xf32, #tpu.memory_space<vmem>>) dst(%dma_wait3A_65 : memref<128x128xf32, #tpu.memory_space<hbm>>)
      tpu.yield
    }) : () -> ()
    %run_scoped3A_46 = arith.constant 2 : i32
    "tpu.region"() ({
      %run_scoped3A_55 = tpu.sem_alloc : memref<!tpu.dma_semaphore, #tpu.memory_space<semaphore_mem>>
      %dma_start3A = arith.constant 0 : i32
      %dma_start3A_56 = tpu.memref_slice %arg10[%run_scoped3A_46, %dma_start3A] : memref<5x128xi32, #tpu.memory_space<vmem>> -> memref<1x128xi32, #tpu.memory_space<vmem>>
      %dma_start3A_57 = tpu.memref_squeeze %dma_start3A_56 : memref<1x128xi32, #tpu.memory_space<vmem>> -> memref<128xi32, #tpu.memory_space<vmem>>
      %dma_start3A_58 = arith.constant 0 : i32
      %dma_start3A_59 = arith.constant 0 : i32
      %dma_start3A_60 = tpu.memref_slice %arg11[%dma_start3A_58, %dma_start3A_59] : memref<10240x128xf32, #tpu.memory_space<vmem_shared>> -> memref<10240x128xf32, #tpu.memory_space<vmem_shared>>
      tpu.enqueue_indirect_dma source(%dma_start3A_60 : memref<10240x128xf32, #tpu.memory_space<vmem_shared>>) target(%arg9 : memref<128x128xf32, #tpu.memory_space<vmem>>) offsets(%dma_start3A_57 : memref<128xi32, #tpu.memory_space<vmem>>) semaphore(%run_scoped3A_55 : memref<!tpu.dma_semaphore, #tpu.memory_space<semaphore_mem>>)
      %dma_wait3A = arith.constant 0 : i32
      %dma_wait3A_61 = tpu.memref_slice %arg10[%run_scoped3A_46, %dma_wait3A] : memref<5x128xi32, #tpu.memory_space<vmem>> -> memref<1x128xi32, #tpu.memory_space<vmem>>
      %dma_wait3A_62 = tpu.memref_squeeze %dma_wait3A_61 : memref<1x128xi32, #tpu.memory_space<vmem>> -> memref<128xi32, #tpu.memory_space<vmem>>
      %dma_wait3A_63 = arith.constant 0 : i32
      %dma_wait3A_64 = arith.constant 0 : i32
      %dma_wait3A_65 = tpu.memref_slice %arg11[%dma_wait3A_63, %dma_wait3A_64] : memref<10240x128xf32, #tpu.memory_space<vmem_shared>> -> memref<10240x128xf32, #tpu.memory_space<vmem_shared>>
      tpu.wait_indirect_dma semaphore(%run_scoped3A_55 : memref<!tpu.dma_semaphore, #tpu.memory_space<semaphore_mem>>) src(%dma_wait3A_65 : memref<10240x128xf32, #tpu.memory_space<vmem_shared>>) dst(%arg9 : memref<128x128xf32, #tpu.memory_space<vmem>>)
      tpu.yield
    }) : () -> ()
    %add3A_47 = arith.constant 256 : i32
    %add3A_48 = arith.addi %mul3A_0, %add3A_47 : i32
    "tpu.region"() ({
      %run_scoped3A_55 = tpu.sem_alloc : memref<!tpu.dma_semaphore, #tpu.memory_space<semaphore_mem>>
      %dma_start3A = arith.constant 0 : i32
      %dma_start3A_56 = tpu.memref_slice %arg5[%arg0, %add3A_48, %dma_start3A] : memref<2x10240x128xf32, #tpu.memory_space<hbm>> -> memref<1x128x128xf32, #tpu.memory_space<hbm>>
      %dma_start3A_57 = tpu.memref_squeeze %dma_start3A_56 : memref<1x128x128xf32, #tpu.memory_space<hbm>> -> memref<128x128xf32, #tpu.memory_space<hbm>>
      %dma_start3A_58 = arith.constant 0 : i32
      %dma_start3A_59 = tpu.memref_slice %arg5[%arg0, %add3A_48, %dma_start3A_58] : memref<2x10240x128xf32, #tpu.memory_space<hbm>> -> memref<1x128x128xf32, #tpu.memory_space<hbm>>
      %dma_start3A_60 = tpu.memref_squeeze %dma_start3A_59 : memref<1x128x128xf32, #tpu.memory_space<hbm>> -> memref<128x128xf32, #tpu.memory_space<hbm>>
      tpu.enqueue_dma source(%arg9 : memref<128x128xf32, #tpu.memory_space<vmem>>) target(%dma_start3A_60 : memref<128x128xf32, #tpu.memory_space<hbm>>) target_semaphore(%run_scoped3A_55 : memref<!tpu.dma_semaphore, #tpu.memory_space<semaphore_mem>>)
      %dma_wait3A = arith.constant 0 : i32
      %dma_wait3A_61 = tpu.memref_slice %arg5[%arg0, %add3A_48, %dma_wait3A] : memref<2x10240x128xf32, #tpu.memory_space<hbm>> -> memref<1x128x128xf32, #tpu.memory_space<hbm>>
      %dma_wait3A_62 = tpu.memref_squeeze %dma_wait3A_61 : memref<1x128x128xf32, #tpu.memory_space<hbm>> -> memref<128x128xf32, #tpu.memory_space<hbm>>
      %dma_wait3A_63 = arith.constant 0 : i32
      %dma_wait3A_64 = tpu.memref_slice %arg5[%arg0, %add3A_48, %dma_wait3A_63] : memref<2x10240x128xf32, #tpu.memory_space<hbm>> -> memref<1x128x128xf32, #tpu.memory_space<hbm>>
      %dma_wait3A_65 = tpu.memref_squeeze %dma_wait3A_64 : memref<1x128x128xf32, #tpu.memory_space<hbm>> -> memref<128x128xf32, #tpu.memory_space<hbm>>
      tpu.wait_dma2 semaphore(%run_scoped3A_55 : memref<!tpu.dma_semaphore, #tpu.memory_space<semaphore_mem>>) src(%arg9 : memref<128x128xf32, #tpu.memory_space<vmem>>) dst(%dma_wait3A_65 : memref<128x128xf32, #tpu.memory_space<hbm>>)
      tpu.yield
    }) : () -> ()
    %run_scoped3A_49 = arith.constant 3 : i32
    "tpu.region"() ({
      %run_scoped3A_55 = tpu.sem_alloc : memref<!tpu.dma_semaphore, #tpu.memory_space<semaphore_mem>>
      %dma_start3A = arith.constant 0 : i32
      %dma_start3A_56 = tpu.memref_slice %arg10[%run_scoped3A_49, %dma_start3A] : memref<5x128xi32, #tpu.memory_space<vmem>> -> memref<1x128xi32, #tpu.memory_space<vmem>>
      %dma_start3A_57 = tpu.memref_squeeze %dma_start3A_56 : memref<1x128xi32, #tpu.memory_space<vmem>> -> memref<128xi32, #tpu.memory_space<vmem>>
      %dma_start3A_58 = arith.constant 0 : i32
      %dma_start3A_59 = arith.constant 0 : i32
      %dma_start3A_60 = tpu.memref_slice %arg11[%dma_start3A_58, %dma_start3A_59] : memref<10240x128xf32, #tpu.memory_space<vmem_shared>> -> memref<10240x128xf32, #tpu.memory_space<vmem_shared>>
      tpu.enqueue_indirect_dma source(%dma_start3A_60 : memref<10240x128xf32, #tpu.memory_space<vmem_shared>>) target(%arg9 : memref<128x128xf32, #tpu.memory_space<vmem>>) offsets(%dma_start3A_57 : memref<128xi32, #tpu.memory_space<vmem>>) semaphore(%run_scoped3A_55 : memref<!tpu.dma_semaphore, #tpu.memory_space<semaphore_mem>>)
      %dma_wait3A = arith.constant 0 : i32
      %dma_wait3A_61 = tpu.memref_slice %arg10[%run_scoped3A_49, %dma_wait3A] : memref<5x128xi32, #tpu.memory_space<vmem>> -> memref<1x128xi32, #tpu.memory_space<vmem>>
      %dma_wait3A_62 = tpu.memref_squeeze %dma_wait3A_61 : memref<1x128xi32, #tpu.memory_space<vmem>> -> memref<128xi32, #tpu.memory_space<vmem>>
      %dma_wait3A_63 = arith.constant 0 : i32
      %dma_wait3A_64 = arith.constant 0 : i32
      %dma_wait3A_65 = tpu.memref_slice %arg11[%dma_wait3A_63, %dma_wait3A_64] : memref<10240x128xf32, #tpu.memory_space<vmem_shared>> -> memref<10240x128xf32, #tpu.memory_space<vmem_shared>>
      tpu.wait_indirect_dma semaphore(%run_scoped3A_55 : memref<!tpu.dma_semaphore, #tpu.memory_space<semaphore_mem>>) src(%dma_wait3A_65 : memref<10240x128xf32, #tpu.memory_space<vmem_shared>>) dst(%arg9 : memref<128x128xf32, #tpu.memory_space<vmem>>)
      tpu.yield
    }) : () -> ()
    %add3A_50 = arith.constant 384 : i32
    %add3A_51 = arith.addi %mul3A_0, %add3A_50 : i32
    "tpu.region"() ({
      %run_scoped3A_55 = tpu.sem_alloc : memref<!tpu.dma_semaphore, #tpu.memory_space<semaphore_mem>>
      %dma_start3A = arith.constant 0 : i32
      %dma_start3A_56 = tpu.memref_slice %arg5[%arg0, %add3A_51, %dma_start3A] : memref<2x10240x128xf32, #tpu.memory_space<hbm>> -> memref<1x128x128xf32, #tpu.memory_space<hbm>>
      %dma_start3A_57 = tpu.memref_squeeze %dma_start3A_56 : memref<1x128x128xf32, #tpu.memory_space<hbm>> -> memref<128x128xf32, #tpu.memory_space<hbm>>
      %dma_start3A_58 = arith.constant 0 : i32
      %dma_start3A_59 = tpu.memref_slice %arg5[%arg0, %add3A_51, %dma_start3A_58] : memref<2x10240x128xf32, #tpu.memory_space<hbm>> -> memref<1x128x128xf32, #tpu.memory_space<hbm>>
      %dma_start3A_60 = tpu.memref_squeeze %dma_start3A_59 : memref<1x128x128xf32, #tpu.memory_space<hbm>> -> memref<128x128xf32, #tpu.memory_space<hbm>>
      tpu.enqueue_dma source(%arg9 : memref<128x128xf32, #tpu.memory_space<vmem>>) target(%dma_start3A_60 : memref<128x128xf32, #tpu.memory_space<hbm>>) target_semaphore(%run_scoped3A_55 : memref<!tpu.dma_semaphore, #tpu.memory_space<semaphore_mem>>)
      %dma_wait3A = arith.constant 0 : i32
      %dma_wait3A_61 = tpu.memref_slice %arg5[%arg0, %add3A_51, %dma_wait3A] : memref<2x10240x128xf32, #tpu.memory_space<hbm>> -> memref<1x128x128xf32, #tpu.memory_space<hbm>>
      %dma_wait3A_62 = tpu.memref_squeeze %dma_wait3A_61 : memref<1x128x128xf32, #tpu.memory_space<hbm>> -> memref<128x128xf32, #tpu.memory_space<hbm>>
      %dma_wait3A_63 = arith.constant 0 : i32
      %dma_wait3A_64 = tpu.memref_slice %arg5[%arg0, %add3A_51, %dma_wait3A_63] : memref<2x10240x128xf32, #tpu.memory_space<hbm>> -> memref<1x128x128xf32, #tpu.memory_space<hbm>>
      %dma_wait3A_65 = tpu.memref_squeeze %dma_wait3A_64 : memref<1x128x128xf32, #tpu.memory_space<hbm>> -> memref<128x128xf32, #tpu.memory_space<hbm>>
      tpu.wait_dma2 semaphore(%run_scoped3A_55 : memref<!tpu.dma_semaphore, #tpu.memory_space<semaphore_mem>>) src(%arg9 : memref<128x128xf32, #tpu.memory_space<vmem>>) dst(%dma_wait3A_65 : memref<128x128xf32, #tpu.memory_space<hbm>>)
      tpu.yield
    }) : () -> ()
    %run_scoped3A_52 = arith.constant 4 : i32
    "tpu.region"() ({
      %run_scoped3A_55 = tpu.sem_alloc : memref<!tpu.dma_semaphore, #tpu.memory_space<semaphore_mem>>
      %dma_start3A = arith.constant 0 : i32
      %dma_start3A_56 = tpu.memref_slice %arg10[%run_scoped3A_52, %dma_start3A] : memref<5x128xi32, #tpu.memory_space<vmem>> -> memref<1x128xi32, #tpu.memory_space<vmem>>
      %dma_start3A_57 = tpu.memref_squeeze %dma_start3A_56 : memref<1x128xi32, #tpu.memory_space<vmem>> -> memref<128xi32, #tpu.memory_space<vmem>>
      %dma_start3A_58 = arith.constant 0 : i32
      %dma_start3A_59 = arith.constant 0 : i32
      %dma_start3A_60 = tpu.memref_slice %arg11[%dma_start3A_58, %dma_start3A_59] : memref<10240x128xf32, #tpu.memory_space<vmem_shared>> -> memref<10240x128xf32, #tpu.memory_space<vmem_shared>>
      tpu.enqueue_indirect_dma source(%dma_start3A_60 : memref<10240x128xf32, #tpu.memory_space<vmem_shared>>) target(%arg9 : memref<128x128xf32, #tpu.memory_space<vmem>>) offsets(%dma_start3A_57 : memref<128xi32, #tpu.memory_space<vmem>>) semaphore(%run_scoped3A_55 : memref<!tpu.dma_semaphore, #tpu.memory_space<semaphore_mem>>)
      %dma_wait3A = arith.constant 0 : i32
      %dma_wait3A_61 = tpu.memref_slice %arg10[%run_scoped3A_52, %dma_wait3A] : memref<5x128xi32, #tpu.memory_space<vmem>> -> memref<1x128xi32, #tpu.memory_space<vmem>>
      %dma_wait3A_62 = tpu.memref_squeeze %dma_wait3A_61 : memref<1x128xi32, #tpu.memory_space<vmem>> -> memref<128xi32, #tpu.memory_space<vmem>>
      %dma_wait3A_63 = arith.constant 0 : i32
      %dma_wait3A_64 = arith.constant 0 : i32
      %dma_wait3A_65 = tpu.memref_slice %arg11[%dma_wait3A_63, %dma_wait3A_64] : memref<10240x128xf32, #tpu.memory_space<vmem_shared>> -> memref<10240x128xf32, #tpu.memory_space<vmem_shared>>
      tpu.wait_indirect_dma semaphore(%run_scoped3A_55 : memref<!tpu.dma_semaphore, #tpu.memory_space<semaphore_mem>>) src(%dma_wait3A_65 : memref<10240x128xf32, #tpu.memory_space<vmem_shared>>) dst(%arg9 : memref<128x128xf32, #tpu.memory_space<vmem>>)
      tpu.yield
    }) : () -> ()
    %add3A_53 = arith.constant 512 : i32
    %add3A_54 = arith.addi %mul3A_0, %add3A_53 : i32
    "tpu.region"() ({
      %run_scoped3A_55 = tpu.sem_alloc : memref<!tpu.dma_semaphore, #tpu.memory_space<semaphore_mem>>
      %dma_start3A = arith.constant 0 : i32
      %dma_start3A_56 = tpu.memref_slice %arg5[%arg0, %add3A_54, %dma_start3A] : memref<2x10240x128xf32, #tpu.memory_space<hbm>> -> memref<1x128x128xf32, #tpu.memory_space<hbm>>
      %dma_start3A_57 = tpu.memref_squeeze %dma_start3A_56 : memref<1x128x128xf32, #tpu.memory_space<hbm>> -> memref<128x128xf32, #tpu.memory_space<hbm>>
      %dma_start3A_58 = arith.constant 0 : i32
      %dma_start3A_59 = tpu.memref_slice %arg5[%arg0, %add3A_54, %dma_start3A_58] : memref<2x10240x128xf32, #tpu.memory_space<hbm>> -> memref<1x128x128xf32, #tpu.memory_space<hbm>>
      %dma_start3A_60 = tpu.memref_squeeze %dma_start3A_59 : memref<1x128x128xf32, #tpu.memory_space<hbm>> -> memref<128x128xf32, #tpu.memory_space<hbm>>
      tpu.enqueue_dma source(%arg9 : memref<128x128xf32, #tpu.memory_space<vmem>>) target(%dma_start3A_60 : memref<128x128xf32, #tpu.memory_space<hbm>>) target_semaphore(%run_scoped3A_55 : memref<!tpu.dma_semaphore, #tpu.memory_space<semaphore_mem>>)
      %dma_wait3A = arith.constant 0 : i32
      %dma_wait3A_61 = tpu.memref_slice %arg5[%arg0, %add3A_54, %dma_wait3A] : memref<2x10240x128xf32, #tpu.memory_space<hbm>> -> memref<1x128x128xf32, #tpu.memory_space<hbm>>
      %dma_wait3A_62 = tpu.memref_squeeze %dma_wait3A_61 : memref<1x128x128xf32, #tpu.memory_space<hbm>> -> memref<128x128xf32, #tpu.memory_space<hbm>>
      %dma_wait3A_63 = arith.constant 0 : i32
      %dma_wait3A_64 = tpu.memref_slice %arg5[%arg0, %add3A_54, %dma_wait3A_63] : memref<2x10240x128xf32, #tpu.memory_space<hbm>> -> memref<1x128x128xf32, #tpu.memory_space<hbm>>
      %dma_wait3A_65 = tpu.memref_squeeze %dma_wait3A_64 : memref<1x128x128xf32, #tpu.memory_space<hbm>> -> memref<128x128xf32, #tpu.memory_space<hbm>>
      tpu.wait_dma2 semaphore(%run_scoped3A_55 : memref<!tpu.dma_semaphore, #tpu.memory_space<semaphore_mem>>) src(%arg9 : memref<128x128xf32, #tpu.memory_space<vmem>>) dst(%dma_wait3A_65 : memref<128x128xf32, #tpu.memory_space<hbm>>)
      tpu.yield
    }) : () -> ()
    return
  }
}

#map = affine_map<(d0, d1) -> (0)>
#map1 = affine_map<(d0, d1) -> (0, 0)>
#map2 = affine_map<(d0, d1) -> (0, 0, 0)>
module attributes {stable_mosaic.version = 14 : i64} {
  func.func @_agg_kernel(%arg0: i32, %arg1: i32, %arg2: memref<320000xi32, #tpu.memory_space<hbm>>, %arg3: memref<320000xi32, #tpu.memory_space<hbm>>, %arg4: memref<20000x128xf32, #tpu.memory_space<hbm>>, %arg5: memref<2x10240x128xf32, #tpu.memory_space<hbm>>, %arg6: memref<128xi32, #tpu.memory_space<vmem>>, %arg7: memref<1x128xi32, #tpu.memory_space<vmem>>, %arg8: memref<128x128xf32, #tpu.memory_space<vmem>>, %arg9: memref<128x128xf32, #tpu.memory_space<vmem>>, %arg10: memref<5x128xi32, #tpu.memory_space<vmem>>, %arg11: memref<10240x128xf32, #tpu.memory_space<vmem_shared>>, %arg12: memref<!tpu.dma_semaphore, #tpu.memory_space<semaphore_mem>>) attributes {dimension_semantics = [#tpu.dimension_semantics<core_parallel>, #tpu.dimension_semantics<subcore_parallel>], iteration_bounds = array<i64: 2, 16>, scalar_prefetch = 0 : i64, scratch_operands = 7 : i64, tpu.core_type = #tpu.core_type<sc_vector_subcore>, window_params = [{transform_indices = #map}, {transform_indices = #map}, {transform_indices = #map1}, {transform_indices = #map2}]} {
    %mul3A = arith.constant 640 : i32
    %mul3A_0 = arith.muli %arg1, %mul3A : i32
    %broadcast_in_dim3A = arith.constant 0.000000e+00 : f32
    %broadcast_in_dim3A_1 = vector.broadcast %broadcast_in_dim3A : f32 to vector<16xf32>
    %scan3A = arith.constant 0 : i32
    %scan3A_2 = arith.constant 0 : i32
    %scan3A_3 = arith.constant 1024 : i32
    %scan3A_4 = arith.addi %scan3A_2, %scan3A_3 : i32
    %scan3A_5 = arith.constant 1 : i32
    %scan3A_6 = scf.for %scan3A_55 = %scan3A_2 to %scan3A_4 step %scan3A_5 iter_args(%scan3A_56 = %scan3A) -> (i32)  : i32 {
      %jit3A_57 = arith.constant 8 : i32
      %div3A = arith.divsi %scan3A_55, %jit3A_57 : i32
      %sign3A = arith.constant 0 : i32
      %sign3A_58 = arith.cmpi sgt, %scan3A_55, %sign3A : i32
      %sign3A_59 = arith.extui %sign3A_58 : i1 to i32
      %sign3A_60 = arith.constant 0 : i32
      %sign3A_61 = arith.cmpi slt, %scan3A_55, %sign3A_60 : i32
      %sign3A_62 = arith.extui %sign3A_61 : i1 to i32
      %sign3A_63 = arith.subi %sign3A_59, %sign3A_62 : i32
      %sign3A_64 = arith.constant 0 : i32
      %sign3A_65 = arith.cmpi sgt, %jit3A_57, %sign3A_64 : i32
      %sign3A_66 = arith.extui %sign3A_65 : i1 to i32
      %sign3A_67 = arith.constant 0 : i32
      %sign3A_68 = arith.cmpi slt, %jit3A_57, %sign3A_67 : i32
      %sign3A_69 = arith.extui %sign3A_68 : i1 to i32
      %sign3A_70 = arith.subi %sign3A_66, %sign3A_69 : i32
      %ne3A = arith.cmpi ne, %sign3A_63, %sign3A_70 : i32
      %rem3A = arith.remsi %scan3A_55, %jit3A_57 : i32
      %ne3A_71 = arith.constant 0 : i32
      %ne3A_72 = arith.cmpi ne, %rem3A, %ne3A_71 : i32
      %and3A = arith.andi %ne3A, %ne3A_72 : i1
      %sub3A = arith.constant 1 : i32
      %sub3A_73 = arith.subi %div3A, %sub3A : i32
      %select_n3A_74 = arith.select %and3A, %sub3A_73, %div3A : i32
      %jit3A_75 = arith.constant 8 : i32
      %eq3A = arith.constant 0 : i32
      %eq3A_76 = arith.cmpi eq, %jit3A_75, %eq3A : i32
      %jit3A_77 = arith.constant 1 : i32
      %select_n3A_78 = arith.select %eq3A_76, %jit3A_77, %jit3A_75 : i32
      %rem3A_79 = arith.remsi %scan3A_55, %select_n3A_78 : i32
      %ne3A_80 = arith.constant 0 : i32
      %ne3A_81 = arith.cmpi ne, %rem3A_79, %ne3A_80 : i32
      %lt3A_82 = arith.constant 0 : i32
      %lt3A_83 = arith.cmpi slt, %rem3A_79, %lt3A_82 : i32
      %lt3A_84 = arith.constant 0 : i32
      %lt3A_85 = arith.cmpi slt, %select_n3A_78, %lt3A_84 : i32
      %ne3A_86 = arith.xori %lt3A_83, %lt3A_85 : i1
      %and3A_87 = arith.andi %ne3A_86, %ne3A_81 : i1
      %add3A_88 = arith.addi %rem3A_79, %select_n3A_78 : i32
      %select_n3A_89 = arith.select %and3A_87, %add3A_88, %rem3A_79 : i32
      %mul3A_90 = arith.constant 16 : i32
      %mul3A_91 = arith.muli %select_n3A_89, %mul3A_90 : i32
      %swap3A = arith.index_cast %select_n3A_74 : i32 to index
      %swap3A_92 = arith.index_cast %mul3A_91 : i32 to index
      %swap3A_93 = tpu.vector_load %arg9[%swap3A, %swap3A_92] {strides = array<i32>} : memref<128x128xf32, #tpu.memory_space<vmem>>, vector<1x16xf32>,
      %swap3A_94 = vector.shape_cast %swap3A_93 : vector<1x16xf32> to vector<16xf32>
      %swap3A_95 = vector.shape_cast %broadcast_in_dim3A_1 : vector<16xf32> to vector<1x16xf32>
      tpu.vector_store %arg9[%swap3A, %swap3A_92], %swap3A_95 {strides = array<i32>} : memref<128x128xf32, #tpu.memory_space<vmem>>, vector<1x16xf32>,
      %scan3A_96 = arith.constant 0 : i32
      scf.yield %scan3A_96 : i32
    }
    %scan3A_7 = arith.constant 1024 : i32
    %scan3A_8 = arith.constant 0 : i32
    %scan3A_9 = arith.constant 0 : i32
    %scan3A_10 = arith.constant 40 : i32
    %scan3A_11 = arith.addi %scan3A_9, %scan3A_10 : i32
    %scan3A_12 = arith.constant 1 : i32
    %scan3A_13 = scf.for %scan3A_55 = %scan3A_9 to %scan3A_11 step %scan3A_12 iter_args(%scan3A_56 = %scan3A_8) -> (i32)  : i32 {
      %jit3A_57 = arith.constant 8 : i32
      %div3A = arith.divsi %scan3A_55, %jit3A_57 : i32
      %sign3A = arith.constant 0 : i32
      %sign3A_58 = arith.cmpi sgt, %scan3A_55, %sign3A : i32
      %sign3A_59 = arith.extui %sign3A_58 : i1 to i32
      %sign3A_60 = arith.constant 0 : i32
      %sign3A_61 = arith.cmpi slt, %scan3A_55, %sign3A_60 : i32
      %sign3A_62 = arith.extui %sign3A_61 : i1 to i32
      %sign3A_63 = arith.subi %sign3A_59, %sign3A_62 : i32
      %sign3A_64 = arith.constant 0 : i32
      %sign3A_65 = arith.cmpi sgt, %jit3A_57, %sign3A_64 : i32
      %sign3A_66 = arith.extui %sign3A_65 : i1 to i32
      %sign3A_67 = arith.constant 0 : i32
      %sign3A_68 = arith.cmpi slt, %jit3A_57, %sign3A_67 : i32
      %sign3A_69 = arith.extui %sign3A_68 : i1 to i32
      %sign3A_70 = arith.subi %sign3A_66, %sign3A_69 : i32
      %ne3A = arith.cmpi ne, %sign3A_63, %sign3A_70 : i32
      %rem3A = arith.remsi %scan3A_55, %jit3A_57 : i32
      %ne3A_71 = arith.constant 0 : i32
      %ne3A_72 = arith.cmpi ne, %rem3A, %ne3A_71 : i32
      %and3A = arith.andi %ne3A, %ne3A_72 : i1
      %sub3A = arith.constant 1 : i32
      %sub3A_73 = arith.subi %div3A, %sub3A : i32
      %select_n3A_74 = arith.select %and3A, %sub3A_73, %div3A : i32
      %jit3A_75 = arith.constant 8 : i32
      %eq3A = arith.constant 0 : i32
      %eq3A_76 = arith.cmpi eq, %jit3A_75, %eq3A : i32
      %jit3A_77 = arith.constant 1 : i32
      %select_n3A_78 = arith.select %eq3A_76, %jit3A_77, %jit3A_75 : i32
      %rem3A_79 = arith.remsi %scan3A_55, %select_n3A_78 : i32
      %ne3A_80 = arith.constant 0 : i32
      %ne3A_81 = arith.cmpi ne, %rem3A_79, %ne3A_80 : i32
      %lt3A_82 = arith.constant 0 : i32
      %lt3A_83 = arith.cmpi slt, %rem3A_79, %lt3A_82 : i32
      %lt3A_84 = arith.constant 0 : i32
      %lt3A_85 = arith.cmpi slt, %select_n3A_78, %lt3A_84 : i32
      %ne3A_86 = arith.xori %lt3A_83, %lt3A_85 : i1
      %and3A_87 = arith.andi %ne3A_86, %ne3A_81 : i1
      %add3A_88 = arith.addi %rem3A_79, %select_n3A_78 : i32
      %select_n3A_89 = arith.select %and3A_87, %add3A_88, %rem3A_79 : i32
      %iota3A = tpu.iota {dimensions = array<i32: 0>} : vector<16xi32>
      %mul3A_90 = arith.constant 128 : i32
      %mul3A_91 = arith.muli %select_n3A_74, %mul3A_90 : i32
      %add3A_92 = arith.addi %mul3A_0, %mul3A_91 : i32
      %mul3A_93 = arith.constant 16 : i32
      %mul3A_94 = arith.muli %select_n3A_89, %mul3A_93 : i32
      %add3A_95 = arith.addi %add3A_92, %mul3A_94 : i32
      %add3A_96 = vector.broadcast %add3A_95 : i32 to vector<16xi32>
      %add3A_97 = arith.addi %iota3A, %add3A_96 : vector<16xi32>
      %mul3A_98 = arith.constant 16 : i32
      %mul3A_99 = arith.muli %select_n3A_89, %mul3A_98 : i32
      %swap3A = arith.index_cast %select_n3A_74 : i32 to index
      %swap3A_100 = arith.index_cast %mul3A_99 : i32 to index
      %swap3A_101 = tpu.vector_load %arg10[%swap3A, %swap3A_100] {strides = array<i32>} : memref<5x128xi32, #tpu.memory_space<vmem>>, vector<1x16xi32>,
      %swap3A_102 = vector.shape_cast %swap3A_101 : vector<1x16xi32> to vector<16xi32>
      %swap3A_103 = vector.shape_cast %add3A_97 : vector<16xi32> to vector<1x16xi32>
      tpu.vector_store %arg10[%swap3A, %swap3A_100], %swap3A_103 {strides = array<i32>} : memref<5x128xi32, #tpu.memory_space<vmem>>, vector<1x16xi32>,
      %scan3A_104 = arith.constant 0 : i32
      scf.yield %scan3A_104 : i32
    }
    %scan3A_14 = arith.constant 40 : i32
    %run_scoped3A = arith.constant 0 : i32
    "tpu.region"() ({
      %run_scoped3A_55 = tpu.sem_alloc : memref<!tpu.dma_semaphore, #tpu.memory_space<semaphore_mem>>
      %dma_start3A = arith.constant 0 : i32
      %dma_start3A_56 = tpu.memref_slice %arg10[%run_scoped3A, %dma_start3A] : memref<5x128xi32, #tpu.memory_space<vmem>> -> memref<1x128xi32, #tpu.memory_space<vmem>>
      %dma_start3A_57 = tpu.memref_squeeze %dma_start3A_56 : memref<1x128xi32, #tpu.memory_space<vmem>> -> memref<128xi32, #tpu.memory_space<vmem>>
      %dma_start3A_58 = arith.constant 0 : i32
      %dma_start3A_59 = arith.constant 0 : i32
      %dma_start3A_60 = tpu.memref_slice %arg11[%dma_start3A_58, %dma_start3A_59] : memref<10240x128xf32, #tpu.memory_space<vmem_shared>> -> memref<10240x128xf32, #tpu.memory_space<vmem_shared>>
      tpu.enqueue_indirect_dma source(%arg9 : memref<128x128xf32, #tpu.memory_space<vmem>>) target(%dma_start3A_60 : memref<10240x128xf32, #tpu.memory_space<vmem_shared>>) offsets(%dma_start3A_57 : memref<128xi32, #tpu.memory_space<vmem>>) semaphore(%run_scoped3A_55 : memref<!tpu.dma_semaphore, #tpu.memory_space<semaphore_mem>>)
      %dma_wait3A = arith.constant 0 : i32
      %dma_wait3A_61 = tpu.memref_slice %arg10[%run_scoped3A, %dma_wait3A] : memref<5x128xi32, #tpu.memory_space<vmem>> -> memref<1x128xi32, #tpu.memory_space<vmem>>
      %dma_wait3A_62 = tpu.memref_squeeze %dma_wait3A_61 : memref<1x128xi32, #tpu.memory_space<vmem>> -> memref<128xi32, #tpu.memory_space<vmem>>
      %dma_wait3A_63 = arith.constant 0 : i32
      %dma_wait3A_64 = arith.constant 0 : i32
      %dma_wait3A_65 = tpu.memref_slice %arg11[%dma_wait3A_63, %dma_wait3A_64] : memref<10240x128xf32, #tpu.memory_space<vmem_shared>> -> memref<10240x128xf32, #tpu.memory_space<vmem_shared>>
      tpu.wait_indirect_dma semaphore(%run_scoped3A_55 : memref<!tpu.dma_semaphore, #tpu.memory_space<semaphore_mem>>) src(%arg9 : memref<128x128xf32, #tpu.memory_space<vmem>>) dst(%dma_wait3A_65 : memref<10240x128xf32, #tpu.memory_space<vmem_shared>>)
      tpu.yield
    }) : () -> ()
    %run_scoped3A_15 = arith.constant 1 : i32
    "tpu.region"() ({
      %run_scoped3A_55 = tpu.sem_alloc : memref<!tpu.dma_semaphore, #tpu.memory_space<semaphore_mem>>
      %dma_start3A = arith.constant 0 : i32
      %dma_start3A_56 = tpu.memref_slice %arg10[%run_scoped3A_15, %dma_start3A] : memref<5x128xi32, #tpu.memory_space<vmem>> -> memref<1x128xi32, #tpu.memory_space<vmem>>
      %dma_start3A_57 = tpu.memref_squeeze %dma_start3A_56 : memref<1x128xi32, #tpu.memory_space<vmem>> -> memref<128xi32, #tpu.memory_space<vmem>>
      %dma_start3A_58 = arith.constant 0 : i32
      %dma_start3A_59 = arith.constant 0 : i32
      %dma_start3A_60 = tpu.memref_slice %arg11[%dma_start3A_58, %dma_start3A_59] : memref<10240x128xf32, #tpu.memory_space<vmem_shared>> -> memref<10240x128xf32, #tpu.memory_space<vmem_shared>>
      tpu.enqueue_indirect_dma source(%arg9 : memref<128x128xf32, #tpu.memory_space<vmem>>) target(%dma_start3A_60 : memref<10240x128xf32, #tpu.memory_space<vmem_shared>>) offsets(%dma_start3A_57 : memref<128xi32, #tpu.memory_space<vmem>>) semaphore(%run_scoped3A_55 : memref<!tpu.dma_semaphore, #tpu.memory_space<semaphore_mem>>)
      %dma_wait3A = arith.constant 0 : i32
      %dma_wait3A_61 = tpu.memref_slice %arg10[%run_scoped3A_15, %dma_wait3A] : memref<5x128xi32, #tpu.memory_space<vmem>> -> memref<1x128xi32, #tpu.memory_space<vmem>>
      %dma_wait3A_62 = tpu.memref_squeeze %dma_wait3A_61 : memref<1x128xi32, #tpu.memory_space<vmem>> -> memref<128xi32, #tpu.memory_space<vmem>>
      %dma_wait3A_63 = arith.constant 0 : i32
      %dma_wait3A_64 = arith.constant 0 : i32
      %dma_wait3A_65 = tpu.memref_slice %arg11[%dma_wait3A_63, %dma_wait3A_64] : memref<10240x128xf32, #tpu.memory_space<vmem_shared>> -> memref<10240x128xf32, #tpu.memory_space<vmem_shared>>
      tpu.wait_indirect_dma semaphore(%run_scoped3A_55 : memref<!tpu.dma_semaphore, #tpu.memory_space<semaphore_mem>>) src(%arg9 : memref<128x128xf32, #tpu.memory_space<vmem>>) dst(%dma_wait3A_65 : memref<10240x128xf32, #tpu.memory_space<vmem_shared>>)
      tpu.yield
    }) : () -> ()
    %run_scoped3A_16 = arith.constant 2 : i32
    "tpu.region"() ({
      %run_scoped3A_55 = tpu.sem_alloc : memref<!tpu.dma_semaphore, #tpu.memory_space<semaphore_mem>>
      %dma_start3A = arith.constant 0 : i32
      %dma_start3A_56 = tpu.memref_slice %arg10[%run_scoped3A_16, %dma_start3A] : memref<5x128xi32, #tpu.memory_space<vmem>> -> memref<1x128xi32, #tpu.memory_space<vmem>>
      %dma_start3A_57 = tpu.memref_squeeze %dma_start3A_56 : memref<1x128xi32, #tpu.memory_space<vmem>> -> memref<128xi32, #tpu.memory_space<vmem>>
      %dma_start3A_58 = arith.constant 0 : i32
      %dma_start3A_59 = arith.constant 0 : i32
      %dma_start3A_60 = tpu.memref_slice %arg11[%dma_start3A_58, %dma_start3A_59] : memref<10240x128xf32, #tpu.memory_space<vmem_shared>> -> memref<10240x128xf32, #tpu.memory_space<vmem_shared>>
      tpu.enqueue_indirect_dma source(%arg9 : memref<128x128xf32, #tpu.memory_space<vmem>>) target(%dma_start3A_60 : memref<10240x128xf32, #tpu.memory_space<vmem_shared>>) offsets(%dma_start3A_57 : memref<128xi32, #tpu.memory_space<vmem>>) semaphore(%run_scoped3A_55 : memref<!tpu.dma_semaphore, #tpu.memory_space<semaphore_mem>>)
      %dma_wait3A = arith.constant 0 : i32
      %dma_wait3A_61 = tpu.memref_slice %arg10[%run_scoped3A_16, %dma_wait3A] : memref<5x128xi32, #tpu.memory_space<vmem>> -> memref<1x128xi32, #tpu.memory_space<vmem>>
      %dma_wait3A_62 = tpu.memref_squeeze %dma_wait3A_61 : memref<1x128xi32, #tpu.memory_space<vmem>> -> memref<128xi32, #tpu.memory_space<vmem>>
      %dma_wait3A_63 = arith.constant 0 : i32
      %dma_wait3A_64 = arith.constant 0 : i32
      %dma_wait3A_65 = tpu.memref_slice %arg11[%dma_wait3A_63, %dma_wait3A_64] : memref<10240x128xf32, #tpu.memory_space<vmem_shared>> -> memref<10240x128xf32, #tpu.memory_space<vmem_shared>>
      tpu.wait_indirect_dma semaphore(%run_scoped3A_55 : memref<!tpu.dma_semaphore, #tpu.memory_space<semaphore_mem>>) src(%arg9 : memref<128x128xf32, #tpu.memory_space<vmem>>) dst(%dma_wait3A_65 : memref<10240x128xf32, #tpu.memory_space<vmem_shared>>)
      tpu.yield
    }) : () -> ()
    %run_scoped3A_17 = arith.constant 3 : i32
    "tpu.region"() ({
      %run_scoped3A_55 = tpu.sem_alloc : memref<!tpu.dma_semaphore, #tpu.memory_space<semaphore_mem>>
      %dma_start3A = arith.constant 0 : i32
      %dma_start3A_56 = tpu.memref_slice %arg10[%run_scoped3A_17, %dma_start3A] : memref<5x128xi32, #tpu.memory_space<vmem>> -> memref<1x128xi32, #tpu.memory_space<vmem>>
      %dma_start3A_57 = tpu.memref_squeeze %dma_start3A_56 : memref<1x128xi32, #tpu.memory_space<vmem>> -> memref<128xi32, #tpu.memory_space<vmem>>
      %dma_start3A_58 = arith.constant 0 : i32
      %dma_start3A_59 = arith.constant 0 : i32
      %dma_start3A_60 = tpu.memref_slice %arg11[%dma_start3A_58, %dma_start3A_59] : memref<10240x128xf32, #tpu.memory_space<vmem_shared>> -> memref<10240x128xf32, #tpu.memory_space<vmem_shared>>
      tpu.enqueue_indirect_dma source(%arg9 : memref<128x128xf32, #tpu.memory_space<vmem>>) target(%dma_start3A_60 : memref<10240x128xf32, #tpu.memory_space<vmem_shared>>) offsets(%dma_start3A_57 : memref<128xi32, #tpu.memory_space<vmem>>) semaphore(%run_scoped3A_55 : memref<!tpu.dma_semaphore, #tpu.memory_space<semaphore_mem>>)
      %dma_wait3A = arith.constant 0 : i32
      %dma_wait3A_61 = tpu.memref_slice %arg10[%run_scoped3A_17, %dma_wait3A] : memref<5x128xi32, #tpu.memory_space<vmem>> -> memref<1x128xi32, #tpu.memory_space<vmem>>
      %dma_wait3A_62 = tpu.memref_squeeze %dma_wait3A_61 : memref<1x128xi32, #tpu.memory_space<vmem>> -> memref<128xi32, #tpu.memory_space<vmem>>
      %dma_wait3A_63 = arith.constant 0 : i32
      %dma_wait3A_64 = arith.constant 0 : i32
      %dma_wait3A_65 = tpu.memref_slice %arg11[%dma_wait3A_63, %dma_wait3A_64] : memref<10240x128xf32, #tpu.memory_space<vmem_shared>> -> memref<10240x128xf32, #tpu.memory_space<vmem_shared>>
      tpu.wait_indirect_dma semaphore(%run_scoped3A_55 : memref<!tpu.dma_semaphore, #tpu.memory_space<semaphore_mem>>) src(%arg9 : memref<128x128xf32, #tpu.memory_space<vmem>>) dst(%dma_wait3A_65 : memref<10240x128xf32, #tpu.memory_space<vmem_shared>>)
      tpu.yield
    }) : () -> ()
    %run_scoped3A_18 = arith.constant 4 : i32
    "tpu.region"() ({
      %run_scoped3A_55 = tpu.sem_alloc : memref<!tpu.dma_semaphore, #tpu.memory_space<semaphore_mem>>
      %dma_start3A = arith.constant 0 : i32
      %dma_start3A_56 = tpu.memref_slice %arg10[%run_scoped3A_18, %dma_start3A] : memref<5x128xi32, #tpu.memory_space<vmem>> -> memref<1x128xi32, #tpu.memory_space<vmem>>
      %dma_start3A_57 = tpu.memref_squeeze %dma_start3A_56 : memref<1x128xi32, #tpu.memory_space<vmem>> -> memref<128xi32, #tpu.memory_space<vmem>>
      %dma_start3A_58 = arith.constant 0 : i32
      %dma_start3A_59 = arith.constant 0 : i32
      %dma_start3A_60 = tpu.memref_slice %arg11[%dma_start3A_58, %dma_start3A_59] : memref<10240x128xf32, #tpu.memory_space<vmem_shared>> -> memref<10240x128xf32, #tpu.memory_space<vmem_shared>>
      tpu.enqueue_indirect_dma source(%arg9 : memref<128x128xf32, #tpu.memory_space<vmem>>) target(%dma_start3A_60 : memref<10240x128xf32, #tpu.memory_space<vmem_shared>>) offsets(%dma_start3A_57 : memref<128xi32, #tpu.memory_space<vmem>>) semaphore(%run_scoped3A_55 : memref<!tpu.dma_semaphore, #tpu.memory_space<semaphore_mem>>)
      %dma_wait3A = arith.constant 0 : i32
      %dma_wait3A_61 = tpu.memref_slice %arg10[%run_scoped3A_18, %dma_wait3A] : memref<5x128xi32, #tpu.memory_space<vmem>> -> memref<1x128xi32, #tpu.memory_space<vmem>>
      %dma_wait3A_62 = tpu.memref_squeeze %dma_wait3A_61 : memref<1x128xi32, #tpu.memory_space<vmem>> -> memref<128xi32, #tpu.memory_space<vmem>>
      %dma_wait3A_63 = arith.constant 0 : i32
      %dma_wait3A_64 = arith.constant 0 : i32
      %dma_wait3A_65 = tpu.memref_slice %arg11[%dma_wait3A_63, %dma_wait3A_64] : memref<10240x128xf32, #tpu.memory_space<vmem_shared>> -> memref<10240x128xf32, #tpu.memory_space<vmem_shared>>
      tpu.wait_indirect_dma semaphore(%run_scoped3A_55 : memref<!tpu.dma_semaphore, #tpu.memory_space<semaphore_mem>>) src(%arg9 : memref<128x128xf32, #tpu.memory_space<vmem>>) dst(%dma_wait3A_65 : memref<10240x128xf32, #tpu.memory_space<vmem_shared>>)
      tpu.yield
    }) : () -> ()
    %barrier3A = arith.constant 0 : index
    tpu.barrier barrier_id(%barrier3A)
    %mul3A_19 = arith.constant 156 : i32
    %mul3A_20 = arith.muli %arg1, %mul3A_19 : i32
    %min3A = arith.constant 4 : i32
    %min3A_21 = arith.minsi %arg1, %min3A : i32
    %add3A = arith.addi %mul3A_20, %min3A_21 : i32
    %lt3A = arith.constant 4 : i32
    %lt3A_22 = arith.cmpi slt, %arg1, %lt3A : i32
    %jit3A = arith.constant 1 : i32
    %jit3A_23 = arith.constant 0 : i32
    %select_n3A = arith.select %lt3A_22, %jit3A, %jit3A_23 : i32
    %add3A_24 = arith.constant 156 : i32
    %add3A_25 = arith.addi %add3A_24, %select_n3A : i32
    %mul3A_26 = arith.constant 10000 : i32
    %mul3A_27 = arith.muli %arg0, %mul3A_26 : i32
    %add3A_28 = arith.addi %add3A, %add3A_25 : i32
    %while3A = arith.constant 0 : i32
    %while3A_29 = arith.subi %add3A_28, %add3A : i32
    %while3A_30 = arith.addi %add3A, %while3A_29 : i32
    %while3A_31 = arith.constant 1 : i32
    %while3A_32 = arith.divsi %while3A_29, %while3A_31 : i32
    %while3A_33 = arith.muli %while3A_32, %while3A_31 : i32
    %while3A_34 = arith.addi %add3A, %while3A_33 : i32
    %while3A_35 = arith.constant 1 : i32
    %while3A_36 = scf.for %while3A_55 = %add3A to %while3A_34 step %while3A_35 iter_args(%while3A_56 = %while3A) -> (i32)  : i32 {
      %mul3A_57 = arith.constant 128 : i32
      %mul3A_58 = arith.muli %while3A_55, %mul3A_57 : i32
      %multiple_of3A = tpu.assume_multiple %mul3A_58, 8 : i32
      "tpu.region"() ({
        %run_scoped3A_136 = tpu.sem_alloc : memref<!tpu.dma_semaphore, #tpu.memory_space<semaphore_mem>>
        %dma_start3A_137 = tpu.memref_slice %arg2[%multiple_of3A] : memref<320000xi32, #tpu.memory_space<hbm>> -> memref<128xi32, #tpu.memory_space<hbm>>
        %dma_start3A_138 = tpu.memref_slice %arg2[%multiple_of3A] : memref<320000xi32, #tpu.memory_space<hbm>> -> memref<128xi32, #tpu.memory_space<hbm>>
        tpu.enqueue_dma source(%dma_start3A_138 : memref<128xi32, #tpu.memory_space<hbm>>) target(%arg6 : memref<128xi32, #tpu.memory_space<vmem>>) target_semaphore(%run_scoped3A_136 : memref<!tpu.dma_semaphore, #tpu.memory_space<semaphore_mem>>)
        %dma_wait3A_139 = tpu.memref_slice %arg2[%multiple_of3A] : memref<320000xi32, #tpu.memory_space<hbm>> -> memref<128xi32, #tpu.memory_space<hbm>>
        %dma_wait3A_140 = tpu.memref_slice %arg2[%multiple_of3A] : memref<320000xi32, #tpu.memory_space<hbm>> -> memref<128xi32, #tpu.memory_space<hbm>>
        tpu.wait_dma2 semaphore(%run_scoped3A_136 : memref<!tpu.dma_semaphore, #tpu.memory_space<semaphore_mem>>) src(%dma_wait3A_140 : memref<128xi32, #tpu.memory_space<hbm>>) dst(%arg6 : memref<128xi32, #tpu.memory_space<vmem>>)
        tpu.yield
      }) : () -> ()
      %run_scoped3A_59 = arith.constant 0 : i32
      "tpu.region"() ({
        %run_scoped3A_136 = tpu.sem_alloc : memref<!tpu.dma_semaphore, #tpu.memory_space<semaphore_mem>>
        %dma_start3A_137 = arith.constant 0 : i32
        %dma_start3A_138 = tpu.memref_slice %arg7[%run_scoped3A_59, %dma_start3A_137] : memref<1x128xi32, #tpu.memory_space<vmem>> -> memref<1x128xi32, #tpu.memory_space<vmem>>
        %dma_start3A_139 = tpu.memref_squeeze %dma_start3A_138 : memref<1x128xi32, #tpu.memory_space<vmem>> -> memref<128xi32, #tpu.memory_space<vmem>>
        %dma_start3A_140 = tpu.memref_slice %arg3[%multiple_of3A] : memref<320000xi32, #tpu.memory_space<hbm>> -> memref<128xi32, #tpu.memory_space<hbm>>
        %dma_start3A_141 = arith.constant 0 : i32
        %dma_start3A_142 = tpu.memref_slice %arg7[%run_scoped3A_59, %dma_start3A_141] : memref<1x128xi32, #tpu.memory_space<vmem>> -> memref<1x128xi32, #tpu.memory_space<vmem>>
        %dma_start3A_143 = tpu.memref_squeeze %dma_start3A_142 : memref<1x128xi32, #tpu.memory_space<vmem>> -> memref<128xi32, #tpu.memory_space<vmem>>
        %dma_start3A_144 = tpu.memref_slice %arg3[%multiple_of3A] : memref<320000xi32, #tpu.memory_space<hbm>> -> memref<128xi32, #tpu.memory_space<hbm>>
        tpu.enqueue_dma source(%dma_start3A_144 : memref<128xi32, #tpu.memory_space<hbm>>) target(%dma_start3A_143 : memref<128xi32, #tpu.memory_space<vmem>>) target_semaphore(%run_scoped3A_136 : memref<!tpu.dma_semaphore, #tpu.memory_space<semaphore_mem>>)
        %dma_wait3A_145 = arith.constant 0 : i32
        %dma_wait3A_146 = tpu.memref_slice %arg7[%run_scoped3A_59, %dma_wait3A_145] : memref<1x128xi32, #tpu.memory_space<vmem>> -> memref<1x128xi32, #tpu.memory_space<vmem>>
        %dma_wait3A_147 = tpu.memref_squeeze %dma_wait3A_146 : memref<1x128xi32, #tpu.memory_space<vmem>> -> memref<128xi32, #tpu.memory_space<vmem>>
        %dma_wait3A_148 = tpu.memref_slice %arg3[%multiple_of3A] : memref<320000xi32, #tpu.memory_space<hbm>> -> memref<128xi32, #tpu.memory_space<hbm>>
        %dma_wait3A_149 = arith.constant 0 : i32
        %dma_wait3A_150 = tpu.memref_slice %arg7[%run_scoped3A_59, %dma_wait3A_149] : memref<1x128xi32, #tpu.memory_space<vmem>> -> memref<1x128xi32, #tpu.memory_space<vmem>>
        %dma_wait3A_151 = tpu.memref_squeeze %dma_wait3A_150 : memref<1x128xi32, #tpu.memory_space<vmem>> -> memref<128xi32, #tpu.memory_space<vmem>>
        %dma_wait3A_152 = tpu.memref_slice %arg3[%multiple_of3A] : memref<320000xi32, #tpu.memory_space<hbm>> -> memref<128xi32, #tpu.memory_space<hbm>>
        tpu.wait_dma2 semaphore(%run_scoped3A_136 : memref<!tpu.dma_semaphore, #tpu.memory_space<semaphore_mem>>) src(%dma_wait3A_152 : memref<128xi32, #tpu.memory_space<hbm>>) dst(%dma_wait3A_151 : memref<128xi32, #tpu.memory_space<vmem>>)
        tpu.yield
      }) : () -> ()
      %get3A = arith.constant 0 : index
      %get3A_60 = tpu.vector_load %arg6[%get3A] {strides = array<i32>} : memref<128xi32, #tpu.memory_space<vmem>>, vector<16xi32>,
      %get3A_61 = vector.shape_cast %get3A_60 : vector<16xi32> to vector<16xi32>
      %add3A_62 = vector.broadcast %mul3A_27 : i32 to vector<16xi32>
      %add3A_63 = arith.addi %get3A_61, %add3A_62 : vector<16xi32>
      %swap3A = arith.constant 0 : index
      %swap3A_64 = tpu.vector_load %arg6[%swap3A] {strides = array<i32>} : memref<128xi32, #tpu.memory_space<vmem>>, vector<16xi32>,
      %swap3A_65 = vector.shape_cast %swap3A_64 : vector<16xi32> to vector<16xi32>
      %swap3A_66 = vector.shape_cast %add3A_63 : vector<16xi32> to vector<16xi32>
      tpu.vector_store %arg6[%swap3A], %swap3A_66 {strides = array<i32>} : memref<128xi32, #tpu.memory_space<vmem>>, vector<16xi32>,
      %get3A_67 = arith.constant 16 : index
      %get3A_68 = tpu.vector_load %arg6[%get3A_67] {strides = array<i32>} : memref<128xi32, #tpu.memory_space<vmem>>, vector<16xi32>,
      %get3A_69 = vector.shape_cast %get3A_68 : vector<16xi32> to vector<16xi32>
      %add3A_70 = vector.broadcast %mul3A_27 : i32 to vector<16xi32>
      %add3A_71 = arith.addi %get3A_69, %add3A_70 : vector<16xi32>
      %swap3A_72 = arith.constant 16 : index
      %swap3A_73 = tpu.vector_load %arg6[%swap3A_72] {strides = array<i32>} : memref<128xi32, #tpu.memory_space<vmem>>, vector<16xi32>,
      %swap3A_74 = vector.shape_cast %swap3A_73 : vector<16xi32> to vector<16xi32>
      %swap3A_75 = vector.shape_cast %add3A_71 : vector<16xi32> to vector<16xi32>
      tpu.vector_store %arg6[%swap3A_72], %swap3A_75 {strides = array<i32>} : memref<128xi32, #tpu.memory_space<vmem>>, vector<16xi32>,
      %get3A_76 = arith.constant 32 : index
      %get3A_77 = tpu.vector_load %arg6[%get3A_76] {strides = array<i32>} : memref<128xi32, #tpu.memory_space<vmem>>, vector<16xi32>,
      %get3A_78 = vector.shape_cast %get3A_77 : vector<16xi32> to vector<16xi32>
      %add3A_79 = vector.broadcast %mul3A_27 : i32 to vector<16xi32>
      %add3A_80 = arith.addi %get3A_78, %add3A_79 : vector<16xi32>
      %swap3A_81 = arith.constant 32 : index
      %swap3A_82 = tpu.vector_load %arg6[%swap3A_81] {strides = array<i32>} : memref<128xi32, #tpu.memory_space<vmem>>, vector<16xi32>,
      %swap3A_83 = vector.shape_cast %swap3A_82 : vector<16xi32> to vector<16xi32>
      %swap3A_84 = vector.shape_cast %add3A_80 : vector<16xi32> to vector<16xi32>
      tpu.vector_store %arg6[%swap3A_81], %swap3A_84 {strides = array<i32>} : memref<128xi32, #tpu.memory_space<vmem>>, vector<16xi32>,
      %get3A_85 = arith.constant 48 : index
      %get3A_86 = tpu.vector_load %arg6[%get3A_85] {strides = array<i32>} : memref<128xi32, #tpu.memory_space<vmem>>, vector<16xi32>,
      %get3A_87 = vector.shape_cast %get3A_86 : vector<16xi32> to vector<16xi32>
      %add3A_88 = vector.broadcast %mul3A_27 : i32 to vector<16xi32>
      %add3A_89 = arith.addi %get3A_87, %add3A_88 : vector<16xi32>
      %swap3A_90 = arith.constant 48 : index
      %swap3A_91 = tpu.vector_load %arg6[%swap3A_90] {strides = array<i32>} : memref<128xi32, #tpu.memory_space<vmem>>, vector<16xi32>,
      %swap3A_92 = vector.shape_cast %swap3A_91 : vector<16xi32> to vector<16xi32>
      %swap3A_93 = vector.shape_cast %add3A_89 : vector<16xi32> to vector<16xi32>
      tpu.vector_store %arg6[%swap3A_90], %swap3A_93 {strides = array<i32>} : memref<128xi32, #tpu.memory_space<vmem>>, vector<16xi32>,
      %get3A_94 = arith.constant 64 : index
      %get3A_95 = tpu.vector_load %arg6[%get3A_94] {strides = array<i32>} : memref<128xi32, #tpu.memory_space<vmem>>, vector<16xi32>,
      %get3A_96 = vector.shape_cast %get3A_95 : vector<16xi32> to vector<16xi32>
      %add3A_97 = vector.broadcast %mul3A_27 : i32 to vector<16xi32>
      %add3A_98 = arith.addi %get3A_96, %add3A_97 : vector<16xi32>
      %swap3A_99 = arith.constant 64 : index
      %swap3A_100 = tpu.vector_load %arg6[%swap3A_99] {strides = array<i32>} : memref<128xi32, #tpu.memory_space<vmem>>, vector<16xi32>,
      %swap3A_101 = vector.shape_cast %swap3A_100 : vector<16xi32> to vector<16xi32>
      %swap3A_102 = vector.shape_cast %add3A_98 : vector<16xi32> to vector<16xi32>
      tpu.vector_store %arg6[%swap3A_99], %swap3A_102 {strides = array<i32>} : memref<128xi32, #tpu.memory_space<vmem>>, vector<16xi32>,
      %get3A_103 = arith.constant 80 : index
      %get3A_104 = tpu.vector_load %arg6[%get3A_103] {strides = array<i32>} : memref<128xi32, #tpu.memory_space<vmem>>, vector<16xi32>,
      %get3A_105 = vector.shape_cast %get3A_104 : vector<16xi32> to vector<16xi32>
      %add3A_106 = vector.broadcast %mul3A_27 : i32 to vector<16xi32>
      %add3A_107 = arith.addi %get3A_105, %add3A_106 : vector<16xi32>
      %swap3A_108 = arith.constant 80 : index
      %swap3A_109 = tpu.vector_load %arg6[%swap3A_108] {strides = array<i32>} : memref<128xi32, #tpu.memory_space<vmem>>, vector<16xi32>,
      %swap3A_110 = vector.shape_cast %swap3A_109 : vector<16xi32> to vector<16xi32>
      %swap3A_111 = vector.shape_cast %add3A_107 : vector<16xi32> to vector<16xi32>
      tpu.vector_store %arg6[%swap3A_108], %swap3A_111 {strides = array<i32>} : memref<128xi32, #tpu.memory_space<vmem>>, vector<16xi32>,
      %get3A_112 = arith.constant 96 : index
      %get3A_113 = tpu.vector_load %arg6[%get3A_112] {strides = array<i32>} : memref<128xi32, #tpu.memory_space<vmem>>, vector<16xi32>,
      %get3A_114 = vector.shape_cast %get3A_113 : vector<16xi32> to vector<16xi32>
      %add3A_115 = vector.broadcast %mul3A_27 : i32 to vector<16xi32>
      %add3A_116 = arith.addi %get3A_114, %add3A_115 : vector<16xi32>
      %swap3A_117 = arith.constant 96 : index
      %swap3A_118 = tpu.vector_load %arg6[%swap3A_117] {strides = array<i32>} : memref<128xi32, #tpu.memory_space<vmem>>, vector<16xi32>,
      %swap3A_119 = vector.shape_cast %swap3A_118 : vector<16xi32> to vector<16xi32>
      %swap3A_120 = vector.shape_cast %add3A_116 : vector<16xi32> to vector<16xi32>
      tpu.vector_store %arg6[%swap3A_117], %swap3A_120 {strides = array<i32>} : memref<128xi32, #tpu.memory_space<vmem>>, vector<16xi32>,
      %get3A_121 = arith.constant 112 : index
      %get3A_122 = tpu.vector_load %arg6[%get3A_121] {strides = array<i32>} : memref<128xi32, #tpu.memory_space<vmem>>, vector<16xi32>,
      %get3A_123 = vector.shape_cast %get3A_122 : vector<16xi32> to vector<16xi32>
      %add3A_124 = vector.broadcast %mul3A_27 : i32 to vector<16xi32>
      %add3A_125 = arith.addi %get3A_123, %add3A_124 : vector<16xi32>
      %swap3A_126 = arith.constant 112 : index
      %swap3A_127 = tpu.vector_load %arg6[%swap3A_126] {strides = array<i32>} : memref<128xi32, #tpu.memory_space<vmem>>, vector<16xi32>,
      %swap3A_128 = vector.shape_cast %swap3A_127 : vector<16xi32> to vector<16xi32>
      %swap3A_129 = vector.shape_cast %add3A_125 : vector<16xi32> to vector<16xi32>
      tpu.vector_store %arg6[%swap3A_126], %swap3A_129 {strides = array<i32>} : memref<128xi32, #tpu.memory_space<vmem>>, vector<16xi32>,
      %dma_start3A = arith.constant 0 : i32
      %dma_start3A_130 = arith.constant 0 : i32
      %dma_start3A_131 = tpu.memref_slice %arg4[%dma_start3A, %dma_start3A_130] : memref<20000x128xf32, #tpu.memory_space<hbm>> -> memref<20000x128xf32, #tpu.memory_space<hbm>>
      tpu.enqueue_indirect_dma source(%dma_start3A_131 : memref<20000x128xf32, #tpu.memory_space<hbm>>) target(%arg8 : memref<128x128xf32, #tpu.memory_space<vmem>>) offsets(%arg6 : memref<128xi32, #tpu.memory_space<vmem>>) semaphore(%arg12 : memref<!tpu.dma_semaphore, #tpu.memory_space<semaphore_mem>>)
      %dma_wait3A = arith.constant 0 : i32
      %dma_wait3A_132 = arith.constant 0 : i32
      %dma_wait3A_133 = tpu.memref_slice %arg4[%dma_wait3A, %dma_wait3A_132] : memref<20000x128xf32, #tpu.memory_space<hbm>> -> memref<20000x128xf32, #tpu.memory_space<hbm>>
      tpu.wait_indirect_dma semaphore(%arg12 : memref<!tpu.dma_semaphore, #tpu.memory_space<semaphore_mem>>) src(%dma_wait3A_133 : memref<20000x128xf32, #tpu.memory_space<hbm>>) dst(%arg8 : memref<128x128xf32, #tpu.memory_space<vmem>>)
      %run_scoped3A_134 = arith.constant 0 : i32
      "tpu.region"() ({
        %run_scoped3A_136 = tpu.sem_alloc : memref<!tpu.dma_semaphore, #tpu.memory_space<semaphore_mem>>
        %dma_start3A_137 = arith.constant 0 : i32
        %dma_start3A_138 = tpu.memref_slice %arg7[%run_scoped3A_134, %dma_start3A_137] : memref<1x128xi32, #tpu.memory_space<vmem>> -> memref<1x128xi32, #tpu.memory_space<vmem>>
        %dma_start3A_139 = tpu.memref_squeeze %dma_start3A_138 : memref<1x128xi32, #tpu.memory_space<vmem>> -> memref<128xi32, #tpu.memory_space<vmem>>
        %dma_start3A_140 = arith.constant 0 : i32
        %dma_start3A_141 = arith.constant 0 : i32
        %dma_start3A_142 = tpu.memref_slice %arg11[%dma_start3A_140, %dma_start3A_141] : memref<10240x128xf32, #tpu.memory_space<vmem_shared>> -> memref<10240x128xf32, #tpu.memory_space<vmem_shared>>
        tpu.enqueue_indirect_dma source(%arg8 : memref<128x128xf32, #tpu.memory_space<vmem>>) target(%dma_start3A_142 : memref<10240x128xf32, #tpu.memory_space<vmem_shared>>) offsets(%dma_start3A_139 : memref<128xi32, #tpu.memory_space<vmem>>) semaphore(%run_scoped3A_136 : memref<!tpu.dma_semaphore, #tpu.memory_space<semaphore_mem>>) {add = true}
        %dma_wait3A_143 = arith.constant 0 : i32
        %dma_wait3A_144 = tpu.memref_slice %arg7[%run_scoped3A_134, %dma_wait3A_143] : memref<1x128xi32, #tpu.memory_space<vmem>> -> memref<1x128xi32, #tpu.memory_space<vmem>>
        %dma_wait3A_145 = tpu.memref_squeeze %dma_wait3A_144 : memref<1x128xi32, #tpu.memory_space<vmem>> -> memref<128xi32, #tpu.memory_space<vmem>>
        %dma_wait3A_146 = arith.constant 0 : i32
        %dma_wait3A_147 = arith.constant 0 : i32
        %dma_wait3A_148 = tpu.memref_slice %arg11[%dma_wait3A_146, %dma_wait3A_147] : memref<10240x128xf32, #tpu.memory_space<vmem_shared>> -> memref<10240x128xf32, #tpu.memory_space<vmem_shared>>
        tpu.wait_indirect_dma semaphore(%run_scoped3A_136 : memref<!tpu.dma_semaphore, #tpu.memory_space<semaphore_mem>>) src(%arg8 : memref<128x128xf32, #tpu.memory_space<vmem>>) dst(%dma_wait3A_148 : memref<10240x128xf32, #tpu.memory_space<vmem_shared>>)
        tpu.yield
      }) : () -> ()
      %while3A_135 = arith.constant 0 : i32
      scf.yield %while3A_135 : i32
    }
    %while3A_37 = arith.constant 1 : i32
    %while3A_38 = scf.for %while3A_55 = %while3A_34 to %while3A_30 step %while3A_37 iter_args(%while3A_56 = %while3A_36) -> (i32)  : i32 {
      %mul3A_57 = arith.constant 128 : i32
      %mul3A_58 = arith.muli %while3A_55, %mul3A_57 : i32
      %multiple_of3A = tpu.assume_multiple %mul3A_58, 8 : i32
      "tpu.region"() ({
        %run_scoped3A_136 = tpu.sem_alloc : memref<!tpu.dma_semaphore, #tpu.memory_space<semaphore_mem>>
        %dma_start3A_137 = tpu.memref_slice %arg2[%multiple_of3A] : memref<320000xi32, #tpu.memory_space<hbm>> -> memref<128xi32, #tpu.memory_space<hbm>>
        %dma_start3A_138 = tpu.memref_slice %arg2[%multiple_of3A] : memref<320000xi32, #tpu.memory_space<hbm>> -> memref<128xi32, #tpu.memory_space<hbm>>
        tpu.enqueue_dma source(%dma_start3A_138 : memref<128xi32, #tpu.memory_space<hbm>>) target(%arg6 : memref<128xi32, #tpu.memory_space<vmem>>) target_semaphore(%run_scoped3A_136 : memref<!tpu.dma_semaphore, #tpu.memory_space<semaphore_mem>>)
        %dma_wait3A_139 = tpu.memref_slice %arg2[%multiple_of3A] : memref<320000xi32, #tpu.memory_space<hbm>> -> memref<128xi32, #tpu.memory_space<hbm>>
        %dma_wait3A_140 = tpu.memref_slice %arg2[%multiple_of3A] : memref<320000xi32, #tpu.memory_space<hbm>> -> memref<128xi32, #tpu.memory_space<hbm>>
        tpu.wait_dma2 semaphore(%run_scoped3A_136 : memref<!tpu.dma_semaphore, #tpu.memory_space<semaphore_mem>>) src(%dma_wait3A_140 : memref<128xi32, #tpu.memory_space<hbm>>) dst(%arg6 : memref<128xi32, #tpu.memory_space<vmem>>)
        tpu.yield
      }) : () -> ()
      %run_scoped3A_59 = arith.constant 0 : i32
      "tpu.region"() ({
        %run_scoped3A_136 = tpu.sem_alloc : memref<!tpu.dma_semaphore, #tpu.memory_space<semaphore_mem>>
        %dma_start3A_137 = arith.constant 0 : i32
        %dma_start3A_138 = tpu.memref_slice %arg7[%run_scoped3A_59, %dma_start3A_137] : memref<1x128xi32, #tpu.memory_space<vmem>> -> memref<1x128xi32, #tpu.memory_space<vmem>>
        %dma_start3A_139 = tpu.memref_squeeze %dma_start3A_138 : memref<1x128xi32, #tpu.memory_space<vmem>> -> memref<128xi32, #tpu.memory_space<vmem>>
        %dma_start3A_140 = tpu.memref_slice %arg3[%multiple_of3A] : memref<320000xi32, #tpu.memory_space<hbm>> -> memref<128xi32, #tpu.memory_space<hbm>>
        %dma_start3A_141 = arith.constant 0 : i32
        %dma_start3A_142 = tpu.memref_slice %arg7[%run_scoped3A_59, %dma_start3A_141] : memref<1x128xi32, #tpu.memory_space<vmem>> -> memref<1x128xi32, #tpu.memory_space<vmem>>
        %dma_start3A_143 = tpu.memref_squeeze %dma_start3A_142 : memref<1x128xi32, #tpu.memory_space<vmem>> -> memref<128xi32, #tpu.memory_space<vmem>>
        %dma_start3A_144 = tpu.memref_slice %arg3[%multiple_of3A] : memref<320000xi32, #tpu.memory_space<hbm>> -> memref<128xi32, #tpu.memory_space<hbm>>
        tpu.enqueue_dma source(%dma_start3A_144 : memref<128xi32, #tpu.memory_space<hbm>>) target(%dma_start3A_143 : memref<128xi32, #tpu.memory_space<vmem>>) target_semaphore(%run_scoped3A_136 : memref<!tpu.dma_semaphore, #tpu.memory_space<semaphore_mem>>)
        %dma_wait3A_145 = arith.constant 0 : i32
        %dma_wait3A_146 = tpu.memref_slice %arg7[%run_scoped3A_59, %dma_wait3A_145] : memref<1x128xi32, #tpu.memory_space<vmem>> -> memref<1x128xi32, #tpu.memory_space<vmem>>
        %dma_wait3A_147 = tpu.memref_squeeze %dma_wait3A_146 : memref<1x128xi32, #tpu.memory_space<vmem>> -> memref<128xi32, #tpu.memory_space<vmem>>
        %dma_wait3A_148 = tpu.memref_slice %arg3[%multiple_of3A] : memref<320000xi32, #tpu.memory_space<hbm>> -> memref<128xi32, #tpu.memory_space<hbm>>
        %dma_wait3A_149 = arith.constant 0 : i32
        %dma_wait3A_150 = tpu.memref_slice %arg7[%run_scoped3A_59, %dma_wait3A_149] : memref<1x128xi32, #tpu.memory_space<vmem>> -> memref<1x128xi32, #tpu.memory_space<vmem>>
        %dma_wait3A_151 = tpu.memref_squeeze %dma_wait3A_150 : memref<1x128xi32, #tpu.memory_space<vmem>> -> memref<128xi32, #tpu.memory_space<vmem>>
        %dma_wait3A_152 = tpu.memref_slice %arg3[%multiple_of3A] : memref<320000xi32, #tpu.memory_space<hbm>> -> memref<128xi32, #tpu.memory_space<hbm>>
        tpu.wait_dma2 semaphore(%run_scoped3A_136 : memref<!tpu.dma_semaphore, #tpu.memory_space<semaphore_mem>>) src(%dma_wait3A_152 : memref<128xi32, #tpu.memory_space<hbm>>) dst(%dma_wait3A_151 : memref<128xi32, #tpu.memory_space<vmem>>)
        tpu.yield
      }) : () -> ()
      %get3A = arith.constant 0 : index
      %get3A_60 = tpu.vector_load %arg6[%get3A] {strides = array<i32>} : memref<128xi32, #tpu.memory_space<vmem>>, vector<16xi32>,
      %get3A_61 = vector.shape_cast %get3A_60 : vector<16xi32> to vector<16xi32>
      %add3A_62 = vector.broadcast %mul3A_27 : i32 to vector<16xi32>
      %add3A_63 = arith.addi %get3A_61, %add3A_62 : vector<16xi32>
      %swap3A = arith.constant 0 : index
      %swap3A_64 = tpu.vector_load %arg6[%swap3A] {strides = array<i32>} : memref<128xi32, #tpu.memory_space<vmem>>, vector<16xi32>,
      %swap3A_65 = vector.shape_cast %swap3A_64 : vector<16xi32> to vector<16xi32>
      %swap3A_66 = vector.shape_cast %add3A_63 : vector<16xi32> to vector<16xi32>
      tpu.vector_store %arg6[%swap3A], %swap3A_66 {strides = array<i32>} : memref<128xi32, #tpu.memory_space<vmem>>, vector<16xi32>,
      %get3A_67 = arith.constant 16 : index
      %get3A_68 = tpu.vector_load %arg6[%get3A_67] {strides = array<i32>} : memref<128xi32, #tpu.memory_space<vmem>>, vector<16xi32>,
      %get3A_69 = vector.shape_cast %get3A_68 : vector<16xi32> to vector<16xi32>
      %add3A_70 = vector.broadcast %mul3A_27 : i32 to vector<16xi32>
      %add3A_71 = arith.addi %get3A_69, %add3A_70 : vector<16xi32>
      %swap3A_72 = arith.constant 16 : index
      %swap3A_73 = tpu.vector_load %arg6[%swap3A_72] {strides = array<i32>} : memref<128xi32, #tpu.memory_space<vmem>>, vector<16xi32>,
      %swap3A_74 = vector.shape_cast %swap3A_73 : vector<16xi32> to vector<16xi32>
      %swap3A_75 = vector.shape_cast %add3A_71 : vector<16xi32> to vector<16xi32>
      tpu.vector_store %arg6[%swap3A_72], %swap3A_75 {strides = array<i32>} : memref<128xi32, #tpu.memory_space<vmem>>, vector<16xi32>,
      %get3A_76 = arith.constant 32 : index
      %get3A_77 = tpu.vector_load %arg6[%get3A_76] {strides = array<i32>} : memref<128xi32, #tpu.memory_space<vmem>>, vector<16xi32>,
      %get3A_78 = vector.shape_cast %get3A_77 : vector<16xi32> to vector<16xi32>
      %add3A_79 = vector.broadcast %mul3A_27 : i32 to vector<16xi32>
      %add3A_80 = arith.addi %get3A_78, %add3A_79 : vector<16xi32>
      %swap3A_81 = arith.constant 32 : index
      %swap3A_82 = tpu.vector_load %arg6[%swap3A_81] {strides = array<i32>} : memref<128xi32, #tpu.memory_space<vmem>>, vector<16xi32>,
      %swap3A_83 = vector.shape_cast %swap3A_82 : vector<16xi32> to vector<16xi32>
      %swap3A_84 = vector.shape_cast %add3A_80 : vector<16xi32> to vector<16xi32>
      tpu.vector_store %arg6[%swap3A_81], %swap3A_84 {strides = array<i32>} : memref<128xi32, #tpu.memory_space<vmem>>, vector<16xi32>,
      %get3A_85 = arith.constant 48 : index
      %get3A_86 = tpu.vector_load %arg6[%get3A_85] {strides = array<i32>} : memref<128xi32, #tpu.memory_space<vmem>>, vector<16xi32>,
      %get3A_87 = vector.shape_cast %get3A_86 : vector<16xi32> to vector<16xi32>
      %add3A_88 = vector.broadcast %mul3A_27 : i32 to vector<16xi32>
      %add3A_89 = arith.addi %get3A_87, %add3A_88 : vector<16xi32>
      %swap3A_90 = arith.constant 48 : index
      %swap3A_91 = tpu.vector_load %arg6[%swap3A_90] {strides = array<i32>} : memref<128xi32, #tpu.memory_space<vmem>>, vector<16xi32>,
      %swap3A_92 = vector.shape_cast %swap3A_91 : vector<16xi32> to vector<16xi32>
      %swap3A_93 = vector.shape_cast %add3A_89 : vector<16xi32> to vector<16xi32>
      tpu.vector_store %arg6[%swap3A_90], %swap3A_93 {strides = array<i32>} : memref<128xi32, #tpu.memory_space<vmem>>, vector<16xi32>,
      %get3A_94 = arith.constant 64 : index
      %get3A_95 = tpu.vector_load %arg6[%get3A_94] {strides = array<i32>} : memref<128xi32, #tpu.memory_space<vmem>>, vector<16xi32>,
      %get3A_96 = vector.shape_cast %get3A_95 : vector<16xi32> to vector<16xi32>
      %add3A_97 = vector.broadcast %mul3A_27 : i32 to vector<16xi32>
      %add3A_98 = arith.addi %get3A_96, %add3A_97 : vector<16xi32>
      %swap3A_99 = arith.constant 64 : index
      %swap3A_100 = tpu.vector_load %arg6[%swap3A_99] {strides = array<i32>} : memref<128xi32, #tpu.memory_space<vmem>>, vector<16xi32>,
      %swap3A_101 = vector.shape_cast %swap3A_100 : vector<16xi32> to vector<16xi32>
      %swap3A_102 = vector.shape_cast %add3A_98 : vector<16xi32> to vector<16xi32>
      tpu.vector_store %arg6[%swap3A_99], %swap3A_102 {strides = array<i32>} : memref<128xi32, #tpu.memory_space<vmem>>, vector<16xi32>,
      %get3A_103 = arith.constant 80 : index
      %get3A_104 = tpu.vector_load %arg6[%get3A_103] {strides = array<i32>} : memref<128xi32, #tpu.memory_space<vmem>>, vector<16xi32>,
      %get3A_105 = vector.shape_cast %get3A_104 : vector<16xi32> to vector<16xi32>
      %add3A_106 = vector.broadcast %mul3A_27 : i32 to vector<16xi32>
      %add3A_107 = arith.addi %get3A_105, %add3A_106 : vector<16xi32>
      %swap3A_108 = arith.constant 80 : index
      %swap3A_109 = tpu.vector_load %arg6[%swap3A_108] {strides = array<i32>} : memref<128xi32, #tpu.memory_space<vmem>>, vector<16xi32>,
      %swap3A_110 = vector.shape_cast %swap3A_109 : vector<16xi32> to vector<16xi32>
      %swap3A_111 = vector.shape_cast %add3A_107 : vector<16xi32> to vector<16xi32>
      tpu.vector_store %arg6[%swap3A_108], %swap3A_111 {strides = array<i32>} : memref<128xi32, #tpu.memory_space<vmem>>, vector<16xi32>,
      %get3A_112 = arith.constant 96 : index
      %get3A_113 = tpu.vector_load %arg6[%get3A_112] {strides = array<i32>} : memref<128xi32, #tpu.memory_space<vmem>>, vector<16xi32>,
      %get3A_114 = vector.shape_cast %get3A_113 : vector<16xi32> to vector<16xi32>
      %add3A_115 = vector.broadcast %mul3A_27 : i32 to vector<16xi32>
      %add3A_116 = arith.addi %get3A_114, %add3A_115 : vector<16xi32>
      %swap3A_117 = arith.constant 96 : index
      %swap3A_118 = tpu.vector_load %arg6[%swap3A_117] {strides = array<i32>} : memref<128xi32, #tpu.memory_space<vmem>>, vector<16xi32>,
      %swap3A_119 = vector.shape_cast %swap3A_118 : vector<16xi32> to vector<16xi32>
      %swap3A_120 = vector.shape_cast %add3A_116 : vector<16xi32> to vector<16xi32>
      tpu.vector_store %arg6[%swap3A_117], %swap3A_120 {strides = array<i32>} : memref<128xi32, #tpu.memory_space<vmem>>, vector<16xi32>,
      %get3A_121 = arith.constant 112 : index
      %get3A_122 = tpu.vector_load %arg6[%get3A_121] {strides = array<i32>} : memref<128xi32, #tpu.memory_space<vmem>>, vector<16xi32>,
      %get3A_123 = vector.shape_cast %get3A_122 : vector<16xi32> to vector<16xi32>
      %add3A_124 = vector.broadcast %mul3A_27 : i32 to vector<16xi32>
      %add3A_125 = arith.addi %get3A_123, %add3A_124 : vector<16xi32>
      %swap3A_126 = arith.constant 112 : index
      %swap3A_127 = tpu.vector_load %arg6[%swap3A_126] {strides = array<i32>} : memref<128xi32, #tpu.memory_space<vmem>>, vector<16xi32>,
      %swap3A_128 = vector.shape_cast %swap3A_127 : vector<16xi32> to vector<16xi32>
      %swap3A_129 = vector.shape_cast %add3A_125 : vector<16xi32> to vector<16xi32>
      tpu.vector_store %arg6[%swap3A_126], %swap3A_129 {strides = array<i32>} : memref<128xi32, #tpu.memory_space<vmem>>, vector<16xi32>,
      %dma_start3A = arith.constant 0 : i32
      %dma_start3A_130 = arith.constant 0 : i32
      %dma_start3A_131 = tpu.memref_slice %arg4[%dma_start3A, %dma_start3A_130] : memref<20000x128xf32, #tpu.memory_space<hbm>> -> memref<20000x128xf32, #tpu.memory_space<hbm>>
      tpu.enqueue_indirect_dma source(%dma_start3A_131 : memref<20000x128xf32, #tpu.memory_space<hbm>>) target(%arg8 : memref<128x128xf32, #tpu.memory_space<vmem>>) offsets(%arg6 : memref<128xi32, #tpu.memory_space<vmem>>) semaphore(%arg12 : memref<!tpu.dma_semaphore, #tpu.memory_space<semaphore_mem>>)
      %dma_wait3A = arith.constant 0 : i32
      %dma_wait3A_132 = arith.constant 0 : i32
      %dma_wait3A_133 = tpu.memref_slice %arg4[%dma_wait3A, %dma_wait3A_132] : memref<20000x128xf32, #tpu.memory_space<hbm>> -> memref<20000x128xf32, #tpu.memory_space<hbm>>
      tpu.wait_indirect_dma semaphore(%arg12 : memref<!tpu.dma_semaphore, #tpu.memory_space<semaphore_mem>>) src(%dma_wait3A_133 : memref<20000x128xf32, #tpu.memory_space<hbm>>) dst(%arg8 : memref<128x128xf32, #tpu.memory_space<vmem>>)
      %run_scoped3A_134 = arith.constant 0 : i32
      "tpu.region"() ({
        %run_scoped3A_136 = tpu.sem_alloc : memref<!tpu.dma_semaphore, #tpu.memory_space<semaphore_mem>>
        %dma_start3A_137 = arith.constant 0 : i32
        %dma_start3A_138 = tpu.memref_slice %arg7[%run_scoped3A_134, %dma_start3A_137] : memref<1x128xi32, #tpu.memory_space<vmem>> -> memref<1x128xi32, #tpu.memory_space<vmem>>
        %dma_start3A_139 = tpu.memref_squeeze %dma_start3A_138 : memref<1x128xi32, #tpu.memory_space<vmem>> -> memref<128xi32, #tpu.memory_space<vmem>>
        %dma_start3A_140 = arith.constant 0 : i32
        %dma_start3A_141 = arith.constant 0 : i32
        %dma_start3A_142 = tpu.memref_slice %arg11[%dma_start3A_140, %dma_start3A_141] : memref<10240x128xf32, #tpu.memory_space<vmem_shared>> -> memref<10240x128xf32, #tpu.memory_space<vmem_shared>>
        tpu.enqueue_indirect_dma source(%arg8 : memref<128x128xf32, #tpu.memory_space<vmem>>) target(%dma_start3A_142 : memref<10240x128xf32, #tpu.memory_space<vmem_shared>>) offsets(%dma_start3A_139 : memref<128xi32, #tpu.memory_space<vmem>>) semaphore(%run_scoped3A_136 : memref<!tpu.dma_semaphore, #tpu.memory_space<semaphore_mem>>) {add = true}
        %dma_wait3A_143 = arith.constant 0 : i32
        %dma_wait3A_144 = tpu.memref_slice %arg7[%run_scoped3A_134, %dma_wait3A_143] : memref<1x128xi32, #tpu.memory_space<vmem>> -> memref<1x128xi32, #tpu.memory_space<vmem>>
        %dma_wait3A_145 = tpu.memref_squeeze %dma_wait3A_144 : memref<1x128xi32, #tpu.memory_space<vmem>> -> memref<128xi32, #tpu.memory_space<vmem>>
        %dma_wait3A_146 = arith.constant 0 : i32
        %dma_wait3A_147 = arith.constant 0 : i32
        %dma_wait3A_148 = tpu.memref_slice %arg11[%dma_wait3A_146, %dma_wait3A_147] : memref<10240x128xf32, #tpu.memory_space<vmem_shared>> -> memref<10240x128xf32, #tpu.memory_space<vmem_shared>>
        tpu.wait_indirect_dma semaphore(%run_scoped3A_136 : memref<!tpu.dma_semaphore, #tpu.memory_space<semaphore_mem>>) src(%arg8 : memref<128x128xf32, #tpu.memory_space<vmem>>) dst(%dma_wait3A_148 : memref<10240x128xf32, #tpu.memory_space<vmem_shared>>)
        tpu.yield
      }) : () -> ()
      %while3A_135 = arith.constant 0 : i32
      scf.yield %while3A_135 : i32
    }
    %barrier3A_39 = arith.constant 0 : index
    tpu.barrier barrier_id(%barrier3A_39)
    %run_scoped3A_40 = arith.constant 0 : i32
    "tpu.region"() ({
      %run_scoped3A_55 = tpu.sem_alloc : memref<!tpu.dma_semaphore, #tpu.memory_space<semaphore_mem>>
      %dma_start3A = arith.constant 0 : i32
      %dma_start3A_56 = tpu.memref_slice %arg10[%run_scoped3A_40, %dma_start3A] : memref<5x128xi32, #tpu.memory_space<vmem>> -> memref<1x128xi32, #tpu.memory_space<vmem>>
      %dma_start3A_57 = tpu.memref_squeeze %dma_start3A_56 : memref<1x128xi32, #tpu.memory_space<vmem>> -> memref<128xi32, #tpu.memory_space<vmem>>
      %dma_start3A_58 = arith.constant 0 : i32
      %dma_start3A_59 = arith.constant 0 : i32
      %dma_start3A_60 = tpu.memref_slice %arg11[%dma_start3A_58, %dma_start3A_59] : memref<10240x128xf32, #tpu.memory_space<vmem_shared>> -> memref<10240x128xf32, #tpu.memory_space<vmem_shared>>
      tpu.enqueue_indirect_dma source(%dma_start3A_60 : memref<10240x128xf32, #tpu.memory_space<vmem_shared>>) target(%arg9 : memref<128x128xf32, #tpu.memory_space<vmem>>) offsets(%dma_start3A_57 : memref<128xi32, #tpu.memory_space<vmem>>) semaphore(%run_scoped3A_55 : memref<!tpu.dma_semaphore, #tpu.memory_space<semaphore_mem>>)
      %dma_wait3A = arith.constant 0 : i32
      %dma_wait3A_61 = tpu.memref_slice %arg10[%run_scoped3A_40, %dma_wait3A] : memref<5x128xi32, #tpu.memory_space<vmem>> -> memref<1x128xi32, #tpu.memory_space<vmem>>
      %dma_wait3A_62 = tpu.memref_squeeze %dma_wait3A_61 : memref<1x128xi32, #tpu.memory_space<vmem>> -> memref<128xi32, #tpu.memory_space<vmem>>
      %dma_wait3A_63 = arith.constant 0 : i32
      %dma_wait3A_64 = arith.constant 0 : i32
      %dma_wait3A_65 = tpu.memref_slice %arg11[%dma_wait3A_63, %dma_wait3A_64] : memref<10240x128xf32, #tpu.memory_space<vmem_shared>> -> memref<10240x128xf32, #tpu.memory_space<vmem_shared>>
      tpu.wait_indirect_dma semaphore(%run_scoped3A_55 : memref<!tpu.dma_semaphore, #tpu.memory_space<semaphore_mem>>) src(%dma_wait3A_65 : memref<10240x128xf32, #tpu.memory_space<vmem_shared>>) dst(%arg9 : memref<128x128xf32, #tpu.memory_space<vmem>>)
      tpu.yield
    }) : () -> ()
    %add3A_41 = arith.constant 0 : i32
    %add3A_42 = arith.addi %mul3A_0, %add3A_41 : i32
    "tpu.region"() ({
      %run_scoped3A_55 = tpu.sem_alloc : memref<!tpu.dma_semaphore, #tpu.memory_space<semaphore_mem>>
      %dma_start3A = arith.constant 0 : i32
      %dma_start3A_56 = tpu.memref_slice %arg5[%arg0, %add3A_42, %dma_start3A] : memref<2x10240x128xf32, #tpu.memory_space<hbm>> -> memref<1x128x128xf32, #tpu.memory_space<hbm>>
      %dma_start3A_57 = tpu.memref_squeeze %dma_start3A_56 : memref<1x128x128xf32, #tpu.memory_space<hbm>> -> memref<128x128xf32, #tpu.memory_space<hbm>>
      %dma_start3A_58 = arith.constant 0 : i32
      %dma_start3A_59 = tpu.memref_slice %arg5[%arg0, %add3A_42, %dma_start3A_58] : memref<2x10240x128xf32, #tpu.memory_space<hbm>> -> memref<1x128x128xf32, #tpu.memory_space<hbm>>
      %dma_start3A_60 = tpu.memref_squeeze %dma_start3A_59 : memref<1x128x128xf32, #tpu.memory_space<hbm>> -> memref<128x128xf32, #tpu.memory_space<hbm>>
      tpu.enqueue_dma source(%arg9 : memref<128x128xf32, #tpu.memory_space<vmem>>) target(%dma_start3A_60 : memref<128x128xf32, #tpu.memory_space<hbm>>) target_semaphore(%run_scoped3A_55 : memref<!tpu.dma_semaphore, #tpu.memory_space<semaphore_mem>>)
      %dma_wait3A = arith.constant 0 : i32
      %dma_wait3A_61 = tpu.memref_slice %arg5[%arg0, %add3A_42, %dma_wait3A] : memref<2x10240x128xf32, #tpu.memory_space<hbm>> -> memref<1x128x128xf32, #tpu.memory_space<hbm>>
      %dma_wait3A_62 = tpu.memref_squeeze %dma_wait3A_61 : memref<1x128x128xf32, #tpu.memory_space<hbm>> -> memref<128x128xf32, #tpu.memory_space<hbm>>
      %dma_wait3A_63 = arith.constant 0 : i32
      %dma_wait3A_64 = tpu.memref_slice %arg5[%arg0, %add3A_42, %dma_wait3A_63] : memref<2x10240x128xf32, #tpu.memory_space<hbm>> -> memref<1x128x128xf32, #tpu.memory_space<hbm>>
      %dma_wait3A_65 = tpu.memref_squeeze %dma_wait3A_64 : memref<1x128x128xf32, #tpu.memory_space<hbm>> -> memref<128x128xf32, #tpu.memory_space<hbm>>
      tpu.wait_dma2 semaphore(%run_scoped3A_55 : memref<!tpu.dma_semaphore, #tpu.memory_space<semaphore_mem>>) src(%arg9 : memref<128x128xf32, #tpu.memory_space<vmem>>) dst(%dma_wait3A_65 : memref<128x128xf32, #tpu.memory_space<hbm>>)
      tpu.yield
    }) : () -> ()
    %run_scoped3A_43 = arith.constant 1 : i32
    "tpu.region"() ({
      %run_scoped3A_55 = tpu.sem_alloc : memref<!tpu.dma_semaphore, #tpu.memory_space<semaphore_mem>>
      %dma_start3A = arith.constant 0 : i32
      %dma_start3A_56 = tpu.memref_slice %arg10[%run_scoped3A_43, %dma_start3A] : memref<5x128xi32, #tpu.memory_space<vmem>> -> memref<1x128xi32, #tpu.memory_space<vmem>>
      %dma_start3A_57 = tpu.memref_squeeze %dma_start3A_56 : memref<1x128xi32, #tpu.memory_space<vmem>> -> memref<128xi32, #tpu.memory_space<vmem>>
      %dma_start3A_58 = arith.constant 0 : i32
      %dma_start3A_59 = arith.constant 0 : i32
      %dma_start3A_60 = tpu.memref_slice %arg11[%dma_start3A_58, %dma_start3A_59] : memref<10240x128xf32, #tpu.memory_space<vmem_shared>> -> memref<10240x128xf32, #tpu.memory_space<vmem_shared>>
      tpu.enqueue_indirect_dma source(%dma_start3A_60 : memref<10240x128xf32, #tpu.memory_space<vmem_shared>>) target(%arg9 : memref<128x128xf32, #tpu.memory_space<vmem>>) offsets(%dma_start3A_57 : memref<128xi32, #tpu.memory_space<vmem>>) semaphore(%run_scoped3A_55 : memref<!tpu.dma_semaphore, #tpu.memory_space<semaphore_mem>>)
      %dma_wait3A = arith.constant 0 : i32
      %dma_wait3A_61 = tpu.memref_slice %arg10[%run_scoped3A_43, %dma_wait3A] : memref<5x128xi32, #tpu.memory_space<vmem>> -> memref<1x128xi32, #tpu.memory_space<vmem>>
      %dma_wait3A_62 = tpu.memref_squeeze %dma_wait3A_61 : memref<1x128xi32, #tpu.memory_space<vmem>> -> memref<128xi32, #tpu.memory_space<vmem>>
      %dma_wait3A_63 = arith.constant 0 : i32
      %dma_wait3A_64 = arith.constant 0 : i32
      %dma_wait3A_65 = tpu.memref_slice %arg11[%dma_wait3A_63, %dma_wait3A_64] : memref<10240x128xf32, #tpu.memory_space<vmem_shared>> -> memref<10240x128xf32, #tpu.memory_space<vmem_shared>>
      tpu.wait_indirect_dma semaphore(%run_scoped3A_55 : memref<!tpu.dma_semaphore, #tpu.memory_space<semaphore_mem>>) src(%dma_wait3A_65 : memref<10240x128xf32, #tpu.memory_space<vmem_shared>>) dst(%arg9 : memref<128x128xf32, #tpu.memory_space<vmem>>)
      tpu.yield
    }) : () -> ()
    %add3A_44 = arith.constant 128 : i32
    %add3A_45 = arith.addi %mul3A_0, %add3A_44 : i32
    "tpu.region"() ({
      %run_scoped3A_55 = tpu.sem_alloc : memref<!tpu.dma_semaphore, #tpu.memory_space<semaphore_mem>>
      %dma_start3A = arith.constant 0 : i32
      %dma_start3A_56 = tpu.memref_slice %arg5[%arg0, %add3A_45, %dma_start3A] : memref<2x10240x128xf32, #tpu.memory_space<hbm>> -> memref<1x128x128xf32, #tpu.memory_space<hbm>>
      %dma_start3A_57 = tpu.memref_squeeze %dma_start3A_56 : memref<1x128x128xf32, #tpu.memory_space<hbm>> -> memref<128x128xf32, #tpu.memory_space<hbm>>
      %dma_start3A_58 = arith.constant 0 : i32
      %dma_start3A_59 = tpu.memref_slice %arg5[%arg0, %add3A_45, %dma_start3A_58] : memref<2x10240x128xf32, #tpu.memory_space<hbm>> -> memref<1x128x128xf32, #tpu.memory_space<hbm>>
      %dma_start3A_60 = tpu.memref_squeeze %dma_start3A_59 : memref<1x128x128xf32, #tpu.memory_space<hbm>> -> memref<128x128xf32, #tpu.memory_space<hbm>>
      tpu.enqueue_dma source(%arg9 : memref<128x128xf32, #tpu.memory_space<vmem>>) target(%dma_start3A_60 : memref<128x128xf32, #tpu.memory_space<hbm>>) target_semaphore(%run_scoped3A_55 : memref<!tpu.dma_semaphore, #tpu.memory_space<semaphore_mem>>)
      %dma_wait3A = arith.constant 0 : i32
      %dma_wait3A_61 = tpu.memref_slice %arg5[%arg0, %add3A_45, %dma_wait3A] : memref<2x10240x128xf32, #tpu.memory_space<hbm>> -> memref<1x128x128xf32, #tpu.memory_space<hbm>>
      %dma_wait3A_62 = tpu.memref_squeeze %dma_wait3A_61 : memref<1x128x128xf32, #tpu.memory_space<hbm>> -> memref<128x128xf32, #tpu.memory_space<hbm>>
      %dma_wait3A_63 = arith.constant 0 : i32
      %dma_wait3A_64 = tpu.memref_slice %arg5[%arg0, %add3A_45, %dma_wait3A_63] : memref<2x10240x128xf32, #tpu.memory_space<hbm>> -> memref<1x128x128xf32, #tpu.memory_space<hbm>>
      %dma_wait3A_65 = tpu.memref_squeeze %dma_wait3A_64 : memref<1x128x128xf32, #tpu.memory_space<hbm>> -> memref<128x128xf32, #tpu.memory_space<hbm>>
      tpu.wait_dma2 semaphore(%run_scoped3A_55 : memref<!tpu.dma_semaphore, #tpu.memory_space<semaphore_mem>>) src(%arg9 : memref<128x128xf32, #tpu.memory_space<vmem>>) dst(%dma_wait3A_65 : memref<128x128xf32, #tpu.memory_space<hbm>>)
      tpu.yield
    }) : () -> ()
    %run_scoped3A_46 = arith.constant 2 : i32
    "tpu.region"() ({
      %run_scoped3A_55 = tpu.sem_alloc : memref<!tpu.dma_semaphore, #tpu.memory_space<semaphore_mem>>
      %dma_start3A = arith.constant 0 : i32
      %dma_start3A_56 = tpu.memref_slice %arg10[%run_scoped3A_46, %dma_start3A] : memref<5x128xi32, #tpu.memory_space<vmem>> -> memref<1x128xi32, #tpu.memory_space<vmem>>
      %dma_start3A_57 = tpu.memref_squeeze %dma_start3A_56 : memref<1x128xi32, #tpu.memory_space<vmem>> -> memref<128xi32, #tpu.memory_space<vmem>>
      %dma_start3A_58 = arith.constant 0 : i32
      %dma_start3A_59 = arith.constant 0 : i32
      %dma_start3A_60 = tpu.memref_slice %arg11[%dma_start3A_58, %dma_start3A_59] : memref<10240x128xf32, #tpu.memory_space<vmem_shared>> -> memref<10240x128xf32, #tpu.memory_space<vmem_shared>>
      tpu.enqueue_indirect_dma source(%dma_start3A_60 : memref<10240x128xf32, #tpu.memory_space<vmem_shared>>) target(%arg9 : memref<128x128xf32, #tpu.memory_space<vmem>>) offsets(%dma_start3A_57 : memref<128xi32, #tpu.memory_space<vmem>>) semaphore(%run_scoped3A_55 : memref<!tpu.dma_semaphore, #tpu.memory_space<semaphore_mem>>)
      %dma_wait3A = arith.constant 0 : i32
      %dma_wait3A_61 = tpu.memref_slice %arg10[%run_scoped3A_46, %dma_wait3A] : memref<5x128xi32, #tpu.memory_space<vmem>> -> memref<1x128xi32, #tpu.memory_space<vmem>>
      %dma_wait3A_62 = tpu.memref_squeeze %dma_wait3A_61 : memref<1x128xi32, #tpu.memory_space<vmem>> -> memref<128xi32, #tpu.memory_space<vmem>>
      %dma_wait3A_63 = arith.constant 0 : i32
      %dma_wait3A_64 = arith.constant 0 : i32
      %dma_wait3A_65 = tpu.memref_slice %arg11[%dma_wait3A_63, %dma_wait3A_64] : memref<10240x128xf32, #tpu.memory_space<vmem_shared>> -> memref<10240x128xf32, #tpu.memory_space<vmem_shared>>
      tpu.wait_indirect_dma semaphore(%run_scoped3A_55 : memref<!tpu.dma_semaphore, #tpu.memory_space<semaphore_mem>>) src(%dma_wait3A_65 : memref<10240x128xf32, #tpu.memory_space<vmem_shared>>) dst(%arg9 : memref<128x128xf32, #tpu.memory_space<vmem>>)
      tpu.yield
    }) : () -> ()
    %add3A_47 = arith.constant 256 : i32
    %add3A_48 = arith.addi %mul3A_0, %add3A_47 : i32
    "tpu.region"() ({
      %run_scoped3A_55 = tpu.sem_alloc : memref<!tpu.dma_semaphore, #tpu.memory_space<semaphore_mem>>
      %dma_start3A = arith.constant 0 : i32
      %dma_start3A_56 = tpu.memref_slice %arg5[%arg0, %add3A_48, %dma_start3A] : memref<2x10240x128xf32, #tpu.memory_space<hbm>> -> memref<1x128x128xf32, #tpu.memory_space<hbm>>
      %dma_start3A_57 = tpu.memref_squeeze %dma_start3A_56 : memref<1x128x128xf32, #tpu.memory_space<hbm>> -> memref<128x128xf32, #tpu.memory_space<hbm>>
      %dma_start3A_58 = arith.constant 0 : i32
      %dma_start3A_59 = tpu.memref_slice %arg5[%arg0, %add3A_48, %dma_start3A_58] : memref<2x10240x128xf32, #tpu.memory_space<hbm>> -> memref<1x128x128xf32, #tpu.memory_space<hbm>>
      %dma_start3A_60 = tpu.memref_squeeze %dma_start3A_59 : memref<1x128x128xf32, #tpu.memory_space<hbm>> -> memref<128x128xf32, #tpu.memory_space<hbm>>
      tpu.enqueue_dma source(%arg9 : memref<128x128xf32, #tpu.memory_space<vmem>>) target(%dma_start3A_60 : memref<128x128xf32, #tpu.memory_space<hbm>>) target_semaphore(%run_scoped3A_55 : memref<!tpu.dma_semaphore, #tpu.memory_space<semaphore_mem>>)
      %dma_wait3A = arith.constant 0 : i32
      %dma_wait3A_61 = tpu.memref_slice %arg5[%arg0, %add3A_48, %dma_wait3A] : memref<2x10240x128xf32, #tpu.memory_space<hbm>> -> memref<1x128x128xf32, #tpu.memory_space<hbm>>
      %dma_wait3A_62 = tpu.memref_squeeze %dma_wait3A_61 : memref<1x128x128xf32, #tpu.memory_space<hbm>> -> memref<128x128xf32, #tpu.memory_space<hbm>>
      %dma_wait3A_63 = arith.constant 0 : i32
      %dma_wait3A_64 = tpu.memref_slice %arg5[%arg0, %add3A_48, %dma_wait3A_63] : memref<2x10240x128xf32, #tpu.memory_space<hbm>> -> memref<1x128x128xf32, #tpu.memory_space<hbm>>
      %dma_wait3A_65 = tpu.memref_squeeze %dma_wait3A_64 : memref<1x128x128xf32, #tpu.memory_space<hbm>> -> memref<128x128xf32, #tpu.memory_space<hbm>>
      tpu.wait_dma2 semaphore(%run_scoped3A_55 : memref<!tpu.dma_semaphore, #tpu.memory_space<semaphore_mem>>) src(%arg9 : memref<128x128xf32, #tpu.memory_space<vmem>>) dst(%dma_wait3A_65 : memref<128x128xf32, #tpu.memory_space<hbm>>)
      tpu.yield
    }) : () -> ()
    %run_scoped3A_49 = arith.constant 3 : i32
    "tpu.region"() ({
      %run_scoped3A_55 = tpu.sem_alloc : memref<!tpu.dma_semaphore, #tpu.memory_space<semaphore_mem>>
      %dma_start3A = arith.constant 0 : i32
      %dma_start3A_56 = tpu.memref_slice %arg10[%run_scoped3A_49, %dma_start3A] : memref<5x128xi32, #tpu.memory_space<vmem>> -> memref<1x128xi32, #tpu.memory_space<vmem>>
      %dma_start3A_57 = tpu.memref_squeeze %dma_start3A_56 : memref<1x128xi32, #tpu.memory_space<vmem>> -> memref<128xi32, #tpu.memory_space<vmem>>
      %dma_start3A_58 = arith.constant 0 : i32
      %dma_start3A_59 = arith.constant 0 : i32
      %dma_start3A_60 = tpu.memref_slice %arg11[%dma_start3A_58, %dma_start3A_59] : memref<10240x128xf32, #tpu.memory_space<vmem_shared>> -> memref<10240x128xf32, #tpu.memory_space<vmem_shared>>
      tpu.enqueue_indirect_dma source(%dma_start3A_60 : memref<10240x128xf32, #tpu.memory_space<vmem_shared>>) target(%arg9 : memref<128x128xf32, #tpu.memory_space<vmem>>) offsets(%dma_start3A_57 : memref<128xi32, #tpu.memory_space<vmem>>) semaphore(%run_scoped3A_55 : memref<!tpu.dma_semaphore, #tpu.memory_space<semaphore_mem>>)
      %dma_wait3A = arith.constant 0 : i32
      %dma_wait3A_61 = tpu.memref_slice %arg10[%run_scoped3A_49, %dma_wait3A] : memref<5x128xi32, #tpu.memory_space<vmem>> -> memref<1x128xi32, #tpu.memory_space<vmem>>
      %dma_wait3A_62 = tpu.memref_squeeze %dma_wait3A_61 : memref<1x128xi32, #tpu.memory_space<vmem>> -> memref<128xi32, #tpu.memory_space<vmem>>
      %dma_wait3A_63 = arith.constant 0 : i32
      %dma_wait3A_64 = arith.constant 0 : i32
      %dma_wait3A_65 = tpu.memref_slice %arg11[%dma_wait3A_63, %dma_wait3A_64] : memref<10240x128xf32, #tpu.memory_space<vmem_shared>> -> memref<10240x128xf32, #tpu.memory_space<vmem_shared>>
      tpu.wait_indirect_dma semaphore(%run_scoped3A_55 : memref<!tpu.dma_semaphore, #tpu.memory_space<semaphore_mem>>) src(%dma_wait3A_65 : memref<10240x128xf32, #tpu.memory_space<vmem_shared>>) dst(%arg9 : memref<128x128xf32, #tpu.memory_space<vmem>>)
      tpu.yield
    }) : () -> ()
    %add3A_50 = arith.constant 384 : i32
    %add3A_51 = arith.addi %mul3A_0, %add3A_50 : i32
    "tpu.region"() ({
      %run_scoped3A_55 = tpu.sem_alloc : memref<!tpu.dma_semaphore, #tpu.memory_space<semaphore_mem>>
      %dma_start3A = arith.constant 0 : i32
      %dma_start3A_56 = tpu.memref_slice %arg5[%arg0, %add3A_51, %dma_start3A] : memref<2x10240x128xf32, #tpu.memory_space<hbm>> -> memref<1x128x128xf32, #tpu.memory_space<hbm>>
      %dma_start3A_57 = tpu.memref_squeeze %dma_start3A_56 : memref<1x128x128xf32, #tpu.memory_space<hbm>> -> memref<128x128xf32, #tpu.memory_space<hbm>>
      %dma_start3A_58 = arith.constant 0 : i32
      %dma_start3A_59 = tpu.memref_slice %arg5[%arg0, %add3A_51, %dma_start3A_58] : memref<2x10240x128xf32, #tpu.memory_space<hbm>> -> memref<1x128x128xf32, #tpu.memory_space<hbm>>
      %dma_start3A_60 = tpu.memref_squeeze %dma_start3A_59 : memref<1x128x128xf32, #tpu.memory_space<hbm>> -> memref<128x128xf32, #tpu.memory_space<hbm>>
      tpu.enqueue_dma source(%arg9 : memref<128x128xf32, #tpu.memory_space<vmem>>) target(%dma_start3A_60 : memref<128x128xf32, #tpu.memory_space<hbm>>) target_semaphore(%run_scoped3A_55 : memref<!tpu.dma_semaphore, #tpu.memory_space<semaphore_mem>>)
      %dma_wait3A = arith.constant 0 : i32
      %dma_wait3A_61 = tpu.memref_slice %arg5[%arg0, %add3A_51, %dma_wait3A] : memref<2x10240x128xf32, #tpu.memory_space<hbm>> -> memref<1x128x128xf32, #tpu.memory_space<hbm>>
      %dma_wait3A_62 = tpu.memref_squeeze %dma_wait3A_61 : memref<1x128x128xf32, #tpu.memory_space<hbm>> -> memref<128x128xf32, #tpu.memory_space<hbm>>
      %dma_wait3A_63 = arith.constant 0 : i32
      %dma_wait3A_64 = tpu.memref_slice %arg5[%arg0, %add3A_51, %dma_wait3A_63] : memref<2x10240x128xf32, #tpu.memory_space<hbm>> -> memref<1x128x128xf32, #tpu.memory_space<hbm>>
      %dma_wait3A_65 = tpu.memref_squeeze %dma_wait3A_64 : memref<1x128x128xf32, #tpu.memory_space<hbm>> -> memref<128x128xf32, #tpu.memory_space<hbm>>
      tpu.wait_dma2 semaphore(%run_scoped3A_55 : memref<!tpu.dma_semaphore, #tpu.memory_space<semaphore_mem>>) src(%arg9 : memref<128x128xf32, #tpu.memory_space<vmem>>) dst(%dma_wait3A_65 : memref<128x128xf32, #tpu.memory_space<hbm>>)
      tpu.yield
    }) : () -> ()
    %run_scoped3A_52 = arith.constant 4 : i32
    "tpu.region"() ({
      %run_scoped3A_55 = tpu.sem_alloc : memref<!tpu.dma_semaphore, #tpu.memory_space<semaphore_mem>>
      %dma_start3A = arith.constant 0 : i32
      %dma_start3A_56 = tpu.memref_slice %arg10[%run_scoped3A_52, %dma_start3A] : memref<5x128xi32, #tpu.memory_space<vmem>> -> memref<1x128xi32, #tpu.memory_space<vmem>>
      %dma_start3A_57 = tpu.memref_squeeze %dma_start3A_56 : memref<1x128xi32, #tpu.memory_space<vmem>> -> memref<128xi32, #tpu.memory_space<vmem>>
      %dma_start3A_58 = arith.constant 0 : i32
      %dma_start3A_59 = arith.constant 0 : i32
      %dma_start3A_60 = tpu.memref_slice %arg11[%dma_start3A_58, %dma_start3A_59] : memref<10240x128xf32, #tpu.memory_space<vmem_shared>> -> memref<10240x128xf32, #tpu.memory_space<vmem_shared>>
      tpu.enqueue_indirect_dma source(%dma_start3A_60 : memref<10240x128xf32, #tpu.memory_space<vmem_shared>>) target(%arg9 : memref<128x128xf32, #tpu.memory_space<vmem>>) offsets(%dma_start3A_57 : memref<128xi32, #tpu.memory_space<vmem>>) semaphore(%run_scoped3A_55 : memref<!tpu.dma_semaphore, #tpu.memory_space<semaphore_mem>>)
      %dma_wait3A = arith.constant 0 : i32
      %dma_wait3A_61 = tpu.memref_slice %arg10[%run_scoped3A_52, %dma_wait3A] : memref<5x128xi32, #tpu.memory_space<vmem>> -> memref<1x128xi32, #tpu.memory_space<vmem>>
      %dma_wait3A_62 = tpu.memref_squeeze %dma_wait3A_61 : memref<1x128xi32, #tpu.memory_space<vmem>> -> memref<128xi32, #tpu.memory_space<vmem>>
      %dma_wait3A_63 = arith.constant 0 : i32
      %dma_wait3A_64 = arith.constant 0 : i32
      %dma_wait3A_65 = tpu.memref_slice %arg11[%dma_wait3A_63, %dma_wait3A_64] : memref<10240x128xf32, #tpu.memory_space<vmem_shared>> -> memref<10240x128xf32, #tpu.memory_space<vmem_shared>>
      tpu.wait_indirect_dma semaphore(%run_scoped3A_55 : memref<!tpu.dma_semaphore, #tpu.memory_space<semaphore_mem>>) src(%dma_wait3A_65 : memref<10240x128xf32, #tpu.memory_space<vmem_shared>>) dst(%arg9 : memref<128x128xf32, #tpu.memory_space<vmem>>)
      tpu.yield
    }) : () -> ()
    %add3A_53 = arith.constant 512 : i32
    %add3A_54 = arith.addi %mul3A_0, %add3A_53 : i32
    "tpu.region"() ({
      %run_scoped3A_55 = tpu.sem_alloc : memref<!tpu.dma_semaphore, #tpu.memory_space<semaphore_mem>>
      %dma_start3A = arith.constant 0 : i32
      %dma_start3A_56 = tpu.memref_slice %arg5[%arg0, %add3A_54, %dma_start3A] : memref<2x10240x128xf32, #tpu.memory_space<hbm>> -> memref<1x128x128xf32, #tpu.memory_space<hbm>>
      %dma_start3A_57 = tpu.memref_squeeze %dma_start3A_56 : memref<1x128x128xf32, #tpu.memory_space<hbm>> -> memref<128x128xf32, #tpu.memory_space<hbm>>
      %dma_start3A_58 = arith.constant 0 : i32
      %dma_start3A_59 = tpu.memref_slice %arg5[%arg0, %add3A_54, %dma_start3A_58] : memref<2x10240x128xf32, #tpu.memory_space<hbm>> -> memref<1x128x128xf32, #tpu.memory_space<hbm>>
      %dma_start3A_60 = tpu.memref_squeeze %dma_start3A_59 : memref<1x128x128xf32, #tpu.memory_space<hbm>> -> memref<128x128xf32, #tpu.memory_space<hbm>>
      tpu.enqueue_dma source(%arg9 : memref<128x128xf32, #tpu.memory_space<vmem>>) target(%dma_start3A_60 : memref<128x128xf32, #tpu.memory_space<hbm>>) target_semaphore(%run_scoped3A_55 : memref<!tpu.dma_semaphore, #tpu.memory_space<semaphore_mem>>)
      %dma_wait3A = arith.constant 0 : i32
      %dma_wait3A_61 = tpu.memref_slice %arg5[%arg0, %add3A_54, %dma_wait3A] : memref<2x10240x128xf32, #tpu.memory_space<hbm>> -> memref<1x128x128xf32, #tpu.memory_space<hbm>>
      %dma_wait3A_62 = tpu.memref_squeeze %dma_wait3A_61 : memref<1x128x128xf32, #tpu.memory_space<hbm>> -> memref<128x128xf32, #tpu.memory_space<hbm>>
      %dma_wait3A_63 = arith.constant 0 : i32
      %dma_wait3A_64 = tpu.memref_slice %arg5[%arg0, %add3A_54, %dma_wait3A_63] : memref<2x10240x128xf32, #tpu.memory_space<hbm>> -> memref<1x128x128xf32, #tpu.memory_space<hbm>>
      %dma_wait3A_65 = tpu.memref_squeeze %dma_wait3A_64 : memref<1x128x128xf32, #tpu.memory_space<hbm>> -> memref<128x128xf32, #tpu.memory_space<hbm>>
      tpu.wait_dma2 semaphore(%run_scoped3A_55 : memref<!tpu.dma_semaphore, #tpu.memory_space<semaphore_mem>>) src(%arg9 : memref<128x128xf32, #tpu.memory_space<vmem>>) dst(%dma_wait3A_65 : memref<128x128xf32, #tpu.memory_space<hbm>>)
      tpu.yield
    }) : () -> ()
    return
  }
}

module attributes {stable_mosaic.version = 14 : i64} {
  func.func @_t0_body(%arg0: i32, %arg1: memref<1000x128xf32, #tpu.memory_space<vmem>>, %arg2: memref<128x256xf32, #tpu.memory_space<vmem>>, %arg3: memref<1x256xf32, #tpu.memory_space<vmem>>, %arg4: memref<256x128xf32, #tpu.memory_space<vmem>>, %arg5: memref<1x128xf32, #tpu.memory_space<vmem>>, %arg6: memref<128x1xf32, #tpu.memory_space<vmem>>, %arg7: memref<1x1xf32, #tpu.memory_space<vmem>>, %arg8: memref<2x1000x128xf32, #tpu.memory_space<vmem>>, %arg9: memref<1000x256xf32, #tpu.memory_space<vmem>>, %arg10: memref<1000x256xf32, #tpu.memory_space<vmem>>, %arg11: memref<1000x1xf32, #tpu.memory_space<vmem>>) attributes {dimension_semantics = [#tpu.dimension_semantics<arbitrary>], iteration_bounds = array<i64: 10>, scalar_prefetch = 0 : i64, scratch_operands = 0 : i64, tpu.core_type = #tpu.core_type<tc>, window_params = [{transform_indices = @transform_0, window_bounds = array<i64: 1000, 128>}, {pipeline_mode = #tpu.pipeline_mode<synchronous>, transform_indices = @transform_1, window_bounds = array<i64: 128, 256>}, {pipeline_mode = #tpu.pipeline_mode<synchronous>, transform_indices = @transform_2, window_bounds = array<i64: 1, 256>}, {pipeline_mode = #tpu.pipeline_mode<synchronous>, transform_indices = @transform_3, window_bounds = array<i64: 256, 128>}, {pipeline_mode = #tpu.pipeline_mode<synchronous>, transform_indices = @transform_4, window_bounds = array<i64: 1, 128>}, {pipeline_mode = #tpu.pipeline_mode<synchronous>, transform_indices = @transform_5, window_bounds = array<i64: 128, 1>}, {pipeline_mode = #tpu.pipeline_mode<synchronous>, transform_indices = @transform_6, window_bounds = array<i64: 1, 1>}, {transform_indices = @transform_7, window_bounds = array<i64: 2, 1000, 128>}, {transform_indices = @transform_8, window_bounds = array<i64: 1000, 256>}, {transform_indices = @transform_9, window_bounds = array<i64: 1000, 256>}, {transform_indices = @transform_10, window_bounds = array<i64: 1000, 1>}]} {
    %get3A = arith.constant 0 : index
    %get3A_0 = arith.constant 0 : index
    %get3A_1 = vector.load %arg1[%get3A, %get3A_0] : memref<1000x128xf32, #tpu.memory_space<vmem>>, vector<1000x128xf32>
    %get3A_2 = arith.constant 0 : index
    %get3A_3 = arith.constant 0 : index
    %get3A_4 = vector.load %arg2[%get3A_2, %get3A_3] : memref<128x256xf32, #tpu.memory_space<vmem>>, vector<128x256xf32>
    %dot_general3A = arith.constant dense<0.000000e+00> : vector<1000x256xf32>
    %dot_general3A_5 = tpu.matmul %get3A_1, %get3A_4, %dot_general3A {dimension_numbers = #tpu.dot_dimension_numbers<[1], [0], [0], [1], [0, 0, 1, 1], [], []>, transpose_lhs_hint = false} : vector<1000x128xf32>, vector<128x256xf32>, vector<1000x256xf32> -> vector<1000x256xf32>
    %get3A_6 = arith.constant 0 : index
    %get3A_7 = arith.constant 0 : index
    %get3A_8 = vector.load %arg3[%get3A_6, %get3A_7] : memref<1x256xf32, #tpu.memory_space<vmem>>, vector<1x256xf32>
    %add3A = vector.broadcast %get3A_8 : vector<1x256xf32> to vector<1000x256xf32>
    %add3A_9 = arith.addf %dot_general3A_5, %add3A : vector<1000x256xf32>
    %gt3A = arith.constant 0.000000e+00 : f32
    %gt3A_10 = vector.broadcast %gt3A : f32 to vector<1000x256xf32>
    %gt3A_11 = arith.cmpf ogt, %add3A_9, %gt3A_10 : vector<1000x256xf32>
    %mul3A = arith.constant 0.00999999977 : f32
    %mul3A_12 = vector.broadcast %mul3A : f32 to vector<1000x256xf32>
    %mul3A_13 = arith.mulf %mul3A_12, %add3A_9 : vector<1000x256xf32>
    %select_n3A = arith.select %gt3A_11, %add3A_9, %mul3A_13 : vector<1000x256xi1>, vector<1000x256xf32>
    %get3A_14 = arith.constant 0 : index
    %get3A_15 = arith.constant 0 : index
    %get3A_16 = vector.load %arg4[%get3A_14, %get3A_15] : memref<256x128xf32, #tpu.memory_space<vmem>>, vector<256x128xf32>
    %dot_general3A_17 = arith.constant dense<0.000000e+00> : vector<1000x128xf32>
    %dot_general3A_18 = tpu.matmul %select_n3A, %get3A_16, %dot_general3A_17 {dimension_numbers = #tpu.dot_dimension_numbers<[1], [0], [0], [1], [0, 0, 1, 1], [], []>, transpose_lhs_hint = false} : vector<1000x256xf32>, vector<256x128xf32>, vector<1000x128xf32> -> vector<1000x128xf32>
    %get3A_19 = arith.constant 0 : index
    %get3A_20 = arith.constant 0 : index
    %get3A_21 = vector.load %arg5[%get3A_19, %get3A_20] : memref<1x128xf32, #tpu.memory_space<vmem>>, vector<1x128xf32>
    %add3A_22 = vector.broadcast %get3A_21 : vector<1x128xf32> to vector<1000x128xf32>
    %add3A_23 = arith.addf %dot_general3A_18, %add3A_22 : vector<1000x128xf32>
    %max3A = arith.constant 0.000000e+00 : f32
    %max3A_24 = vector.broadcast %max3A : f32 to vector<1000x128xf32>
    %max3A_25 = arith.maximumf %add3A_23, %max3A_24 : vector<1000x128xf32>
    %get3A_26 = arith.constant 0 : index
    %get3A_27 = arith.constant 0 : index
    %get3A_28 = vector.load %arg6[%get3A_26, %get3A_27] : memref<128x1xf32, #tpu.memory_space<vmem>>, vector<128x1xf32>
    %dot_general3A_29 = arith.constant dense<0.000000e+00> : vector<1000x1xf32>
    %dot_general3A_30 = tpu.matmul %max3A_25, %get3A_28, %dot_general3A_29 {dimension_numbers = #tpu.dot_dimension_numbers<[1], [0], [0], [1], [0, 0, 1, 1], [], []>, transpose_lhs_hint = false} : vector<1000x128xf32>, vector<128x1xf32>, vector<1000x1xf32> -> vector<1000x1xf32>
    %get3A_31 = arith.constant 0 : index
    %get3A_32 = arith.constant 0 : index
    %get3A_33 = vector.load %arg7[%get3A_31, %get3A_32] : memref<1x1xf32, #tpu.memory_space<vmem>>, vector<1x1xf32>
    %add3A_34 = vector.broadcast %get3A_33 : vector<1x1xf32> to vector<1000x1xf32>
    %add3A_35 = arith.addf %dot_general3A_30, %add3A_34 : vector<1000x1xf32>
    %logistic3A = arith.negf %add3A_35 : vector<1000x1xf32>
    %logistic3A_36 = math.exp %logistic3A : vector<1000x1xf32>
    %logistic3A_37 = arith.constant 1.000000e+00 : f32
    %logistic3A_38 = vector.broadcast %logistic3A_37 : f32 to vector<1000x1xf32>
    %logistic3A_39 = arith.addf %logistic3A_38, %logistic3A_36 : vector<1000x1xf32>
    %logistic3A_40 = arith.divf %logistic3A_38, %logistic3A_39 : vector<1000x1xf32>
    %swap3A = arith.constant 0 : index
    %swap3A_41 = arith.constant 0 : index
    %swap3A_42 = vector.load %arg9[%swap3A, %swap3A_41] : memref<1000x256xf32, #tpu.memory_space<vmem>>, vector<1000x256xf32>
    tpu.vector_store %arg9[%swap3A, %swap3A_41], %select_n3A {strides = array<i32>} : memref<1000x256xf32, #tpu.memory_space<vmem>>, vector<1000x256xf32>,
    %mul3A_43 = vector.broadcast %logistic3A_40 : vector<1000x1xf32> to vector<1000x256xf32>
    %mul3A_44 = arith.mulf %select_n3A, %mul3A_43 : vector<1000x256xf32>
    %swap3A_45 = arith.constant 0 : index
    %swap3A_46 = arith.constant 0 : index
    %swap3A_47 = vector.load %arg10[%swap3A_45, %swap3A_46] : memref<1000x256xf32, #tpu.memory_space<vmem>>, vector<1000x256xf32>
    tpu.vector_store %arg10[%swap3A_45, %swap3A_46], %mul3A_44 {strides = array<i32>} : memref<1000x256xf32, #tpu.memory_space<vmem>>, vector<1000x256xf32>,
    %get3A_48 = arith.constant 0 : index
    %get3A_49 = arith.constant 0 : index
    %get3A_50 = arith.constant 0 : index
    %get3A_51 = vector.load %arg8[%get3A_48, %get3A_49, %get3A_50] : memref<2x1000x128xf32, #tpu.memory_space<vmem>>, vector<1x1000x1xf32>
    %get3A_52 = vector.shape_cast %get3A_51 : vector<1x1000x1xf32> to vector<1000x1xf32>
    %get3A_53 = arith.constant 1 : index
    %get3A_54 = arith.constant 0 : index
    %get3A_55 = arith.constant 0 : index
    %get3A_56 = vector.load %arg8[%get3A_53, %get3A_54, %get3A_55] : memref<2x1000x128xf32, #tpu.memory_space<vmem>>, vector<1x1000x1xf32>
    %get3A_57 = vector.shape_cast %get3A_56 : vector<1x1000x1xf32> to vector<1000x1xf32>
    %add3A_58 = arith.addf %get3A_52, %get3A_57 : vector<1000x1xf32>
    %gt3A_59 = arith.constant 0.000000e+00 : f32
    %gt3A_60 = vector.broadcast %gt3A_59 : f32 to vector<1000x1xf32>
    %gt3A_61 = arith.cmpf ogt, %add3A_58, %gt3A_60 : vector<1000x1xf32>
    %rsqrt3A = math.rsqrt %add3A_58 : vector<1000x1xf32>
    %jit3A = arith.constant 0.000000e+00 : f32
    %broadcast_in_dim3A = vector.broadcast %jit3A : f32 to vector<1000x1xf32>
    %select_n3A_62 = arith.select %gt3A_61, %rsqrt3A, %broadcast_in_dim3A : vector<1000x1xi1>, vector<1000x1xf32>
    %swap3A_63 = arith.constant 0 : index
    %swap3A_64 = arith.constant 0 : index
    %swap3A_65 = vector.load %arg11[%swap3A_63, %swap3A_64] : memref<1000x1xf32, #tpu.memory_space<vmem>>, vector<1000x1xf32>
    tpu.vector_store %arg11[%swap3A_63, %swap3A_64], %select_n3A_62 {strides = array<i32>} : memref<1000x1xf32, #tpu.memory_space<vmem>>, vector<1000x1xf32>,
    return
  }
  func.func @transform_0(%arg0: i32) -> (i32, i32) {
    %c0_i32 = arith.constant 0 : i32
    %c0_i32_0 = arith.constant 0 : i32
    return %arg0, %c0_i32 : i32, i32
  }
  func.func @transform_1(%arg0: i32) -> (i32, i32) {
    %c0_i32 = arith.constant 0 : i32
    %c0_i32_0 = arith.constant 0 : i32
    %c0_i32_1 = arith.constant 0 : i32
    return %c0_i32, %c0_i32_0 : i32, i32
  }
  func.func @transform_2(%arg0: i32) -> (i32, i32) {
    %c0_i32 = arith.constant 0 : i32
    %c0_i32_0 = arith.constant 0 : i32
    %c0_i32_1 = arith.constant 0 : i32
    return %c0_i32, %c0_i32_0 : i32, i32
  }
  func.func @transform_3(%arg0: i32) -> (i32, i32) {
    %c0_i32 = arith.constant 0 : i32
    %c0_i32_0 = arith.constant 0 : i32
    %c0_i32_1 = arith.constant 0 : i32
    return %c0_i32, %c0_i32_0 : i32, i32
  }
  func.func @transform_4(%arg0: i32) -> (i32, i32) {
    %c0_i32 = arith.constant 0 : i32
    %c0_i32_0 = arith.constant 0 : i32
    %c0_i32_1 = arith.constant 0 : i32
    return %c0_i32, %c0_i32_0 : i32, i32
  }
  func.func @transform_5(%arg0: i32) -> (i32, i32) {
    %c0_i32 = arith.constant 0 : i32
    %c0_i32_0 = arith.constant 0 : i32
    %c0_i32_1 = arith.constant 0 : i32
    return %c0_i32, %c0_i32_0 : i32, i32
  }
  func.func @transform_6(%arg0: i32) -> (i32, i32) {
    %c0_i32 = arith.constant 0 : i32
    %c0_i32_0 = arith.constant 0 : i32
    %c0_i32_1 = arith.constant 0 : i32
    return %c0_i32, %c0_i32_0 : i32, i32
  }
  func.func @transform_7(%arg0: i32) -> (i32, i32, i32) {
    %c0_i32 = arith.constant 0 : i32
    %c0_i32_0 = arith.constant 0 : i32
    %c0_i32_1 = arith.constant 0 : i32
    return %c0_i32, %arg0, %c0_i32_0 : i32, i32, i32
  }
  func.func @transform_8(%arg0: i32) -> (i32, i32) {
    %c0_i32 = arith.constant 0 : i32
    %c0_i32_0 = arith.constant 0 : i32
    return %arg0, %c0_i32 : i32, i32
  }
  func.func @transform_9(%arg0: i32) -> (i32, i32) {
    %c0_i32 = arith.constant 0 : i32
    %c0_i32_0 = arith.constant 0 : i32
    return %arg0, %c0_i32 : i32, i32
  }
  func.func @transform_10(%arg0: i32) -> (i32, i32) {
    %c0_i32 = arith.constant 0 : i32
    %c0_i32_0 = arith.constant 0 : i32
    return %arg0, %c0_i32 : i32, i32
  }
}

module attributes {stable_mosaic.version = 14 : i64} {
  func.func @_g0_body(%arg0: i32, %arg1: memref<1000x256xf32, #tpu.memory_space<vmem>>, %arg2: memref<1000x256xf32, #tpu.memory_space<vmem>>, %arg3: memref<1000x1xf32, #tpu.memory_space<vmem>>, %arg4: memref<512x256xf32, #tpu.memory_space<vmem>>, %arg5: memref<2x1000x128xf32, #tpu.memory_space<vmem>>) attributes {dimension_semantics = [#tpu.dimension_semantics<arbitrary>], iteration_bounds = array<i64: 10>, scalar_prefetch = 0 : i64, scratch_operands = 0 : i64, tpu.core_type = #tpu.core_type<tc>, window_params = [{transform_indices = @transform_0, window_bounds = array<i64: 1000, 256>}, {transform_indices = @transform_1, window_bounds = array<i64: 1000, 256>}, {transform_indices = @transform_2, window_bounds = array<i64: 1000, 1>}, {pipeline_mode = #tpu.pipeline_mode<synchronous>, transform_indices = @transform_3, window_bounds = array<i64: 512, 256>}, {transform_indices = @transform_4, window_bounds = array<i64: 2, 1000, 128>}]} {
    %get3A = arith.constant 0 : index
    %get3A_0 = arith.constant 0 : index
    %get3A_1 = vector.load %arg1[%get3A, %get3A_0] : memref<1000x256xf32, #tpu.memory_space<vmem>>, vector<1000x256xf32>
    %get3A_2 = arith.constant 0 : index
    %get3A_3 = arith.constant 0 : index
    %get3A_4 = vector.load %arg4[%get3A_2, %get3A_3] : memref<512x256xf32, #tpu.memory_space<vmem>>, vector<256x256xf32>
    %dot_general3A = arith.constant dense<0.000000e+00> : vector<1000x256xf32>
    %dot_general3A_5 = tpu.matmul %get3A_1, %get3A_4, %dot_general3A {dimension_numbers = #tpu.dot_dimension_numbers<[1], [0], [0], [1], [0, 0, 1, 1], [], []>, transpose_lhs_hint = false} : vector<1000x256xf32>, vector<256x256xf32>, vector<1000x256xf32> -> vector<1000x256xf32>
    %get3A_6 = arith.constant 0 : index
    %get3A_7 = arith.constant 0 : index
    %get3A_8 = vector.load %arg2[%get3A_6, %get3A_7] : memref<1000x256xf32, #tpu.memory_space<vmem>>, vector<1000x256xf32>
    %get3A_9 = arith.constant 256 : index
    %get3A_10 = arith.constant 0 : index
    %get3A_11 = vector.load %arg4[%get3A_9, %get3A_10] : memref<512x256xf32, #tpu.memory_space<vmem>>, vector<256x256xf32>
    %dot_general3A_12 = arith.constant dense<0.000000e+00> : vector<1000x256xf32>
    %dot_general3A_13 = tpu.matmul %get3A_8, %get3A_11, %dot_general3A_12 {dimension_numbers = #tpu.dot_dimension_numbers<[1], [0], [0], [1], [0, 0, 1, 1], [], []>, transpose_lhs_hint = false} : vector<1000x256xf32>, vector<256x256xf32>, vector<1000x256xf32> -> vector<1000x256xf32>
    %add3A = arith.addf %dot_general3A_5, %dot_general3A_13 : vector<1000x256xf32>
    %get3A_14 = arith.constant 0 : index
    %get3A_15 = arith.constant 0 : index
    %get3A_16 = vector.load %arg3[%get3A_14, %get3A_15] : memref<1000x1xf32, #tpu.memory_space<vmem>>, vector<1000x1xf32>
    %mul3A = vector.broadcast %get3A_16 : vector<1000x1xf32> to vector<1000x256xf32>
    %mul3A_17 = arith.mulf %add3A, %mul3A : vector<1000x256xf32>
    %slice3A = vector.extract_strided_slice %mul3A_17 {offsets = [0, 0], sizes = [1000, 128], strides = [1, 1]} : vector<1000x256xf32> to vector<1000x128xf32>
    %swap3A = arith.constant 0 : index
    %swap3A_18 = arith.constant 0 : index
    %swap3A_19 = arith.constant 0 : index
    %swap3A_20 = vector.load %arg5[%swap3A, %swap3A_18, %swap3A_19] : memref<2x1000x128xf32, #tpu.memory_space<vmem>>, vector<1x1000x128xf32>
    %swap3A_21 = vector.shape_cast %swap3A_20 : vector<1x1000x128xf32> to vector<1000x128xf32>
    %swap3A_22 = vector.shape_cast %slice3A : vector<1000x128xf32> to vector<1x1000x128xf32>
    tpu.vector_store %arg5[%swap3A, %swap3A_18, %swap3A_19], %swap3A_22 {strides = array<i32>} : memref<2x1000x128xf32, #tpu.memory_space<vmem>>, vector<1x1000x128xf32>,
    %slice3A_23 = vector.extract_strided_slice %mul3A_17 {offsets = [0, 128], sizes = [1000, 128], strides = [1, 1]} : vector<1000x256xf32> to vector<1000x128xf32>
    %swap3A_24 = arith.constant 1 : index
    %swap3A_25 = arith.constant 0 : index
    %swap3A_26 = arith.constant 0 : index
    %swap3A_27 = vector.load %arg5[%swap3A_24, %swap3A_25, %swap3A_26] : memref<2x1000x128xf32, #tpu.memory_space<vmem>>, vector<1x1000x128xf32>
    %swap3A_28 = vector.shape_cast %swap3A_27 : vector<1x1000x128xf32> to vector<1000x128xf32>
    %swap3A_29 = vector.shape_cast %slice3A_23 : vector<1000x128xf32> to vector<1x1000x128xf32>
    tpu.vector_store %arg5[%swap3A_24, %swap3A_25, %swap3A_26], %swap3A_29 {strides = array<i32>} : memref<2x1000x128xf32, #tpu.memory_space<vmem>>, vector<1x1000x128xf32>,
    return
  }
  func.func @transform_0(%arg0: i32) -> (i32, i32) {
    %c0_i32 = arith.constant 0 : i32
    %c0_i32_0 = arith.constant 0 : i32
    return %arg0, %c0_i32 : i32, i32
  }
  func.func @transform_1(%arg0: i32) -> (i32, i32) {
    %c0_i32 = arith.constant 0 : i32
    %c0_i32_0 = arith.constant 0 : i32
    return %arg0, %c0_i32 : i32, i32
  }
  func.func @transform_2(%arg0: i32) -> (i32, i32) {
    %c0_i32 = arith.constant 0 : i32
    %c0_i32_0 = arith.constant 0 : i32
    return %arg0, %c0_i32 : i32, i32
  }
  func.func @transform_3(%arg0: i32) -> (i32, i32) {
    %c0_i32 = arith.constant 0 : i32
    %c0_i32_0 = arith.constant 0 : i32
    %c0_i32_1 = arith.constant 0 : i32
    return %c0_i32, %c0_i32_0 : i32, i32
  }
  func.func @transform_4(%arg0: i32) -> (i32, i32, i32) {
    %c0_i32 = arith.constant 0 : i32
    %c0_i32_0 = arith.constant 0 : i32
    %c0_i32_1 = arith.constant 0 : i32
    return %c0_i32, %arg0, %c0_i32_0 : i32, i32, i32
  }
}

module attributes {stable_mosaic.version = 14 : i64} {
  func.func @_gl_body(%arg0: i32, %arg1: memref<2x1000x128xf32, #tpu.memory_space<vmem>>, %arg2: memref<1000x1xf32, #tpu.memory_space<vmem>>, %arg3: memref<1x256xf32, #tpu.memory_space<vmem>>, %arg4: memref<1000x256xf32, #tpu.memory_space<vmem>>, %arg5: memref<512x256xf32, #tpu.memory_space<vmem>>, %arg6: memref<2x1000x128xf32, #tpu.memory_space<vmem>>) attributes {dimension_semantics = [#tpu.dimension_semantics<arbitrary>], iteration_bounds = array<i64: 10>, scalar_prefetch = 0 : i64, scratch_operands = 0 : i64, tpu.core_type = #tpu.core_type<tc>, window_params = [{transform_indices = @transform_0, window_bounds = array<i64: 2, 1000, 128>}, {transform_indices = @transform_1, window_bounds = array<i64: 1000, 1>}, {pipeline_mode = #tpu.pipeline_mode<synchronous>, transform_indices = @transform_2, window_bounds = array<i64: 1, 256>}, {transform_indices = @transform_3, window_bounds = array<i64: 1000, 256>}, {pipeline_mode = #tpu.pipeline_mode<synchronous>, transform_indices = @transform_4, window_bounds = array<i64: 512, 256>}, {transform_indices = @transform_5, window_bounds = array<i64: 2, 1000, 128>}]} {
    %get3A = arith.constant 0 : index
    %get3A_0 = arith.constant 0 : index
    %get3A_1 = vector.load %arg2[%get3A, %get3A_0] : memref<1000x1xf32, #tpu.memory_space<vmem>>, vector<1000x1xf32>
    %get3A_2 = arith.constant 0 : index
    %get3A_3 = arith.constant 0 : index
    %get3A_4 = arith.constant 0 : index
    %get3A_5 = vector.load %arg1[%get3A_2, %get3A_3, %get3A_4] : memref<2x1000x128xf32, #tpu.memory_space<vmem>>, vector<1x1000x128xf32>
    %get3A_6 = vector.shape_cast %get3A_5 : vector<1x1000x128xf32> to vector<1000x128xf32>
    %mul3A = vector.broadcast %get3A_1 : vector<1000x1xf32> to vector<1000x128xf32>
    %mul3A_7 = arith.mulf %mul3A, %get3A_6 : vector<1000x128xf32>
    %get3A_8 = arith.constant 0 : index
    %get3A_9 = arith.constant 0 : index
    %get3A_10 = vector.load %arg3[%get3A_8, %get3A_9] : memref<1x256xf32, #tpu.memory_space<vmem>>, vector<1x128xf32>
    %add3A = vector.broadcast %get3A_10 : vector<1x128xf32> to vector<1000x128xf32>
    %add3A_11 = arith.addf %mul3A_7, %add3A : vector<1000x128xf32>
    %max3A = arith.constant 0.000000e+00 : f32
    %max3A_12 = vector.broadcast %max3A : f32 to vector<1000x128xf32>
    %max3A_13 = arith.maximumf %add3A_11, %max3A_12 : vector<1000x128xf32>
    %get3A_14 = arith.constant 1 : index
    %get3A_15 = arith.constant 0 : index
    %get3A_16 = arith.constant 0 : index
    %get3A_17 = vector.load %arg1[%get3A_14, %get3A_15, %get3A_16] : memref<2x1000x128xf32, #tpu.memory_space<vmem>>, vector<1x1000x128xf32>
    %get3A_18 = vector.shape_cast %get3A_17 : vector<1x1000x128xf32> to vector<1000x128xf32>
    %mul3A_19 = vector.broadcast %get3A_1 : vector<1000x1xf32> to vector<1000x128xf32>
    %mul3A_20 = arith.mulf %mul3A_19, %get3A_18 : vector<1000x128xf32>
    %get3A_21 = arith.constant 0 : index
    %get3A_22 = arith.constant 128 : index
    %get3A_23 = vector.load %arg3[%get3A_21, %get3A_22] : memref<1x256xf32, #tpu.memory_space<vmem>>, vector<1x128xf32>
    %add3A_24 = vector.broadcast %get3A_23 : vector<1x128xf32> to vector<1000x128xf32>
    %add3A_25 = arith.addf %mul3A_20, %add3A_24 : vector<1000x128xf32>
    %max3A_26 = arith.constant 0.000000e+00 : f32
    %max3A_27 = vector.broadcast %max3A_26 : f32 to vector<1000x128xf32>
    %max3A_28 = arith.maximumf %add3A_25, %max3A_27 : vector<1000x128xf32>
    %get3A_29 = arith.constant 0 : index
    %get3A_30 = arith.constant 0 : index
    %get3A_31 = vector.load %arg5[%get3A_29, %get3A_30] : memref<512x256xf32, #tpu.memory_space<vmem>>, vector<128x256xf32>
    %dot_general3A = arith.constant dense<0.000000e+00> : vector<1000x256xf32>
    %dot_general3A_32 = tpu.matmul %max3A_13, %get3A_31, %dot_general3A {dimension_numbers = #tpu.dot_dimension_numbers<[1], [0], [0], [1], [0, 0, 1, 1], [], []>, transpose_lhs_hint = false} : vector<1000x128xf32>, vector<128x256xf32>, vector<1000x256xf32> -> vector<1000x256xf32>
    %get3A_33 = arith.constant 128 : index
    %get3A_34 = arith.constant 0 : index
    %get3A_35 = vector.load %arg5[%get3A_33, %get3A_34] : memref<512x256xf32, #tpu.memory_space<vmem>>, vector<128x256xf32>
    %dot_general3A_36 = arith.constant dense<0.000000e+00> : vector<1000x256xf32>
    %dot_general3A_37 = tpu.matmul %max3A_28, %get3A_35, %dot_general3A_36 {dimension_numbers = #tpu.dot_dimension_numbers<[1], [0], [0], [1], [0, 0, 1, 1], [], []>, transpose_lhs_hint = false} : vector<1000x128xf32>, vector<128x256xf32>, vector<1000x256xf32> -> vector<1000x256xf32>
    %add3A_38 = arith.addf %dot_general3A_32, %dot_general3A_37 : vector<1000x256xf32>
    %get3A_39 = arith.constant 0 : index
    %get3A_40 = arith.constant 0 : index
    %get3A_41 = vector.load %arg4[%get3A_39, %get3A_40] : memref<1000x256xf32, #tpu.memory_space<vmem>>, vector<1000x256xf32>
    %get3A_42 = arith.constant 256 : index
    %get3A_43 = arith.constant 0 : index
    %get3A_44 = vector.load %arg5[%get3A_42, %get3A_43] : memref<512x256xf32, #tpu.memory_space<vmem>>, vector<256x256xf32>
    %dot_general3A_45 = arith.constant dense<0.000000e+00> : vector<1000x256xf32>
    %dot_general3A_46 = tpu.matmul %get3A_41, %get3A_44, %dot_general3A_45 {dimension_numbers = #tpu.dot_dimension_numbers<[1], [0], [0], [1], [0, 0, 1, 1], [], []>, transpose_lhs_hint = false} : vector<1000x256xf32>, vector<256x256xf32>, vector<1000x256xf32> -> vector<1000x256xf32>
    %add3A_47 = arith.addf %add3A_38, %dot_general3A_46 : vector<1000x256xf32>
    %mul3A_48 = vector.broadcast %get3A_1 : vector<1000x1xf32> to vector<1000x256xf32>
    %mul3A_49 = arith.mulf %add3A_47, %mul3A_48 : vector<1000x256xf32>
    %slice3A = vector.extract_strided_slice %mul3A_49 {offsets = [0, 0], sizes = [1000, 128], strides = [1, 1]} : vector<1000x256xf32> to vector<1000x128xf32>
    %swap3A = arith.constant 0 : index
    %swap3A_50 = arith.constant 0 : index
    %swap3A_51 = arith.constant 0 : index
    %swap3A_52 = vector.load %arg6[%swap3A, %swap3A_50, %swap3A_51] : memref<2x1000x128xf32, #tpu.memory_space<vmem>>, vector<1x1000x128xf32>
    %swap3A_53 = vector.shape_cast %swap3A_52 : vector<1x1000x128xf32> to vector<1000x128xf32>
    %swap3A_54 = vector.shape_cast %slice3A : vector<1000x128xf32> to vector<1x1000x128xf32>
    tpu.vector_store %arg6[%swap3A, %swap3A_50, %swap3A_51], %swap3A_54 {strides = array<i32>} : memref<2x1000x128xf32, #tpu.memory_space<vmem>>, vector<1x1000x128xf32>,
    %slice3A_55 = vector.extract_strided_slice %mul3A_49 {offsets = [0, 128], sizes = [1000, 128], strides = [1, 1]} : vector<1000x256xf32> to vector<1000x128xf32>
    %swap3A_56 = arith.constant 1 : index
    %swap3A_57 = arith.constant 0 : index
    %swap3A_58 = arith.constant 0 : index
    %swap3A_59 = vector.load %arg6[%swap3A_56, %swap3A_57, %swap3A_58] : memref<2x1000x128xf32, #tpu.memory_space<vmem>>, vector<1x1000x128xf32>
    %swap3A_60 = vector.shape_cast %swap3A_59 : vector<1x1000x128xf32> to vector<1000x128xf32>
    %swap3A_61 = vector.shape_cast %slice3A_55 : vector<1000x128xf32> to vector<1x1000x128xf32>
    tpu.vector_store %arg6[%swap3A_56, %swap3A_57, %swap3A_58], %swap3A_61 {strides = array<i32>} : memref<2x1000x128xf32, #tpu.memory_space<vmem>>, vector<1x1000x128xf32>,
    return
  }
  func.func @transform_0(%arg0: i32) -> (i32, i32, i32) {
    %c0_i32 = arith.constant 0 : i32
    %c0_i32_0 = arith.constant 0 : i32
    %c0_i32_1 = arith.constant 0 : i32
    return %c0_i32, %arg0, %c0_i32_0 : i32, i32, i32
  }
  func.func @transform_1(%arg0: i32) -> (i32, i32) {
    %c0_i32 = arith.constant 0 : i32
    %c0_i32_0 = arith.constant 0 : i32
    return %arg0, %c0_i32 : i32, i32
  }
  func.func @transform_2(%arg0: i32) -> (i32, i32) {
    %c0_i32 = arith.constant 0 : i32
    %c0_i32_0 = arith.constant 0 : i32
    %c0_i32_1 = arith.constant 0 : i32
    return %c0_i32, %c0_i32_0 : i32, i32
  }
  func.func @transform_3(%arg0: i32) -> (i32, i32) {
    %c0_i32 = arith.constant 0 : i32
    %c0_i32_0 = arith.constant 0 : i32
    return %arg0, %c0_i32 : i32, i32
  }
  func.func @transform_4(%arg0: i32) -> (i32, i32) {
    %c0_i32 = arith.constant 0 : i32
    %c0_i32_0 = arith.constant 0 : i32
    %c0_i32_1 = arith.constant 0 : i32
    return %c0_i32, %c0_i32_0 : i32, i32
  }
  func.func @transform_5(%arg0: i32) -> (i32, i32, i32) {
    %c0_i32 = arith.constant 0 : i32
    %c0_i32_0 = arith.constant 0 : i32
    %c0_i32_1 = arith.constant 0 : i32
    return %c0_i32, %arg0, %c0_i32_0 : i32, i32, i32
  }
}

module attributes {stable_mosaic.version = 14 : i64} {
  func.func @_final_body(%arg0: i32, %arg1: memref<2x1000x128xf32, #tpu.memory_space<vmem>>, %arg2: memref<1000x1xf32, #tpu.memory_space<vmem>>, %arg3: memref<1x256xf32, #tpu.memory_space<vmem>>, %arg4: memref<1000x1xi32, #tpu.memory_space<vmem>>, %arg5: memref<256x128xf32, #tpu.memory_space<vmem>>, %arg6: memref<1x128xf32, #tpu.memory_space<vmem>>, %arg7: memref<64x128xf32, #tpu.memory_space<vmem>>) attributes {dimension_semantics = [#tpu.dimension_semantics<arbitrary>], iteration_bounds = array<i64: 10>, scalar_prefetch = 0 : i64, scratch_operands = 0 : i64, tpu.core_type = #tpu.core_type<tc>, window_params = [{transform_indices = @transform_0, window_bounds = array<i64: 2, 1000, 128>}, {transform_indices = @transform_1, window_bounds = array<i64: 1000, 1>}, {pipeline_mode = #tpu.pipeline_mode<synchronous>, transform_indices = @transform_2, window_bounds = array<i64: 1, 256>}, {transform_indices = @transform_3, window_bounds = array<i64: 1000, 1>}, {pipeline_mode = #tpu.pipeline_mode<synchronous>, transform_indices = @transform_4, window_bounds = array<i64: 256, 128>}, {pipeline_mode = #tpu.pipeline_mode<synchronous>, transform_indices = @transform_5, window_bounds = array<i64: 1, 128>}, {pipeline_mode = #tpu.pipeline_mode<synchronous>, transform_indices = @transform_6, window_bounds = array<i64: 64, 128>}]} {
    %get3A = arith.constant 0 : index
    %get3A_0 = arith.constant 0 : index
    %get3A_1 = vector.load %arg2[%get3A, %get3A_0] : memref<1000x1xf32, #tpu.memory_space<vmem>>, vector<1000x1xf32>
    %get3A_2 = arith.constant 0 : index
    %get3A_3 = arith.constant 0 : index
    %get3A_4 = arith.constant 0 : index
    %get3A_5 = vector.load %arg1[%get3A_2, %get3A_3, %get3A_4] : memref<2x1000x128xf32, #tpu.memory_space<vmem>>, vector<1x1000x128xf32>
    %get3A_6 = vector.shape_cast %get3A_5 : vector<1x1000x128xf32> to vector<1000x128xf32>
    %mul3A = vector.broadcast %get3A_1 : vector<1000x1xf32> to vector<1000x128xf32>
    %mul3A_7 = arith.mulf %mul3A, %get3A_6 : vector<1000x128xf32>
    %get3A_8 = arith.constant 0 : index
    %get3A_9 = arith.constant 0 : index
    %get3A_10 = vector.load %arg3[%get3A_8, %get3A_9] : memref<1x256xf32, #tpu.memory_space<vmem>>, vector<1x128xf32>
    %add3A = vector.broadcast %get3A_10 : vector<1x128xf32> to vector<1000x128xf32>
    %add3A_11 = arith.addf %mul3A_7, %add3A : vector<1000x128xf32>
    %max3A = arith.constant 0.000000e+00 : f32
    %max3A_12 = vector.broadcast %max3A : f32 to vector<1000x128xf32>
    %max3A_13 = arith.maximumf %add3A_11, %max3A_12 : vector<1000x128xf32>
    %get3A_14 = arith.constant 1 : index
    %get3A_15 = arith.constant 0 : index
    %get3A_16 = arith.constant 0 : index
    %get3A_17 = vector.load %arg1[%get3A_14, %get3A_15, %get3A_16] : memref<2x1000x128xf32, #tpu.memory_space<vmem>>, vector<1x1000x128xf32>
    %get3A_18 = vector.shape_cast %get3A_17 : vector<1x1000x128xf32> to vector<1000x128xf32>
    %mul3A_19 = vector.broadcast %get3A_1 : vector<1000x1xf32> to vector<1000x128xf32>
    %mul3A_20 = arith.mulf %mul3A_19, %get3A_18 : vector<1000x128xf32>
    %get3A_21 = arith.constant 0 : index
    %get3A_22 = arith.constant 128 : index
    %get3A_23 = vector.load %arg3[%get3A_21, %get3A_22] : memref<1x256xf32, #tpu.memory_space<vmem>>, vector<1x128xf32>
    %add3A_24 = vector.broadcast %get3A_23 : vector<1x128xf32> to vector<1000x128xf32>
    %add3A_25 = arith.addf %mul3A_20, %add3A_24 : vector<1000x128xf32>
    %max3A_26 = arith.constant 0.000000e+00 : f32
    %max3A_27 = vector.broadcast %max3A_26 : f32 to vector<1000x128xf32>
    %max3A_28 = arith.maximumf %add3A_25, %max3A_27 : vector<1000x128xf32>
    %iota3A = tpu.iota {dimensions = array<i32: 1>} : vector<1x64xi32>
    %get3A_29 = arith.constant 0 : index
    %get3A_30 = arith.constant 0 : index
    %get3A_31 = vector.load %arg4[%get3A_29, %get3A_30] : memref<1000x1xi32, #tpu.memory_space<vmem>>, vector<1000x1xi32>
    %eq3A = vector.broadcast %get3A_31 : vector<1000x1xi32> to vector<1000x64xi32>
    %eq3A_32 = vector.broadcast %iota3A : vector<1x64xi32> to vector<1000x64xi32>
    %eq3A_33 = arith.cmpi eq, %eq3A, %eq3A_32 : vector<1000x64xi32>
    %convert_element_type3A = arith.extui %eq3A_33 : vector<1000x64xi1> to vector<1000x64xi32>
    %convert_element_type3A_34 = arith.sitofp %convert_element_type3A : vector<1000x64xi32> to vector<1000x64xf32>
    %dot_general3A = arith.constant dense<0.000000e+00> : vector<64x128xf32>
    %dot_general3A_35 = tpu.matmul %convert_element_type3A_34, %max3A_13, %dot_general3A {dimension_numbers = #tpu.dot_dimension_numbers<[0], [0], [1], [1], [0, 1, 1, 1], [], []>, transpose_lhs_hint = false} : vector<1000x64xf32>, vector<1000x128xf32>, vector<64x128xf32> -> vector<64x128xf32>
    %dot_general3A_36 = arith.constant dense<0.000000e+00> : vector<64x128xf32>
    %dot_general3A_37 = tpu.matmul %convert_element_type3A_34, %max3A_28, %dot_general3A_36 {dimension_numbers = #tpu.dot_dimension_numbers<[0], [0], [1], [1], [0, 1, 1, 1], [], []>, transpose_lhs_hint = false} : vector<1000x64xf32>, vector<1000x128xf32>, vector<64x128xf32> -> vector<64x128xf32>
    %get3A_38 = arith.constant 0 : index
    %get3A_39 = arith.constant 0 : index
    %get3A_40 = vector.load %arg5[%get3A_38, %get3A_39] : memref<256x128xf32, #tpu.memory_space<vmem>>, vector<128x128xf32>
    %dot_general3A_41 = arith.constant dense<0.000000e+00> : vector<64x128xf32>
    %dot_general3A_42 = tpu.matmul %dot_general3A_35, %get3A_40, %dot_general3A_41 {dimension_numbers = #tpu.dot_dimension_numbers<[1], [0], [0], [1], [0, 0, 1, 1], [], []>, transpose_lhs_hint = false} : vector<64x128xf32>, vector<128x128xf32>, vector<64x128xf32> -> vector<64x128xf32>
    %get3A_43 = arith.constant 128 : index
    %get3A_44 = arith.constant 0 : index
    %get3A_45 = vector.load %arg5[%get3A_43, %get3A_44] : memref<256x128xf32, #tpu.memory_space<vmem>>, vector<128x128xf32>
    %dot_general3A_46 = arith.constant dense<0.000000e+00> : vector<64x128xf32>
    %dot_general3A_47 = tpu.matmul %dot_general3A_37, %get3A_45, %dot_general3A_46 {dimension_numbers = #tpu.dot_dimension_numbers<[1], [0], [0], [1], [0, 0, 1, 1], [], []>, transpose_lhs_hint = false} : vector<64x128xf32>, vector<128x128xf32>, vector<64x128xf32> -> vector<64x128xf32>
    %add3A_48 = arith.addf %dot_general3A_42, %dot_general3A_47 : vector<64x128xf32>
    %eq3A_49 = arith.constant 0 : i32
    %eq3A_50 = arith.cmpi eq, %arg0, %eq3A_49 : i32
    %convert_element_type3A_51 = arith.extui %eq3A_50 : i1 to i32
    %cond3A = arith.constant 0 : i32
    %cond3A_52 = arith.cmpi ne, %convert_element_type3A_51, %cond3A : i32
    scf.if %cond3A_52 {
      %get3A_59 = arith.constant 0 : index
      %get3A_60 = arith.constant 0 : index
      %get3A_61 = vector.load %arg6[%get3A_59, %get3A_60] : memref<1x128xf32, #tpu.memory_space<vmem>>, vector<1x128xf32>
      %broadcast_in_dim3A = vector.shape_cast %get3A_61 : vector<1x128xf32> to vector<1x128xf32>
      %broadcast_in_dim3A_62 = vector.broadcast %broadcast_in_dim3A : vector<1x128xf32> to vector<64x128xf32>
      %swap3A_63 = arith.constant 0 : index
      %swap3A_64 = arith.constant 0 : index
      %swap3A_65 = vector.load %arg7[%swap3A_63, %swap3A_64] : memref<64x128xf32, #tpu.memory_space<vmem>>, vector<64x128xf32>
      tpu.vector_store %arg7[%swap3A_63, %swap3A_64], %broadcast_in_dim3A_62 {strides = array<i32>} : memref<64x128xf32, #tpu.memory_space<vmem>>, vector<64x128xf32>,
    } else {
    }
    %get3A_53 = arith.constant 0 : index
    %get3A_54 = arith.constant 0 : index
    %get3A_55 = vector.load %arg7[%get3A_53, %get3A_54] : memref<64x128xf32, #tpu.memory_space<vmem>>, vector<64x128xf32>
    %add3A_56 = arith.addf %get3A_55, %add3A_48 : vector<64x128xf32>
    %swap3A = arith.constant 0 : index
    %swap3A_57 = arith.constant 0 : index
    %swap3A_58 = vector.load %arg7[%swap3A, %swap3A_57] : memref<64x128xf32, #tpu.memory_space<vmem>>, vector<64x128xf32>
    tpu.vector_store %arg7[%swap3A, %swap3A_57], %add3A_56 {strides = array<i32>} : memref<64x128xf32, #tpu.memory_space<vmem>>, vector<64x128xf32>,
    return
  }
  func.func @transform_0(%arg0: i32) -> (i32, i32, i32) {
    %c0_i32 = arith.constant 0 : i32
    %c0_i32_0 = arith.constant 0 : i32
    %c0_i32_1 = arith.constant 0 : i32
    return %c0_i32, %arg0, %c0_i32_0 : i32, i32, i32
  }
  func.func @transform_1(%arg0: i32) -> (i32, i32) {
    %c0_i32 = arith.constant 0 : i32
    %c0_i32_0 = arith.constant 0 : i32
    return %arg0, %c0_i32 : i32, i32
  }
  func.func @transform_2(%arg0: i32) -> (i32, i32) {
    %c0_i32 = arith.constant 0 : i32
    %c0_i32_0 = arith.constant 0 : i32
    %c0_i32_1 = arith.constant 0 : i32
    return %c0_i32, %c0_i32_0 : i32, i32
  }
  func.func @transform_3(%arg0: i32) -> (i32, i32) {
    %c0_i32 = arith.constant 0 : i32
    %c0_i32_0 = arith.constant 0 : i32
    return %arg0, %c0_i32 : i32, i32
  }
  func.func @transform_4(%arg0: i32) -> (i32, i32) {
    %c0_i32 = arith.constant 0 : i32
    %c0_i32_0 = arith.constant 0 : i32
    %c0_i32_1 = arith.constant 0 : i32
    return %c0_i32, %c0_i32_0 : i32, i32
  }
  func.func @transform_5(%arg0: i32) -> (i32, i32) {
    %c0_i32 = arith.constant 0 : i32
    %c0_i32_0 = arith.constant 0 : i32
    %c0_i32_1 = arith.constant 0 : i32
    return %c0_i32, %c0_i32_0 : i32, i32
  }
  func.func @transform_6(%arg0: i32) -> (i32, i32) {
    %c0_i32 = arith.constant 0 : i32
    %c0_i32_0 = arith.constant 0 : i32
    %c0_i32_1 = arith.constant 0 : i32
    return %c0_i32, %c0_i32_0 : i32, i32
  }
}

</mosaic_0001>

<sc_bundles>
// kernel: kernel.11.cloned.1.call-start
scs
__scs_entry_jumppad:
0x0: {  	(pc) =	sbr.rel $0x88, $3  }
0x1: {  	(tag) =	ssettag $0x0;
	lr =	simm.s32 $0x1  }
0x2: {  	[smem:$0x3F90] =	sst lr;
	_ =	strace $0xD0000000  }
0x3: {  	_ = 	snop  }
0x4: {  	_ = 	snop  }
0x5: {  	_ = 	snop  }
0x6: {  	_ = 	snop  }
0x7: {  	_ = 	snop  }
__scs_overlays_trampoline_lowered:
0x8: {  	[smem:$0x3F9F] =	sst s0  }
0x9: {  	[smem:$0x3FA0] =	sst s1  }
0xa: {  	[smem:$0x3FA1] =	sst s2  }
0xb: {  	[smem:$0x3FA2] =	sst s3  }
0xc: {  	[smem:$0x3FA3] =	sst s4  }
0xd: {  	[smem:$0x3FA4] =	sst s5  }
0xe: {  	[smem:$0x3FA5] =	sst s6  }
0xf: {  	[smem:$0x3FA6] =	sst s7  }
0x10: {  	[smem:$0x3FA7] =	sst s8  }
0x11: {  	[smem:$0x3FA8] =	sst s9;
	s0 =	simm.s32 @!p0 $0x0  }
0x12: {  	s1 =	sld [smem:$0x3F8E];
	s0 =	simm.s32 @p0 $0x1  }
0x13: {  	[smem:$0x3FA9] =	sst s0;
	s0 =	simm.s32 @!p1 $0x0  }
0x14: {  	s2 =	sld [smem:$0x3F8D];
	s0 =	simm.s32 @p1 $0x1  }
0x15: {  	[smem:$0x3FAA] =	sst s0;
	s0 =	simm.s32 @!p2 $0x0  }
0x16: {  	s3 =	sld [smem:$0x3FDB];
	s0 =	simm.s32 @p2 $0x1  }
0x17: {  	s4 =	simm.s32 $0x1BF5;
	[smem:$0x3FAC] =	sst s0  }
0x18: {  	s0 =	sld [smem:$0x3F8F];
	_ =	swait.ge [sflag:s4], $0x0  }
0x19: {  	s7 =	sld [smem:$0x3F90]  }
0x1a: {  	s8 =	sadd.s32 $0xFFFFE003, lr  }
0x1b: {  	s9 =	sadd.s32 $0xFFFFFEF7, lr;
	s5 =	simm.s32 $0xFFFFFFFF;
	p2 =	slt.u32 s8, $0xFFFFF086  }
0x1c: {  	p1 =	slt.u32 s9, $0xF7A;
	s5 =	simm.s32 @!p2 $0x0  }
0x1d: {  	s5 =	simm.s32 @p1 $0x1;
	p0 =	seq.s32 s7, s2  }
0x1e: {  	s7 =	smul.u32 @!p0 $0xF7A, s2;
	p2 =	seq.s32 @!p0 s5, $0x0  }
0x1f: {  	s9 =	smul.u32 $0xF7A, s1;
	s8 =	simm.s32 @!p0 $0x1BF5;
	p2 =	por !p2, p0  }
0x20: {  	[sflag:s8] =	ssyncset.s32 @!p0 $0xFFFFF086;
	s6 =	sadd.s32 @!p0 s3, s7;
	s7 =	simm.s32 @!p0 $0x108  }
0x21: {  	s3 =	sadd.s32 s3, s9;
	s6 =	sadd.s32 @!p0 $0x88, s6;
	s7 =	simm.s32 @p2 $0x1082  }
0x22: {  	[simem:s7], [sflag:s8] =	dma.local @!p0 [hbm:s6], $0xF7A  }
0x23: {  	s9 =	sor.u32 $0xD0000000, s2;
	s6 =	simm.s32 $0x108;
	_ =	swait.ge @!p0 [sflag:s8], $0x0  }
0x24: {  	s3 =	sadd.s32 $0x88, s3;
	s6 =	simm.s32 @!p1 $0x1082;
	[sflag:s4] =	ssyncset.s32 $0xFFFFF086  }
0x25: {  	[simem:s6], [sflag:s4] =	dma.local [hbm:s3], $0xF7A  }
0x26: {  	[smem:$0x3F90] =	sst s1;
	(tag) =	ssettag s2;
	_ =	strace s9  }
0x27: {  	s1 =	sld [smem:$0x3FA0]  }
0x28: {  	s2 =	sld [smem:$0x3FA1]  }
0x29: {  	s4 =	sld [smem:$0x3FA3]  }
0x2a: {  	p0 =	seq.s32 s5, $0x0;
	s5 =	sld [smem:$0x3FA4]  }
0x2b: {  	s6 =	sld [smem:$0x3FA5]  }
0x2c: {  	s7 =	sld [smem:$0x3FA6]  }
0x2d: {  	s3 =	simm.s32 $0x108;
	s8 =	sld [smem:$0x3FA7]  }
0x2e: {  	s3 =	simm.s32 @!p0 $0x1082;
	s9 =	sld [smem:$0x3FA8]  }
0x2f: {  	lr =	sadd.s32 s0, s3;
	s0 =	sld [smem:$0x3F9F]  }
0x30: {  	s3 =	sld [smem:$0x3FA2]  }
0x31: {  	[smem:$0x3FAB] =	sst s10  }
0x32: {  	s10 =	sld [smem:$0x3FA9];
	_ =	sdelay $0x3  }
0x33: {  	p0 =	seq.s32 s10, $0x1;
	s10 =	sld [smem:$0x3FAB];
	_ =	sdelay $0x3  }
0x34: {  	[smem:$0x3FAB] =	sst s10  }
0x35: {  	s10 =	sld [smem:$0x3FAA];
	_ =	sdelay $0x3  }
0x36: {  	p1 =	seq.s32 s10, $0x1;
	s10 =	sld [smem:$0x3FAB];
	_ =	sdelay $0x3  }
0x37: {  	[smem:$0x3FAB] =	sst s10  }
0x38: {  	s10 =	sld [smem:$0x3FAC]  }
0x39: {  	_ = 	snop;
	(pc) =	sbr.ind lr, $3  }
0x3a: {  	_ = 	snop  }
0x3b: {  	_ = 	snop  }
0x3c: {  	p2 =	seq.s32 s10, $0x1;
	s10 =	sld [smem:$0x3FAB]  }
0x3d: {  	_ =	shalt  }
0x3e: {  	_ =	shalt  }
0x3f: {  	_ =	shalt  }
0x40: {  	_ =	shalt  }
0x41: {  	_ =	shalt  }
0x42: {  	_ =	shalt  }
0x43: {  	_ =	shalt  }
0x44: {  	_ =	shalt  }
0x45: {  	_ =	shalt  }
0x46: {  	_ =	shalt  }
0x47: {  	_ =	shalt  }
0x48: {  	_ =	shalt  }
0x49: {  	_ =	shalt  }
0x4a: {  	_ =	shalt  }
0x4b: {  	_ =	shalt  }
0x4c: {  	_ =	shalt  }
0x4d: {  	_ =	shalt  }
0x4e: {  	_ =	shalt  }
0x4f: {  	_ =	shalt  }
0x50: {  	_ =	shalt  }
0x51: {  	_ =	shalt  }
0x52: {  	_ =	shalt  }
0x53: {  	_ =	shalt  }
0x54: {  	_ =	shalt  }
0x55: {  	_ =	shalt  }
0x56: {  	_ =	shalt  }
0x57: {  	_ =	shalt  }
0x58: {  	_ =	shalt  }
0x59: {  	_ =	shalt  }
0x5a: {  	_ =	shalt  }
0x5b: {  	_ =	shalt  }
0x5c: {  	_ =	shalt  }
0x5d: {  	_ =	shalt  }
0x5e: {  	_ =	shalt  }
0x5f: {  	_ =	shalt  }
0x60: {  	_ =	shalt  }
0x61: {  	_ =	shalt  }
0x62: {  	_ =	shalt  }
0x63: {  	_ =	shalt  }
0x64: {  	_ =	shalt  }
0x65: {  	_ =	shalt  }
0x66: {  	_ =	shalt  }
0x67: {  	_ =	shalt  }
0x68: {  	_ =	shalt  }
0x69: {  	_ =	shalt  }
0x6a: {  	_ =	shalt  }
0x6b: {  	_ =	shalt  }
0x6c: {  	_ =	shalt  }
0x6d: {  	_ =	shalt  }
0x6e: {  	_ =	shalt  }
0x6f: {  	_ =	shalt  }
0x70: {  	_ =	shalt  }
0x71: {  	_ =	shalt  }
0x72: {  	_ =	shalt  }
0x73: {  	_ =	shalt  }
0x74: {  	_ =	shalt  }
0x75: {  	_ =	shalt  }
0x76: {  	_ =	shalt  }
0x77: {  	_ =	shalt  }
0x78: {  	_ =	shalt  }
0x79: {  	_ =	shalt  }
0x7a: {  	_ =	shalt  }
0x7b: {  	_ =	shalt  }
0x7c: {  	_ =	shalt  }
0x7d: {  	_ =	shalt  }
0x7e: {  	_ =	shalt  }
0x7f: {  	_ =	shalt  }
0x80: {  	_ =	shalt  }
0x81: {  	_ =	shalt  }
0x82: {  	_ =	shalt  }
0x83: {  	_ =	shalt  }
0x84: {  	_ =	shalt  }
0x85: {  	_ =	shalt  }
0x86: {  	_ =	shalt  }
0x87: {  	_ =	shalt  }
.Lfunc_end0:
.L_simem_size_0:
called_computation_lowered:
.L_overlay_start_0:
0x88: {  	s2 =	sld [smem:$0x3FD9]  }
0x89: {  	s3 =	sld [smem:$0x3FFE];
	_ =	sdelay $0x1  }
0x8a: {  	s1 =	srdreg.scid  }
0x8b: {  	s0 =	sand.u32 $0x1, s1  }
0x8c: {  	s16 =	sshll.u32 s0, $0xA;
	s2 =	sadd.s32 s3, s2  }
0x8d: {  	s2 =	sadd.s32 s2, s16  }
0x8e: {  	[smem:$0x3FB7] =	sst s2  }
0x8f: {  	_ = 	snop  }
0x90: {  	(tm) =	ssettm $0x1  }
0x91: {  	s17 =	sld [smem:$0x3FFB];
	_ =	sdelay $0x3  }
0x92: {  	_ =	strace s17  }
0x93: {  	s2 =	sld [smem:$0x3FFC];
	_ =	sdelay $0x3  }
0x94: {  	_ =	strace s2  }
0x95: {  	s2 =	sld [smem:$0x3FFD];
	_ =	sdelay $0x3  }
0x96: {  	_ =	strace s2  }
0x97: {  	_ =	strace $0x8FFFFFFF  }
0x98: {  	s18 =	sld [smem:$0x3FDB];
	_ =	sdelay $0x1  }
0x99: {  	s19 =	simm.s32 $_scs_section_size  }
0x9a: {  	s4 =	simm.s32 $_size__tile_overlayer_lowered;
	s5 =	simm.s32 $_tile_overlayer_lowered  }
0x9b: {  	s22 =	simm.s32 $0x1BFF;
	s21 =	sshll.u32 s5, $0x1;
	s2 =	sadd.s32 s19, s18  }
0x9c: {  	s6 =	simm.s32 $0x0;
	s20 =	sshll.u32 s4, $0x1;
	s4 =	sadd.s32 s21, s2  }
0x9d: {  	[timem:s6], [sflag:s22] =	dma.local [hbm:s4], s20  }
0x9e: {  	_ =	swait.ge [sflag:s22], s20  }
0x9f: {  	s3 =	ssub.s32 $0x0, s20;
	[sflag:s22] =	ssyncset.done $0x0  }
0xa0: {  	[sflag:s22] =	ssyncadd.s32 s3;
	_ =	sdelay $0x1  }
0xa1: {  	s23 =	simm.s32 $0x1B8B  }
0xa2: {  	_ =	swait.ge [sflag:s23], $0x1  }
0xa3: {  	[sflag:s23] =	ssyncset.done $0x0  }
0xa4: {  	s25 =	simm.s32 $0x1B8E;
	s24 =	sld [smem:$0x3FFE];
	[sflag:s23] =	ssyncadd.s32 $0xFFFFFFFF  }
0xa5: {  	s26 =	simm.s32 $execute0_lowered;
	[smem:$0x3FD2] =	sst s25  }
0xa6: {  	s4 =	sshll.u32 s26, $0x1;
	_ =	strace $0x80000046;
	[dreg:$0x1] =	wrdreg $0xFFFFFFFF  }
0xa7: {  	s28 =	simm.s32 $_size_execute0_lowered;
	s2 =	sadd.s32 s2, s4;
	[dreg:$0x0] =	wrdreg $0x0  }
0xa8: {  	s4 =	sshll.u32 s28, $0x1;
	[dreg:$0x2] =	wrdreg s2  }
0xa9: {  	[dreg:$0x3] =	wrdreg s4  }
0xaa: {  	[dreg:$0x4] =	wrdreg $0xC0  }
0xab: {  	_ =	task [dreg:s6], $0x5FFFF  }
0xac: {  	[dreg:$0x1] =	wrdreg $0xFFFFFFFF  }
0xad: {  	[dreg:$0x0] =	wrdreg $0x60  }
0xae: {  	[dreg:$0x2] =	wrdreg s24  }
0xaf: {  	[dreg:$0x3] =	wrdreg $0xAC000  }
0xb0: {  	[dreg:$0x4] =	wrdreg $0x9  }
0xb1: {  	_ =	task.clear_ibuf [dreg:s6], $0x5FFFF;
	_ =	strace $0x90000046  }
0xb2: {  	s29 =	simm.s32 $0x9;
	_ =	strace $0x80000048  }
0xb3: {  	_ =	swait.ge [sflag:s29], $0x1  }
0xb4: {  	[sflag:s29] =	ssyncadd.s32 $0xFFFFFFFF  }
0xb5: {  	_ =	strace $0x90000048  }
0xb6: {  	_ =	sfence  }
0xb7: {  	s30 =	sld [smem:$0x0];
	_ =	sdelay $0x2  }
0xb8: {  	s31 =	sshll.u32 s1, $0xD;
	s1 =	sshrl.u32 s1, $0x2  }
0xb9: {  	s3 =	sand.u32 $0x4000, s31;
	s1 =	sadd.s32 s1, s30  }
0xba: {  	s0 =	sor.u32 s3, s0;
	s1 =	sshll.u32 s1, $0x11  }
0xbb: {  	s0 =	sor.u32 s1, s0  }
0xbc: {  	s0 =	sadd.s32 $0x8F2B, s0  }
0xbd: {  	[sflag:s0] =	ssyncadd.remote.s32 $0x1  }
0xbe: {  	_ =	sfence.sel $0xFFFF  }
0xbf: {  	[dreg:$0x0] =	wrdreg $0xFFFFFFFF;
	(pc) =	sbr.abs _section_cstart, $3  }
0xc0: {  	[dreg:$0x1] =	wrdreg $0xFFFFFFFF  }
0xc1: {  	_ =	task.clear_ibuf [dreg:s6], $0x2FFFF;
	_ =	strace $0x9FFFFFFF  }
0xc2: {  	(tm) =	ssettm $0x7FFFFFFF  }
0xc3: {  	_ =	shalt  }
tec
execute0_lowered:
.L_overlay_start_1:
0x0: {  	(tag) =	ssettag $0x1  }
0x1: {  	s4 =	rddreg [dreg:$0x0]  }
0x2: {  	s2 =	rddreg [dreg:$0x1];
	s1 =	srdreg.scid  }
0x3: {  	s0 =	rddreg [dreg:$0x2];
	s3 =	simm.s32 $0x0;
	s12 =	simm.s32 $0x80  }
0x4: {  	s13 =	simm.s32 $0xA800;
	s14 =	simm.s32 $0x6800;
	s15 =	simm.s32 $0x1  }
0x5: {  	s16 =	simm.s32 $0xA880;
	s17 =	simm.s32 $0xA900;
	s18 =	simm.s32 $0xA980  }
0x6: {  	s19 =	simm.s32 $0xAA00;
	s20 =	simm.s32 $0x2800;
	s5 =	sand.u32 $0x1, s1  }
0x7: {  	s21 =	simm.s32 $0x0;
	s1 =	stileid.u32;
	s6 =	smul.u32 $0x140000, s5  }
0x8: {  	s7 =	sshll.u32 s5, $0x4;
	s8 =	smul.u32 $0x14000, s1;
	s5 =	ssub.s32 $0x2, s5  }
0x9: {  	[smem:$0x7FF] =	sst s3;
	s7 =	sor.u32 s1, s7;
	s31 =	sshrl.u32 s5, $0x1  }
0xa: {  	s7 =	smul.u32 $0x500, s7;
	s6 =	sadd.s32 s8, s6;
	s11 =	ssub.s32 s5, s31  }
0xb: {  	_ =	strace $0x80000047;
	s6 =	sshrl.u32 s6, $0x3;
	s11 =	smax.u32 s11, $0x1  }
0xc: {  	s7 =	sadd.s32 s7, s4;
	s10 =	sadd.s32 s6, s4;
	s4 =	smul.u32 $0x280, s1  }
0xd: {  	s5 =	sadd.s32 $0x17600, s7;
	s6 =	sadd.s32 $0x21600, s10;
	s7 =	sadd.s32 $0x21E00, s10  }
0xe: {  	v0 =	vimm.f32 $1.000000000e+00;
	v1 =	vimm.f32 $0.0e+00;
	v2 =	vlaneseq.u32;
	s8 =	sadd.s32 $0x22600, s10;
	s9 =	sadd.s32 $0x22E00, s10;
	s10 =	sadd.s32 $0x23600, s10  }
.LBB2_1:
0xf: {  	s22 =	sand.u32 $0xFE00, s3  }
0x10: {  	s24 =	sand.u32 $0x70, s3;
	s22 =	sshrl.u32 s22, $0x2  }
0x11: {  	s23 =	simm.s32 $0x40;
	s25 =	sor.u32 s24, s22;
	s24 =	simm.s32 $0x0  }
.LBB2_2:
0x12: {  	p0 =	sne.s32 s23, $0xFFC0  }
0x13: {  	[tilespmem:s25+$0x2800] =	vst v0;
	s24 =	sadd.s32 $0x10, s24;
	s22 =	smov.u32 s23;
	s23 =	sadd.s32 $0x40, s23  }
.Ltmp0:
0x14: {  	(pc) =	sbr.rel @p0 .LBB2_2-.Ltmp0, $4  }
0x15: {  	_ = 	snop  }
0x16: {  	s22 =	sand.u32 $0xFE00, s22  }
0x17: {  	s25 =	sand.u32 $0x70, s24;
	s22 =	sshrl.u32 s22, $0x2  }
0x18: {  	s25 =	sor.u32 s25, s22;
	s22 =	simm.s32 $0x0  }
0x19: {  	s23 =	sand.u32 $0xFE00, s22  }
0x1a: {  	s24 =	sand.u32 $0x70, s22;
	s26 =	sshrl.u32 s23, $0x2  }
0x1b: {  	[tilespmem:s25+$0x2800] =	vst v0;
	s23 =	simm.s32 $0x40;
	s25 =	sor.u32 s24, s26;
	s24 =	simm.s32 $0x0  }
.LBB2_4:
0x1c: {  	p0 =	sne.s32 s23, $0xFFC0  }
0x1d: {  	[tilespmem:s25+$0x6800] =	vst v1;
	s24 =	sadd.s32 $0x10, s24;
	s25 =	smov.u32 s23;
	s23 =	sadd.s32 $0x40, s23  }
.Ltmp1:
0x1e: {  	(pc) =	sbr.rel @p0 .LBB2_4-.Ltmp1, $4  }
0x1f: {  	_ = 	snop  }
0x20: {  	s25 =	sand.u32 $0xFE00, s25  }
0x21: {  	s26 =	sand.u32 $0x70, s24;
	s25 =	sshrl.u32 s25, $0x2  }
0x22: {  	s25 =	sor.u32 s26, s25  }
0x23: {  	s23 =	sand.u32 $0x380, s22  }
0x24: {  	s26 =	sand.u32 $0x70, s22;
	s24 =	sadd.s32 s4, s23  }
0x25: {  	s24 =	sor.u32 s26, s24  }
0x26: {  	[tilespmem:s25+$0x6800] =	vst v1;
	s22 =	simm.s32 $0x10;
	s23 =	sor.u32 s26, s23;
	v3 =	vor.u32 s24, v2  }
.LBB2_6:
0x27: {  	p0 =	sne.s32 s22, $0x270;
	[tilespmem:s23+$0xA800] =	vst v3;
	s23 =	smov.u32 s22;
	s22 =	sadd.s32 $0x10, s22  }
.Ltmp2:
0x28: {  	(pc) =	sbr.rel @p0 .LBB2_6-.Ltmp2, $4  }
0x29: {  	s24 =	sand.u32 $0x380, s23  }
0x2a: {  	s23 =	sand.u32 $0x70, s23;
	s25 =	sadd.s32 s4, s24  }
0x2b: {  	s25 =	sor.u32 s23, s25  }
0x2c: {  	s23 =	sor.u32 s23, s24;
	v3 =	vor.u32 s25, v2  }
0x2d: {  	[tilespmem:s23+$0xA800] =	vst v3  }
0x2e: {  	[spmem:s2] =	stream.indirect.scatter [tilespmem:s14], [sflag:$0x1], $0x80, s13, s12, $0xb8;
	[tilespmem:$0x1EC00] =	vst v63  }
0x2f: {  	_ =	swait.ge [sflag:s15], $0x4000  }
0x30: {  	[sflag:s15] =	ssyncset.done $0x0  }
0x31: {  	[sflag:s15] =	ssyncadd.s32 $0xFFFFC000  }
0x32: {  	[spmem:s2] =	stream.indirect.scatter [tilespmem:s14], [sflag:$0x1], $0x80, s16, s12, $0xb8;
	[tilespmem:$0x1EC00] =	vst v63  }
0x33: {  	_ =	swait.ge [sflag:s15], $0x4000  }
0x34: {  	[sflag:s15] =	ssyncset.done $0x0  }
0x35: {  	[sflag:s15] =	ssyncadd.s32 $0xFFFFC000  }
0x36: {  	[spmem:s2] =	stream.indirect.scatter [tilespmem:s14], [sflag:$0x1], $0x80, s17, s12, $0xb8;
	[tilespmem:$0x1EC00] =	vst v63  }
0x37: {  	_ =	swait.ge [sflag:s15], $0x4000  }
0x38: {  	[sflag:s15] =	ssyncset.done $0x0  }
0x39: {  	[sflag:s15] =	ssyncadd.s32 $0xFFFFC000  }
0x3a: {  	[spmem:s2] =	stream.indirect.scatter [tilespmem:s14], [sflag:$0x1], $0x80, s18, s12, $0xb8;
	[tilespmem:$0x1EC00] =	vst v63  }
0x3b: {  	_ =	swait.ge [sflag:s15], $0x4000  }
0x3c: {  	[sflag:s15] =	ssyncset.done $0x0  }
0x3d: {  	[sflag:s15] =	ssyncadd.s32 $0xFFFFC000  }
0x3e: {  	[spmem:s2] =	stream.indirect.scatter [tilespmem:s14], [sflag:$0x1], $0x80, s19, s12, $0xb8;
	[tilespmem:$0x1EC00] =	vst v63  }
0x3f: {  	_ =	swait.ge [sflag:s15], $0x4000  }
0x40: {  	[sflag:s15] =	ssyncset.done $0x0  }
0x41: {  	[sflag:s15] =	ssyncadd.s32 $0xFFFFC000  }
0x42: {  	s22 =	simm.s32 $0x0;
	[bflag:$0x0] =	sbarrier.arrive $0xFFFF  }
0x43: {  	[tilespmem:s22], [sflag:$0x1] =	stream.linear.gather [hbm4b:s5+s22], $0x2800, $0x38;
	[tilespmem:$0x1EC00] =	vst v63  }
0x44: {  	_ =	swait.ge [sflag:s15], $0x2800  }
0x45: {  	[sflag:s15] =	ssyncset.done $0x0  }
0x46: {  	s31 =	simm.s32 $0x0;
	[sflag:s15] =	ssyncadd.s32 $0xFFFFD800  }
0x47: {  	[spmem:s2] =	stream.indirect.scatter.add.f32 [tilespmem:s20], [sflag:$0x1], $0x80, s31, s12, $0xb8;
	[tilespmem:$0x1EC00] =	vst v63  }
0x48: {  	_ =	swait.ge [sflag:s15], $0x4000  }
0x49: {  	s22 =	simm.s32 $0x200;
	[sflag:s15] =	ssyncset.done $0x0  }
.LBB2_8:
0x4a: {  	s23 =	sshra.s32 s22, $0x2;
	[sflag:s15] =	ssyncadd.s32 $0xFFFFC000;
	p0 =	sne.s32 s22, $0x9E00  }
0x4b: {  	[spmem:s2] =	stream.indirect.scatter.add.f32 [tilespmem:s20], [sflag:$0x1], $0x80, s23, s12, $0xb8;
	[tilespmem:$0x1EC00] =	vst v63  }
.Ltmp3:
0x4c: {  	_ = 	snop;
	(pc) =	sbr.rel @p0 .LBB2_8-.Ltmp3, $4  }
0x4d: {  	_ = 	snop  }
0x4e: {  	s22 =	sadd.s32 $0x200, s22  }
0x4f: {  	_ =	swait.ge [sflag:s15], $0x4000  }
0x50: {  	[sflag:s15] =	ssyncset.done $0x0  }
0x51: {  	[sflag:s15] =	ssyncadd.s32 $0xFFFFC000  }
0x52: {  	[bflag:$0x0] =	sbarrier.arrive $0xFFFF  }
0x53: {  	[tilespmem:s14], [sflag:$0x1] =	stream.indirect.gather [spmem:s2], $0x80, s13, s12, $0xb8;
	[tilespmem:$0x1EC00] =	vst v63  }
0x54: {  	_ =	swait.ge [sflag:s15], $0x4000  }
0x55: {  	[sflag:s15] =	ssyncset.done $0x0  }
0x56: {  	[sflag:s15] =	ssyncadd.s32 $0xFFFFC000  }
0x57: {  	[hbm4b:s6+s3] =	stream.linear.scatter [tilespmem:s14], [sflag:$0x1], $0x4000, $0x38;
	[tilespmem:$0x1EC00] =	vst v63  }
0x58: {  	_ =	swait.ge [sflag:s15], $0x4000  }
0x59: {  	[sflag:s15] =	ssyncset.done $0x0  }
0x5a: {  	[sflag:s15] =	ssyncadd.s32 $0xFFFFC000  }
0x5b: {  	[tilespmem:s14], [sflag:$0x1] =	stream.indirect.gather [spmem:s2], $0x80, s16, s12, $0xb8;
	[tilespmem:$0x1EC00] =	vst v63  }
0x5c: {  	_ =	swait.ge [sflag:s15], $0x4000  }
0x5d: {  	[sflag:s15] =	ssyncset.done $0x0  }
0x5e: {  	[sflag:s15] =	ssyncadd.s32 $0xFFFFC000  }
0x5f: {  	[hbm4b:s7+s3] =	stream.linear.scatter [tilespmem:s14], [sflag:$0x1], $0x4000, $0x38;
	[tilespmem:$0x1EC00] =	vst v63  }
0x60: {  	_ =	swait.ge [sflag:s15], $0x4000  }
0x61: {  	[sflag:s15] =	ssyncset.done $0x0  }
0x62: {  	[sflag:s15] =	ssyncadd.s32 $0xFFFFC000  }
0x63: {  	[tilespmem:s14], [sflag:$0x1] =	stream.indirect.gather [spmem:s2], $0x80, s17, s12, $0xb8;
	[tilespmem:$0x1EC00] =	vst v63  }
0x64: {  	_ =	swait.ge [sflag:s15], $0x4000  }
0x65: {  	[sflag:s15] =	ssyncset.done $0x0  }
0x66: {  	[sflag:s15] =	ssyncadd.s32 $0xFFFFC000  }
0x67: {  	[hbm4b:s8+s3] =	stream.linear.scatter [tilespmem:s14], [sflag:$0x1], $0x4000, $0x38;
	[tilespmem:$0x1EC00] =	vst v63  }
0x68: {  	_ =	swait.ge [sflag:s15], $0x4000  }
0x69: {  	[sflag:s15] =	ssyncset.done $0x0  }
0x6a: {  	[sflag:s15] =	ssyncadd.s32 $0xFFFFC000  }
0x6b: {  	[tilespmem:s14], [sflag:$0x1] =	stream.indirect.gather [spmem:s2], $0x80, s18, s12, $0xb8;
	[tilespmem:$0x1EC00] =	vst v63  }
0x6c: {  	_ =	swait.ge [sflag:s15], $0x4000  }
0x6d: {  	[sflag:s15] =	ssyncset.done $0x0  }
0x6e: {  	[sflag:s15] =	ssyncadd.s32 $0xFFFFC000  }
0x6f: {  	[hbm4b:s9+s3] =	stream.linear.scatter [tilespmem:s14], [sflag:$0x1], $0x4000, $0x38;
	[tilespmem:$0x1EC00] =	vst v63  }
0x70: {  	_ =	swait.ge [sflag:s15], $0x4000  }
0x71: {  	[sflag:s15] =	ssyncset.done $0x0  }
0x72: {  	[sflag:s15] =	ssyncadd.s32 $0xFFFFC000  }
0x73: {  	[tilespmem:s14], [sflag:$0x1] =	stream.indirect.gather [spmem:s2], $0x80, s19, s12, $0xb8;
	[tilespmem:$0x1EC00] =	vst v63  }
0x74: {  	s21 =	sadd.s32 $0x1, s21;
	_ =	swait.ge [sflag:s15], $0x4000  }
0x75: {  	p0 =	sne.s32 s21, s11;
	[sflag:s15] =	ssyncset.done $0x0  }
.Ltmp4:
0x76: {  	[sflag:s15] =	ssyncadd.s32 $0xFFFFC000;
	(pc) =	sbr.rel @p0 .LBB2_1-.Ltmp4, $4  }
0x77: {  	[hbm4b:s10+s3] =	stream.linear.scatter [tilespmem:s14], [sflag:$0x1], $0x4000, $0x38;
	[tilespmem:$0x1EC00] =	vst v63  }
0x78: {  	_ =	swait.ge [sflag:s15], $0x4000  }
0x79: {  	[sflag:s15] =	ssyncset.done $0x0  }
0x7a: {  	[sflag:s15] =	ssyncadd.s32 $0xFFFFC000  }
0x7b: {  	_ =	sfence.sel $0x180000  }
0x7c: {  	[bflag:$0x0] =	sbarrier.arrive $0xFFFF  }
0x7d: {  	p0 =	sne.s32 s1, $0x0;
	_ =	strace $0x90000047  }
0x7e: {  	s0 =	sadd.s32 @!p0 $0x100000, s0;
	[bflag:$0x2] =	sbarrier.arrive $0xFFFF  }
0x7f: {  	[sflag:s0] =	ssyncadd.tile.s32 @!p0 $0x1;
	_ =	shalt  }
.Lfunc_end2:
_tile_overlayer_lowered:
.L_overlay_start_2:
0x80: {  	(tag) =	ssettag $0x2  }
0x81: {  	s0 =	rddreg [dreg:$0x0];
	s2 =	stileid.u32  }
0x82: {  	s1 =	rddreg [dreg:$0x1];
	p0 =	sne.s32 s2, $0x0  }
0x83: {  	s3 =	rddreg [dreg:$0x2];
	[bflag:$0x3] =	sbarrier.arrive $0xFFFF;
	s2 =	simm.s32 @!p0 $0x1C01  }
0x84: {  	[timem:s3], [sflag:s2] =	dma.local @!p0 [hbm:s0], s1  }
0x85: {  	s0 =	simm.s32 @!p0 $0x1  }
0x86: {  	_ =	swait.ge @!p0 [sflag:s0], s1  }
0x87: {  	s1 =	ssub.s32 @!p0 $0x0, s1;
	[sflag:s0] =	ssyncset.done @!p0 $0x0  }
0x88: {  	[sflag:s0] =	ssyncadd.s32 @!p0 s1  }
0x89: {  	[bflag:$0x3] =	sbarrier.arrive $0xFFFF  }
0x8a: {  	_ =	shalt  }

// kernel: kernel.14.cloned.1.call-start
scs
__scs_entry_jumppad:
0x0: {  	(pc) =	sbr.rel $0x88, $3  }
0x1: {  	(tag) =	ssettag $0x0;
	lr =	simm.s32 $0x1  }
0x2: {  	[smem:$0x3F90] =	sst lr;
	_ =	strace $0xD0000000  }
0x3: {  	_ = 	snop  }
0x4: {  	_ = 	snop  }
0x5: {  	_ = 	snop  }
0x6: {  	_ = 	snop  }
0x7: {  	_ = 	snop  }
__scs_overlays_trampoline_lowered:
0x8: {  	[smem:$0x3F9F] =	sst s0  }
0x9: {  	[smem:$0x3FA0] =	sst s1  }
0xa: {  	[smem:$0x3FA1] =	sst s2  }
0xb: {  	[smem:$0x3FA2] =	sst s3  }
0xc: {  	[smem:$0x3FA3] =	sst s4  }
0xd: {  	[smem:$0x3FA4] =	sst s5  }
0xe: {  	[smem:$0x3FA5] =	sst s6  }
0xf: {  	[smem:$0x3FA6] =	sst s7  }
0x10: {  	[smem:$0x3FA7] =	sst s8  }
0x11: {  	[smem:$0x3FA8] =	sst s9;
	s0 =	simm.s32 @!p0 $0x0  }
0x12: {  	s1 =	sld [smem:$0x3F8E];
	s0 =	simm.s32 @p0 $0x1  }
0x13: {  	[smem:$0x3FA9] =	sst s0;
	s0 =	simm.s32 @!p1 $0x0  }
0x14: {  	s2 =	sld [smem:$0x3F8D];
	s0 =	simm.s32 @p1 $0x1  }
0x15: {  	[smem:$0x3FAA] =	sst s0;
	s0 =	simm.s32 @!p2 $0x0  }
0x16: {  	s3 =	sld [smem:$0x3FDB];
	s0 =	simm.s32 @p2 $0x1  }
0x17: {  	s4 =	simm.s32 $0x1BF5;
	[smem:$0x3FAC] =	sst s0  }
0x18: {  	s0 =	sld [smem:$0x3F8F];
	_ =	swait.ge [sflag:s4], $0x0  }
0x19: {  	s7 =	sld [smem:$0x3F90]  }
0x1a: {  	s8 =	sadd.s32 $0xFFFFE003, lr  }
0x1b: {  	s9 =	sadd.s32 $0xFFFFFEF7, lr;
	s5 =	simm.s32 $0xFFFFFFFF;
	p2 =	slt.u32 s8, $0xFFFFF086  }
0x1c: {  	p1 =	slt.u32 s9, $0xF7A;
	s5 =	simm.s32 @!p2 $0x0  }
0x1d: {  	s5 =	simm.s32 @p1 $0x1;
	p0 =	seq.s32 s7, s2  }
0x1e: {  	s7 =	smul.u32 @!p0 $0xF7A, s2;
	p2 =	seq.s32 @!p0 s5, $0x0  }
0x1f: {  	s9 =	smul.u32 $0xF7A, s1;
	s8 =	simm.s32 @!p0 $0x1BF5;
	p2 =	por !p2, p0  }
0x20: {  	[sflag:s8] =	ssyncset.s32 @!p0 $0xFFFFF086;
	s6 =	sadd.s32 @!p0 s3, s7;
	s7 =	simm.s32 @!p0 $0x108  }
0x21: {  	s3 =	sadd.s32 s3, s9;
	s6 =	sadd.s32 @!p0 $0x88, s6;
	s7 =	simm.s32 @p2 $0x1082  }
0x22: {  	[simem:s7], [sflag:s8] =	dma.local @!p0 [hbm:s6], $0xF7A  }
0x23: {  	s9 =	sor.u32 $0xD0000000, s2;
	s6 =	simm.s32 $0x108;
	_ =	swait.ge @!p0 [sflag:s8], $0x0  }
0x24: {  	s3 =	sadd.s32 $0x88, s3;
	s6 =	simm.s32 @!p1 $0x1082;
	[sflag:s4] =	ssyncset.s32 $0xFFFFF086  }
0x25: {  	[simem:s6], [sflag:s4] =	dma.local [hbm:s3], $0xF7A  }
0x26: {  	[smem:$0x3F90] =	sst s1;
	(tag) =	ssettag s2;
	_ =	strace s9  }
0x27: {  	s1 =	sld [smem:$0x3FA0]  }
0x28: {  	s2 =	sld [smem:$0x3FA1]  }
0x29: {  	s4 =	sld [smem:$0x3FA3]  }
0x2a: {  	p0 =	seq.s32 s5, $0x0;
	s5 =	sld [smem:$0x3FA4]  }
0x2b: {  	s6 =	sld [smem:$0x3FA5]  }
0x2c: {  	s7 =	sld [smem:$0x3FA6]  }
0x2d: {  	s3 =	simm.s32 $0x108;
	s8 =	sld [smem:$0x3FA7]  }
0x2e: {  	s3 =	simm.s32 @!p0 $0x1082;
	s9 =	sld [smem:$0x3FA8]  }
0x2f: {  	lr =	sadd.s32 s0, s3;
	s0 =	sld [smem:$0x3F9F]  }
0x30: {  	s3 =	sld [smem:$0x3FA2]  }
0x31: {  	[smem:$0x3FAB] =	sst s10  }
0x32: {  	s10 =	sld [smem:$0x3FA9];
	_ =	sdelay $0x3  }
0x33: {  	p0 =	seq.s32 s10, $0x1;
	s10 =	sld [smem:$0x3FAB];
	_ =	sdelay $0x3  }
0x34: {  	[smem:$0x3FAB] =	sst s10  }
0x35: {  	s10 =	sld [smem:$0x3FAA];
	_ =	sdelay $0x3  }
0x36: {  	p1 =	seq.s32 s10, $0x1;
	s10 =	sld [smem:$0x3FAB];
	_ =	sdelay $0x3  }
0x37: {  	[smem:$0x3FAB] =	sst s10  }
0x38: {  	s10 =	sld [smem:$0x3FAC]  }
0x39: {  	_ = 	snop;
	(pc) =	sbr.ind lr, $3  }
0x3a: {  	_ = 	snop  }
0x3b: {  	_ = 	snop  }
0x3c: {  	p2 =	seq.s32 s10, $0x1;
	s10 =	sld [smem:$0x3FAB]  }
0x3d: {  	_ =	shalt  }
0x3e: {  	_ =	shalt  }
0x3f: {  	_ =	shalt  }
0x40: {  	_ =	shalt  }
0x41: {  	_ =	shalt  }
0x42: {  	_ =	shalt  }
0x43: {  	_ =	shalt  }
0x44: {  	_ =	shalt  }
0x45: {  	_ =	shalt  }
0x46: {  	_ =	shalt  }
0x47: {  	_ =	shalt  }
0x48: {  	_ =	shalt  }
0x49: {  	_ =	shalt  }
0x4a: {  	_ =	shalt  }
0x4b: {  	_ =	shalt  }
0x4c: {  	_ =	shalt  }
0x4d: {  	_ =	shalt  }
0x4e: {  	_ =	shalt  }
0x4f: {  	_ =	shalt  }
0x50: {  	_ =	shalt  }
0x51: {  	_ =	shalt  }
0x52: {  	_ =	shalt  }
0x53: {  	_ =	shalt  }
0x54: {  	_ =	shalt  }
0x55: {  	_ =	shalt  }
0x56: {  	_ =	shalt  }
0x57: {  	_ =	shalt  }
0x58: {  	_ =	shalt  }
0x59: {  	_ =	shalt  }
0x5a: {  	_ =	shalt  }
0x5b: {  	_ =	shalt  }
0x5c: {  	_ =	shalt  }
0x5d: {  	_ =	shalt  }
0x5e: {  	_ =	shalt  }
0x5f: {  	_ =	shalt  }
0x60: {  	_ =	shalt  }
0x61: {  	_ =	shalt  }
0x62: {  	_ =	shalt  }
0x63: {  	_ =	shalt  }
0x64: {  	_ =	shalt  }
0x65: {  	_ =	shalt  }
0x66: {  	_ =	shalt  }
0x67: {  	_ =	shalt  }
0x68: {  	_ =	shalt  }
0x69: {  	_ =	shalt  }
0x6a: {  	_ =	shalt  }
0x6b: {  	_ =	shalt  }
0x6c: {  	_ =	shalt  }
0x6d: {  	_ =	shalt  }
0x6e: {  	_ =	shalt  }
0x6f: {  	_ =	shalt  }
0x70: {  	_ =	shalt  }
0x71: {  	_ =	shalt  }
0x72: {  	_ =	shalt  }
0x73: {  	_ =	shalt  }
0x74: {  	_ =	shalt  }
0x75: {  	_ =	shalt  }
0x76: {  	_ =	shalt  }
0x77: {  	_ =	shalt  }
0x78: {  	_ =	shalt  }
0x79: {  	_ =	shalt  }
0x7a: {  	_ =	shalt  }
0x7b: {  	_ =	shalt  }
0x7c: {  	_ =	shalt  }
0x7d: {  	_ =	shalt  }
0x7e: {  	_ =	shalt  }
0x7f: {  	_ =	shalt  }
0x80: {  	_ =	shalt  }
0x81: {  	_ =	shalt  }
0x82: {  	_ =	shalt  }
0x83: {  	_ =	shalt  }
0x84: {  	_ =	shalt  }
0x85: {  	_ =	shalt  }
0x86: {  	_ =	shalt  }
0x87: {  	_ =	shalt  }
.Lfunc_end0:
.L_simem_size_0:
called_computation.1_lowered:
.L_overlay_start_0:
0x88: {  	s2 =	sld [smem:$0x3FD9]  }
0x89: {  	s3 =	sld [smem:$0x3FFE];
	_ =	sdelay $0x1  }
0x8a: {  	s1 =	srdreg.scid  }
0x8b: {  	s0 =	sand.u32 $0x1, s1  }
0x8c: {  	s16 =	sshll.u32 s0, $0xA;
	s2 =	sadd.s32 s3, s2  }
0x8d: {  	s2 =	sadd.s32 s2, s16  }
0x8e: {  	[smem:$0x3FB7] =	sst s2  }
0x8f: {  	_ = 	snop  }
0x90: {  	(tm) =	ssettm $0x1  }
0x91: {  	s17 =	sld [smem:$0x3FFB];
	_ =	sdelay $0x3  }
0x92: {  	_ =	strace s17  }
0x93: {  	s2 =	sld [smem:$0x3FFC];
	_ =	sdelay $0x3  }
0x94: {  	_ =	strace s2  }
0x95: {  	s2 =	sld [smem:$0x3FFD];
	_ =	sdelay $0x3  }
0x96: {  	_ =	strace s2  }
0x97: {  	_ =	strace $0x8FFFFFFF  }
0x98: {  	s18 =	sld [smem:$0x3FDB];
	_ =	sdelay $0x1  }
0x99: {  	s19 =	simm.s32 $_scs_section_size  }
0x9a: {  	s4 =	simm.s32 $_size__tile_overlayer_lowered;
	s5 =	simm.s32 $_tile_overlayer_lowered  }
0x9b: {  	s22 =	simm.s32 $0x1BFF;
	s21 =	sshll.u32 s5, $0x1;
	s2 =	sadd.s32 s19, s18  }
0x9c: {  	s6 =	simm.s32 $0x0;
	s20 =	sshll.u32 s4, $0x1;
	s4 =	sadd.s32 s21, s2  }
0x9d: {  	[timem:s6], [sflag:s22] =	dma.local [hbm:s4], s20  }
0x9e: {  	_ =	swait.ge [sflag:s22], s20  }
0x9f: {  	s3 =	ssub.s32 $0x0, s20;
	[sflag:s22] =	ssyncset.done $0x0  }
0xa0: {  	[sflag:s22] =	ssyncadd.s32 s3;
	_ =	sdelay $0x1  }
0xa1: {  	s23 =	simm.s32 $0x1B8B  }
0xa2: {  	_ =	swait.ge [sflag:s23], $0x1  }
0xa3: {  	[sflag:s23] =	ssyncset.done $0x0  }
0xa4: {  	s25 =	simm.s32 $0x1B8E;
	s24 =	sld [smem:$0x3FFE];
	[sflag:s23] =	ssyncadd.s32 $0xFFFFFFFF  }
0xa5: {  	s26 =	simm.s32 $execute0_lowered;
	[smem:$0x3FD2] =	sst s25  }
0xa6: {  	s4 =	sshll.u32 s26, $0x1;
	_ =	strace $0x80000049;
	[dreg:$0x1] =	wrdreg $0xFFFFFFFF  }
0xa7: {  	s28 =	simm.s32 $_size_execute0_lowered;
	s2 =	sadd.s32 s2, s4;
	[dreg:$0x0] =	wrdreg $0x0  }
0xa8: {  	s4 =	sshll.u32 s28, $0x1;
	[dreg:$0x2] =	wrdreg s2  }
0xa9: {  	[dreg:$0x3] =	wrdreg s4  }
0xaa: {  	[dreg:$0x4] =	wrdreg $0xC0  }
0xab: {  	_ =	task [dreg:s6], $0x5FFFF  }
0xac: {  	[dreg:$0x1] =	wrdreg $0xFFFFFFFF  }
0xad: {  	[dreg:$0x0] =	wrdreg $0x60  }
0xae: {  	[dreg:$0x2] =	wrdreg s24  }
0xaf: {  	[dreg:$0x3] =	wrdreg $0x85000  }
0xb0: {  	[dreg:$0x4] =	wrdreg $0x9  }
0xb1: {  	_ =	task.clear_ibuf [dreg:s6], $0x5FFFF;
	_ =	strace $0x90000049  }
0xb2: {  	s29 =	simm.s32 $0x9;
	_ =	strace $0x8000004B  }
0xb3: {  	_ =	swait.ge [sflag:s29], $0x1  }
0xb4: {  	[sflag:s29] =	ssyncadd.s32 $0xFFFFFFFF  }
0xb5: {  	_ =	strace $0x9000004B  }
0xb6: {  	_ =	sfence  }
0xb7: {  	s30 =	sld [smem:$0x0];
	_ =	sdelay $0x2  }
0xb8: {  	s31 =	sshll.u32 s1, $0xD;
	s1 =	sshrl.u32 s1, $0x2  }
0xb9: {  	s3 =	sand.u32 $0x4000, s31;
	s1 =	sadd.s32 s1, s30  }
0xba: {  	s0 =	sor.u32 s3, s0;
	s1 =	sshll.u32 s1, $0x11  }
0xbb: {  	s0 =	sor.u32 s1, s0  }
0xbc: {  	s0 =	sadd.s32 $0x8F2B, s0  }
0xbd: {  	[sflag:s0] =	ssyncadd.remote.s32 $0x1  }
0xbe: {  	_ =	sfence.sel $0xFFFF  }
0xbf: {  	[dreg:$0x0] =	wrdreg $0xFFFFFFFF;
	(pc) =	sbr.abs _section_cstart, $3  }
0xc0: {  	[dreg:$0x1] =	wrdreg $0xFFFFFFFF  }
0xc1: {  	_ =	task.clear_ibuf [dreg:s6], $0x2FFFF;
	_ =	strace $0x9FFFFFFF  }
0xc2: {  	(tm) =	ssettm $0x7FFFFFFF  }
0xc3: {  	_ =	shalt  }
tec
execute0_lowered:
.L_overlay_start_1:
0x0: {  	(tag) =	ssettag $0x1  }
0x1: {  	s0 =	stileid.u32;
	s5 =	rddreg [dreg:$0x0]  }
0x2: {  	s1 =	srdreg.scid;
	s2 =	rddreg [dreg:$0x1];
	s3 =	simm.s32 $0x0  }
0x3: {  	s11 =	simm.s32 $0x9D;
	s16 =	simm.s32 $0x80;
	s17 =	simm.s32 $0x8100  }
0x4: {  	s18 =	simm.s32 $0x4100;
	s19 =	simm.s32 $0x2;
	s20 =	simm.s32 $0x8180  }
0x5: {  	s21 =	simm.s32 $0x8200;
	s22 =	simm.s32 $0x8280;
	s23 =	simm.s32 $0x8300  }
0x6: {  	s25 =	simm.s32 $0x1;
	s26 =	simm.s32 $0x0;
	s4 =	smul.u32 $0x9C0, s0  }
0x7: {  	s7 =	sand.u32 $0x1, s1;
	s1 =	rddreg [dreg:$0x2];
	s8 =	smul.u32 $0x14000, s0  }
0x8: {  	[smem:$0x7FF] =	sst s3;
	s31 =	smul.u32 $0x9C, s0;
	s10 =	smin.u32 s0, $0x4  }
0x9: {  	p0 =	slt.u32 s0, $0x4;
	s6 =	smul.u32 $0x140000, s7;
	_ =	strace $0x8000004A  }
0xa: {  	s30 =	ssub.s32 $0x2, s7;
	s11 =	simm.s32 @!p0 $0x9C;
	s24 =	smul.u32 $0x2710, s7  }
0xb: {  	s15 =	sshll.u32 s10, $0x4;
	s12 =	sadd.s32 s4, s5;
	s9 =	sshrl.u32 s30, $0x1  }
0xc: {  	s4 =	sadd.s32 $0x17600, s5;
	s6 =	sadd.s32 s8, s6;
	s14 =	ssub.s32 s30, s9  }
0xd: {  	s15 =	sadd.s32 s15, s12;
	v0 =	vmov s24;
	s24 =	simm.s32 $0x100;
	s6 =	sshrl.u32 s6, $0x3  }
0xe: {  	s13 =	sadd.s32 s6, s5;
	s5 =	smul.u32 $0x280, s0;
	s6 =	sadd.s32 s10, s31  }
0xf: {  	s7 =	sadd.s32 s11, s6;
	s8 =	sadd.s32 $0xBF800, s13;
	s9 =	sadd.s32 $0xC0000, s13  }
0x10: {  	s10 =	sadd.s32 $0xC0800, s13;
	s11 =	sadd.s32 $0xC1000, s13;
	s12 =	sadd.s32 $0xC1800, s13  }
0x11: {  	v1 =	vimm.f32 $0.0e+00;
	v2 =	vlaneseq.u32;
	s13 =	smax.u32 s14, $0x1;
	s14 =	sadd.s32 $0xD800, s15;
	s15 =	sadd.s32 $0x3A00, s15  }
.LBB2_1:
0x12: {  	s28 =	simm.s32 $0x0;
	s29 =	simm.s32 $0x0  }
.LBB2_2:
0x13: {  	p0 =	sne.s32 s29, $0xFFC0  }
.Ltmp0:
0x14: {  	_ = 	snop;
	(pc) =	sbr.rel @p0 .LBB2_2-.Ltmp0, $4  }
0x15: {  	s30 =	sand.u32 $0xFE00, s29  }
0x16: {  	s31 =	sand.u32 $0x70, s28;
	s30 =	sshrl.u32 s30, $0x2  }
0x17: {  	s30 =	sor.u32 s31, s30  }
0x18: {  	s28 =	sadd.s32 $0x10, s28;
	s29 =	sadd.s32 $0x40, s29;
	[tilespmem:s30+$0x4100] =	vst v1  }
0x19: {  	s28 =	simm.s32 $0x0  }
0x1a: {  	s29 =	sand.u32 $0x380, s28  }
0x1b: {  	s31 =	sand.u32 $0x70, s28;
	s30 =	sadd.s32 s5, s29  }
0x1c: {  	s30 =	sor.u32 s31, s30  }
0x1d: {  	s28 =	simm.s32 $0x10;
	s29 =	sor.u32 s31, s29;
	v3 =	vor.u32 s30, v2  }
.LBB2_4:
0x1e: {  	p0 =	sne.s32 s28, $0x270;
	[tilespmem:s29+$0x8100] =	vst v3;
	s29 =	smov.u32 s28;
	s28 =	sadd.s32 $0x10, s28  }
.Ltmp1:
0x1f: {  	(pc) =	sbr.rel @p0 .LBB2_4-.Ltmp1, $4  }
0x20: {  	s30 =	sand.u32 $0x380, s29  }
0x21: {  	s29 =	sand.u32 $0x70, s29;
	s31 =	sadd.s32 s5, s30  }
0x22: {  	s31 =	sor.u32 s29, s31  }
0x23: {  	s29 =	sor.u32 s29, s30;
	v3 =	vor.u32 s31, v2  }
0x24: {  	[tilespmem:s29+$0x8100] =	vst v3  }
0x25: {  	[spmem:s2] =	stream.indirect.scatter [tilespmem:s18], [sflag:$0x2], $0x80, s17, s16, $0xb8;
	[tilespmem:$0x1C500] =	vst v63  }
0x26: {  	_ =	swait.ge [sflag:s19], $0x4000  }
0x27: {  	[sflag:s19] =	ssyncset.done $0x0  }
0x28: {  	[sflag:s19] =	ssyncadd.s32 $0xFFFFC000  }
0x29: {  	[spmem:s2] =	stream.indirect.scatter [tilespmem:s18], [sflag:$0x2], $0x80, s20, s16, $0xb8;
	[tilespmem:$0x1C500] =	vst v63  }
0x2a: {  	_ =	swait.ge [sflag:s19], $0x4000  }
0x2b: {  	[sflag:s19] =	ssyncset.done $0x0  }
0x2c: {  	[sflag:s19] =	ssyncadd.s32 $0xFFFFC000  }
0x2d: {  	[spmem:s2] =	stream.indirect.scatter [tilespmem:s18], [sflag:$0x2], $0x80, s21, s16, $0xb8;
	[tilespmem:$0x1C500] =	vst v63  }
0x2e: {  	_ =	swait.ge [sflag:s19], $0x4000  }
0x2f: {  	[sflag:s19] =	ssyncset.done $0x0  }
0x30: {  	[sflag:s19] =	ssyncadd.s32 $0xFFFFC000  }
0x31: {  	[spmem:s2] =	stream.indirect.scatter [tilespmem:s18], [sflag:$0x2], $0x80, s22, s16, $0xb8;
	[tilespmem:$0x1C500] =	vst v63  }
0x32: {  	_ =	swait.ge [sflag:s19], $0x4000  }
0x33: {  	[sflag:s19] =	ssyncset.done $0x0  }
0x34: {  	[sflag:s19] =	ssyncadd.s32 $0xFFFFC000  }
0x35: {  	[spmem:s2] =	stream.indirect.scatter [tilespmem:s18], [sflag:$0x2], $0x80, s23, s16, $0xb8;
	[tilespmem:$0x1C500] =	vst v63  }
0x36: {  	_ =	swait.ge [sflag:s19], $0x4000  }
0x37: {  	[sflag:s19] =	ssyncset.done $0x0  }
0x38: {  	[sflag:s19] =	ssyncadd.s32 $0xFFFFC000  }
0x39: {  	[bflag:$0x0] =	sbarrier.arrive $0xFFFF  }
0x3a: {  	[tilespmem:s3], [sflag:$0x2] =	stream.linear.gather [hbm4b:s15+s3], $0x80, $0x38;
	[tilespmem:$0x1C500] =	vst v63  }
0x3b: {  	_ =	swait.ge [sflag:s19], $0x80  }
0x3c: {  	[sflag:s19] =	ssyncset.done $0x0  }
0x3d: {  	[sflag:s19] =	ssyncadd.s32 $0xFFFFFF80  }
0x3e: {  	[tilespmem:s16], [sflag:$0x2] =	stream.linear.gather [hbm4b:s14+s3], $0x80, $0x38;
	[tilespmem:$0x1C500] =	vst v63  }
0x3f: {  	_ =	swait.ge [sflag:s19], $0x80  }
0x40: {  	[sflag:s19] =	ssyncset.done $0x0  }
0x41: {  	[sflag:s19] =	ssyncadd.s32 $0xFFFFFF80  }
0x42: {  	v3 =	vld [tilespmem:$0x70]  }
0x43: {  	v4 =	vld [tilespmem:$0x60]  }
0x44: {  	v5 =	vld [tilespmem:$0x50]  }
0x45: {  	v6 =	vld [tilespmem:$0x30]  }
0x46: {  	v7 =	vld [tilespmem:$0x20]  }
0x47: {  	v8 =	vld [tilespmem:$0x10];
	v3 =	vadd.s32 v0, v3  }
0x48: {  	v9 =	vld [tilespmem:$0x40];
	v4 =	vadd.s32 v0, v4;
	[tilespmem:$0x70] =	vst v3  }
0x49: {  	s28 =	sadd.s32 $0x1, s6;
	v5 =	vadd.s32 v0, v5;
	v3 =	vld [tilespmem:$0x0];
	[tilespmem:$0x60] =	vst v4  }
0x4a: {  	p0 =	slt.u32 s28, s7;
	v60 =	vadd.s32 v0, v6;
	[tilespmem:$0x50] =	vst v5  }
.Ltmp2:
0x4b: {  	v61 =	vadd.s32 v0, v7;
	[tilespmem:$0x30] =	vst v60;
	(pc) =	sbr.rel @!p0 .LBB2_7-.Ltmp2, $4  }
0x4c: {  	v62 =	vadd.s32 v0, v8;
	[tilespmem:$0x20] =	vst v61  }
0x4d: {  	v63 =	vadd.s32 v0, v9;
	[tilespmem:$0x10] =	vst v62  }
0x4e: {  	[tilespmem:$0x40] =	vst v63;
	v3 =	vadd.s32 v0, v3  }
0x4f: {  	s29 =	sadd.s32 $0x10, s14;
	s30 =	sadd.s32 $0x10, s15;
	[tilespmem:$0x0] =	vst v3  }
.LBB2_6:
0x50: {  	[tilespmem:s24], [sflag:$0x1] =	stream.indirect.gather [hbm4b:s4+s16], $0x80, s3, s16, $0xb8;
	[tilespmem:$0x1C500] =	vst v63  }
0x51: {  	s28 =	sadd.s32 $0x1, s28;
	_ =	swait.ge [sflag:s25], $0x4000  }
0x52: {  	p0 =	slt.u32 s28, s7;
	[sflag:s25] =	ssyncset.done $0x0  }
0x53: {  	[sflag:s25] =	ssyncadd.s32 $0xFFFFC000  }
0x54: {  	[spmem:s2] =	stream.indirect.scatter.add.f32 [tilespmem:s24], [sflag:$0x2], $0x80, s16, s16, $0xb8;
	[tilespmem:$0x1C500] =	vst v63  }
0x55: {  	_ =	swait.ge [sflag:s19], $0x4000  }
0x56: {  	[sflag:s19] =	ssyncset.done $0x0  }
0x57: {  	[sflag:s19] =	ssyncadd.s32 $0xFFFFC000  }
0x58: {  	[tilespmem:s3], [sflag:$0x2] =	stream.linear.gather [hbm4b:s30+s3], $0x80, $0x38;
	[tilespmem:$0x1C500] =	vst v63  }
0x59: {  	_ =	swait.ge [sflag:s19], $0x80  }
0x5a: {  	[sflag:s19] =	ssyncset.done $0x0  }
0x5b: {  	[sflag:s19] =	ssyncadd.s32 $0xFFFFFF80  }
0x5c: {  	[tilespmem:s16], [sflag:$0x2] =	stream.linear.gather [hbm4b:s29+s3], $0x80, $0x38;
	[tilespmem:$0x1C500] =	vst v63  }
0x5d: {  	_ =	swait.ge [sflag:s19], $0x80  }
0x5e: {  	[sflag:s19] =	ssyncset.done $0x0  }
0x5f: {  	[sflag:s19] =	ssyncadd.s32 $0xFFFFFF80  }
0x60: {  	v3 =	vld [tilespmem:$0x70]  }
0x61: {  	v4 =	vld [tilespmem:$0x60]  }
0x62: {  	v5 =	vld [tilespmem:$0x50]  }
0x63: {  	v6 =	vld [tilespmem:$0x30]  }
0x64: {  	v7 =	vld [tilespmem:$0x20]  }
0x65: {  	v8 =	vld [tilespmem:$0x10];
	v3 =	vadd.s32 v0, v3  }
0x66: {  	v9 =	vld [tilespmem:$0x40];
	v4 =	vadd.s32 v0, v4;
	[tilespmem:$0x70] =	vst v3  }
0x67: {  	v3 =	vld [tilespmem:$0x0];
	v5 =	vadd.s32 v0, v5;
	[tilespmem:$0x60] =	vst v4  }
0x68: {  	v4 =	vadd.s32 v0, v6;
	[tilespmem:$0x50] =	vst v5  }
.Ltmp3:
0x69: {  	v5 =	vadd.s32 v0, v7;
	[tilespmem:$0x30] =	vst v4;
	(pc) =	sbr.rel @p0 .LBB2_6-.Ltmp3, $4  }
0x6a: {  	v4 =	vadd.s32 v0, v8;
	[tilespmem:$0x20] =	vst v5  }
0x6b: {  	[tilespmem:$0x10] =	vst v4;
	v4 =	vadd.s32 v0, v9  }
0x6c: {  	v3 =	vadd.s32 v0, v3;
	[tilespmem:$0x40] =	vst v4  }
0x6d: {  	s30 =	sadd.s32 $0x10, s30;
	s29 =	sadd.s32 $0x10, s29;
	[tilespmem:$0x0] =	vst v3  }
.LBB2_7:
0x6e: {  	[tilespmem:s24], [sflag:$0x1] =	stream.indirect.gather [hbm4b:s4+s16], $0x80, s3, s16, $0xb8;
	[tilespmem:$0x1C500] =	vst v63  }
0x6f: {  	_ =	swait.ge [sflag:s25], $0x4000  }
0x70: {  	[sflag:s25] =	ssyncset.done $0x0  }
0x71: {  	[sflag:s25] =	ssyncadd.s32 $0xFFFFC000  }
0x72: {  	[spmem:s2] =	stream.indirect.scatter.add.f32 [tilespmem:s24], [sflag:$0x2], $0x80, s16, s16, $0xb8;
	[tilespmem:$0x1C500] =	vst v63  }
0x73: {  	_ =	swait.ge [sflag:s19], $0x4000  }
0x74: {  	[sflag:s19] =	ssyncset.done $0x0  }
0x75: {  	[sflag:s19] =	ssyncadd.s32 $0xFFFFC000  }
0x76: {  	[bflag:$0x0] =	sbarrier.arrive $0xFFFF  }
0x77: {  	[tilespmem:s18], [sflag:$0x2] =	stream.indirect.gather [spmem:s2], $0x80, s17, s16, $0xb8;
	[tilespmem:$0x1C500] =	vst v63  }
0x78: {  	_ =	swait.ge [sflag:s19], $0x4000  }
0x79: {  	[sflag:s19] =	ssyncset.done $0x0  }
0x7a: {  	[sflag:s19] =	ssyncadd.s32 $0xFFFFC000  }
0x7b: {  	[hbm4b:s8+s3] =	stream.linear.scatter [tilespmem:s18], [sflag:$0x2], $0x4000, $0x38;
	[tilespmem:$0x1C500] =	vst v63  }
0x7c: {  	_ =	swait.ge [sflag:s19], $0x4000  }
0x7d: {  	[sflag:s19] =	ssyncset.done $0x0  }
0x7e: {  	[sflag:s19] =	ssyncadd.s32 $0xFFFFC000  }
0x7f: {  	[tilespmem:s18], [sflag:$0x2] =	stream.indirect.gather [spmem:s2], $0x80, s20, s16, $0xb8;
	[tilespmem:$0x1C500] =	vst v63  }
0x80: {  	_ =	swait.ge [sflag:s19], $0x4000  }
0x81: {  	[sflag:s19] =	ssyncset.done $0x0  }
0x82: {  	[sflag:s19] =	ssyncadd.s32 $0xFFFFC000  }
0x83: {  	[hbm4b:s9+s3] =	stream.linear.scatter [tilespmem:s18], [sflag:$0x2], $0x4000, $0x38;
	[tilespmem:$0x1C500] =	vst v63  }
0x84: {  	_ =	swait.ge [sflag:s19], $0x4000  }
0x85: {  	[sflag:s19] =	ssyncset.done $0x0  }
0x86: {  	[sflag:s19] =	ssyncadd.s32 $0xFFFFC000  }
0x87: {  	[tilespmem:s18], [sflag:$0x2] =	stream.indirect.gather [spmem:s2], $0x80, s21, s16, $0xb8;
	[tilespmem:$0x1C500] =	vst v63  }
0x88: {  	_ =	swait.ge [sflag:s19], $0x4000  }
0x89: {  	[sflag:s19] =	ssyncset.done $0x0  }
0x8a: {  	[sflag:s19] =	ssyncadd.s32 $0xFFFFC000  }
0x8b: {  	[hbm4b:s10+s3] =	stream.linear.scatter [tilespmem:s18], [sflag:$0x2], $0x4000, $0x38;
	[tilespmem:$0x1C500] =	vst v63  }
0x8c: {  	_ =	swait.ge [sflag:s19], $0x4000  }
0x8d: {  	[sflag:s19] =	ssyncset.done $0x0  }
0x8e: {  	[sflag:s19] =	ssyncadd.s32 $0xFFFFC000  }
0x8f: {  	[tilespmem:s18], [sflag:$0x2] =	stream.indirect.gather [spmem:s2], $0x80, s22, s16, $0xb8;
	[tilespmem:$0x1C500] =	vst v63  }
0x90: {  	_ =	swait.ge [sflag:s19], $0x4000  }
0x91: {  	[sflag:s19] =	ssyncset.done $0x0  }
0x92: {  	[sflag:s19] =	ssyncadd.s32 $0xFFFFC000  }
0x93: {  	[hbm4b:s11+s3] =	stream.linear.scatter [tilespmem:s18], [sflag:$0x2], $0x4000, $0x38;
	[tilespmem:$0x1C500] =	vst v63  }
0x94: {  	_ =	swait.ge [sflag:s19], $0x4000  }
0x95: {  	[sflag:s19] =	ssyncset.done $0x0  }
0x96: {  	[sflag:s19] =	ssyncadd.s32 $0xFFFFC000  }
0x97: {  	[tilespmem:s18], [sflag:$0x2] =	stream.indirect.gather [spmem:s2], $0x80, s23, s16, $0xb8;
	[tilespmem:$0x1C500] =	vst v63  }
0x98: {  	s26 =	sadd.s32 $0x1, s26;
	_ =	swait.ge [sflag:s19], $0x4000  }
0x99: {  	p0 =	sne.s32 s26, s13;
	[sflag:s19] =	ssyncset.done $0x0  }
.Ltmp4:
0x9a: {  	[sflag:s19] =	ssyncadd.s32 $0xFFFFC000;
	(pc) =	sbr.rel @p0 .LBB2_1-.Ltmp4, $4  }
0x9b: {  	[hbm4b:s12+s3] =	stream.linear.scatter [tilespmem:s18], [sflag:$0x2], $0x4000, $0x38;
	[tilespmem:$0x1C500] =	vst v63  }
0x9c: {  	_ =	swait.ge [sflag:s19], $0x4000  }
0x9d: {  	[sflag:s19] =	ssyncset.done $0x0  }
0x9e: {  	[sflag:s19] =	ssyncadd.s32 $0xFFFFC000  }
0x9f: {  	_ =	sfence.sel $0x180000  }
0xa0: {  	[bflag:$0x0] =	sbarrier.arrive $0xFFFF  }
0xa1: {  	p0 =	sne.s32 s0, $0x0;
	_ =	strace $0x9000004A  }
0xa2: {  	s0 =	sadd.s32 @!p0 $0x100000, s1;
	[bflag:$0x2] =	sbarrier.arrive $0xFFFF  }
0xa3: {  	[sflag:s0] =	ssyncadd.tile.s32 @!p0 $0x1;
	_ =	shalt  }
.Lfunc_end2:
_tile_overlayer_lowered:
.L_overlay_start_2:
0xa4: {  	(tag) =	ssettag $0x2  }
0xa5: {  	s0 =	rddreg [dreg:$0x0];
	s2 =	stileid.u32  }
0xa6: {  	s1 =	rddreg [dreg:$0x1];
	p0 =	sne.s32 s2, $0x0  }
0xa7: {  	s3 =	rddreg [dreg:$0x2];
	[bflag:$0x3] =	sbarrier.arrive $0xFFFF;
	s2 =	simm.s32 @!p0 $0x1C02  }
0xa8: {  	[timem:s3], [sflag:s2] =	dma.local @!p0 [hbm:s0], s1  }
0xa9: {  	s0 =	simm.s32 @!p0 $0x2  }
0xaa: {  	_ =	swait.ge @!p0 [sflag:s0], s1  }
0xab: {  	s1 =	ssub.s32 @!p0 $0x0, s1;
	[sflag:s0] =	ssyncset.done @!p0 $0x0  }
0xac: {  	[sflag:s0] =	ssyncadd.s32 @!p0 s1  }
0xad: {  	[bflag:$0x3] =	sbarrier.arrive $0xFFFF  }
0xae: {  	_ =	shalt  }

// kernel: kernel.17.cloned.1.call-start
scs
__scs_entry_jumppad:
0x0: {  	(pc) =	sbr.rel $0x88, $3  }
0x1: {  	(tag) =	ssettag $0x0;
	lr =	simm.s32 $0x1  }
0x2: {  	[smem:$0x3F90] =	sst lr;
	_ =	strace $0xD0000000  }
0x3: {  	_ = 	snop  }
0x4: {  	_ = 	snop  }
0x5: {  	_ = 	snop  }
0x6: {  	_ = 	snop  }
0x7: {  	_ = 	snop  }
__scs_overlays_trampoline_lowered:
0x8: {  	[smem:$0x3F9F] =	sst s0  }
0x9: {  	[smem:$0x3FA0] =	sst s1  }
0xa: {  	[smem:$0x3FA1] =	sst s2  }
0xb: {  	[smem:$0x3FA2] =	sst s3  }
0xc: {  	[smem:$0x3FA3] =	sst s4  }
0xd: {  	[smem:$0x3FA4] =	sst s5  }
0xe: {  	[smem:$0x3FA5] =	sst s6  }
0xf: {  	[smem:$0x3FA6] =	sst s7  }
0x10: {  	[smem:$0x3FA7] =	sst s8  }
0x11: {  	[smem:$0x3FA8] =	sst s9;
	s0 =	simm.s32 @!p0 $0x0  }
0x12: {  	s1 =	sld [smem:$0x3F8E];
	s0 =	simm.s32 @p0 $0x1  }
0x13: {  	[smem:$0x3FA9] =	sst s0;
	s0 =	simm.s32 @!p1 $0x0  }
0x14: {  	s2 =	sld [smem:$0x3F8D];
	s0 =	simm.s32 @p1 $0x1  }
0x15: {  	[smem:$0x3FAA] =	sst s0;
	s0 =	simm.s32 @!p2 $0x0  }
0x16: {  	s3 =	sld [smem:$0x3FDB];
	s0 =	simm.s32 @p2 $0x1  }
0x17: {  	s4 =	simm.s32 $0x1BF5;
	[smem:$0x3FAC] =	sst s0  }
0x18: {  	s0 =	sld [smem:$0x3F8F];
	_ =	swait.ge [sflag:s4], $0x0  }
0x19: {  	s7 =	sld [smem:$0x3F90]  }
0x1a: {  	s8 =	sadd.s32 $0xFFFFE003, lr  }
0x1b: {  	s9 =	sadd.s32 $0xFFFFFEF7, lr;
	s5 =	simm.s32 $0xFFFFFFFF;
	p2 =	slt.u32 s8, $0xFFFFF086  }
0x1c: {  	p1 =	slt.u32 s9, $0xF7A;
	s5 =	simm.s32 @!p2 $0x0  }
0x1d: {  	s5 =	simm.s32 @p1 $0x1;
	p0 =	seq.s32 s7, s2  }
0x1e: {  	s7 =	smul.u32 @!p0 $0xF7A, s2;
	p2 =	seq.s32 @!p0 s5, $0x0  }
0x1f: {  	s9 =	smul.u32 $0xF7A, s1;
	s8 =	simm.s32 @!p0 $0x1BF5;
	p2 =	por !p2, p0  }
0x20: {  	[sflag:s8] =	ssyncset.s32 @!p0 $0xFFFFF086;
	s6 =	sadd.s32 @!p0 s3, s7;
	s7 =	simm.s32 @!p0 $0x108  }
0x21: {  	s3 =	sadd.s32 s3, s9;
	s6 =	sadd.s32 @!p0 $0x88, s6;
	s7 =	simm.s32 @p2 $0x1082  }
0x22: {  	[simem:s7], [sflag:s8] =	dma.local @!p0 [hbm:s6], $0xF7A  }
0x23: {  	s9 =	sor.u32 $0xD0000000, s2;
	s6 =	simm.s32 $0x108;
	_ =	swait.ge @!p0 [sflag:s8], $0x0  }
0x24: {  	s3 =	sadd.s32 $0x88, s3;
	s6 =	simm.s32 @!p1 $0x1082;
	[sflag:s4] =	ssyncset.s32 $0xFFFFF086  }
0x25: {  	[simem:s6], [sflag:s4] =	dma.local [hbm:s3], $0xF7A  }
0x26: {  	[smem:$0x3F90] =	sst s1;
	(tag) =	ssettag s2;
	_ =	strace s9  }
0x27: {  	s1 =	sld [smem:$0x3FA0]  }
0x28: {  	s2 =	sld [smem:$0x3FA1]  }
0x29: {  	s4 =	sld [smem:$0x3FA3]  }
0x2a: {  	p0 =	seq.s32 s5, $0x0;
	s5 =	sld [smem:$0x3FA4]  }
0x2b: {  	s6 =	sld [smem:$0x3FA5]  }
0x2c: {  	s7 =	sld [smem:$0x3FA6]  }
0x2d: {  	s3 =	simm.s32 $0x108;
	s8 =	sld [smem:$0x3FA7]  }
0x2e: {  	s3 =	simm.s32 @!p0 $0x1082;
	s9 =	sld [smem:$0x3FA8]  }
0x2f: {  	lr =	sadd.s32 s0, s3;
	s0 =	sld [smem:$0x3F9F]  }
0x30: {  	s3 =	sld [smem:$0x3FA2]  }
0x31: {  	[smem:$0x3FAB] =	sst s10  }
0x32: {  	s10 =	sld [smem:$0x3FA9];
	_ =	sdelay $0x3  }
0x33: {  	p0 =	seq.s32 s10, $0x1;
	s10 =	sld [smem:$0x3FAB];
	_ =	sdelay $0x3  }
0x34: {  	[smem:$0x3FAB] =	sst s10  }
0x35: {  	s10 =	sld [smem:$0x3FAA];
	_ =	sdelay $0x3  }
0x36: {  	p1 =	seq.s32 s10, $0x1;
	s10 =	sld [smem:$0x3FAB];
	_ =	sdelay $0x3  }
0x37: {  	[smem:$0x3FAB] =	sst s10  }
0x38: {  	s10 =	sld [smem:$0x3FAC]  }
0x39: {  	_ = 	snop;
	(pc) =	sbr.ind lr, $3  }
0x3a: {  	_ = 	snop  }
0x3b: {  	_ = 	snop  }
0x3c: {  	p2 =	seq.s32 s10, $0x1;
	s10 =	sld [smem:$0x3FAB]  }
0x3d: {  	_ =	shalt  }
0x3e: {  	_ =	shalt  }
0x3f: {  	_ =	shalt  }
0x40: {  	_ =	shalt  }
0x41: {  	_ =	shalt  }
0x42: {  	_ =	shalt  }
0x43: {  	_ =	shalt  }
0x44: {  	_ =	shalt  }
0x45: {  	_ =	shalt  }
0x46: {  	_ =	shalt  }
0x47: {  	_ =	shalt  }
0x48: {  	_ =	shalt  }
0x49: {  	_ =	shalt  }
0x4a: {  	_ =	shalt  }
0x4b: {  	_ =	shalt  }
0x4c: {  	_ =	shalt  }
0x4d: {  	_ =	shalt  }
0x4e: {  	_ =	shalt  }
0x4f: {  	_ =	shalt  }
0x50: {  	_ =	shalt  }
0x51: {  	_ =	shalt  }
0x52: {  	_ =	shalt  }
0x53: {  	_ =	shalt  }
0x54: {  	_ =	shalt  }
0x55: {  	_ =	shalt  }
0x56: {  	_ =	shalt  }
0x57: {  	_ =	shalt  }
0x58: {  	_ =	shalt  }
0x59: {  	_ =	shalt  }
0x5a: {  	_ =	shalt  }
0x5b: {  	_ =	shalt  }
0x5c: {  	_ =	shalt  }
0x5d: {  	_ =	shalt  }
0x5e: {  	_ =	shalt  }
0x5f: {  	_ =	shalt  }
0x60: {  	_ =	shalt  }
0x61: {  	_ =	shalt  }
0x62: {  	_ =	shalt  }
0x63: {  	_ =	shalt  }
0x64: {  	_ =	shalt  }
0x65: {  	_ =	shalt  }
0x66: {  	_ =	shalt  }
0x67: {  	_ =	shalt  }
0x68: {  	_ =	shalt  }
0x69: {  	_ =	shalt  }
0x6a: {  	_ =	shalt  }
0x6b: {  	_ =	shalt  }
0x6c: {  	_ =	shalt  }
0x6d: {  	_ =	shalt  }
0x6e: {  	_ =	shalt  }
0x6f: {  	_ =	shalt  }
0x70: {  	_ =	shalt  }
0x71: {  	_ =	shalt  }
0x72: {  	_ =	shalt  }
0x73: {  	_ =	shalt  }
0x74: {  	_ =	shalt  }
0x75: {  	_ =	shalt  }
0x76: {  	_ =	shalt  }
0x77: {  	_ =	shalt  }
0x78: {  	_ =	shalt  }
0x79: {  	_ =	shalt  }
0x7a: {  	_ =	shalt  }
0x7b: {  	_ =	shalt  }
0x7c: {  	_ =	shalt  }
0x7d: {  	_ =	shalt  }
0x7e: {  	_ =	shalt  }
0x7f: {  	_ =	shalt  }
0x80: {  	_ =	shalt  }
0x81: {  	_ =	shalt  }
0x82: {  	_ =	shalt  }
0x83: {  	_ =	shalt  }
0x84: {  	_ =	shalt  }
0x85: {  	_ =	shalt  }
0x86: {  	_ =	shalt  }
0x87: {  	_ =	shalt  }
.Lfunc_end0:
.L_simem_size_0:
called_computation.2_lowered:
.L_overlay_start_0:
0x88: {  	s2 =	sld [smem:$0x3FD9]  }
0x89: {  	s3 =	sld [smem:$0x3FFE];
	_ =	sdelay $0x1  }
0x8a: {  	s1 =	srdreg.scid  }
0x8b: {  	s0 =	sand.u32 $0x1, s1  }
0x8c: {  	s16 =	sshll.u32 s0, $0xA;
	s2 =	sadd.s32 s3, s2  }
0x8d: {  	s2 =	sadd.s32 s2, s16  }
0x8e: {  	[smem:$0x3FB7] =	sst s2  }
0x8f: {  	_ = 	snop  }
0x90: {  	(tm) =	ssettm $0x1  }
0x91: {  	s17 =	sld [smem:$0x3FFB];
	_ =	sdelay $0x3  }
0x92: {  	_ =	strace s17  }
0x93: {  	s2 =	sld [smem:$0x3FFC];
	_ =	sdelay $0x3  }
0x94: {  	_ =	strace s2  }
0x95: {  	s2 =	sld [smem:$0x3FFD];
	_ =	sdelay $0x3  }
0x96: {  	_ =	strace s2  }
0x97: {  	_ =	strace $0x8FFFFFFF  }
0x98: {  	s18 =	sld [smem:$0x3FDB];
	_ =	sdelay $0x1  }
0x99: {  	s19 =	simm.s32 $_scs_section_size  }
0x9a: {  	s4 =	simm.s32 $_size__tile_overlayer_lowered;
	s5 =	simm.s32 $_tile_overlayer_lowered  }
0x9b: {  	s22 =	simm.s32 $0x1BFF;
	s21 =	sshll.u32 s5, $0x1;
	s2 =	sadd.s32 s19, s18  }
0x9c: {  	s6 =	simm.s32 $0x0;
	s20 =	sshll.u32 s4, $0x1;
	s4 =	sadd.s32 s21, s2  }
0x9d: {  	[timem:s6], [sflag:s22] =	dma.local [hbm:s4], s20  }
0x9e: {  	_ =	swait.ge [sflag:s22], s20  }
0x9f: {  	s3 =	ssub.s32 $0x0, s20;
	[sflag:s22] =	ssyncset.done $0x0  }
0xa0: {  	[sflag:s22] =	ssyncadd.s32 s3;
	_ =	sdelay $0x1  }
0xa1: {  	s23 =	simm.s32 $0x1B8B  }
0xa2: {  	_ =	swait.ge [sflag:s23], $0x1  }
0xa3: {  	[sflag:s23] =	ssyncset.done $0x0  }
0xa4: {  	s25 =	simm.s32 $0x1B8E;
	s24 =	sld [smem:$0x3FFE];
	[sflag:s23] =	ssyncadd.s32 $0xFFFFFFFF  }
0xa5: {  	s26 =	simm.s32 $execute0_lowered;
	[smem:$0x3FD2] =	sst s25  }
0xa6: {  	s4 =	sshll.u32 s26, $0x1;
	_ =	strace $0x8000004C;
	[dreg:$0x1] =	wrdreg $0xFFFFFFFF  }
0xa7: {  	s28 =	simm.s32 $_size_execute0_lowered;
	s2 =	sadd.s32 s2, s4;
	[dreg:$0x0] =	wrdreg $0x0  }
0xa8: {  	s4 =	sshll.u32 s28, $0x1;
	[dreg:$0x2] =	wrdreg s2  }
0xa9: {  	[dreg:$0x3] =	wrdreg s4  }
0xaa: {  	[dreg:$0x4] =	wrdreg $0xC0  }
0xab: {  	_ =	task [dreg:s6], $0x5FFFF  }
0xac: {  	[dreg:$0x1] =	wrdreg $0xFFFFFFFF  }
0xad: {  	[dreg:$0x0] =	wrdreg $0x60  }
0xae: {  	[dreg:$0x2] =	wrdreg s24  }
0xaf: {  	[dreg:$0x3] =	wrdreg $0x85000  }
0xb0: {  	[dreg:$0x4] =	wrdreg $0x9  }
0xb1: {  	_ =	task.clear_ibuf [dreg:s6], $0x5FFFF;
	_ =	strace $0x9000004C  }
0xb2: {  	s29 =	simm.s32 $0x9;
	_ =	strace $0x8000004E  }
0xb3: {  	_ =	swait.ge [sflag:s29], $0x1  }
0xb4: {  	[sflag:s29] =	ssyncadd.s32 $0xFFFFFFFF  }
0xb5: {  	_ =	strace $0x9000004E  }
0xb6: {  	_ =	sfence  }
0xb7: {  	s30 =	sld [smem:$0x0];
	_ =	sdelay $0x2  }
0xb8: {  	s31 =	sshll.u32 s1, $0xD;
	s1 =	sshrl.u32 s1, $0x2  }
0xb9: {  	s3 =	sand.u32 $0x4000, s31;
	s1 =	sadd.s32 s1, s30  }
0xba: {  	s0 =	sor.u32 s3, s0;
	s1 =	sshll.u32 s1, $0x11  }
0xbb: {  	s0 =	sor.u32 s1, s0  }
0xbc: {  	s0 =	sadd.s32 $0x8F2B, s0  }
0xbd: {  	[sflag:s0] =	ssyncadd.remote.s32 $0x1  }
0xbe: {  	_ =	sfence.sel $0xFFFF  }
0xbf: {  	[dreg:$0x0] =	wrdreg $0xFFFFFFFF;
	(pc) =	sbr.abs _section_cstart, $3  }
0xc0: {  	[dreg:$0x1] =	wrdreg $0xFFFFFFFF  }
0xc1: {  	_ =	task.clear_ibuf [dreg:s6], $0x2FFFF;
	_ =	strace $0x9FFFFFFF  }
0xc2: {  	(tm) =	ssettm $0x7FFFFFFF  }
0xc3: {  	_ =	shalt  }
tec
execute0_lowered:
.L_overlay_start_1:
0x0: {  	(tag) =	ssettag $0x1  }
0x1: {  	s0 =	stileid.u32;
	s5 =	rddreg [dreg:$0x0]  }
0x2: {  	s1 =	srdreg.scid;
	s2 =	rddreg [dreg:$0x1];
	s3 =	simm.s32 $0x0  }
0x3: {  	s11 =	simm.s32 $0x9D;
	s16 =	simm.s32 $0x80;
	s17 =	simm.s32 $0x8100  }
0x4: {  	s18 =	simm.s32 $0x4100;
	s19 =	simm.s32 $0x2;
	s20 =	simm.s32 $0x8180  }
0x5: {  	s21 =	simm.s32 $0x8200;
	s22 =	simm.s32 $0x8280;
	s23 =	simm.s32 $0x8300  }
0x6: {  	s25 =	simm.s32 $0x1;
	s26 =	simm.s32 $0x0;
	s4 =	smul.u32 $0x9C0, s0  }
0x7: {  	s7 =	sand.u32 $0x1, s1;
	s1 =	rddreg [dreg:$0x2];
	s8 =	smul.u32 $0x14000, s0  }
0x8: {  	[smem:$0x7FF] =	sst s3;
	s31 =	smul.u32 $0x9C, s0;
	s10 =	smin.u32 s0, $0x4  }
0x9: {  	p0 =	slt.u32 s0, $0x4;
	s6 =	smul.u32 $0x140000, s7;
	_ =	strace $0x8000004D  }
0xa: {  	s30 =	ssub.s32 $0x2, s7;
	s11 =	simm.s32 @!p0 $0x9C;
	s24 =	smul.u32 $0x2710, s7  }
0xb: {  	s15 =	sshll.u32 s10, $0x4;
	s12 =	sadd.s32 s4, s5;
	s9 =	sshrl.u32 s30, $0x1  }
0xc: {  	s4 =	sadd.s32 $0x17600, s5;
	s6 =	sadd.s32 s8, s6;
	s14 =	ssub.s32 s30, s9  }
0xd: {  	s15 =	sadd.s32 s15, s12;
	v0 =	vmov s24;
	s24 =	simm.s32 $0x100;
	s6 =	sshrl.u32 s6, $0x3  }
0xe: {  	s13 =	sadd.s32 s6, s5;
	s5 =	smul.u32 $0x280, s0;
	s6 =	sadd.s32 s10, s31  }
0xf: {  	s7 =	sadd.s32 s11, s6;
	s8 =	sadd.s32 $0xBF800, s13;
	s9 =	sadd.s32 $0xC0000, s13  }
0x10: {  	s10 =	sadd.s32 $0xC0800, s13;
	s11 =	sadd.s32 $0xC1000, s13;
	s12 =	sadd.s32 $0xC1800, s13  }
0x11: {  	v1 =	vimm.f32 $0.0e+00;
	v2 =	vlaneseq.u32;
	s13 =	smax.u32 s14, $0x1;
	s14 =	sadd.s32 $0xD800, s15;
	s15 =	sadd.s32 $0x3A00, s15  }
.LBB2_1:
0x12: {  	s28 =	simm.s32 $0x0;
	s29 =	simm.s32 $0x0  }
.LBB2_2:
0x13: {  	p0 =	sne.s32 s29, $0xFFC0  }
.Ltmp0:
0x14: {  	_ = 	snop;
	(pc) =	sbr.rel @p0 .LBB2_2-.Ltmp0, $4  }
0x15: {  	s30 =	sand.u32 $0xFE00, s29  }
0x16: {  	s31 =	sand.u32 $0x70, s28;
	s30 =	sshrl.u32 s30, $0x2  }
0x17: {  	s30 =	sor.u32 s31, s30  }
0x18: {  	s28 =	sadd.s32 $0x10, s28;
	s29 =	sadd.s32 $0x40, s29;
	[tilespmem:s30+$0x4100] =	vst v1  }
0x19: {  	s28 =	simm.s32 $0x0  }
0x1a: {  	s29 =	sand.u32 $0x380, s28  }
0x1b: {  	s31 =	sand.u32 $0x70, s28;
	s30 =	sadd.s32 s5, s29  }
0x1c: {  	s30 =	sor.u32 s31, s30  }
0x1d: {  	s28 =	simm.s32 $0x10;
	s29 =	sor.u32 s31, s29;
	v3 =	vor.u32 s30, v2  }
.LBB2_4:
0x1e: {  	p0 =	sne.s32 s28, $0x270;
	[tilespmem:s29+$0x8100] =	vst v3;
	s29 =	smov.u32 s28;
	s28 =	sadd.s32 $0x10, s28  }
.Ltmp1:
0x1f: {  	(pc) =	sbr.rel @p0 .LBB2_4-.Ltmp1, $4  }
0x20: {  	s30 =	sand.u32 $0x380, s29  }
0x21: {  	s29 =	sand.u32 $0x70, s29;
	s31 =	sadd.s32 s5, s30  }
0x22: {  	s31 =	sor.u32 s29, s31  }
0x23: {  	s29 =	sor.u32 s29, s30;
	v3 =	vor.u32 s31, v2  }
0x24: {  	[tilespmem:s29+$0x8100] =	vst v3  }
0x25: {  	[spmem:s2] =	stream.indirect.scatter [tilespmem:s18], [sflag:$0x2], $0x80, s17, s16, $0xb8;
	[tilespmem:$0x1C500] =	vst v63  }
0x26: {  	_ =	swait.ge [sflag:s19], $0x4000  }
0x27: {  	[sflag:s19] =	ssyncset.done $0x0  }
0x28: {  	[sflag:s19] =	ssyncadd.s32 $0xFFFFC000  }
0x29: {  	[spmem:s2] =	stream.indirect.scatter [tilespmem:s18], [sflag:$0x2], $0x80, s20, s16, $0xb8;
	[tilespmem:$0x1C500] =	vst v63  }
0x2a: {  	_ =	swait.ge [sflag:s19], $0x4000  }
0x2b: {  	[sflag:s19] =	ssyncset.done $0x0  }
0x2c: {  	[sflag:s19] =	ssyncadd.s32 $0xFFFFC000  }
0x2d: {  	[spmem:s2] =	stream.indirect.scatter [tilespmem:s18], [sflag:$0x2], $0x80, s21, s16, $0xb8;
	[tilespmem:$0x1C500] =	vst v63  }
0x2e: {  	_ =	swait.ge [sflag:s19], $0x4000  }
0x2f: {  	[sflag:s19] =	ssyncset.done $0x0  }
0x30: {  	[sflag:s19] =	ssyncadd.s32 $0xFFFFC000  }
0x31: {  	[spmem:s2] =	stream.indirect.scatter [tilespmem:s18], [sflag:$0x2], $0x80, s22, s16, $0xb8;
	[tilespmem:$0x1C500] =	vst v63  }
0x32: {  	_ =	swait.ge [sflag:s19], $0x4000  }
0x33: {  	[sflag:s19] =	ssyncset.done $0x0  }
0x34: {  	[sflag:s19] =	ssyncadd.s32 $0xFFFFC000  }
0x35: {  	[spmem:s2] =	stream.indirect.scatter [tilespmem:s18], [sflag:$0x2], $0x80, s23, s16, $0xb8;
	[tilespmem:$0x1C500] =	vst v63  }
0x36: {  	_ =	swait.ge [sflag:s19], $0x4000  }
0x37: {  	[sflag:s19] =	ssyncset.done $0x0  }
0x38: {  	[sflag:s19] =	ssyncadd.s32 $0xFFFFC000  }
0x39: {  	[bflag:$0x0] =	sbarrier.arrive $0xFFFF  }
0x3a: {  	[tilespmem:s3], [sflag:$0x2] =	stream.linear.gather [hbm4b:s15+s3], $0x80, $0x38;
	[tilespmem:$0x1C500] =	vst v63  }
0x3b: {  	_ =	swait.ge [sflag:s19], $0x80  }
0x3c: {  	[sflag:s19] =	ssyncset.done $0x0  }
0x3d: {  	[sflag:s19] =	ssyncadd.s32 $0xFFFFFF80  }
0x3e: {  	[tilespmem:s16], [sflag:$0x2] =	stream.linear.gather [hbm4b:s14+s3], $0x80, $0x38;
	[tilespmem:$0x1C500] =	vst v63  }
0x3f: {  	_ =	swait.ge [sflag:s19], $0x80  }
0x40: {  	[sflag:s19] =	ssyncset.done $0x0  }
0x41: {  	[sflag:s19] =	ssyncadd.s32 $0xFFFFFF80  }
0x42: {  	v3 =	vld [tilespmem:$0x70]  }
0x43: {  	v4 =	vld [tilespmem:$0x60]  }
0x44: {  	v5 =	vld [tilespmem:$0x50]  }
0x45: {  	v6 =	vld [tilespmem:$0x30]  }
0x46: {  	v7 =	vld [tilespmem:$0x20]  }
0x47: {  	v8 =	vld [tilespmem:$0x10];
	v3 =	vadd.s32 v0, v3  }
0x48: {  	v9 =	vld [tilespmem:$0x40];
	v4 =	vadd.s32 v0, v4;
	[tilespmem:$0x70] =	vst v3  }
0x49: {  	s28 =	sadd.s32 $0x1, s6;
	v5 =	vadd.s32 v0, v5;
	v3 =	vld [tilespmem:$0x0];
	[tilespmem:$0x60] =	vst v4  }
0x4a: {  	p0 =	slt.u32 s28, s7;
	v60 =	vadd.s32 v0, v6;
	[tilespmem:$0x50] =	vst v5  }
.Ltmp2:
0x4b: {  	v61 =	vadd.s32 v0, v7;
	[tilespmem:$0x30] =	vst v60;
	(pc) =	sbr.rel @!p0 .LBB2_7-.Ltmp2, $4  }
0x4c: {  	v62 =	vadd.s32 v0, v8;
	[tilespmem:$0x20] =	vst v61  }
0x4d: {  	v63 =	vadd.s32 v0, v9;
	[tilespmem:$0x10] =	vst v62  }
0x4e: {  	[tilespmem:$0x40] =	vst v63;
	v3 =	vadd.s32 v0, v3  }
0x4f: {  	s29 =	sadd.s32 $0x10, s14;
	s30 =	sadd.s32 $0x10, s15;
	[tilespmem:$0x0] =	vst v3  }
.LBB2_6:
0x50: {  	[tilespmem:s24], [sflag:$0x1] =	stream.indirect.gather [hbm4b:s4+s16], $0x80, s3, s16, $0xb8;
	[tilespmem:$0x1C500] =	vst v63  }
0x51: {  	s28 =	sadd.s32 $0x1, s28;
	_ =	swait.ge [sflag:s25], $0x4000  }
0x52: {  	p0 =	slt.u32 s28, s7;
	[sflag:s25] =	ssyncset.done $0x0  }
0x53: {  	[sflag:s25] =	ssyncadd.s32 $0xFFFFC000  }
0x54: {  	[spmem:s2] =	stream.indirect.scatter.add.f32 [tilespmem:s24], [sflag:$0x2], $0x80, s16, s16, $0xb8;
	[tilespmem:$0x1C500] =	vst v63  }
0x55: {  	_ =	swait.ge [sflag:s19], $0x4000  }
0x56: {  	[sflag:s19] =	ssyncset.done $0x0  }
0x57: {  	[sflag:s19] =	ssyncadd.s32 $0xFFFFC000  }
0x58: {  	[tilespmem:s3], [sflag:$0x2] =	stream.linear.gather [hbm4b:s30+s3], $0x80, $0x38;
	[tilespmem:$0x1C500] =	vst v63  }
0x59: {  	_ =	swait.ge [sflag:s19], $0x80  }
0x5a: {  	[sflag:s19] =	ssyncset.done $0x0  }
0x5b: {  	[sflag:s19] =	ssyncadd.s32 $0xFFFFFF80  }
0x5c: {  	[tilespmem:s16], [sflag:$0x2] =	stream.linear.gather [hbm4b:s29+s3], $0x80, $0x38;
	[tilespmem:$0x1C500] =	vst v63  }
0x5d: {  	_ =	swait.ge [sflag:s19], $0x80  }
0x5e: {  	[sflag:s19] =	ssyncset.done $0x0  }
0x5f: {  	[sflag:s19] =	ssyncadd.s32 $0xFFFFFF80  }
0x60: {  	v3 =	vld [tilespmem:$0x70]  }
0x61: {  	v4 =	vld [tilespmem:$0x60]  }
0x62: {  	v5 =	vld [tilespmem:$0x50]  }
0x63: {  	v6 =	vld [tilespmem:$0x30]  }
0x64: {  	v7 =	vld [tilespmem:$0x20]  }
0x65: {  	v8 =	vld [tilespmem:$0x10];
	v3 =	vadd.s32 v0, v3  }
0x66: {  	v9 =	vld [tilespmem:$0x40];
	v4 =	vadd.s32 v0, v4;
	[tilespmem:$0x70] =	vst v3  }
0x67: {  	v3 =	vld [tilespmem:$0x0];
	v5 =	vadd.s32 v0, v5;
	[tilespmem:$0x60] =	vst v4  }
0x68: {  	v4 =	vadd.s32 v0, v6;
	[tilespmem:$0x50] =	vst v5  }
.Ltmp3:
0x69: {  	v5 =	vadd.s32 v0, v7;
	[tilespmem:$0x30] =	vst v4;
	(pc) =	sbr.rel @p0 .LBB2_6-.Ltmp3, $4  }
0x6a: {  	v4 =	vadd.s32 v0, v8;
	[tilespmem:$0x20] =	vst v5  }
0x6b: {  	[tilespmem:$0x10] =	vst v4;
	v4 =	vadd.s32 v0, v9  }
0x6c: {  	v3 =	vadd.s32 v0, v3;
	[tilespmem:$0x40] =	vst v4  }
0x6d: {  	s30 =	sadd.s32 $0x10, s30;
	s29 =	sadd.s32 $0x10, s29;
	[tilespmem:$0x0] =	vst v3  }
.LBB2_7:
0x6e: {  	[tilespmem:s24], [sflag:$0x1] =	stream.indirect.gather [hbm4b:s4+s16], $0x80, s3, s16, $0xb8;
	[tilespmem:$0x1C500] =	vst v63  }
0x6f: {  	_ =	swait.ge [sflag:s25], $0x4000  }
0x70: {  	[sflag:s25] =	ssyncset.done $0x0  }
0x71: {  	[sflag:s25] =	ssyncadd.s32 $0xFFFFC000  }
0x72: {  	[spmem:s2] =	stream.indirect.scatter.add.f32 [tilespmem:s24], [sflag:$0x2], $0x80, s16, s16, $0xb8;
	[tilespmem:$0x1C500] =	vst v63  }
0x73: {  	_ =	swait.ge [sflag:s19], $0x4000  }
0x74: {  	[sflag:s19] =	ssyncset.done $0x0  }
0x75: {  	[sflag:s19] =	ssyncadd.s32 $0xFFFFC000  }
0x76: {  	[bflag:$0x0] =	sbarrier.arrive $0xFFFF  }
0x77: {  	[tilespmem:s18], [sflag:$0x2] =	stream.indirect.gather [spmem:s2], $0x80, s17, s16, $0xb8;
	[tilespmem:$0x1C500] =	vst v63  }
0x78: {  	_ =	swait.ge [sflag:s19], $0x4000  }
0x79: {  	[sflag:s19] =	ssyncset.done $0x0  }
0x7a: {  	[sflag:s19] =	ssyncadd.s32 $0xFFFFC000  }
0x7b: {  	[hbm4b:s8+s3] =	stream.linear.scatter [tilespmem:s18], [sflag:$0x2], $0x4000, $0x38;
	[tilespmem:$0x1C500] =	vst v63  }
0x7c: {  	_ =	swait.ge [sflag:s19], $0x4000  }
0x7d: {  	[sflag:s19] =	ssyncset.done $0x0  }
0x7e: {  	[sflag:s19] =	ssyncadd.s32 $0xFFFFC000  }
0x7f: {  	[tilespmem:s18], [sflag:$0x2] =	stream.indirect.gather [spmem:s2], $0x80, s20, s16, $0xb8;
	[tilespmem:$0x1C500] =	vst v63  }
0x80: {  	_ =	swait.ge [sflag:s19], $0x4000  }
0x81: {  	[sflag:s19] =	ssyncset.done $0x0  }
0x82: {  	[sflag:s19] =	ssyncadd.s32 $0xFFFFC000  }
0x83: {  	[hbm4b:s9+s3] =	stream.linear.scatter [tilespmem:s18], [sflag:$0x2], $0x4000, $0x38;
	[tilespmem:$0x1C500] =	vst v63  }
0x84: {  	_ =	swait.ge [sflag:s19], $0x4000  }
0x85: {  	[sflag:s19] =	ssyncset.done $0x0  }
0x86: {  	[sflag:s19] =	ssyncadd.s32 $0xFFFFC000  }
0x87: {  	[tilespmem:s18], [sflag:$0x2] =	stream.indirect.gather [spmem:s2], $0x80, s21, s16, $0xb8;
	[tilespmem:$0x1C500] =	vst v63  }
0x88: {  	_ =	swait.ge [sflag:s19], $0x4000  }
0x89: {  	[sflag:s19] =	ssyncset.done $0x0  }
0x8a: {  	[sflag:s19] =	ssyncadd.s32 $0xFFFFC000  }
0x8b: {  	[hbm4b:s10+s3] =	stream.linear.scatter [tilespmem:s18], [sflag:$0x2], $0x4000, $0x38;
	[tilespmem:$0x1C500] =	vst v63  }
0x8c: {  	_ =	swait.ge [sflag:s19], $0x4000  }
0x8d: {  	[sflag:s19] =	ssyncset.done $0x0  }
0x8e: {  	[sflag:s19] =	ssyncadd.s32 $0xFFFFC000  }
0x8f: {  	[tilespmem:s18], [sflag:$0x2] =	stream.indirect.gather [spmem:s2], $0x80, s22, s16, $0xb8;
	[tilespmem:$0x1C500] =	vst v63  }
0x90: {  	_ =	swait.ge [sflag:s19], $0x4000  }
0x91: {  	[sflag:s19] =	ssyncset.done $0x0  }
0x92: {  	[sflag:s19] =	ssyncadd.s32 $0xFFFFC000  }
0x93: {  	[hbm4b:s11+s3] =	stream.linear.scatter [tilespmem:s18], [sflag:$0x2], $0x4000, $0x38;
	[tilespmem:$0x1C500] =	vst v63  }
0x94: {  	_ =	swait.ge [sflag:s19], $0x4000  }
0x95: {  	[sflag:s19] =	ssyncset.done $0x0  }
0x96: {  	[sflag:s19] =	ssyncadd.s32 $0xFFFFC000  }
0x97: {  	[tilespmem:s18], [sflag:$0x2] =	stream.indirect.gather [spmem:s2], $0x80, s23, s16, $0xb8;
	[tilespmem:$0x1C500] =	vst v63  }
0x98: {  	s26 =	sadd.s32 $0x1, s26;
	_ =	swait.ge [sflag:s19], $0x4000  }
0x99: {  	p0 =	sne.s32 s26, s13;
	[sflag:s19] =	ssyncset.done $0x0  }
.Ltmp4:
0x9a: {  	[sflag:s19] =	ssyncadd.s32 $0xFFFFC000;
	(pc) =	sbr.rel @p0 .LBB2_1-.Ltmp4, $4  }
0x9b: {  	[hbm4b:s12+s3] =	stream.linear.scatter [tilespmem:s18], [sflag:$0x2], $0x4000, $0x38;
	[tilespmem:$0x1C500] =	vst v63  }
0x9c: {  	_ =	swait.ge [sflag:s19], $0x4000  }
0x9d: {  	[sflag:s19] =	ssyncset.done $0x0  }
0x9e: {  	[sflag:s19] =	ssyncadd.s32 $0xFFFFC000  }
0x9f: {  	_ =	sfence.sel $0x180000  }
0xa0: {  	[bflag:$0x0] =	sbarrier.arrive $0xFFFF  }
0xa1: {  	p0 =	sne.s32 s0, $0x0;
	_ =	strace $0x9000004D  }
0xa2: {  	s0 =	sadd.s32 @!p0 $0x100000, s1;
	[bflag:$0x2] =	sbarrier.arrive $0xFFFF  }
0xa3: {  	[sflag:s0] =	ssyncadd.tile.s32 @!p0 $0x1;
	_ =	shalt  }
.Lfunc_end2:
_tile_overlayer_lowered:
.L_overlay_start_2:
0xa4: {  	(tag) =	ssettag $0x2  }
0xa5: {  	s0 =	rddreg [dreg:$0x0];
	s2 =	stileid.u32  }
0xa6: {  	s1 =	rddreg [dreg:$0x1];
	p0 =	sne.s32 s2, $0x0  }
0xa7: {  	s3 =	rddreg [dreg:$0x2];
	[bflag:$0x3] =	sbarrier.arrive $0xFFFF;
	s2 =	simm.s32 @!p0 $0x1C02  }
0xa8: {  	[timem:s3], [sflag:s2] =	dma.local @!p0 [hbm:s0], s1  }
0xa9: {  	s0 =	simm.s32 @!p0 $0x2  }
0xaa: {  	_ =	swait.ge @!p0 [sflag:s0], s1  }
0xab: {  	s1 =	ssub.s32 @!p0 $0x0, s1;
	[sflag:s0] =	ssyncset.done @!p0 $0x0  }
0xac: {  	[sflag:s0] =	ssyncadd.s32 @!p0 s1  }
0xad: {  	[bflag:$0x3] =	sbarrier.arrive $0xFFFF  }
0xae: {  	_ =	shalt  }

// kernel: kernel.20.cloned.1.call-start
scs
__scs_entry_jumppad:
0x0: {  	(pc) =	sbr.rel $0x88, $3  }
0x1: {  	(tag) =	ssettag $0x0;
	lr =	simm.s32 $0x1  }
0x2: {  	[smem:$0x3F90] =	sst lr;
	_ =	strace $0xD0000000  }
0x3: {  	_ = 	snop  }
0x4: {  	_ = 	snop  }
0x5: {  	_ = 	snop  }
0x6: {  	_ = 	snop  }
0x7: {  	_ = 	snop  }
__scs_overlays_trampoline_lowered:
0x8: {  	[smem:$0x3F9F] =	sst s0  }
0x9: {  	[smem:$0x3FA0] =	sst s1  }
0xa: {  	[smem:$0x3FA1] =	sst s2  }
0xb: {  	[smem:$0x3FA2] =	sst s3  }
0xc: {  	[smem:$0x3FA3] =	sst s4  }
0xd: {  	[smem:$0x3FA4] =	sst s5  }
0xe: {  	[smem:$0x3FA5] =	sst s6  }
0xf: {  	[smem:$0x3FA6] =	sst s7  }
0x10: {  	[smem:$0x3FA7] =	sst s8  }
0x11: {  	[smem:$0x3FA8] =	sst s9;
	s0 =	simm.s32 @!p0 $0x0  }
0x12: {  	s1 =	sld [smem:$0x3F8E];
	s0 =	simm.s32 @p0 $0x1  }
0x13: {  	[smem:$0x3FA9] =	sst s0;
	s0 =	simm.s32 @!p1 $0x0  }
0x14: {  	s2 =	sld [smem:$0x3F8D];
	s0 =	simm.s32 @p1 $0x1  }
0x15: {  	[smem:$0x3FAA] =	sst s0;
	s0 =	simm.s32 @!p2 $0x0  }
0x16: {  	s3 =	sld [smem:$0x3FDB];
	s0 =	simm.s32 @p2 $0x1  }
0x17: {  	s4 =	simm.s32 $0x1BF5;
	[smem:$0x3FAC] =	sst s0  }
0x18: {  	s0 =	sld [smem:$0x3F8F];
	_ =	swait.ge [sflag:s4], $0x0  }
0x19: {  	s7 =	sld [smem:$0x3F90]  }
0x1a: {  	s8 =	sadd.s32 $0xFFFFE003, lr  }
0x1b: {  	s9 =	sadd.s32 $0xFFFFFEF7, lr;
	s5 =	simm.s32 $0xFFFFFFFF;
	p2 =	slt.u32 s8, $0xFFFFF086  }
0x1c: {  	p1 =	slt.u32 s9, $0xF7A;
	s5 =	simm.s32 @!p2 $0x0  }
0x1d: {  	s5 =	simm.s32 @p1 $0x1;
	p0 =	seq.s32 s7, s2  }
0x1e: {  	s7 =	smul.u32 @!p0 $0xF7A, s2;
	p2 =	seq.s32 @!p0 s5, $0x0  }
0x1f: {  	s9 =	smul.u32 $0xF7A, s1;
	s8 =	simm.s32 @!p0 $0x1BF5;
	p2 =	por !p2, p0  }
0x20: {  	[sflag:s8] =	ssyncset.s32 @!p0 $0xFFFFF086;
	s6 =	sadd.s32 @!p0 s3, s7;
	s7 =	simm.s32 @!p0 $0x108  }
0x21: {  	s3 =	sadd.s32 s3, s9;
	s6 =	sadd.s32 @!p0 $0x88, s6;
	s7 =	simm.s32 @p2 $0x1082  }
0x22: {  	[simem:s7], [sflag:s8] =	dma.local @!p0 [hbm:s6], $0xF7A  }
0x23: {  	s9 =	sor.u32 $0xD0000000, s2;
	s6 =	simm.s32 $0x108;
	_ =	swait.ge @!p0 [sflag:s8], $0x0  }
0x24: {  	s3 =	sadd.s32 $0x88, s3;
	s6 =	simm.s32 @!p1 $0x1082;
	[sflag:s4] =	ssyncset.s32 $0xFFFFF086  }
0x25: {  	[simem:s6], [sflag:s4] =	dma.local [hbm:s3], $0xF7A  }
0x26: {  	[smem:$0x3F90] =	sst s1;
	(tag) =	ssettag s2;
	_ =	strace s9  }
0x27: {  	s1 =	sld [smem:$0x3FA0]  }
0x28: {  	s2 =	sld [smem:$0x3FA1]  }
0x29: {  	s4 =	sld [smem:$0x3FA3]  }
0x2a: {  	p0 =	seq.s32 s5, $0x0;
	s5 =	sld [smem:$0x3FA4]  }
0x2b: {  	s6 =	sld [smem:$0x3FA5]  }
0x2c: {  	s7 =	sld [smem:$0x3FA6]  }
0x2d: {  	s3 =	simm.s32 $0x108;
	s8 =	sld [smem:$0x3FA7]  }
0x2e: {  	s3 =	simm.s32 @!p0 $0x1082;
	s9 =	sld [smem:$0x3FA8]  }
0x2f: {  	lr =	sadd.s32 s0, s3;
	s0 =	sld [smem:$0x3F9F]  }
0x30: {  	s3 =	sld [smem:$0x3FA2]  }
0x31: {  	[smem:$0x3FAB] =	sst s10  }
0x32: {  	s10 =	sld [smem:$0x3FA9];
	_ =	sdelay $0x3  }
0x33: {  	p0 =	seq.s32 s10, $0x1;
	s10 =	sld [smem:$0x3FAB];
	_ =	sdelay $0x3  }
0x34: {  	[smem:$0x3FAB] =	sst s10  }
0x35: {  	s10 =	sld [smem:$0x3FAA];
	_ =	sdelay $0x3  }
0x36: {  	p1 =	seq.s32 s10, $0x1;
	s10 =	sld [smem:$0x3FAB];
	_ =	sdelay $0x3  }
0x37: {  	[smem:$0x3FAB] =	sst s10  }
0x38: {  	s10 =	sld [smem:$0x3FAC]  }
0x39: {  	_ = 	snop;
	(pc) =	sbr.ind lr, $3  }
0x3a: {  	_ = 	snop  }
0x3b: {  	_ = 	snop  }
0x3c: {  	p2 =	seq.s32 s10, $0x1;
	s10 =	sld [smem:$0x3FAB]  }
0x3d: {  	_ =	shalt  }
0x3e: {  	_ =	shalt  }
0x3f: {  	_ =	shalt  }
0x40: {  	_ =	shalt  }
0x41: {  	_ =	shalt  }
0x42: {  	_ =	shalt  }
0x43: {  	_ =	shalt  }
0x44: {  	_ =	shalt  }
0x45: {  	_ =	shalt  }
0x46: {  	_ =	shalt  }
0x47: {  	_ =	shalt  }
0x48: {  	_ =	shalt  }
0x49: {  	_ =	shalt  }
0x4a: {  	_ =	shalt  }
0x4b: {  	_ =	shalt  }
0x4c: {  	_ =	shalt  }
0x4d: {  	_ =	shalt  }
0x4e: {  	_ =	shalt  }
0x4f: {  	_ =	shalt  }
0x50: {  	_ =	shalt  }
0x51: {  	_ =	shalt  }
0x52: {  	_ =	shalt  }
0x53: {  	_ =	shalt  }
0x54: {  	_ =	shalt  }
0x55: {  	_ =	shalt  }
0x56: {  	_ =	shalt  }
0x57: {  	_ =	shalt  }
0x58: {  	_ =	shalt  }
0x59: {  	_ =	shalt  }
0x5a: {  	_ =	shalt  }
0x5b: {  	_ =	shalt  }
0x5c: {  	_ =	shalt  }
0x5d: {  	_ =	shalt  }
0x5e: {  	_ =	shalt  }
0x5f: {  	_ =	shalt  }
0x60: {  	_ =	shalt  }
0x61: {  	_ =	shalt  }
0x62: {  	_ =	shalt  }
0x63: {  	_ =	shalt  }
0x64: {  	_ =	shalt  }
0x65: {  	_ =	shalt  }
0x66: {  	_ =	shalt  }
0x67: {  	_ =	shalt  }
0x68: {  	_ =	shalt  }
0x69: {  	_ =	shalt  }
0x6a: {  	_ =	shalt  }
0x6b: {  	_ =	shalt  }
0x6c: {  	_ =	shalt  }
0x6d: {  	_ =	shalt  }
0x6e: {  	_ =	shalt  }
0x6f: {  	_ =	shalt  }
0x70: {  	_ =	shalt  }
0x71: {  	_ =	shalt  }
0x72: {  	_ =	shalt  }
0x73: {  	_ =	shalt  }
0x74: {  	_ =	shalt  }
0x75: {  	_ =	shalt  }
0x76: {  	_ =	shalt  }
0x77: {  	_ =	shalt  }
0x78: {  	_ =	shalt  }
0x79: {  	_ =	shalt  }
0x7a: {  	_ =	shalt  }
0x7b: {  	_ =	shalt  }
0x7c: {  	_ =	shalt  }
0x7d: {  	_ =	shalt  }
0x7e: {  	_ =	shalt  }
0x7f: {  	_ =	shalt  }
0x80: {  	_ =	shalt  }
0x81: {  	_ =	shalt  }
0x82: {  	_ =	shalt  }
0x83: {  	_ =	shalt  }
0x84: {  	_ =	shalt  }
0x85: {  	_ =	shalt  }
0x86: {  	_ =	shalt  }
0x87: {  	_ =	shalt  }
.Lfunc_end0:
.L_simem_size_0:
called_computation.3_lowered:
.L_overlay_start_0:
0x88: {  	s2 =	sld [smem:$0x3FD9]  }
0x89: {  	s3 =	sld [smem:$0x3FFE];
	_ =	sdelay $0x1  }
0x8a: {  	s1 =	srdreg.scid  }
0x8b: {  	s0 =	sand.u32 $0x1, s1  }
0x8c: {  	s16 =	sshll.u32 s0, $0xA;
	s2 =	sadd.s32 s3, s2  }
0x8d: {  	s2 =	sadd.s32 s2, s16  }
0x8e: {  	[smem:$0x3FB7] =	sst s2  }
0x8f: {  	_ = 	snop  }
0x90: {  	(tm) =	ssettm $0x1  }
0x91: {  	s17 =	sld [smem:$0x3FFB];
	_ =	sdelay $0x3  }
0x92: {  	_ =	strace s17  }
0x93: {  	s2 =	sld [smem:$0x3FFC];
	_ =	sdelay $0x3  }
0x94: {  	_ =	strace s2  }
0x95: {  	s2 =	sld [smem:$0x3FFD];
	_ =	sdelay $0x3  }
0x96: {  	_ =	strace s2  }
0x97: {  	_ =	strace $0x8FFFFFFF  }
0x98: {  	s18 =	sld [smem:$0x3FDB];
	_ =	sdelay $0x1  }
0x99: {  	s19 =	simm.s32 $_scs_section_size  }
0x9a: {  	s4 =	simm.s32 $_size__tile_overlayer_lowered;
	s5 =	simm.s32 $_tile_overlayer_lowered  }
0x9b: {  	s22 =	simm.s32 $0x1BFF;
	s21 =	sshll.u32 s5, $0x1;
	s2 =	sadd.s32 s19, s18  }
0x9c: {  	s6 =	simm.s32 $0x0;
	s20 =	sshll.u32 s4, $0x1;
	s4 =	sadd.s32 s21, s2  }
0x9d: {  	[timem:s6], [sflag:s22] =	dma.local [hbm:s4], s20  }
0x9e: {  	_ =	swait.ge [sflag:s22], s20  }
0x9f: {  	s3 =	ssub.s32 $0x0, s20;
	[sflag:s22] =	ssyncset.done $0x0  }
0xa0: {  	[sflag:s22] =	ssyncadd.s32 s3;
	_ =	sdelay $0x1  }
0xa1: {  	s23 =	simm.s32 $0x1B8B  }
0xa2: {  	_ =	swait.ge [sflag:s23], $0x1  }
0xa3: {  	[sflag:s23] =	ssyncset.done $0x0  }
0xa4: {  	s25 =	simm.s32 $0x1B8E;
	s24 =	sld [smem:$0x3FFE];
	[sflag:s23] =	ssyncadd.s32 $0xFFFFFFFF  }
0xa5: {  	s26 =	simm.s32 $execute0_lowered;
	[smem:$0x3FD2] =	sst s25  }
0xa6: {  	s4 =	sshll.u32 s26, $0x1;
	_ =	strace $0x8000004F;
	[dreg:$0x1] =	wrdreg $0xFFFFFFFF  }
0xa7: {  	s28 =	simm.s32 $_size_execute0_lowered;
	s2 =	sadd.s32 s2, s4;
	[dreg:$0x0] =	wrdreg $0x0  }
0xa8: {  	s4 =	sshll.u32 s28, $0x1;
	[dreg:$0x2] =	wrdreg s2  }
0xa9: {  	[dreg:$0x3] =	wrdreg s4  }
0xaa: {  	[dreg:$0x4] =	wrdreg $0xC0  }
0xab: {  	_ =	task [dreg:s6], $0x5FFFF  }
0xac: {  	[dreg:$0x1] =	wrdreg $0xFFFFFFFF  }
0xad: {  	[dreg:$0x0] =	wrdreg $0x60  }
0xae: {  	[dreg:$0x2] =	wrdreg s24  }
0xaf: {  	[dreg:$0x3] =	wrdreg $0x85000  }
0xb0: {  	[dreg:$0x4] =	wrdreg $0x9  }
0xb1: {  	_ =	task.clear_ibuf [dreg:s6], $0x5FFFF;
	_ =	strace $0x9000004F  }
0xb2: {  	s29 =	simm.s32 $0x9;
	_ =	strace $0x80000051  }
0xb3: {  	_ =	swait.ge [sflag:s29], $0x1  }
0xb4: {  	[sflag:s29] =	ssyncadd.s32 $0xFFFFFFFF  }
0xb5: {  	_ =	strace $0x90000051  }
0xb6: {  	_ =	sfence  }
0xb7: {  	s30 =	sld [smem:$0x0];
	_ =	sdelay $0x2  }
0xb8: {  	s31 =	sshll.u32 s1, $0xD;
	s1 =	sshrl.u32 s1, $0x2  }
0xb9: {  	s3 =	sand.u32 $0x4000, s31;
	s1 =	sadd.s32 s1, s30  }
0xba: {  	s0 =	sor.u32 s3, s0;
	s1 =	sshll.u32 s1, $0x11  }
0xbb: {  	s0 =	sor.u32 s1, s0  }
0xbc: {  	s0 =	sadd.s32 $0x8F2B, s0  }
0xbd: {  	[sflag:s0] =	ssyncadd.remote.s32 $0x1  }
0xbe: {  	_ =	sfence.sel $0xFFFF  }
0xbf: {  	[dreg:$0x0] =	wrdreg $0xFFFFFFFF;
	(pc) =	sbr.abs _section_cstart, $3  }
0xc0: {  	[dreg:$0x1] =	wrdreg $0xFFFFFFFF  }
0xc1: {  	_ =	task.clear_ibuf [dreg:s6], $0x2FFFF;
	_ =	strace $0x9FFFFFFF  }
0xc2: {  	(tm) =	ssettm $0x7FFFFFFF  }
0xc3: {  	_ =	shalt  }
tec
execute0_lowered:
.L_overlay_start_1:
0x0: {  	(tag) =	ssettag $0x1  }
0x1: {  	s0 =	stileid.u32;
	s5 =	rddreg [dreg:$0x0]  }
0x2: {  	s1 =	srdreg.scid;
	s2 =	rddreg [dreg:$0x1];
	s3 =	simm.s32 $0x0  }
0x3: {  	s11 =	simm.s32 $0x9D;
	s16 =	simm.s32 $0x80;
	s17 =	simm.s32 $0x8100  }
0x4: {  	s18 =	simm.s32 $0x4100;
	s19 =	simm.s32 $0x2;
	s20 =	simm.s32 $0x8180  }
0x5: {  	s21 =	simm.s32 $0x8200;
	s22 =	simm.s32 $0x8280;
	s23 =	simm.s32 $0x8300  }
0x6: {  	s25 =	simm.s32 $0x1;
	s26 =	simm.s32 $0x0;
	s4 =	smul.u32 $0x9C0, s0  }
0x7: {  	s7 =	sand.u32 $0x1, s1;
	s1 =	rddreg [dreg:$0x2];
	s8 =	smul.u32 $0x14000, s0  }
0x8: {  	[smem:$0x7FF] =	sst s3;
	s31 =	smul.u32 $0x9C, s0;
	s10 =	smin.u32 s0, $0x4  }
0x9: {  	p0 =	slt.u32 s0, $0x4;
	s6 =	smul.u32 $0x140000, s7;
	_ =	strace $0x80000050  }
0xa: {  	s30 =	ssub.s32 $0x2, s7;
	s11 =	simm.s32 @!p0 $0x9C;
	s24 =	smul.u32 $0x2710, s7  }
0xb: {  	s15 =	sshll.u32 s10, $0x4;
	s12 =	sadd.s32 s4, s5;
	s9 =	sshrl.u32 s30, $0x1  }
0xc: {  	s4 =	sadd.s32 $0x17600, s5;
	s6 =	sadd.s32 s8, s6;
	s14 =	ssub.s32 s30, s9  }
0xd: {  	s15 =	sadd.s32 s15, s12;
	v0 =	vmov s24;
	s24 =	simm.s32 $0x100;
	s6 =	sshrl.u32 s6, $0x3  }
0xe: {  	s13 =	sadd.s32 s6, s5;
	s5 =	smul.u32 $0x280, s0;
	s6 =	sadd.s32 s10, s31  }
0xf: {  	s7 =	sadd.s32 s11, s6;
	s8 =	sadd.s32 $0x65800, s13;
	s9 =	sadd.s32 $0x66000, s13  }
0x10: {  	s10 =	sadd.s32 $0x66800, s13;
	s11 =	sadd.s32 $0x67000, s13;
	s12 =	sadd.s32 $0x67800, s13  }
0x11: {  	v1 =	vimm.f32 $0.0e+00;
	v2 =	vlaneseq.u32;
	s13 =	smax.u32 s14, $0x1;
	s14 =	sadd.s32 $0xD800, s15;
	s15 =	sadd.s32 $0x3A00, s15  }
.LBB2_1:
0x12: {  	s28 =	simm.s32 $0x0;
	s29 =	simm.s32 $0x0  }
.LBB2_2:
0x13: {  	p0 =	sne.s32 s29, $0xFFC0  }
.Ltmp0:
0x14: {  	_ = 	snop;
	(pc) =	sbr.rel @p0 .LBB2_2-.Ltmp0, $4  }
0x15: {  	s30 =	sand.u32 $0xFE00, s29  }
0x16: {  	s31 =	sand.u32 $0x70, s28;
	s30 =	sshrl.u32 s30, $0x2  }
0x17: {  	s30 =	sor.u32 s31, s30  }
0x18: {  	s28 =	sadd.s32 $0x10, s28;
	s29 =	sadd.s32 $0x40, s29;
	[tilespmem:s30+$0x4100] =	vst v1  }
0x19: {  	s28 =	simm.s32 $0x0  }
0x1a: {  	s29 =	sand.u32 $0x380, s28  }
0x1b: {  	s31 =	sand.u32 $0x70, s28;
	s30 =	sadd.s32 s5, s29  }
0x1c: {  	s30 =	sor.u32 s31, s30  }
0x1d: {  	s28 =	simm.s32 $0x10;
	s29 =	sor.u32 s31, s29;
	v3 =	vor.u32 s30, v2  }
.LBB2_4:
0x1e: {  	p0 =	sne.s32 s28, $0x270;
	[tilespmem:s29+$0x8100] =	vst v3;
	s29 =	smov.u32 s28;
	s28 =	sadd.s32 $0x10, s28  }
.Ltmp1:
0x1f: {  	(pc) =	sbr.rel @p0 .LBB2_4-.Ltmp1, $4  }
0x20: {  	s30 =	sand.u32 $0x380, s29  }
0x21: {  	s29 =	sand.u32 $0x70, s29;
	s31 =	sadd.s32 s5, s30  }
0x22: {  	s31 =	sor.u32 s29, s31  }
0x23: {  	s29 =	sor.u32 s29, s30;
	v3 =	vor.u32 s31, v2  }
0x24: {  	[tilespmem:s29+$0x8100] =	vst v3  }
0x25: {  	[spmem:s2] =	stream.indirect.scatter [tilespmem:s18], [sflag:$0x2], $0x80, s17, s16, $0xb8;
	[tilespmem:$0x1C500] =	vst v63  }
0x26: {  	_ =	swait.ge [sflag:s19], $0x4000  }
0x27: {  	[sflag:s19] =	ssyncset.done $0x0  }
0x28: {  	[sflag:s19] =	ssyncadd.s32 $0xFFFFC000  }
0x29: {  	[spmem:s2] =	stream.indirect.scatter [tilespmem:s18], [sflag:$0x2], $0x80, s20, s16, $0xb8;
	[tilespmem:$0x1C500] =	vst v63  }
0x2a: {  	_ =	swait.ge [sflag:s19], $0x4000  }
0x2b: {  	[sflag:s19] =	ssyncset.done $0x0  }
0x2c: {  	[sflag:s19] =	ssyncadd.s32 $0xFFFFC000  }
0x2d: {  	[spmem:s2] =	stream.indirect.scatter [tilespmem:s18], [sflag:$0x2], $0x80, s21, s16, $0xb8;
	[tilespmem:$0x1C500] =	vst v63  }
0x2e: {  	_ =	swait.ge [sflag:s19], $0x4000  }
0x2f: {  	[sflag:s19] =	ssyncset.done $0x0  }
0x30: {  	[sflag:s19] =	ssyncadd.s32 $0xFFFFC000  }
0x31: {  	[spmem:s2] =	stream.indirect.scatter [tilespmem:s18], [sflag:$0x2], $0x80, s22, s16, $0xb8;
	[tilespmem:$0x1C500] =	vst v63  }
0x32: {  	_ =	swait.ge [sflag:s19], $0x4000  }
0x33: {  	[sflag:s19] =	ssyncset.done $0x0  }
0x34: {  	[sflag:s19] =	ssyncadd.s32 $0xFFFFC000  }
0x35: {  	[spmem:s2] =	stream.indirect.scatter [tilespmem:s18], [sflag:$0x2], $0x80, s23, s16, $0xb8;
	[tilespmem:$0x1C500] =	vst v63  }
0x36: {  	_ =	swait.ge [sflag:s19], $0x4000  }
0x37: {  	[sflag:s19] =	ssyncset.done $0x0  }
0x38: {  	[sflag:s19] =	ssyncadd.s32 $0xFFFFC000  }
0x39: {  	[bflag:$0x0] =	sbarrier.arrive $0xFFFF  }
0x3a: {  	[tilespmem:s3], [sflag:$0x2] =	stream.linear.gather [hbm4b:s15+s3], $0x80, $0x38;
	[tilespmem:$0x1C500] =	vst v63  }
0x3b: {  	_ =	swait.ge [sflag:s19], $0x80  }
0x3c: {  	[sflag:s19] =	ssyncset.done $0x0  }
0x3d: {  	[sflag:s19] =	ssyncadd.s32 $0xFFFFFF80  }
0x3e: {  	[tilespmem:s16], [sflag:$0x2] =	stream.linear.gather [hbm4b:s14+s3], $0x80, $0x38;
	[tilespmem:$0x1C500] =	vst v63  }
0x3f: {  	_ =	swait.ge [sflag:s19], $0x80  }
0x40: {  	[sflag:s19] =	ssyncset.done $0x0  }
0x41: {  	[sflag:s19] =	ssyncadd.s32 $0xFFFFFF80  }
0x42: {  	v3 =	vld [tilespmem:$0x70]  }
0x43: {  	v4 =	vld [tilespmem:$0x60]  }
0x44: {  	v5 =	vld [tilespmem:$0x50]  }
0x45: {  	v6 =	vld [tilespmem:$0x30]  }
0x46: {  	v7 =	vld [tilespmem:$0x20]  }
0x47: {  	v8 =	vld [tilespmem:$0x10];
	v3 =	vadd.s32 v0, v3  }
0x48: {  	v9 =	vld [tilespmem:$0x40];
	v4 =	vadd.s32 v0, v4;
	[tilespmem:$0x70] =	vst v3  }
0x49: {  	s28 =	sadd.s32 $0x1, s6;
	v5 =	vadd.s32 v0, v5;
	v3 =	vld [tilespmem:$0x0];
	[tilespmem:$0x60] =	vst v4  }
0x4a: {  	p0 =	slt.u32 s28, s7;
	v60 =	vadd.s32 v0, v6;
	[tilespmem:$0x50] =	vst v5  }
.Ltmp2:
0x4b: {  	v61 =	vadd.s32 v0, v7;
	[tilespmem:$0x30] =	vst v60;
	(pc) =	sbr.rel @!p0 .LBB2_7-.Ltmp2, $4  }
0x4c: {  	v62 =	vadd.s32 v0, v8;
	[tilespmem:$0x20] =	vst v61  }
0x4d: {  	v63 =	vadd.s32 v0, v9;
	[tilespmem:$0x10] =	vst v62  }
0x4e: {  	[tilespmem:$0x40] =	vst v63;
	v3 =	vadd.s32 v0, v3  }
0x4f: {  	s29 =	sadd.s32 $0x10, s14;
	s30 =	sadd.s32 $0x10, s15;
	[tilespmem:$0x0] =	vst v3  }
.LBB2_6:
0x50: {  	[tilespmem:s24], [sflag:$0x1] =	stream.indirect.gather [hbm4b:s4+s16], $0x80, s3, s16, $0xb8;
	[tilespmem:$0x1C500] =	vst v63  }
0x51: {  	s28 =	sadd.s32 $0x1, s28;
	_ =	swait.ge [sflag:s25], $0x4000  }
0x52: {  	p0 =	slt.u32 s28, s7;
	[sflag:s25] =	ssyncset.done $0x0  }
0x53: {  	[sflag:s25] =	ssyncadd.s32 $0xFFFFC000  }
0x54: {  	[spmem:s2] =	stream.indirect.scatter.add.f32 [tilespmem:s24], [sflag:$0x2], $0x80, s16, s16, $0xb8;
	[tilespmem:$0x1C500] =	vst v63  }
0x55: {  	_ =	swait.ge [sflag:s19], $0x4000  }
0x56: {  	[sflag:s19] =	ssyncset.done $0x0  }
0x57: {  	[sflag:s19] =	ssyncadd.s32 $0xFFFFC000  }
0x58: {  	[tilespmem:s3], [sflag:$0x2] =	stream.linear.gather [hbm4b:s30+s3], $0x80, $0x38;
	[tilespmem:$0x1C500] =	vst v63  }
0x59: {  	_ =	swait.ge [sflag:s19], $0x80  }
0x5a: {  	[sflag:s19] =	ssyncset.done $0x0  }
0x5b: {  	[sflag:s19] =	ssyncadd.s32 $0xFFFFFF80  }
0x5c: {  	[tilespmem:s16], [sflag:$0x2] =	stream.linear.gather [hbm4b:s29+s3], $0x80, $0x38;
	[tilespmem:$0x1C500] =	vst v63  }
0x5d: {  	_ =	swait.ge [sflag:s19], $0x80  }
0x5e: {  	[sflag:s19] =	ssyncset.done $0x0  }
0x5f: {  	[sflag:s19] =	ssyncadd.s32 $0xFFFFFF80  }
0x60: {  	v3 =	vld [tilespmem:$0x70]  }
0x61: {  	v4 =	vld [tilespmem:$0x60]  }
0x62: {  	v5 =	vld [tilespmem:$0x50]  }
0x63: {  	v6 =	vld [tilespmem:$0x30]  }
0x64: {  	v7 =	vld [tilespmem:$0x20]  }
0x65: {  	v8 =	vld [tilespmem:$0x10];
	v3 =	vadd.s32 v0, v3  }
0x66: {  	v9 =	vld [tilespmem:$0x40];
	v4 =	vadd.s32 v0, v4;
	[tilespmem:$0x70] =	vst v3  }
0x67: {  	v3 =	vld [tilespmem:$0x0];
	v5 =	vadd.s32 v0, v5;
	[tilespmem:$0x60] =	vst v4  }
0x68: {  	v4 =	vadd.s32 v0, v6;
	[tilespmem:$0x50] =	vst v5  }
.Ltmp3:
0x69: {  	v5 =	vadd.s32 v0, v7;
	[tilespmem:$0x30] =	vst v4;
	(pc) =	sbr.rel @p0 .LBB2_6-.Ltmp3, $4  }
0x6a: {  	v4 =	vadd.s32 v0, v8;
	[tilespmem:$0x20] =	vst v5  }
0x6b: {  	[tilespmem:$0x10] =	vst v4;
	v4 =	vadd.s32 v0, v9  }
0x6c: {  	v3 =	vadd.s32 v0, v3;
	[tilespmem:$0x40] =	vst v4  }
0x6d: {  	s30 =	sadd.s32 $0x10, s30;
	s29 =	sadd.s32 $0x10, s29;
	[tilespmem:$0x0] =	vst v3  }
.LBB2_7:
0x6e: {  	[tilespmem:s24], [sflag:$0x1] =	stream.indirect.gather [hbm4b:s4+s16], $0x80, s3, s16, $0xb8;
	[tilespmem:$0x1C500] =	vst v63  }
0x6f: {  	_ =	swait.ge [sflag:s25], $0x4000  }
0x70: {  	[sflag:s25] =	ssyncset.done $0x0  }
0x71: {  	[sflag:s25] =	ssyncadd.s32 $0xFFFFC000  }
0x72: {  	[spmem:s2] =	stream.indirect.scatter.add.f32 [tilespmem:s24], [sflag:$0x2], $0x80, s16, s16, $0xb8;
	[tilespmem:$0x1C500] =	vst v63  }
0x73: {  	_ =	swait.ge [sflag:s19], $0x4000  }
0x74: {  	[sflag:s19] =	ssyncset.done $0x0  }
0x75: {  	[sflag:s19] =	ssyncadd.s32 $0xFFFFC000  }
0x76: {  	[bflag:$0x0] =	sbarrier.arrive $0xFFFF  }
0x77: {  	[tilespmem:s18], [sflag:$0x2] =	stream.indirect.gather [spmem:s2], $0x80, s17, s16, $0xb8;
	[tilespmem:$0x1C500] =	vst v63  }
0x78: {  	_ =	swait.ge [sflag:s19], $0x4000  }
0x79: {  	[sflag:s19] =	ssyncset.done $0x0  }
0x7a: {  	[sflag:s19] =	ssyncadd.s32 $0xFFFFC000  }
0x7b: {  	[hbm4b:s8+s3] =	stream.linear.scatter [tilespmem:s18], [sflag:$0x2], $0x4000, $0x38;
	[tilespmem:$0x1C500] =	vst v63  }
0x7c: {  	_ =	swait.ge [sflag:s19], $0x4000  }
0x7d: {  	[sflag:s19] =	ssyncset.done $0x0  }
0x7e: {  	[sflag:s19] =	ssyncadd.s32 $0xFFFFC000  }
0x7f: {  	[tilespmem:s18], [sflag:$0x2] =	stream.indirect.gather [spmem:s2], $0x80, s20, s16, $0xb8;
	[tilespmem:$0x1C500] =	vst v63  }
0x80: {  	_ =	swait.ge [sflag:s19], $0x4000  }
0x81: {  	[sflag:s19] =	ssyncset.done $0x0  }
0x82: {  	[sflag:s19] =	ssyncadd.s32 $0xFFFFC000  }
0x83: {  	[hbm4b:s9+s3] =	stream.linear.scatter [tilespmem:s18], [sflag:$0x2], $0x4000, $0x38;
	[tilespmem:$0x1C500] =	vst v63  }
0x84: {  	_ =	swait.ge [sflag:s19], $0x4000  }
0x85: {  	[sflag:s19] =	ssyncset.done $0x0  }
0x86: {  	[sflag:s19] =	ssyncadd.s32 $0xFFFFC000  }
0x87: {  	[tilespmem:s18], [sflag:$0x2] =	stream.indirect.gather [spmem:s2], $0x80, s21, s16, $0xb8;
	[tilespmem:$0x1C500] =	vst v63  }
0x88: {  	_ =	swait.ge [sflag:s19], $0x4000  }
0x89: {  	[sflag:s19] =	ssyncset.done $0x0  }
0x8a: {  	[sflag:s19] =	ssyncadd.s32 $0xFFFFC000  }
0x8b: {  	[hbm4b:s10+s3] =	stream.linear.scatter [tilespmem:s18], [sflag:$0x2], $0x4000, $0x38;
	[tilespmem:$0x1C500] =	vst v63  }
0x8c: {  	_ =	swait.ge [sflag:s19], $0x4000  }
0x8d: {  	[sflag:s19] =	ssyncset.done $0x0  }
0x8e: {  	[sflag:s19] =	ssyncadd.s32 $0xFFFFC000  }
0x8f: {  	[tilespmem:s18], [sflag:$0x2] =	stream.indirect.gather [spmem:s2], $0x80, s22, s16, $0xb8;
	[tilespmem:$0x1C500] =	vst v63  }
0x90: {  	_ =	swait.ge [sflag:s19], $0x4000  }
0x91: {  	[sflag:s19] =	ssyncset.done $0x0  }
0x92: {  	[sflag:s19] =	ssyncadd.s32 $0xFFFFC000  }
0x93: {  	[hbm4b:s11+s3] =	stream.linear.scatter [tilespmem:s18], [sflag:$0x2], $0x4000, $0x38;
	[tilespmem:$0x1C500] =	vst v63  }
0x94: {  	_ =	swait.ge [sflag:s19], $0x4000  }
0x95: {  	[sflag:s19] =	ssyncset.done $0x0  }
0x96: {  	[sflag:s19] =	ssyncadd.s32 $0xFFFFC000  }
0x97: {  	[tilespmem:s18], [sflag:$0x2] =	stream.indirect.gather [spmem:s2], $0x80, s23, s16, $0xb8;
	[tilespmem:$0x1C500] =	vst v63  }
0x98: {  	s26 =	sadd.s32 $0x1, s26;
	_ =	swait.ge [sflag:s19], $0x4000  }
0x99: {  	p0 =	sne.s32 s26, s13;
	[sflag:s19] =	ssyncset.done $0x0  }
.Ltmp4:
0x9a: {  	[sflag:s19] =	ssyncadd.s32 $0xFFFFC000;
	(pc) =	sbr.rel @p0 .LBB2_1-.Ltmp4, $4  }
0x9b: {  	[hbm4b:s12+s3] =	stream.linear.scatter [tilespmem:s18], [sflag:$0x2], $0x4000, $0x38;
	[tilespmem:$0x1C500] =	vst v63  }
0x9c: {  	_ =	swait.ge [sflag:s19], $0x4000  }
0x9d: {  	[sflag:s19] =	ssyncset.done $0x0  }
0x9e: {  	[sflag:s19] =	ssyncadd.s32 $0xFFFFC000  }
0x9f: {  	_ =	sfence.sel $0x180000  }
0xa0: {  	[bflag:$0x0] =	sbarrier.arrive $0xFFFF  }
0xa1: {  	p0 =	sne.s32 s0, $0x0;
	_ =	strace $0x90000050  }
0xa2: {  	s0 =	sadd.s32 @!p0 $0x100000, s1;
	[bflag:$0x2] =	sbarrier.arrive $0xFFFF  }
0xa3: {  	[sflag:s0] =	ssyncadd.tile.s32 @!p0 $0x1;
	_ =	shalt  }
.Lfunc_end2:
_tile_overlayer_lowered:
.L_overlay_start_2:
0xa4: {  	(tag) =	ssettag $0x2  }
0xa5: {  	s0 =	rddreg [dreg:$0x0];
	s2 =	stileid.u32  }
0xa6: {  	s1 =	rddreg [dreg:$0x1];
	p0 =	sne.s32 s2, $0x0  }
0xa7: {  	s3 =	rddreg [dreg:$0x2];
	[bflag:$0x3] =	sbarrier.arrive $0xFFFF;
	s2 =	simm.s32 @!p0 $0x1C02  }
0xa8: {  	[timem:s3], [sflag:s2] =	dma.local @!p0 [hbm:s0], s1  }
0xa9: {  	s0 =	simm.s32 @!p0 $0x2  }
0xaa: {  	_ =	swait.ge @!p0 [sflag:s0], s1  }
0xab: {  	s1 =	ssub.s32 @!p0 $0x0, s1;
	[sflag:s0] =	ssyncset.done @!p0 $0x0  }
0xac: {  	[sflag:s0] =	ssyncadd.s32 @!p0 s1  }
0xad: {  	[bflag:$0x3] =	sbarrier.arrive $0xFFFF  }
0xae: {  	_ =	shalt  }

</sc_bundles>
